<compile_context>
chip_gen: v7x
topology: tpu7x:2x2x1
jax: 0.10.2.dev20260603
libtpu: 0.0.44.dev20260713+nightly
codegen_flags: <defaults>
</compile_context>

<pallas_src>
import functools

import jax
import jax.numpy as jnp
from jax import lax
from jax.experimental import pallas as pl
from jax.experimental.pallas import tpu as pltpu
from jax.experimental.pallas import tpu_sc as plsc

N = 10000
NP = 10240
F = 32
NC, NS = 2, 16
NW = NC * NS
CH = 125
NCHUNK = 80
EPT = CH * NCHUNK
NBUF = 8
LEAD = 4
EPS = 1e-5

_mesh = plsc.VectorSubcoreMesh(core_axis_name="c", subcore_axis_name="s")
_sc_params = pltpu.CompilerParams(use_tc_tiling_on_sc=False)



@functools.partial(
    pl.kernel,
    out_type=jax.ShapeDtypeStruct((NC, NP, 16), jnp.float32),
    mesh=_mesh,
    scratch_types=[
        pltpu.VMEM((NCHUNK, CH), jnp.int32),
        pltpu.VMEM((CH, 16), jnp.float32),
        pltpu.VMEM_SHARED((NP, 16), jnp.float32),
    ],
    compiler_params=_sc_params,
)
def _deg_kernel(dst_hbm, z16_hbm, out_hbm, dst_v, ones_v, acc_sh):
    c = lax.axis_index("c")
    s = lax.axis_index("s")
    wid = c * NS + s
    pltpu.sync_copy(dst_hbm.at[wid], dst_v)

    one = jnp.full((16,), 1.0, jnp.float32)

    def ones_body(i, carry):
        ones_v[i] = one
        return carry

    lax.fori_loop(0, CH, ones_body, 0)
    rpt = NP // NS
    pltpu.sync_copy(z16_hbm.at[pl.ds(s * rpt, rpt)], acc_sh.at[pl.ds(s * rpt, rpt)])
    plsc.subcore_barrier()

    def body(j, carry):
        pltpu.sync_copy(ones_v, acc_sh.at[dst_v.at[j]], add=True)
        return carry

    lax.fori_loop(0, NCHUNK, body, 0)
    plsc.subcore_barrier()

    @pl.when(s == 0)
    def _():
        pltpu.sync_copy(acc_sh, out_hbm.at[c])


@functools.partial(
    pl.kernel,
    out_type=jax.ShapeDtypeStruct((NC, NP, F), jnp.float32),
    mesh=_mesh,
    scratch_types=[
        pltpu.VMEM((NCHUNK, CH), jnp.int32),
        pltpu.VMEM((NCHUNK, CH), jnp.int32),
        pltpu.VMEM((NBUF, CH, F), jnp.float32),
        pltpu.VMEM_SHARED((NP, F), jnp.float32),
        pltpu.VMEM_SHARED((NP, F), jnp.float32),
        pltpu.SemaphoreType.DMA((NBUF,)),
        pltpu.SemaphoreType.DMA((NBUF,)),
    ],
    compiler_params=_sc_params,
)
def _prop_kernel(m_hbm, src_hbm, dst_hbm, zc_hbm, out_hbm,
                 src_v, dst_v, rows_v, acc_sh, tab_sh, gsem, ssem):
    c = lax.axis_index("c")
    s = lax.axis_index("s")
    wid = c * NS + s
    pltpu.sync_copy(src_hbm.at[wid], src_v)
    pltpu.sync_copy(dst_hbm.at[wid], dst_v)
    rpt = NP // NS
    pltpu.sync_copy(zc_hbm.at[pl.ds(s * rpt, rpt)], acc_sh.at[pl.ds(s * rpt, rpt)])
    pltpu.sync_copy(m_hbm.at[pl.ds(s * rpt, rpt)], tab_sh.at[pl.ds(s * rpt, rpt)])
    plsc.subcore_barrier()

    def issue(j, b):
        pltpu.async_copy(tab_sh.at[src_v.at[j]], rows_v.at[b], gsem.at[b])

    for b in range(LEAD):
        issue(b, b)

    def body(jj, carry):
        base = jj * NBUF
        for k in range(NBUF):
            j = base + k
            pltpu.make_async_copy(tab_sh.at[src_v.at[0]], rows_v.at[k],
                                  gsem.at[k]).wait()
            pltpu.async_copy(rows_v.at[k], acc_sh.at[dst_v.at[j]], ssem.at[k],
                             add=True)
            nxt = j + LEAD
            bn = (k + LEAD) % NBUF

            @pl.when(nxt < NCHUNK)
            def _():
                @pl.when(j >= NBUF - LEAD)
                def _():
                    pltpu.make_async_copy(rows_v.at[bn],
                                          acc_sh.at[dst_v.at[0]],
                                          ssem.at[bn]).wait()
                issue(nxt, bn)
        return carry

    lax.fori_loop(0, NCHUNK // NBUF, body, 0)
    for b in range(NBUF):
        pltpu.make_async_copy(rows_v.at[b], acc_sh.at[dst_v.at[0]],
                              ssem.at[b]).wait()
    plsc.subcore_barrier()

    @pl.when(s == 0)
    def _():
        pltpu.sync_copy(acc_sh, out_hbm.at[c])




NR = N // 4
NPR = NP // 4


def _tc_mm1(x_ref, w1_ref, t1_ref):
    t1_ref[...] = jnp.dot(x_ref[...], w1_ref[...],
                          preferred_element_type=jnp.float32)


def _tc_pre(t1_ref, dp_ref, sel_ref, m1_ref, dinv_ref):
    d64 = dp_ref[0, 0:NR, :] + dp_ref[1, 0:NR, :]
    deg4 = jnp.dot(d64, sel_ref[...], preferred_element_type=jnp.float32) + 1.0
    dinv = lax.rsqrt(deg4)
    dinv_ref[...] = dinv
    m1_ref[0:NR, :] = dinv * t1_ref[...]


def _bn_relu(p, fold_ref, ga, be):
    mu = jnp.dot(jnp.mean(p, axis=0, keepdims=True), fold_ref[...],
                 preferred_element_type=jnp.float32)
    var = jnp.dot(jnp.mean((p - mu) * (p - mu), axis=0, keepdims=True),
                  fold_ref[...], preferred_element_type=jnp.float32)
    return jnp.maximum((p - mu) * lax.rsqrt(var + EPS) * ga + be, 0.0)


def _tc_mid1(sp_ref, m1_ref, dinv_ref, fold_ref, b_ref, ga_ref, be_ref,
             w2_ref, m2_ref):
    dinv = dinv_ref[...]
    p = dinv * (sp_ref[0, 0:NR, :] + sp_ref[1, 0:NR, :] + m1_ref[0:NR, :]) \
        + b_ref[...]
    h = _bn_relu(p, fold_ref, ga_ref[...], be_ref[...])
    t2 = jnp.dot(h, w2_ref[...], preferred_element_type=jnp.float32)
    m2_ref[0:NR, :] = dinv * t2


def _tc_mid2(sp_ref, m2_ref, dinv_ref, fold_ref, b_ref, ga_ref, be_ref,
             m3_ref):
    dinv = dinv_ref[...]
    p = dinv * (sp_ref[0, 0:NR, :] + sp_ref[1, 0:NR, :] + m2_ref[0:NR, :]) \
        + b_ref[...]
    m3_ref[0:NR, :] = dinv * _bn_relu(p, fold_ref, ga_ref[...], be_ref[...])


def _tc_fin(sp_ref, m3_ref, dinv_ref, fold_ref, x_ref, w3_ref, b_ref, ga_ref,
            be_ref, o_ref):
    dinv = dinv_ref[...]
    q = dinv * (sp_ref[0, 0:NR, :] + sp_ref[1, 0:NR, :] + m3_ref[0:NR, :])
    t3 = jnp.dot(q, w3_ref[...], preferred_element_type=jnp.float32) + b_ref[...]
    mu = jnp.dot(jnp.mean(t3, axis=0, keepdims=True), fold_ref[...],
                 preferred_element_type=jnp.float32)
    var = jnp.dot(jnp.mean((t3 - mu) * (t3 - mu), axis=0, keepdims=True),
                  fold_ref[...], preferred_element_type=jnp.float32)
    bn = (t3 - mu) * lax.rsqrt(var + EPS) * ga_ref[...] + be_ref[...]
    o_ref[...] = jnp.maximum(bn + x_ref[...], 0.0)


def _sds(shape):
    return jax.ShapeDtypeStruct(shape, jnp.float32)



def kernel(x, ei, batch, W1, b1, g1, be1, W2, b2, g2, be2, W3, b3, g3, be3):
    del batch
    eir = ei.astype(jnp.int32).reshape(2, NW, NCHUNK, CH)
    srcp, dstp = eir[0], eir[1]
    zc = jnp.zeros((NP, F), jnp.float32)
    z16 = jnp.zeros((NP, 16), jnp.float32)

    eye4 = jnp.eye(4, dtype=jnp.float32)
    w1i = jnp.kron(eye4, W1)
    w2i = jnp.kron(eye4, W2)
    w3i = jnp.kron(eye4, W3)
    sel = jnp.kron(eye4, jnp.zeros((16, F), jnp.float32).at[0, :].set(1.0))
    quarter = jnp.full((4, 4), 0.25, jnp.float32)
    fold128 = jnp.kron(quarter, jnp.eye(F, dtype=jnp.float32))
    fold512 = jnp.kron(quarter, jnp.eye(4 * F, dtype=jnp.float32))
    b1r, g1r, be1r = (jnp.tile(v, 4).reshape(1, 128) for v in (b1, g1, be1))
    b2r, g2r, be2r = (jnp.tile(v, 4).reshape(1, 128) for v in (b2, g2, be2))
    b3r, g3r, be3r = (jnp.tile(v, 4).reshape(1, 512) for v in (b3, g3, be3))

    degp = _deg_kernel(dstp, z16)
    t1 = pl.pallas_call(_tc_mm1, out_shape=_sds((NR, 128)))(
        x.reshape(NR, 512), w1i)
    m1, dinv = pl.pallas_call(
        _tc_pre,
        out_shape=[_sds((NPR, 128)), _sds((NR, 128))],
    )(t1, degp.reshape(2, NPR, 64), sel)

    s1 = _prop_kernel(m1.reshape(NP, F), srcp, dstp, zc)
    m2 = pl.pallas_call(
        _tc_mid1,
        out_shape=_sds((NPR, 128)),
    )(s1.reshape(2, NPR, 128), m1, dinv, fold128, b1r, g1r, be1r, w2i)

    s2 = _prop_kernel(m2.reshape(NP, F), srcp, dstp, zc)
    m3 = pl.pallas_call(
        _tc_mid2,
        out_shape=_sds((NPR, 128)),
    )(s2.reshape(2, NPR, 128), m2, dinv, fold128, b2r, g2r, be2r)

    s3 = _prop_kernel(m3.reshape(NP, F), srcp, dstp, zc)
    out = pl.pallas_call(
        _tc_fin,
        out_shape=_sds((NR, 512)),
    )(s3.reshape(2, NPR, 128), m3, dinv, fold512, x.reshape(NR, 512), w3i,
      b3r, g3r, be3r)
    return out.reshape(N, 4 * F)

# --- scband reference (transcript-rebuilt; emitter-appended) ---
"""Pipeline reference for scband-bottleneck-25778393710891 (READ-ONLY COPY).

The authoritative reference and input builder live on the scoring server;
editing this copy changes nothing except your own understanding.
"""

import jax, jax.numpy as jnp
import numpy as np

N_NODES = 10000
EPS = 1e-5


def gcn_conv(x, ei, W, b):
    # PyG GCNConv: add self-loops, symmetric normalization, out = A_hat @ (x W) + b
    src = jnp.concatenate([ei[0], jnp.arange(N_NODES, dtype=ei.dtype)])
    dst = jnp.concatenate([ei[1], jnp.arange(N_NODES, dtype=ei.dtype)])
    h = x @ W
    deg = jnp.zeros((N_NODES,), dtype=x.dtype).at[dst].add(1.0)
    dinv = 1.0 / jnp.sqrt(jnp.clip(deg, 1.0))
    norm = dinv[src] * dinv[dst]
    msg = h[src] * norm[:, None]
    out = jnp.zeros((N_NODES, h.shape[1]), dtype=x.dtype).at[dst].add(msg)
    return out + b


def batch_norm(x, gamma, beta):
    mean = jnp.mean(x, axis=0)
    var = jnp.var(x, axis=0)
    return (x - mean) / jnp.sqrt(var + EPS) * gamma + beta


def setup_inputs(seed: int = 0) -> dict:
    key = jax.random.key(seed)
    ks = jax.random.split(key, 16)
    in_c, out_c = 128, 32
    exp = 4
    x = jax.random.normal(ks[0], (N_NODES, in_c), dtype=jnp.float32)
    ei = jax.random.randint(ks[1], (2, 320000), 0, N_NODES, dtype=jnp.int64)
    batch = jnp.sort(jax.random.randint(ks[2], (N_NODES,), 0, 16, dtype=jnp.int64))
    s1 = 1.0 / np.sqrt(in_c)
    s2 = 1.0 / np.sqrt(out_c)
    W1 = jax.random.uniform(ks[3], (in_c, out_c), minval=-s1, maxval=s1, dtype=jnp.float32)
    b1 = jnp.zeros((out_c,), dtype=jnp.float32)
    g1 = jnp.ones((out_c,), dtype=jnp.float32)
    be1 = jnp.zeros((out_c,), dtype=jnp.float32)
    W2 = jax.random.uniform(ks[4], (out_c, out_c), minval=-s2, maxval=s2, dtype=jnp.float32)
    b2 = jnp.zeros((out_c,), dtype=jnp.float32)
    g2 = jnp.ones((out_c,), dtype=jnp.float32)
    be2 = jnp.zeros((out_c,), dtype=jnp.float32)
    W3 = jax.random.uniform(ks[5], (out_c, out_c * exp), minval=-s2, maxval=s2, dtype=jnp.float32)
    b3 = jnp.zeros((out_c * exp,), dtype=jnp.float32)
    g3 = jnp.ones((out_c * exp,), dtype=jnp.float32)
    be3 = jnp.zeros((out_c * exp,), dtype=jnp.float32)
    return {"x": x, "ei": ei, "batch": batch,
            "W1": W1, "b1": b1, "g1": g1, "be1": be1,
            "W2": W2, "b2": b2, "g2": g2, "be2": be2,
            "W3": W3, "b3": b3, "g3": g3, "be3": be3}


def reference(x, ei, batch, W1, b1, g1, be1, W2, b2, g2, be2, W3, b3, g3, be3):
    identity = x
    h = jax.nn.relu(batch_norm(gcn_conv(x, ei, W1, b1), g1, be1))
    h = jax.nn.relu(batch_norm(gcn_conv(h, ei, W2, b2), g2, be2))
    h = gcn_conv(h, ei, W3, b3)
    h = batch_norm(h, g3, be3)
    h = h + identity
    return jax.nn.relu(h)

if __name__ == "__main__":
    import jax
    _d = setup_inputs()
    print(jax.jit(kernel)(*tuple(_d.values())))

</pallas_src>

<mosaic_0001>
#map = affine_map<(d0, d1) -> (0, 0, 0)>
#map1 = affine_map<(d0, d1) -> (0, 0)>
module attributes {stable_mosaic.version = 14 : i64} {
  func.func @_deg_kernel(%arg0: i32, %arg1: i32, %arg2: memref<32x80x125xi32, #tpu.memory_space<hbm>>, %arg3: memref<10240x16xf32, #tpu.memory_space<hbm>>, %arg4: memref<2x10240x16xf32, #tpu.memory_space<hbm>>, %arg5: memref<80x125xi32, #tpu.memory_space<vmem>>, %arg6: memref<125x16xf32, #tpu.memory_space<vmem>>, %arg7: memref<10240x16xf32, #tpu.memory_space<vmem_shared>>) attributes {dimension_semantics = [#tpu.dimension_semantics<core_parallel>, #tpu.dimension_semantics<subcore_parallel>], iteration_bounds = array<i64: 2, 16>, scalar_prefetch = 0 : i64, scratch_operands = 3 : i64, tpu.core_type = #tpu.core_type<sc_vector_subcore>, window_params = [{transform_indices = #map}, {transform_indices = #map1}, {transform_indices = #map}]} {
    %mul3A = arith.constant 16 : i32
    %mul3A_0 = arith.muli %arg0, %mul3A : i32
    %add3A = arith.addi %mul3A_0, %arg1 : i32
    "tpu.region"() ({
      %run_scoped3A = tpu.sem_alloc : memref<!tpu.dma_semaphore, #tpu.memory_space<semaphore_mem>>
      %dma_start3A = arith.constant 0 : i32
      %dma_start3A_20 = arith.constant 0 : i32
      %dma_start3A_21 = tpu.memref_slice %arg2[%add3A, %dma_start3A, %dma_start3A_20] : memref<32x80x125xi32, #tpu.memory_space<hbm>> -> memref<1x80x125xi32, #tpu.memory_space<hbm>>
      %dma_start3A_22 = tpu.memref_squeeze %dma_start3A_21 : memref<1x80x125xi32, #tpu.memory_space<hbm>> -> memref<80x125xi32, #tpu.memory_space<hbm>>
      %dma_start3A_23 = arith.constant 0 : i32
      %dma_start3A_24 = arith.constant 0 : i32
      %dma_start3A_25 = tpu.memref_slice %arg2[%add3A, %dma_start3A_23, %dma_start3A_24] : memref<32x80x125xi32, #tpu.memory_space<hbm>> -> memref<1x80x125xi32, #tpu.memory_space<hbm>>
      %dma_start3A_26 = tpu.memref_squeeze %dma_start3A_25 : memref<1x80x125xi32, #tpu.memory_space<hbm>> -> memref<80x125xi32, #tpu.memory_space<hbm>>
      tpu.enqueue_dma source(%dma_start3A_26 : memref<80x125xi32, #tpu.memory_space<hbm>>) target(%arg5 : memref<80x125xi32, #tpu.memory_space<vmem>>) target_semaphore(%run_scoped3A : memref<!tpu.dma_semaphore, #tpu.memory_space<semaphore_mem>>)
      %dma_wait3A = arith.constant 0 : i32
      %dma_wait3A_27 = arith.constant 0 : i32
      %dma_wait3A_28 = tpu.memref_slice %arg2[%add3A, %dma_wait3A, %dma_wait3A_27] : memref<32x80x125xi32, #tpu.memory_space<hbm>> -> memref<1x80x125xi32, #tpu.memory_space<hbm>>
      %dma_wait3A_29 = tpu.memref_squeeze %dma_wait3A_28 : memref<1x80x125xi32, #tpu.memory_space<hbm>> -> memref<80x125xi32, #tpu.memory_space<hbm>>
      %dma_wait3A_30 = arith.constant 0 : i32
      %dma_wait3A_31 = arith.constant 0 : i32
      %dma_wait3A_32 = tpu.memref_slice %arg2[%add3A, %dma_wait3A_30, %dma_wait3A_31] : memref<32x80x125xi32, #tpu.memory_space<hbm>> -> memref<1x80x125xi32, #tpu.memory_space<hbm>>
      %dma_wait3A_33 = tpu.memref_squeeze %dma_wait3A_32 : memref<1x80x125xi32, #tpu.memory_space<hbm>> -> memref<80x125xi32, #tpu.memory_space<hbm>>
      tpu.wait_dma2 semaphore(%run_scoped3A : memref<!tpu.dma_semaphore, #tpu.memory_space<semaphore_mem>>) src(%dma_wait3A_33 : memref<80x125xi32, #tpu.memory_space<hbm>>) dst(%arg5 : memref<80x125xi32, #tpu.memory_space<vmem>>)
      tpu.yield
    }) : () -> ()
    %broadcast_in_dim3A = arith.constant 1.000000e+00 : f32
    %broadcast_in_dim3A_1 = vector.broadcast %broadcast_in_dim3A : f32 to vector<16xf32>
    %scan3A = arith.constant 0 : i32
    %scan3A_2 = arith.constant 0 : i32
    %scan3A_3 = arith.constant 125 : i32
    %scan3A_4 = arith.addi %scan3A_2, %scan3A_3 : i32
    %scan3A_5 = arith.constant 1 : i32
    scf.for %scan3A_20 = %scan3A_2 to %scan3A_4 step %scan3A_5  : i32 {
      %swap3A = arith.index_cast %scan3A_20 : i32 to index
      %swap3A_21 = arith.constant 0 : index
      %swap3A_22 = tpu.vector_load %arg6[%swap3A, %swap3A_21] {strides = array<i32>} : memref<125x16xf32, #tpu.memory_space<vmem>>, vector<1x16xf32>,
      %swap3A_23 = vector.shape_cast %swap3A_22 : vector<1x16xf32> to vector<16xf32>
      %swap3A_24 = vector.shape_cast %broadcast_in_dim3A_1 : vector<16xf32> to vector<1x16xf32>
      tpu.vector_store %arg6[%swap3A, %swap3A_21], %swap3A_24 {strides = array<i32>} : memref<125x16xf32, #tpu.memory_space<vmem>>, vector<1x16xf32>,
    }
    %scan3A_6 = arith.constant 125 : i32
    %mul3A_7 = arith.constant 640 : i32
    %mul3A_8 = arith.muli %arg1, %mul3A_7 : i32
    %mul3A_9 = arith.constant 640 : i32
    %mul3A_10 = arith.muli %arg1, %mul3A_9 : i32
    "tpu.region"() ({
      %run_scoped3A = tpu.sem_alloc : memref<!tpu.dma_semaphore, #tpu.memory_space<semaphore_mem>>
      %dma_start3A = arith.constant 0 : i32
      %dma_start3A_20 = tpu.memref_slice %arg7[%mul3A_10, %dma_start3A] : memref<10240x16xf32, #tpu.memory_space<vmem_shared>> -> memref<640x16xf32, #tpu.memory_space<vmem_shared>>
      %dma_start3A_21 = arith.constant 0 : i32
      %dma_start3A_22 = tpu.memref_slice %arg3[%mul3A_8, %dma_start3A_21] : memref<10240x16xf32, #tpu.memory_space<hbm>> -> memref<640x16xf32, #tpu.memory_space<hbm>>
      tpu.enqueue_dma source(%dma_start3A_22 : memref<640x16xf32, #tpu.memory_space<hbm>>) target(%dma_start3A_20 : memref<640x16xf32, #tpu.memory_space<vmem_shared>>) target_semaphore(%run_scoped3A : memref<!tpu.dma_semaphore, #tpu.memory_space<semaphore_mem>>)
      %dma_wait3A = arith.constant 0 : i32
      %dma_wait3A_23 = tpu.memref_slice %arg7[%mul3A_10, %dma_wait3A] : memref<10240x16xf32, #tpu.memory_space<vmem_shared>> -> memref<640x16xf32, #tpu.memory_space<vmem_shared>>
      %dma_wait3A_24 = arith.constant 0 : i32
      %dma_wait3A_25 = tpu.memref_slice %arg3[%mul3A_8, %dma_wait3A_24] : memref<10240x16xf32, #tpu.memory_space<hbm>> -> memref<640x16xf32, #tpu.memory_space<hbm>>
      tpu.wait_dma2 semaphore(%run_scoped3A : memref<!tpu.dma_semaphore, #tpu.memory_space<semaphore_mem>>) src(%dma_wait3A_25 : memref<640x16xf32, #tpu.memory_space<hbm>>) dst(%dma_wait3A_23 : memref<640x16xf32, #tpu.memory_space<vmem_shared>>)
      tpu.yield
    }) : () -> ()
    %barrier3A = arith.constant 0 : index
    tpu.barrier barrier_id(%barrier3A)
    %scan3A_11 = arith.constant 0 : i32
    %scan3A_12 = arith.constant 0 : i32
    %scan3A_13 = arith.constant 80 : i32
    %scan3A_14 = arith.addi %scan3A_12, %scan3A_13 : i32
    %scan3A_15 = arith.constant 1 : i32
    scf.for %scan3A_20 = %scan3A_12 to %scan3A_14 step %scan3A_15  : i32 {
      "tpu.region"() ({
        %run_scoped3A = tpu.sem_alloc : memref<!tpu.dma_semaphore, #tpu.memory_space<semaphore_mem>>
        %dma_start3A = arith.constant 0 : i32
        %dma_start3A_21 = tpu.memref_slice %arg5[%scan3A_20, %dma_start3A] : memref<80x125xi32, #tpu.memory_space<vmem>> -> memref<1x125xi32, #tpu.memory_space<vmem>>
        %dma_start3A_22 = tpu.memref_squeeze %dma_start3A_21 : memref<1x125xi32, #tpu.memory_space<vmem>> -> memref<125xi32, #tpu.memory_space<vmem>>
        %dma_start3A_23 = arith.constant 0 : i32
        %dma_start3A_24 = arith.constant 0 : i32
        %dma_start3A_25 = tpu.memref_slice %arg7[%dma_start3A_23, %dma_start3A_24] : memref<10240x16xf32, #tpu.memory_space<vmem_shared>> -> memref<10240x16xf32, #tpu.memory_space<vmem_shared>>
        tpu.enqueue_indirect_dma source(%arg6 : memref<125x16xf32, #tpu.memory_space<vmem>>) target(%dma_start3A_25 : memref<10240x16xf32, #tpu.memory_space<vmem_shared>>) offsets(%dma_start3A_22 : memref<125xi32, #tpu.memory_space<vmem>>) semaphore(%run_scoped3A : memref<!tpu.dma_semaphore, #tpu.memory_space<semaphore_mem>>) {add = true}
        %dma_wait3A = arith.constant 0 : i32
        %dma_wait3A_26 = tpu.memref_slice %arg5[%scan3A_20, %dma_wait3A] : memref<80x125xi32, #tpu.memory_space<vmem>> -> memref<1x125xi32, #tpu.memory_space<vmem>>
        %dma_wait3A_27 = tpu.memref_squeeze %dma_wait3A_26 : memref<1x125xi32, #tpu.memory_space<vmem>> -> memref<125xi32, #tpu.memory_space<vmem>>
        %dma_wait3A_28 = arith.constant 0 : i32
        %dma_wait3A_29 = arith.constant 0 : i32
        %dma_wait3A_30 = tpu.memref_slice %arg7[%dma_wait3A_28, %dma_wait3A_29] : memref<10240x16xf32, #tpu.memory_space<vmem_shared>> -> memref<10240x16xf32, #tpu.memory_space<vmem_shared>>
        tpu.wait_indirect_dma semaphore(%run_scoped3A : memref<!tpu.dma_semaphore, #tpu.memory_space<semaphore_mem>>) src(%arg6 : memref<125x16xf32, #tpu.memory_space<vmem>>) dst(%dma_wait3A_30 : memref<10240x16xf32, #tpu.memory_space<vmem_shared>>)
        tpu.yield
      }) : () -> ()
    }
    %scan3A_16 = arith.constant 80 : i32
    %barrier3A_17 = arith.constant 0 : index
    tpu.barrier barrier_id(%barrier3A_17)
    %eq3A = arith.constant 0 : i32
    %eq3A_18 = arith.cmpi eq, %arg1, %eq3A : i32
    %convert_element_type3A = arith.extui %eq3A_18 : i1 to i32
    %cond3A = arith.constant 0 : i32
    %cond3A_19 = arith.cmpi ne, %convert_element_type3A, %cond3A : i32
    scf.if %cond3A_19 {
      "tpu.region"() ({
        %run_scoped3A = tpu.sem_alloc : memref<!tpu.dma_semaphore, #tpu.memory_space<semaphore_mem>>
        %dma_start3A = arith.constant 0 : i32
        %dma_start3A_20 = arith.constant 0 : i32
        %dma_start3A_21 = tpu.memref_slice %arg4[%arg0, %dma_start3A, %dma_start3A_20] : memref<2x10240x16xf32, #tpu.memory_space<hbm>> -> memref<1x10240x16xf32, #tpu.memory_space<hbm>>
        %dma_start3A_22 = tpu.memref_squeeze %dma_start3A_21 : memref<1x10240x16xf32, #tpu.memory_space<hbm>> -> memref<10240x16xf32, #tpu.memory_space<hbm>>
        tpu.enqueue_dma source(%arg7 : memref<10240x16xf32, #tpu.memory_space<vmem_shared>>) target(%dma_start3A_22 : memref<10240x16xf32, #tpu.memory_space<hbm>>) target_semaphore(%run_scoped3A : memref<!tpu.dma_semaphore, #tpu.memory_space<semaphore_mem>>)
        %dma_wait3A = arith.constant 0 : i32
        %dma_wait3A_23 = arith.constant 0 : i32
        %dma_wait3A_24 = tpu.memref_slice %arg4[%arg0, %dma_wait3A, %dma_wait3A_23] : memref<2x10240x16xf32, #tpu.memory_space<hbm>> -> memref<1x10240x16xf32, #tpu.memory_space<hbm>>
        %dma_wait3A_25 = tpu.memref_squeeze %dma_wait3A_24 : memref<1x10240x16xf32, #tpu.memory_space<hbm>> -> memref<10240x16xf32, #tpu.memory_space<hbm>>
        tpu.wait_dma2 semaphore(%run_scoped3A : memref<!tpu.dma_semaphore, #tpu.memory_space<semaphore_mem>>) src(%arg7 : memref<10240x16xf32, #tpu.memory_space<vmem_shared>>) dst(%dma_wait3A_25 : memref<10240x16xf32, #tpu.memory_space<hbm>>)
        tpu.yield
      }) : () -> ()
    } else {
    }
    return
  }
}

#map = affine_map<(d0, d1) -> (0, 0)>
#map1 = affine_map<(d0, d1) -> (0, 0, 0)>
module attributes {stable_mosaic.version = 14 : i64} {
  func.func @_prop_kernel(%arg0: i32, %arg1: i32, %arg2: memref<10240x32xf32, #tpu.memory_space<hbm>>, %arg3: memref<32x80x125xi32, #tpu.memory_space<hbm>>, %arg4: memref<32x80x125xi32, #tpu.memory_space<hbm>>, %arg5: memref<10240x32xf32, #tpu.memory_space<hbm>>, %arg6: memref<2x10240x32xf32, #tpu.memory_space<hbm>>, %arg7: memref<80x125xi32, #tpu.memory_space<vmem>>, %arg8: memref<80x125xi32, #tpu.memory_space<vmem>>, %arg9: memref<8x125x32xf32, #tpu.memory_space<vmem>>, %arg10: memref<10240x32xf32, #tpu.memory_space<vmem_shared>>, %arg11: memref<10240x32xf32, #tpu.memory_space<vmem_shared>>, %arg12: memref<8x!tpu.dma_semaphore, #tpu.memory_space<semaphore_mem>>, %arg13: memref<8x!tpu.dma_semaphore, #tpu.memory_space<semaphore_mem>>) attributes {dimension_semantics = [#tpu.dimension_semantics<core_parallel>, #tpu.dimension_semantics<subcore_parallel>], iteration_bounds = array<i64: 2, 16>, scalar_prefetch = 0 : i64, scratch_operands = 7 : i64, tpu.core_type = #tpu.core_type<sc_vector_subcore>, window_params = [{transform_indices = #map}, {transform_indices = #map1}, {transform_indices = #map1}, {transform_indices = #map}, {transform_indices = #map1}]} {
    %mul3A = arith.constant 16 : i32
    %mul3A_0 = arith.muli %arg0, %mul3A : i32
    %add3A = arith.addi %mul3A_0, %arg1 : i32
    "tpu.region"() ({
      %run_scoped3A = tpu.sem_alloc : memref<!tpu.dma_semaphore, #tpu.memory_space<semaphore_mem>>
      %dma_start3A_195 = arith.constant 0 : i32
      %dma_start3A_196 = arith.constant 0 : i32
      %dma_start3A_197 = tpu.memref_slice %arg3[%add3A, %dma_start3A_195, %dma_start3A_196] : memref<32x80x125xi32, #tpu.memory_space<hbm>> -> memref<1x80x125xi32, #tpu.memory_space<hbm>>
      %dma_start3A_198 = tpu.memref_squeeze %dma_start3A_197 : memref<1x80x125xi32, #tpu.memory_space<hbm>> -> memref<80x125xi32, #tpu.memory_space<hbm>>
      %dma_start3A_199 = arith.constant 0 : i32
      %dma_start3A_200 = arith.constant 0 : i32
      %dma_start3A_201 = tpu.memref_slice %arg3[%add3A, %dma_start3A_199, %dma_start3A_200] : memref<32x80x125xi32, #tpu.memory_space<hbm>> -> memref<1x80x125xi32, #tpu.memory_space<hbm>>
      %dma_start3A_202 = tpu.memref_squeeze %dma_start3A_201 : memref<1x80x125xi32, #tpu.memory_space<hbm>> -> memref<80x125xi32, #tpu.memory_space<hbm>>
      tpu.enqueue_dma source(%dma_start3A_202 : memref<80x125xi32, #tpu.memory_space<hbm>>) target(%arg7 : memref<80x125xi32, #tpu.memory_space<vmem>>) target_semaphore(%run_scoped3A : memref<!tpu.dma_semaphore, #tpu.memory_space<semaphore_mem>>)
      %dma_wait3A_203 = arith.constant 0 : i32
      %dma_wait3A_204 = arith.constant 0 : i32
      %dma_wait3A_205 = tpu.memref_slice %arg3[%add3A, %dma_wait3A_203, %dma_wait3A_204] : memref<32x80x125xi32, #tpu.memory_space<hbm>> -> memref<1x80x125xi32, #tpu.memory_space<hbm>>
      %dma_wait3A_206 = tpu.memref_squeeze %dma_wait3A_205 : memref<1x80x125xi32, #tpu.memory_space<hbm>> -> memref<80x125xi32, #tpu.memory_space<hbm>>
      %dma_wait3A_207 = arith.constant 0 : i32
      %dma_wait3A_208 = arith.constant 0 : i32
      %dma_wait3A_209 = tpu.memref_slice %arg3[%add3A, %dma_wait3A_207, %dma_wait3A_208] : memref<32x80x125xi32, #tpu.memory_space<hbm>> -> memref<1x80x125xi32, #tpu.memory_space<hbm>>
      %dma_wait3A_210 = tpu.memref_squeeze %dma_wait3A_209 : memref<1x80x125xi32, #tpu.memory_space<hbm>> -> memref<80x125xi32, #tpu.memory_space<hbm>>
      tpu.wait_dma2 semaphore(%run_scoped3A : memref<!tpu.dma_semaphore, #tpu.memory_space<semaphore_mem>>) src(%dma_wait3A_210 : memref<80x125xi32, #tpu.memory_space<hbm>>) dst(%arg7 : memref<80x125xi32, #tpu.memory_space<vmem>>)
      tpu.yield
    }) : () -> ()
    "tpu.region"() ({
      %run_scoped3A = tpu.sem_alloc : memref<!tpu.dma_semaphore, #tpu.memory_space<semaphore_mem>>
      %dma_start3A_195 = arith.constant 0 : i32
      %dma_start3A_196 = arith.constant 0 : i32
      %dma_start3A_197 = tpu.memref_slice %arg4[%add3A, %dma_start3A_195, %dma_start3A_196] : memref<32x80x125xi32, #tpu.memory_space<hbm>> -> memref<1x80x125xi32, #tpu.memory_space<hbm>>
      %dma_start3A_198 = tpu.memref_squeeze %dma_start3A_197 : memref<1x80x125xi32, #tpu.memory_space<hbm>> -> memref<80x125xi32, #tpu.memory_space<hbm>>
      %dma_start3A_199 = arith.constant 0 : i32
      %dma_start3A_200 = arith.constant 0 : i32
      %dma_start3A_201 = tpu.memref_slice %arg4[%add3A, %dma_start3A_199, %dma_start3A_200] : memref<32x80x125xi32, #tpu.memory_space<hbm>> -> memref<1x80x125xi32, #tpu.memory_space<hbm>>
      %dma_start3A_202 = tpu.memref_squeeze %dma_start3A_201 : memref<1x80x125xi32, #tpu.memory_space<hbm>> -> memref<80x125xi32, #tpu.memory_space<hbm>>
      tpu.enqueue_dma source(%dma_start3A_202 : memref<80x125xi32, #tpu.memory_space<hbm>>) target(%arg8 : memref<80x125xi32, #tpu.memory_space<vmem>>) target_semaphore(%run_scoped3A : memref<!tpu.dma_semaphore, #tpu.memory_space<semaphore_mem>>)
      %dma_wait3A_203 = arith.constant 0 : i32
      %dma_wait3A_204 = arith.constant 0 : i32
      %dma_wait3A_205 = tpu.memref_slice %arg4[%add3A, %dma_wait3A_203, %dma_wait3A_204] : memref<32x80x125xi32, #tpu.memory_space<hbm>> -> memref<1x80x125xi32, #tpu.memory_space<hbm>>
      %dma_wait3A_206 = tpu.memref_squeeze %dma_wait3A_205 : memref<1x80x125xi32, #tpu.memory_space<hbm>> -> memref<80x125xi32, #tpu.memory_space<hbm>>
      %dma_wait3A_207 = arith.constant 0 : i32
      %dma_wait3A_208 = arith.constant 0 : i32
      %dma_wait3A_209 = tpu.memref_slice %arg4[%add3A, %dma_wait3A_207, %dma_wait3A_208] : memref<32x80x125xi32, #tpu.memory_space<hbm>> -> memref<1x80x125xi32, #tpu.memory_space<hbm>>
      %dma_wait3A_210 = tpu.memref_squeeze %dma_wait3A_209 : memref<1x80x125xi32, #tpu.memory_space<hbm>> -> memref<80x125xi32, #tpu.memory_space<hbm>>
      tpu.wait_dma2 semaphore(%run_scoped3A : memref<!tpu.dma_semaphore, #tpu.memory_space<semaphore_mem>>) src(%dma_wait3A_210 : memref<80x125xi32, #tpu.memory_space<hbm>>) dst(%arg8 : memref<80x125xi32, #tpu.memory_space<vmem>>)
      tpu.yield
    }) : () -> ()
    %mul3A_1 = arith.constant 640 : i32
    %mul3A_2 = arith.muli %arg1, %mul3A_1 : i32
    %mul3A_3 = arith.constant 640 : i32
    %mul3A_4 = arith.muli %arg1, %mul3A_3 : i32
    "tpu.region"() ({
      %run_scoped3A = tpu.sem_alloc : memref<!tpu.dma_semaphore, #tpu.memory_space<semaphore_mem>>
      %dma_start3A_195 = arith.constant 0 : i32
      %dma_start3A_196 = tpu.memref_slice %arg10[%mul3A_4, %dma_start3A_195] : memref<10240x32xf32, #tpu.memory_space<vmem_shared>> -> memref<640x32xf32, #tpu.memory_space<vmem_shared>>
      %dma_start3A_197 = arith.constant 0 : i32
      %dma_start3A_198 = tpu.memref_slice %arg5[%mul3A_2, %dma_start3A_197] : memref<10240x32xf32, #tpu.memory_space<hbm>> -> memref<640x32xf32, #tpu.memory_space<hbm>>
      tpu.enqueue_dma source(%dma_start3A_198 : memref<640x32xf32, #tpu.memory_space<hbm>>) target(%dma_start3A_196 : memref<640x32xf32, #tpu.memory_space<vmem_shared>>) target_semaphore(%run_scoped3A : memref<!tpu.dma_semaphore, #tpu.memory_space<semaphore_mem>>)
      %dma_wait3A_199 = arith.constant 0 : i32
      %dma_wait3A_200 = tpu.memref_slice %arg10[%mul3A_4, %dma_wait3A_199] : memref<10240x32xf32, #tpu.memory_space<vmem_shared>> -> memref<640x32xf32, #tpu.memory_space<vmem_shared>>
      %dma_wait3A_201 = arith.constant 0 : i32
      %dma_wait3A_202 = tpu.memref_slice %arg5[%mul3A_2, %dma_wait3A_201] : memref<10240x32xf32, #tpu.memory_space<hbm>> -> memref<640x32xf32, #tpu.memory_space<hbm>>
      tpu.wait_dma2 semaphore(%run_scoped3A : memref<!tpu.dma_semaphore, #tpu.memory_space<semaphore_mem>>) src(%dma_wait3A_202 : memref<640x32xf32, #tpu.memory_space<hbm>>) dst(%dma_wait3A_200 : memref<640x32xf32, #tpu.memory_space<vmem_shared>>)
      tpu.yield
    }) : () -> ()
    %mul3A_5 = arith.constant 640 : i32
    %mul3A_6 = arith.muli %arg1, %mul3A_5 : i32
    %mul3A_7 = arith.constant 640 : i32
    %mul3A_8 = arith.muli %arg1, %mul3A_7 : i32
    "tpu.region"() ({
      %run_scoped3A = tpu.sem_alloc : memref<!tpu.dma_semaphore, #tpu.memory_space<semaphore_mem>>
      %dma_start3A_195 = arith.constant 0 : i32
      %dma_start3A_196 = tpu.memref_slice %arg11[%mul3A_8, %dma_start3A_195] : memref<10240x32xf32, #tpu.memory_space<vmem_shared>> -> memref<640x32xf32, #tpu.memory_space<vmem_shared>>
      %dma_start3A_197 = arith.constant 0 : i32
      %dma_start3A_198 = tpu.memref_slice %arg2[%mul3A_6, %dma_start3A_197] : memref<10240x32xf32, #tpu.memory_space<hbm>> -> memref<640x32xf32, #tpu.memory_space<hbm>>
      tpu.enqueue_dma source(%dma_start3A_198 : memref<640x32xf32, #tpu.memory_space<hbm>>) target(%dma_start3A_196 : memref<640x32xf32, #tpu.memory_space<vmem_shared>>) target_semaphore(%run_scoped3A : memref<!tpu.dma_semaphore, #tpu.memory_space<semaphore_mem>>)
      %dma_wait3A_199 = arith.constant 0 : i32
      %dma_wait3A_200 = tpu.memref_slice %arg11[%mul3A_8, %dma_wait3A_199] : memref<10240x32xf32, #tpu.memory_space<vmem_shared>> -> memref<640x32xf32, #tpu.memory_space<vmem_shared>>
      %dma_wait3A_201 = arith.constant 0 : i32
      %dma_wait3A_202 = tpu.memref_slice %arg2[%mul3A_6, %dma_wait3A_201] : memref<10240x32xf32, #tpu.memory_space<hbm>> -> memref<640x32xf32, #tpu.memory_space<hbm>>
      tpu.wait_dma2 semaphore(%run_scoped3A : memref<!tpu.dma_semaphore, #tpu.memory_space<semaphore_mem>>) src(%dma_wait3A_202 : memref<640x32xf32, #tpu.memory_space<hbm>>) dst(%dma_wait3A_200 : memref<640x32xf32, #tpu.memory_space<vmem_shared>>)
      tpu.yield
    }) : () -> ()
    %barrier3A = arith.constant 0 : index
    tpu.barrier barrier_id(%barrier3A)
    %dma_start3A = arith.constant 0 : i32
    %dma_start3A_9 = arith.constant 0 : i32
    %dma_start3A_10 = arith.constant 0 : i32
    %dma_start3A_11 = arith.constant 0 : i32
    %dma_start3A_12 = arith.constant 0 : i32
    %dma_start3A_13 = tpu.memref_slice %arg9[%dma_start3A_9, %dma_start3A_11, %dma_start3A_12] : memref<8x125x32xf32, #tpu.memory_space<vmem>> -> memref<1x125x32xf32, #tpu.memory_space<vmem>>
    %dma_start3A_14 = tpu.memref_squeeze %dma_start3A_13 : memref<1x125x32xf32, #tpu.memory_space<vmem>> -> memref<125x32xf32, #tpu.memory_space<vmem>>
    %dma_start3A_15 = arith.constant 0 : i32
    %dma_start3A_16 = tpu.memref_slice %arg7[%dma_start3A, %dma_start3A_15] : memref<80x125xi32, #tpu.memory_space<vmem>> -> memref<1x125xi32, #tpu.memory_space<vmem>>
    %dma_start3A_17 = tpu.memref_squeeze %dma_start3A_16 : memref<1x125xi32, #tpu.memory_space<vmem>> -> memref<125xi32, #tpu.memory_space<vmem>>
    %dma_start3A_18 = arith.constant 0 : i32
    %dma_start3A_19 = arith.constant 0 : i32
    %dma_start3A_20 = tpu.memref_slice %arg11[%dma_start3A_18, %dma_start3A_19] : memref<10240x32xf32, #tpu.memory_space<vmem_shared>> -> memref<10240x32xf32, #tpu.memory_space<vmem_shared>>
    %dma_start3A_21 = tpu.memref_slice %arg12[%dma_start3A_10] : memref<8x!tpu.dma_semaphore, #tpu.memory_space<semaphore_mem>> -> memref<1x!tpu.dma_semaphore, #tpu.memory_space<semaphore_mem>>
    %dma_start3A_22 = tpu.memref_squeeze %dma_start3A_21 : memref<1x!tpu.dma_semaphore, #tpu.memory_space<semaphore_mem>> -> memref<!tpu.dma_semaphore, #tpu.memory_space<semaphore_mem>>
    tpu.enqueue_indirect_dma source(%dma_start3A_20 : memref<10240x32xf32, #tpu.memory_space<vmem_shared>>) target(%dma_start3A_14 : memref<125x32xf32, #tpu.memory_space<vmem>>) offsets(%dma_start3A_17 : memref<125xi32, #tpu.memory_space<vmem>>) semaphore(%dma_start3A_22 : memref<!tpu.dma_semaphore, #tpu.memory_space<semaphore_mem>>)
    %dma_start3A_23 = arith.constant 1 : i32
    %dma_start3A_24 = arith.constant 1 : i32
    %dma_start3A_25 = arith.constant 1 : i32
    %dma_start3A_26 = arith.constant 0 : i32
    %dma_start3A_27 = arith.constant 0 : i32
    %dma_start3A_28 = tpu.memref_slice %arg9[%dma_start3A_24, %dma_start3A_26, %dma_start3A_27] : memref<8x125x32xf32, #tpu.memory_space<vmem>> -> memref<1x125x32xf32, #tpu.memory_space<vmem>>
    %dma_start3A_29 = tpu.memref_squeeze %dma_start3A_28 : memref<1x125x32xf32, #tpu.memory_space<vmem>> -> memref<125x32xf32, #tpu.memory_space<vmem>>
    %dma_start3A_30 = arith.constant 0 : i32
    %dma_start3A_31 = tpu.memref_slice %arg7[%dma_start3A_23, %dma_start3A_30] : memref<80x125xi32, #tpu.memory_space<vmem>> -> memref<1x125xi32, #tpu.memory_space<vmem>>
    %dma_start3A_32 = tpu.memref_squeeze %dma_start3A_31 : memref<1x125xi32, #tpu.memory_space<vmem>> -> memref<125xi32, #tpu.memory_space<vmem>>
    %dma_start3A_33 = arith.constant 0 : i32
    %dma_start3A_34 = arith.constant 0 : i32
    %dma_start3A_35 = tpu.memref_slice %arg11[%dma_start3A_33, %dma_start3A_34] : memref<10240x32xf32, #tpu.memory_space<vmem_shared>> -> memref<10240x32xf32, #tpu.memory_space<vmem_shared>>
    %dma_start3A_36 = tpu.memref_slice %arg12[%dma_start3A_25] : memref<8x!tpu.dma_semaphore, #tpu.memory_space<semaphore_mem>> -> memref<1x!tpu.dma_semaphore, #tpu.memory_space<semaphore_mem>>
    %dma_start3A_37 = tpu.memref_squeeze %dma_start3A_36 : memref<1x!tpu.dma_semaphore, #tpu.memory_space<semaphore_mem>> -> memref<!tpu.dma_semaphore, #tpu.memory_space<semaphore_mem>>
    tpu.enqueue_indirect_dma source(%dma_start3A_35 : memref<10240x32xf32, #tpu.memory_space<vmem_shared>>) target(%dma_start3A_29 : memref<125x32xf32, #tpu.memory_space<vmem>>) offsets(%dma_start3A_32 : memref<125xi32, #tpu.memory_space<vmem>>) semaphore(%dma_start3A_37 : memref<!tpu.dma_semaphore, #tpu.memory_space<semaphore_mem>>)
    %dma_start3A_38 = arith.constant 2 : i32
    %dma_start3A_39 = arith.constant 2 : i32
    %dma_start3A_40 = arith.constant 2 : i32
    %dma_start3A_41 = arith.constant 0 : i32
    %dma_start3A_42 = arith.constant 0 : i32
    %dma_start3A_43 = tpu.memref_slice %arg9[%dma_start3A_39, %dma_start3A_41, %dma_start3A_42] : memref<8x125x32xf32, #tpu.memory_space<vmem>> -> memref<1x125x32xf32, #tpu.memory_space<vmem>>
    %dma_start3A_44 = tpu.memref_squeeze %dma_start3A_43 : memref<1x125x32xf32, #tpu.memory_space<vmem>> -> memref<125x32xf32, #tpu.memory_space<vmem>>
    %dma_start3A_45 = arith.constant 0 : i32
    %dma_start3A_46 = tpu.memref_slice %arg7[%dma_start3A_38, %dma_start3A_45] : memref<80x125xi32, #tpu.memory_space<vmem>> -> memref<1x125xi32, #tpu.memory_space<vmem>>
    %dma_start3A_47 = tpu.memref_squeeze %dma_start3A_46 : memref<1x125xi32, #tpu.memory_space<vmem>> -> memref<125xi32, #tpu.memory_space<vmem>>
    %dma_start3A_48 = arith.constant 0 : i32
    %dma_start3A_49 = arith.constant 0 : i32
    %dma_start3A_50 = tpu.memref_slice %arg11[%dma_start3A_48, %dma_start3A_49] : memref<10240x32xf32, #tpu.memory_space<vmem_shared>> -> memref<10240x32xf32, #tpu.memory_space<vmem_shared>>
    %dma_start3A_51 = tpu.memref_slice %arg12[%dma_start3A_40] : memref<8x!tpu.dma_semaphore, #tpu.memory_space<semaphore_mem>> -> memref<1x!tpu.dma_semaphore, #tpu.memory_space<semaphore_mem>>
    %dma_start3A_52 = tpu.memref_squeeze %dma_start3A_51 : memref<1x!tpu.dma_semaphore, #tpu.memory_space<semaphore_mem>> -> memref<!tpu.dma_semaphore, #tpu.memory_space<semaphore_mem>>
    tpu.enqueue_indirect_dma source(%dma_start3A_50 : memref<10240x32xf32, #tpu.memory_space<vmem_shared>>) target(%dma_start3A_44 : memref<125x32xf32, #tpu.memory_space<vmem>>) offsets(%dma_start3A_47 : memref<125xi32, #tpu.memory_space<vmem>>) semaphore(%dma_start3A_52 : memref<!tpu.dma_semaphore, #tpu.memory_space<semaphore_mem>>)
    %dma_start3A_53 = arith.constant 3 : i32
    %dma_start3A_54 = arith.constant 3 : i32
    %dma_start3A_55 = arith.constant 3 : i32
    %dma_start3A_56 = arith.constant 0 : i32
    %dma_start3A_57 = arith.constant 0 : i32
    %dma_start3A_58 = tpu.memref_slice %arg9[%dma_start3A_54, %dma_start3A_56, %dma_start3A_57] : memref<8x125x32xf32, #tpu.memory_space<vmem>> -> memref<1x125x32xf32, #tpu.memory_space<vmem>>
    %dma_start3A_59 = tpu.memref_squeeze %dma_start3A_58 : memref<1x125x32xf32, #tpu.memory_space<vmem>> -> memref<125x32xf32, #tpu.memory_space<vmem>>
    %dma_start3A_60 = arith.constant 0 : i32
    %dma_start3A_61 = tpu.memref_slice %arg7[%dma_start3A_53, %dma_start3A_60] : memref<80x125xi32, #tpu.memory_space<vmem>> -> memref<1x125xi32, #tpu.memory_space<vmem>>
    %dma_start3A_62 = tpu.memref_squeeze %dma_start3A_61 : memref<1x125xi32, #tpu.memory_space<vmem>> -> memref<125xi32, #tpu.memory_space<vmem>>
    %dma_start3A_63 = arith.constant 0 : i32
    %dma_start3A_64 = arith.constant 0 : i32
    %dma_start3A_65 = tpu.memref_slice %arg11[%dma_start3A_63, %dma_start3A_64] : memref<10240x32xf32, #tpu.memory_space<vmem_shared>> -> memref<10240x32xf32, #tpu.memory_space<vmem_shared>>
    %dma_start3A_66 = tpu.memref_slice %arg12[%dma_start3A_55] : memref<8x!tpu.dma_semaphore, #tpu.memory_space<semaphore_mem>> -> memref<1x!tpu.dma_semaphore, #tpu.memory_space<semaphore_mem>>
    %dma_start3A_67 = tpu.memref_squeeze %dma_start3A_66 : memref<1x!tpu.dma_semaphore, #tpu.memory_space<semaphore_mem>> -> memref<!tpu.dma_semaphore, #tpu.memory_space<semaphore_mem>>
    tpu.enqueue_indirect_dma source(%dma_start3A_65 : memref<10240x32xf32, #tpu.memory_space<vmem_shared>>) target(%dma_start3A_59 : memref<125x32xf32, #tpu.memory_space<vmem>>) offsets(%dma_start3A_62 : memref<125xi32, #tpu.memory_space<vmem>>) semaphore(%dma_start3A_67 : memref<!tpu.dma_semaphore, #tpu.memory_space<semaphore_mem>>)
    %scan3A = arith.constant 0 : i32
    %scan3A_68 = arith.constant 0 : i32
    %scan3A_69 = arith.constant 10 : i32
    %scan3A_70 = arith.addi %scan3A_68, %scan3A_69 : i32
    %scan3A_71 = arith.constant 1 : i32
    scf.for %scan3A_195 = %scan3A_68 to %scan3A_70 step %scan3A_71  : i32 {
      %mul3A_196 = arith.constant 8 : i32
      %mul3A_197 = arith.muli %scan3A_195, %mul3A_196 : i32
      %add3A_198 = arith.constant 0 : i32
      %add3A_199 = arith.addi %mul3A_197, %add3A_198 : i32
      %dma_wait3A_200 = arith.constant 0 : i32
      %dma_wait3A_201 = arith.constant 0 : i32
      %dma_wait3A_202 = arith.constant 0 : i32
      %dma_wait3A_203 = arith.constant 0 : i32
      %dma_wait3A_204 = arith.constant 0 : i32
      %dma_wait3A_205 = tpu.memref_slice %arg9[%dma_wait3A_201, %dma_wait3A_203, %dma_wait3A_204] : memref<8x125x32xf32, #tpu.memory_space<vmem>> -> memref<1x125x32xf32, #tpu.memory_space<vmem>>
      %dma_wait3A_206 = tpu.memref_squeeze %dma_wait3A_205 : memref<1x125x32xf32, #tpu.memory_space<vmem>> -> memref<125x32xf32, #tpu.memory_space<vmem>>
      %dma_wait3A_207 = arith.constant 0 : i32
      %dma_wait3A_208 = tpu.memref_slice %arg7[%dma_wait3A_200, %dma_wait3A_207] : memref<80x125xi32, #tpu.memory_space<vmem>> -> memref<1x125xi32, #tpu.memory_space<vmem>>
      %dma_wait3A_209 = tpu.memref_squeeze %dma_wait3A_208 : memref<1x125xi32, #tpu.memory_space<vmem>> -> memref<125xi32, #tpu.memory_space<vmem>>
      %dma_wait3A_210 = arith.constant 0 : i32
      %dma_wait3A_211 = arith.constant 0 : i32
      %dma_wait3A_212 = tpu.memref_slice %arg11[%dma_wait3A_210, %dma_wait3A_211] : memref<10240x32xf32, #tpu.memory_space<vmem_shared>> -> memref<10240x32xf32, #tpu.memory_space<vmem_shared>>
      %dma_wait3A_213 = tpu.memref_slice %arg12[%dma_wait3A_202] : memref<8x!tpu.dma_semaphore, #tpu.memory_space<semaphore_mem>> -> memref<1x!tpu.dma_semaphore, #tpu.memory_space<semaphore_mem>>
      %dma_wait3A_214 = tpu.memref_squeeze %dma_wait3A_213 : memref<1x!tpu.dma_semaphore, #tpu.memory_space<semaphore_mem>> -> memref<!tpu.dma_semaphore, #tpu.memory_space<semaphore_mem>>
      tpu.wait_indirect_dma semaphore(%dma_wait3A_214 : memref<!tpu.dma_semaphore, #tpu.memory_space<semaphore_mem>>) src(%dma_wait3A_212 : memref<10240x32xf32, #tpu.memory_space<vmem_shared>>) dst(%dma_wait3A_206 : memref<125x32xf32, #tpu.memory_space<vmem>>)
      %dma_start3A_215 = arith.constant 0 : i32
      %dma_start3A_216 = arith.constant 0 : i32
      %dma_start3A_217 = arith.constant 0 : i32
      %dma_start3A_218 = arith.constant 0 : i32
      %dma_start3A_219 = tpu.memref_slice %arg9[%dma_start3A_215, %dma_start3A_217, %dma_start3A_218] : memref<8x125x32xf32, #tpu.memory_space<vmem>> -> memref<1x125x32xf32, #tpu.memory_space<vmem>>
      %dma_start3A_220 = tpu.memref_squeeze %dma_start3A_219 : memref<1x125x32xf32, #tpu.memory_space<vmem>> -> memref<125x32xf32, #tpu.memory_space<vmem>>
      %dma_start3A_221 = arith.constant 0 : i32
      %dma_start3A_222 = tpu.memref_slice %arg8[%add3A_199, %dma_start3A_221] : memref<80x125xi32, #tpu.memory_space<vmem>> -> memref<1x125xi32, #tpu.memory_space<vmem>>
      %dma_start3A_223 = tpu.memref_squeeze %dma_start3A_222 : memref<1x125xi32, #tpu.memory_space<vmem>> -> memref<125xi32, #tpu.memory_space<vmem>>
      %dma_start3A_224 = arith.constant 0 : i32
      %dma_start3A_225 = arith.constant 0 : i32
      %dma_start3A_226 = tpu.memref_slice %arg10[%dma_start3A_224, %dma_start3A_225] : memref<10240x32xf32, #tpu.memory_space<vmem_shared>> -> memref<10240x32xf32, #tpu.memory_space<vmem_shared>>
      %dma_start3A_227 = tpu.memref_slice %arg13[%dma_start3A_216] : memref<8x!tpu.dma_semaphore, #tpu.memory_space<semaphore_mem>> -> memref<1x!tpu.dma_semaphore, #tpu.memory_space<semaphore_mem>>
      %dma_start3A_228 = tpu.memref_squeeze %dma_start3A_227 : memref<1x!tpu.dma_semaphore, #tpu.memory_space<semaphore_mem>> -> memref<!tpu.dma_semaphore, #tpu.memory_space<semaphore_mem>>
      tpu.enqueue_indirect_dma source(%dma_start3A_220 : memref<125x32xf32, #tpu.memory_space<vmem>>) target(%dma_start3A_226 : memref<10240x32xf32, #tpu.memory_space<vmem_shared>>) offsets(%dma_start3A_223 : memref<125xi32, #tpu.memory_space<vmem>>) semaphore(%dma_start3A_228 : memref<!tpu.dma_semaphore, #tpu.memory_space<semaphore_mem>>) {add = true}
      %add3A_229 = arith.constant 4 : i32
      %add3A_230 = arith.addi %add3A_199, %add3A_229 : i32
      %lt3A = arith.constant 80 : i32
      %lt3A_231 = arith.cmpi slt, %add3A_230, %lt3A : i32
      %convert_element_type3A_232 = arith.extui %lt3A_231 : i1 to i32
      %cond3A_233 = arith.constant 0 : i32
      %cond3A_234 = arith.cmpi ne, %convert_element_type3A_232, %cond3A_233 : i32
      scf.if %cond3A_234 {
        %ge3A = arith.constant 4 : i32
        %ge3A_501 = arith.cmpi sge, %add3A_199, %ge3A : i32
        %convert_element_type3A_502 = arith.extui %ge3A_501 : i1 to i32
        %cond3A_503 = arith.constant 0 : i32
        %cond3A_504 = arith.cmpi ne, %convert_element_type3A_502, %cond3A_503 : i32
        scf.if %cond3A_504 {
          %dma_wait3A_519 = arith.constant 4 : i32
          %dma_wait3A_520 = arith.constant 0 : i32
          %dma_wait3A_521 = arith.constant 4 : i32
          %dma_wait3A_522 = arith.constant 0 : i32
          %dma_wait3A_523 = arith.constant 0 : i32
          %dma_wait3A_524 = tpu.memref_slice %arg9[%dma_wait3A_519, %dma_wait3A_522, %dma_wait3A_523] : memref<8x125x32xf32, #tpu.memory_space<vmem>> -> memref<1x125x32xf32, #tpu.memory_space<vmem>>
          %dma_wait3A_525 = tpu.memref_squeeze %dma_wait3A_524 : memref<1x125x32xf32, #tpu.memory_space<vmem>> -> memref<125x32xf32, #tpu.memory_space<vmem>>
          %dma_wait3A_526 = arith.constant 0 : i32
          %dma_wait3A_527 = tpu.memref_slice %arg8[%dma_wait3A_520, %dma_wait3A_526] : memref<80x125xi32, #tpu.memory_space<vmem>> -> memref<1x125xi32, #tpu.memory_space<vmem>>
          %dma_wait3A_528 = tpu.memref_squeeze %dma_wait3A_527 : memref<1x125xi32, #tpu.memory_space<vmem>> -> memref<125xi32, #tpu.memory_space<vmem>>
          %dma_wait3A_529 = arith.constant 0 : i32
          %dma_wait3A_530 = arith.constant 0 : i32
          %dma_wait3A_531 = tpu.memref_slice %arg10[%dma_wait3A_529, %dma_wait3A_530] : memref<10240x32xf32, #tpu.memory_space<vmem_shared>> -> memref<10240x32xf32, #tpu.memory_space<vmem_shared>>
          %dma_wait3A_532 = tpu.memref_slice %arg13[%dma_wait3A_521] : memref<8x!tpu.dma_semaphore, #tpu.memory_space<semaphore_mem>> -> memref<1x!tpu.dma_semaphore, #tpu.memory_space<semaphore_mem>>
          %dma_wait3A_533 = tpu.memref_squeeze %dma_wait3A_532 : memref<1x!tpu.dma_semaphore, #tpu.memory_space<semaphore_mem>> -> memref<!tpu.dma_semaphore, #tpu.memory_space<semaphore_mem>>
          tpu.wait_indirect_dma semaphore(%dma_wait3A_533 : memref<!tpu.dma_semaphore, #tpu.memory_space<semaphore_mem>>) src(%dma_wait3A_525 : memref<125x32xf32, #tpu.memory_space<vmem>>) dst(%dma_wait3A_531 : memref<10240x32xf32, #tpu.memory_space<vmem_shared>>)
        } else {
        }
        %dma_start3A_505 = arith.constant 4 : i32
        %dma_start3A_506 = arith.constant 4 : i32
        %dma_start3A_507 = arith.constant 0 : i32
        %dma_start3A_508 = arith.constant 0 : i32
        %dma_start3A_509 = tpu.memref_slice %arg9[%dma_start3A_505, %dma_start3A_507, %dma_start3A_508] : memref<8x125x32xf32, #tpu.memory_space<vmem>> -> memref<1x125x32xf32, #tpu.memory_space<vmem>>
        %dma_start3A_510 = tpu.memref_squeeze %dma_start3A_509 : memref<1x125x32xf32, #tpu.memory_space<vmem>> -> memref<125x32xf32, #tpu.memory_space<vmem>>
        %dma_start3A_511 = arith.constant 0 : i32
        %dma_start3A_512 = tpu.memref_slice %arg7[%add3A_230, %dma_start3A_511] : memref<80x125xi32, #tpu.memory_space<vmem>> -> memref<1x125xi32, #tpu.memory_space<vmem>>
        %dma_start3A_513 = tpu.memref_squeeze %dma_start3A_512 : memref<1x125xi32, #tpu.memory_space<vmem>> -> memref<125xi32, #tpu.memory_space<vmem>>
        %dma_start3A_514 = arith.constant 0 : i32
        %dma_start3A_515 = arith.constant 0 : i32
        %dma_start3A_516 = tpu.memref_slice %arg11[%dma_start3A_514, %dma_start3A_515] : memref<10240x32xf32, #tpu.memory_space<vmem_shared>> -> memref<10240x32xf32, #tpu.memory_space<vmem_shared>>
        %dma_start3A_517 = tpu.memref_slice %arg12[%dma_start3A_506] : memref<8x!tpu.dma_semaphore, #tpu.memory_space<semaphore_mem>> -> memref<1x!tpu.dma_semaphore, #tpu.memory_space<semaphore_mem>>
        %dma_start3A_518 = tpu.memref_squeeze %dma_start3A_517 : memref<1x!tpu.dma_semaphore, #tpu.memory_space<semaphore_mem>> -> memref<!tpu.dma_semaphore, #tpu.memory_space<semaphore_mem>>
        tpu.enqueue_indirect_dma source(%dma_start3A_516 : memref<10240x32xf32, #tpu.memory_space<vmem_shared>>) target(%dma_start3A_510 : memref<125x32xf32, #tpu.memory_space<vmem>>) offsets(%dma_start3A_513 : memref<125xi32, #tpu.memory_space<vmem>>) semaphore(%dma_start3A_518 : memref<!tpu.dma_semaphore, #tpu.memory_space<semaphore_mem>>)
      } else {
      }
      %add3A_235 = arith.constant 1 : i32
      %add3A_236 = arith.addi %mul3A_197, %add3A_235 : i32
      %dma_wait3A_237 = arith.constant 0 : i32
      %dma_wait3A_238 = arith.constant 1 : i32
      %dma_wait3A_239 = arith.constant 1 : i32
      %dma_wait3A_240 = arith.constant 0 : i32
      %dma_wait3A_241 = arith.constant 0 : i32
      %dma_wait3A_242 = tpu.memref_slice %arg9[%dma_wait3A_238, %dma_wait3A_240, %dma_wait3A_241] : memref<8x125x32xf32, #tpu.memory_space<vmem>> -> memref<1x125x32xf32, #tpu.memory_space<vmem>>
      %dma_wait3A_243 = tpu.memref_squeeze %dma_wait3A_242 : memref<1x125x32xf32, #tpu.memory_space<vmem>> -> memref<125x32xf32, #tpu.memory_space<vmem>>
      %dma_wait3A_244 = arith.constant 0 : i32
      %dma_wait3A_245 = tpu.memref_slice %arg7[%dma_wait3A_237, %dma_wait3A_244] : memref<80x125xi32, #tpu.memory_space<vmem>> -> memref<1x125xi32, #tpu.memory_space<vmem>>
      %dma_wait3A_246 = tpu.memref_squeeze %dma_wait3A_245 : memref<1x125xi32, #tpu.memory_space<vmem>> -> memref<125xi32, #tpu.memory_space<vmem>>
      %dma_wait3A_247 = arith.constant 0 : i32
      %dma_wait3A_248 = arith.constant 0 : i32
      %dma_wait3A_249 = tpu.memref_slice %arg11[%dma_wait3A_247, %dma_wait3A_248] : memref<10240x32xf32, #tpu.memory_space<vmem_shared>> -> memref<10240x32xf32, #tpu.memory_space<vmem_shared>>
      %dma_wait3A_250 = tpu.memref_slice %arg12[%dma_wait3A_239] : memref<8x!tpu.dma_semaphore, #tpu.memory_space<semaphore_mem>> -> memref<1x!tpu.dma_semaphore, #tpu.memory_space<semaphore_mem>>
      %dma_wait3A_251 = tpu.memref_squeeze %dma_wait3A_250 : memref<1x!tpu.dma_semaphore, #tpu.memory_space<semaphore_mem>> -> memref<!tpu.dma_semaphore, #tpu.memory_space<semaphore_mem>>
      tpu.wait_indirect_dma semaphore(%dma_wait3A_251 : memref<!tpu.dma_semaphore, #tpu.memory_space<semaphore_mem>>) src(%dma_wait3A_249 : memref<10240x32xf32, #tpu.memory_space<vmem_shared>>) dst(%dma_wait3A_243 : memref<125x32xf32, #tpu.memory_space<vmem>>)
      %dma_start3A_252 = arith.constant 1 : i32
      %dma_start3A_253 = arith.constant 1 : i32
      %dma_start3A_254 = arith.constant 0 : i32
      %dma_start3A_255 = arith.constant 0 : i32
      %dma_start3A_256 = tpu.memref_slice %arg9[%dma_start3A_252, %dma_start3A_254, %dma_start3A_255] : memref<8x125x32xf32, #tpu.memory_space<vmem>> -> memref<1x125x32xf32, #tpu.memory_space<vmem>>
      %dma_start3A_257 = tpu.memref_squeeze %dma_start3A_256 : memref<1x125x32xf32, #tpu.memory_space<vmem>> -> memref<125x32xf32, #tpu.memory_space<vmem>>
      %dma_start3A_258 = arith.constant 0 : i32
      %dma_start3A_259 = tpu.memref_slice %arg8[%add3A_236, %dma_start3A_258] : memref<80x125xi32, #tpu.memory_space<vmem>> -> memref<1x125xi32, #tpu.memory_space<vmem>>
      %dma_start3A_260 = tpu.memref_squeeze %dma_start3A_259 : memref<1x125xi32, #tpu.memory_space<vmem>> -> memref<125xi32, #tpu.memory_space<vmem>>
      %dma_start3A_261 = arith.constant 0 : i32
      %dma_start3A_262 = arith.constant 0 : i32
      %dma_start3A_263 = tpu.memref_slice %arg10[%dma_start3A_261, %dma_start3A_262] : memref<10240x32xf32, #tpu.memory_space<vmem_shared>> -> memref<10240x32xf32, #tpu.memory_space<vmem_shared>>
      %dma_start3A_264 = tpu.memref_slice %arg13[%dma_start3A_253] : memref<8x!tpu.dma_semaphore, #tpu.memory_space<semaphore_mem>> -> memref<1x!tpu.dma_semaphore, #tpu.memory_space<semaphore_mem>>
      %dma_start3A_265 = tpu.memref_squeeze %dma_start3A_264 : memref<1x!tpu.dma_semaphore, #tpu.memory_space<semaphore_mem>> -> memref<!tpu.dma_semaphore, #tpu.memory_space<semaphore_mem>>
      tpu.enqueue_indirect_dma source(%dma_start3A_257 : memref<125x32xf32, #tpu.memory_space<vmem>>) target(%dma_start3A_263 : memref<10240x32xf32, #tpu.memory_space<vmem_shared>>) offsets(%dma_start3A_260 : memref<125xi32, #tpu.memory_space<vmem>>) semaphore(%dma_start3A_265 : memref<!tpu.dma_semaphore, #tpu.memory_space<semaphore_mem>>) {add = true}
      %add3A_266 = arith.constant 4 : i32
      %add3A_267 = arith.addi %add3A_236, %add3A_266 : i32
      %lt3A_268 = arith.constant 80 : i32
      %lt3A_269 = arith.cmpi slt, %add3A_267, %lt3A_268 : i32
      %convert_element_type3A_270 = arith.extui %lt3A_269 : i1 to i32
      %cond3A_271 = arith.constant 0 : i32
      %cond3A_272 = arith.cmpi ne, %convert_element_type3A_270, %cond3A_271 : i32
      scf.if %cond3A_272 {
        %ge3A = arith.constant 4 : i32
        %ge3A_501 = arith.cmpi sge, %add3A_236, %ge3A : i32
        %convert_element_type3A_502 = arith.extui %ge3A_501 : i1 to i32
        %cond3A_503 = arith.constant 0 : i32
        %cond3A_504 = arith.cmpi ne, %convert_element_type3A_502, %cond3A_503 : i32
        scf.if %cond3A_504 {
          %dma_wait3A_519 = arith.constant 5 : i32
          %dma_wait3A_520 = arith.constant 0 : i32
          %dma_wait3A_521 = arith.constant 5 : i32
          %dma_wait3A_522 = arith.constant 0 : i32
          %dma_wait3A_523 = arith.constant 0 : i32
          %dma_wait3A_524 = tpu.memref_slice %arg9[%dma_wait3A_519, %dma_wait3A_522, %dma_wait3A_523] : memref<8x125x32xf32, #tpu.memory_space<vmem>> -> memref<1x125x32xf32, #tpu.memory_space<vmem>>
          %dma_wait3A_525 = tpu.memref_squeeze %dma_wait3A_524 : memref<1x125x32xf32, #tpu.memory_space<vmem>> -> memref<125x32xf32, #tpu.memory_space<vmem>>
          %dma_wait3A_526 = arith.constant 0 : i32
          %dma_wait3A_527 = tpu.memref_slice %arg8[%dma_wait3A_520, %dma_wait3A_526] : memref<80x125xi32, #tpu.memory_space<vmem>> -> memref<1x125xi32, #tpu.memory_space<vmem>>
          %dma_wait3A_528 = tpu.memref_squeeze %dma_wait3A_527 : memref<1x125xi32, #tpu.memory_space<vmem>> -> memref<125xi32, #tpu.memory_space<vmem>>
          %dma_wait3A_529 = arith.constant 0 : i32
          %dma_wait3A_530 = arith.constant 0 : i32
          %dma_wait3A_531 = tpu.memref_slice %arg10[%dma_wait3A_529, %dma_wait3A_530] : memref<10240x32xf32, #tpu.memory_space<vmem_shared>> -> memref<10240x32xf32, #tpu.memory_space<vmem_shared>>
          %dma_wait3A_532 = tpu.memref_slice %arg13[%dma_wait3A_521] : memref<8x!tpu.dma_semaphore, #tpu.memory_space<semaphore_mem>> -> memref<1x!tpu.dma_semaphore, #tpu.memory_space<semaphore_mem>>
          %dma_wait3A_533 = tpu.memref_squeeze %dma_wait3A_532 : memref<1x!tpu.dma_semaphore, #tpu.memory_space<semaphore_mem>> -> memref<!tpu.dma_semaphore, #tpu.memory_space<semaphore_mem>>
          tpu.wait_indirect_dma semaphore(%dma_wait3A_533 : memref<!tpu.dma_semaphore, #tpu.memory_space<semaphore_mem>>) src(%dma_wait3A_525 : memref<125x32xf32, #tpu.memory_space<vmem>>) dst(%dma_wait3A_531 : memref<10240x32xf32, #tpu.memory_space<vmem_shared>>)
        } else {
        }
        %dma_start3A_505 = arith.constant 5 : i32
        %dma_start3A_506 = arith.constant 5 : i32
        %dma_start3A_507 = arith.constant 0 : i32
        %dma_start3A_508 = arith.constant 0 : i32
        %dma_start3A_509 = tpu.memref_slice %arg9[%dma_start3A_505, %dma_start3A_507, %dma_start3A_508] : memref<8x125x32xf32, #tpu.memory_space<vmem>> -> memref<1x125x32xf32, #tpu.memory_space<vmem>>
        %dma_start3A_510 = tpu.memref_squeeze %dma_start3A_509 : memref<1x125x32xf32, #tpu.memory_space<vmem>> -> memref<125x32xf32, #tpu.memory_space<vmem>>
        %dma_start3A_511 = arith.constant 0 : i32
        %dma_start3A_512 = tpu.memref_slice %arg7[%add3A_267, %dma_start3A_511] : memref<80x125xi32, #tpu.memory_space<vmem>> -> memref<1x125xi32, #tpu.memory_space<vmem>>
        %dma_start3A_513 = tpu.memref_squeeze %dma_start3A_512 : memref<1x125xi32, #tpu.memory_space<vmem>> -> memref<125xi32, #tpu.memory_space<vmem>>
        %dma_start3A_514 = arith.constant 0 : i32
        %dma_start3A_515 = arith.constant 0 : i32
        %dma_start3A_516 = tpu.memref_slice %arg11[%dma_start3A_514, %dma_start3A_515] : memref<10240x32xf32, #tpu.memory_space<vmem_shared>> -> memref<10240x32xf32, #tpu.memory_space<vmem_shared>>
        %dma_start3A_517 = tpu.memref_slice %arg12[%dma_start3A_506] : memref<8x!tpu.dma_semaphore, #tpu.memory_space<semaphore_mem>> -> memref<1x!tpu.dma_semaphore, #tpu.memory_space<semaphore_mem>>
        %dma_start3A_518 = tpu.memref_squeeze %dma_start3A_517 : memref<1x!tpu.dma_semaphore, #tpu.memory_space<semaphore_mem>> -> memref<!tpu.dma_semaphore, #tpu.memory_space<semaphore_mem>>
        tpu.enqueue_indirect_dma source(%dma_start3A_516 : memref<10240x32xf32, #tpu.memory_space<vmem_shared>>) target(%dma_start3A_510 : memref<125x32xf32, #tpu.memory_space<vmem>>) offsets(%dma_start3A_513 : memref<125xi32, #tpu.memory_space<vmem>>) semaphore(%dma_start3A_518 : memref<!tpu.dma_semaphore, #tpu.memory_space<semaphore_mem>>)
      } else {
      }
      %add3A_273 = arith.constant 2 : i32
      %add3A_274 = arith.addi %mul3A_197, %add3A_273 : i32
      %dma_wait3A_275 = arith.constant 0 : i32
      %dma_wait3A_276 = arith.constant 2 : i32
      %dma_wait3A_277 = arith.constant 2 : i32
      %dma_wait3A_278 = arith.constant 0 : i32
      %dma_wait3A_279 = arith.constant 0 : i32
      %dma_wait3A_280 = tpu.memref_slice %arg9[%dma_wait3A_276, %dma_wait3A_278, %dma_wait3A_279] : memref<8x125x32xf32, #tpu.memory_space<vmem>> -> memref<1x125x32xf32, #tpu.memory_space<vmem>>
      %dma_wait3A_281 = tpu.memref_squeeze %dma_wait3A_280 : memref<1x125x32xf32, #tpu.memory_space<vmem>> -> memref<125x32xf32, #tpu.memory_space<vmem>>
      %dma_wait3A_282 = arith.constant 0 : i32
      %dma_wait3A_283 = tpu.memref_slice %arg7[%dma_wait3A_275, %dma_wait3A_282] : memref<80x125xi32, #tpu.memory_space<vmem>> -> memref<1x125xi32, #tpu.memory_space<vmem>>
      %dma_wait3A_284 = tpu.memref_squeeze %dma_wait3A_283 : memref<1x125xi32, #tpu.memory_space<vmem>> -> memref<125xi32, #tpu.memory_space<vmem>>
      %dma_wait3A_285 = arith.constant 0 : i32
      %dma_wait3A_286 = arith.constant 0 : i32
      %dma_wait3A_287 = tpu.memref_slice %arg11[%dma_wait3A_285, %dma_wait3A_286] : memref<10240x32xf32, #tpu.memory_space<vmem_shared>> -> memref<10240x32xf32, #tpu.memory_space<vmem_shared>>
      %dma_wait3A_288 = tpu.memref_slice %arg12[%dma_wait3A_277] : memref<8x!tpu.dma_semaphore, #tpu.memory_space<semaphore_mem>> -> memref<1x!tpu.dma_semaphore, #tpu.memory_space<semaphore_mem>>
      %dma_wait3A_289 = tpu.memref_squeeze %dma_wait3A_288 : memref<1x!tpu.dma_semaphore, #tpu.memory_space<semaphore_mem>> -> memref<!tpu.dma_semaphore, #tpu.memory_space<semaphore_mem>>
      tpu.wait_indirect_dma semaphore(%dma_wait3A_289 : memref<!tpu.dma_semaphore, #tpu.memory_space<semaphore_mem>>) src(%dma_wait3A_287 : memref<10240x32xf32, #tpu.memory_space<vmem_shared>>) dst(%dma_wait3A_281 : memref<125x32xf32, #tpu.memory_space<vmem>>)
      %dma_start3A_290 = arith.constant 2 : i32
      %dma_start3A_291 = arith.constant 2 : i32
      %dma_start3A_292 = arith.constant 0 : i32
      %dma_start3A_293 = arith.constant 0 : i32
      %dma_start3A_294 = tpu.memref_slice %arg9[%dma_start3A_290, %dma_start3A_292, %dma_start3A_293] : memref<8x125x32xf32, #tpu.memory_space<vmem>> -> memref<1x125x32xf32, #tpu.memory_space<vmem>>
      %dma_start3A_295 = tpu.memref_squeeze %dma_start3A_294 : memref<1x125x32xf32, #tpu.memory_space<vmem>> -> memref<125x32xf32, #tpu.memory_space<vmem>>
      %dma_start3A_296 = arith.constant 0 : i32
      %dma_start3A_297 = tpu.memref_slice %arg8[%add3A_274, %dma_start3A_296] : memref<80x125xi32, #tpu.memory_space<vmem>> -> memref<1x125xi32, #tpu.memory_space<vmem>>
      %dma_start3A_298 = tpu.memref_squeeze %dma_start3A_297 : memref<1x125xi32, #tpu.memory_space<vmem>> -> memref<125xi32, #tpu.memory_space<vmem>>
      %dma_start3A_299 = arith.constant 0 : i32
      %dma_start3A_300 = arith.constant 0 : i32
      %dma_start3A_301 = tpu.memref_slice %arg10[%dma_start3A_299, %dma_start3A_300] : memref<10240x32xf32, #tpu.memory_space<vmem_shared>> -> memref<10240x32xf32, #tpu.memory_space<vmem_shared>>
      %dma_start3A_302 = tpu.memref_slice %arg13[%dma_start3A_291] : memref<8x!tpu.dma_semaphore, #tpu.memory_space<semaphore_mem>> -> memref<1x!tpu.dma_semaphore, #tpu.memory_space<semaphore_mem>>
      %dma_start3A_303 = tpu.memref_squeeze %dma_start3A_302 : memref<1x!tpu.dma_semaphore, #tpu.memory_space<semaphore_mem>> -> memref<!tpu.dma_semaphore, #tpu.memory_space<semaphore_mem>>
      tpu.enqueue_indirect_dma source(%dma_start3A_295 : memref<125x32xf32, #tpu.memory_space<vmem>>) target(%dma_start3A_301 : memref<10240x32xf32, #tpu.memory_space<vmem_shared>>) offsets(%dma_start3A_298 : memref<125xi32, #tpu.memory_space<vmem>>) semaphore(%dma_start3A_303 : memref<!tpu.dma_semaphore, #tpu.memory_space<semaphore_mem>>) {add = true}
      %add3A_304 = arith.constant 4 : i32
      %add3A_305 = arith.addi %add3A_274, %add3A_304 : i32
      %lt3A_306 = arith.constant 80 : i32
      %lt3A_307 = arith.cmpi slt, %add3A_305, %lt3A_306 : i32
      %convert_element_type3A_308 = arith.extui %lt3A_307 : i1 to i32
      %cond3A_309 = arith.constant 0 : i32
      %cond3A_310 = arith.cmpi ne, %convert_element_type3A_308, %cond3A_309 : i32
      scf.if %cond3A_310 {
        %ge3A = arith.constant 4 : i32
        %ge3A_501 = arith.cmpi sge, %add3A_274, %ge3A : i32
        %convert_element_type3A_502 = arith.extui %ge3A_501 : i1 to i32
        %cond3A_503 = arith.constant 0 : i32
        %cond3A_504 = arith.cmpi ne, %convert_element_type3A_502, %cond3A_503 : i32
        scf.if %cond3A_504 {
          %dma_wait3A_519 = arith.constant 6 : i32
          %dma_wait3A_520 = arith.constant 0 : i32
          %dma_wait3A_521 = arith.constant 6 : i32
          %dma_wait3A_522 = arith.constant 0 : i32
          %dma_wait3A_523 = arith.constant 0 : i32
          %dma_wait3A_524 = tpu.memref_slice %arg9[%dma_wait3A_519, %dma_wait3A_522, %dma_wait3A_523] : memref<8x125x32xf32, #tpu.memory_space<vmem>> -> memref<1x125x32xf32, #tpu.memory_space<vmem>>
          %dma_wait3A_525 = tpu.memref_squeeze %dma_wait3A_524 : memref<1x125x32xf32, #tpu.memory_space<vmem>> -> memref<125x32xf32, #tpu.memory_space<vmem>>
          %dma_wait3A_526 = arith.constant 0 : i32
          %dma_wait3A_527 = tpu.memref_slice %arg8[%dma_wait3A_520, %dma_wait3A_526] : memref<80x125xi32, #tpu.memory_space<vmem>> -> memref<1x125xi32, #tpu.memory_space<vmem>>
          %dma_wait3A_528 = tpu.memref_squeeze %dma_wait3A_527 : memref<1x125xi32, #tpu.memory_space<vmem>> -> memref<125xi32, #tpu.memory_space<vmem>>
          %dma_wait3A_529 = arith.constant 0 : i32
          %dma_wait3A_530 = arith.constant 0 : i32
          %dma_wait3A_531 = tpu.memref_slice %arg10[%dma_wait3A_529, %dma_wait3A_530] : memref<10240x32xf32, #tpu.memory_space<vmem_shared>> -> memref<10240x32xf32, #tpu.memory_space<vmem_shared>>
          %dma_wait3A_532 = tpu.memref_slice %arg13[%dma_wait3A_521] : memref<8x!tpu.dma_semaphore, #tpu.memory_space<semaphore_mem>> -> memref<1x!tpu.dma_semaphore, #tpu.memory_space<semaphore_mem>>
          %dma_wait3A_533 = tpu.memref_squeeze %dma_wait3A_532 : memref<1x!tpu.dma_semaphore, #tpu.memory_space<semaphore_mem>> -> memref<!tpu.dma_semaphore, #tpu.memory_space<semaphore_mem>>
          tpu.wait_indirect_dma semaphore(%dma_wait3A_533 : memref<!tpu.dma_semaphore, #tpu.memory_space<semaphore_mem>>) src(%dma_wait3A_525 : memref<125x32xf32, #tpu.memory_space<vmem>>) dst(%dma_wait3A_531 : memref<10240x32xf32, #tpu.memory_space<vmem_shared>>)
        } else {
        }
        %dma_start3A_505 = arith.constant 6 : i32
        %dma_start3A_506 = arith.constant 6 : i32
        %dma_start3A_507 = arith.constant 0 : i32
        %dma_start3A_508 = arith.constant 0 : i32
        %dma_start3A_509 = tpu.memref_slice %arg9[%dma_start3A_505, %dma_start3A_507, %dma_start3A_508] : memref<8x125x32xf32, #tpu.memory_space<vmem>> -> memref<1x125x32xf32, #tpu.memory_space<vmem>>
        %dma_start3A_510 = tpu.memref_squeeze %dma_start3A_509 : memref<1x125x32xf32, #tpu.memory_space<vmem>> -> memref<125x32xf32, #tpu.memory_space<vmem>>
        %dma_start3A_511 = arith.constant 0 : i32
        %dma_start3A_512 = tpu.memref_slice %arg7[%add3A_305, %dma_start3A_511] : memref<80x125xi32, #tpu.memory_space<vmem>> -> memref<1x125xi32, #tpu.memory_space<vmem>>
        %dma_start3A_513 = tpu.memref_squeeze %dma_start3A_512 : memref<1x125xi32, #tpu.memory_space<vmem>> -> memref<125xi32, #tpu.memory_space<vmem>>
        %dma_start3A_514 = arith.constant 0 : i32
        %dma_start3A_515 = arith.constant 0 : i32
        %dma_start3A_516 = tpu.memref_slice %arg11[%dma_start3A_514, %dma_start3A_515] : memref<10240x32xf32, #tpu.memory_space<vmem_shared>> -> memref<10240x32xf32, #tpu.memory_space<vmem_shared>>
        %dma_start3A_517 = tpu.memref_slice %arg12[%dma_start3A_506] : memref<8x!tpu.dma_semaphore, #tpu.memory_space<semaphore_mem>> -> memref<1x!tpu.dma_semaphore, #tpu.memory_space<semaphore_mem>>
        %dma_start3A_518 = tpu.memref_squeeze %dma_start3A_517 : memref<1x!tpu.dma_semaphore, #tpu.memory_space<semaphore_mem>> -> memref<!tpu.dma_semaphore, #tpu.memory_space<semaphore_mem>>
        tpu.enqueue_indirect_dma source(%dma_start3A_516 : memref<10240x32xf32, #tpu.memory_space<vmem_shared>>) target(%dma_start3A_510 : memref<125x32xf32, #tpu.memory_space<vmem>>) offsets(%dma_start3A_513 : memref<125xi32, #tpu.memory_space<vmem>>) semaphore(%dma_start3A_518 : memref<!tpu.dma_semaphore, #tpu.memory_space<semaphore_mem>>)
      } else {
      }
      %add3A_311 = arith.constant 3 : i32
      %add3A_312 = arith.addi %mul3A_197, %add3A_311 : i32
      %dma_wait3A_313 = arith.constant 0 : i32
      %dma_wait3A_314 = arith.constant 3 : i32
      %dma_wait3A_315 = arith.constant 3 : i32
      %dma_wait3A_316 = arith.constant 0 : i32
      %dma_wait3A_317 = arith.constant 0 : i32
      %dma_wait3A_318 = tpu.memref_slice %arg9[%dma_wait3A_314, %dma_wait3A_316, %dma_wait3A_317] : memref<8x125x32xf32, #tpu.memory_space<vmem>> -> memref<1x125x32xf32, #tpu.memory_space<vmem>>
      %dma_wait3A_319 = tpu.memref_squeeze %dma_wait3A_318 : memref<1x125x32xf32, #tpu.memory_space<vmem>> -> memref<125x32xf32, #tpu.memory_space<vmem>>
      %dma_wait3A_320 = arith.constant 0 : i32
      %dma_wait3A_321 = tpu.memref_slice %arg7[%dma_wait3A_313, %dma_wait3A_320] : memref<80x125xi32, #tpu.memory_space<vmem>> -> memref<1x125xi32, #tpu.memory_space<vmem>>
      %dma_wait3A_322 = tpu.memref_squeeze %dma_wait3A_321 : memref<1x125xi32, #tpu.memory_space<vmem>> -> memref<125xi32, #tpu.memory_space<vmem>>
      %dma_wait3A_323 = arith.constant 0 : i32
      %dma_wait3A_324 = arith.constant 0 : i32
      %dma_wait3A_325 = tpu.memref_slice %arg11[%dma_wait3A_323, %dma_wait3A_324] : memref<10240x32xf32, #tpu.memory_space<vmem_shared>> -> memref<10240x32xf32, #tpu.memory_space<vmem_shared>>
      %dma_wait3A_326 = tpu.memref_slice %arg12[%dma_wait3A_315] : memref<8x!tpu.dma_semaphore, #tpu.memory_space<semaphore_mem>> -> memref<1x!tpu.dma_semaphore, #tpu.memory_space<semaphore_mem>>
      %dma_wait3A_327 = tpu.memref_squeeze %dma_wait3A_326 : memref<1x!tpu.dma_semaphore, #tpu.memory_space<semaphore_mem>> -> memref<!tpu.dma_semaphore, #tpu.memory_space<semaphore_mem>>
      tpu.wait_indirect_dma semaphore(%dma_wait3A_327 : memref<!tpu.dma_semaphore, #tpu.memory_space<semaphore_mem>>) src(%dma_wait3A_325 : memref<10240x32xf32, #tpu.memory_space<vmem_shared>>) dst(%dma_wait3A_319 : memref<125x32xf32, #tpu.memory_space<vmem>>)
      %dma_start3A_328 = arith.constant 3 : i32
      %dma_start3A_329 = arith.constant 3 : i32
      %dma_start3A_330 = arith.constant 0 : i32
      %dma_start3A_331 = arith.constant 0 : i32
      %dma_start3A_332 = tpu.memref_slice %arg9[%dma_start3A_328, %dma_start3A_330, %dma_start3A_331] : memref<8x125x32xf32, #tpu.memory_space<vmem>> -> memref<1x125x32xf32, #tpu.memory_space<vmem>>
      %dma_start3A_333 = tpu.memref_squeeze %dma_start3A_332 : memref<1x125x32xf32, #tpu.memory_space<vmem>> -> memref<125x32xf32, #tpu.memory_space<vmem>>
      %dma_start3A_334 = arith.constant 0 : i32
      %dma_start3A_335 = tpu.memref_slice %arg8[%add3A_312, %dma_start3A_334] : memref<80x125xi32, #tpu.memory_space<vmem>> -> memref<1x125xi32, #tpu.memory_space<vmem>>
      %dma_start3A_336 = tpu.memref_squeeze %dma_start3A_335 : memref<1x125xi32, #tpu.memory_space<vmem>> -> memref<125xi32, #tpu.memory_space<vmem>>
      %dma_start3A_337 = arith.constant 0 : i32
      %dma_start3A_338 = arith.constant 0 : i32
      %dma_start3A_339 = tpu.memref_slice %arg10[%dma_start3A_337, %dma_start3A_338] : memref<10240x32xf32, #tpu.memory_space<vmem_shared>> -> memref<10240x32xf32, #tpu.memory_space<vmem_shared>>
      %dma_start3A_340 = tpu.memref_slice %arg13[%dma_start3A_329] : memref<8x!tpu.dma_semaphore, #tpu.memory_space<semaphore_mem>> -> memref<1x!tpu.dma_semaphore, #tpu.memory_space<semaphore_mem>>
      %dma_start3A_341 = tpu.memref_squeeze %dma_start3A_340 : memref<1x!tpu.dma_semaphore, #tpu.memory_space<semaphore_mem>> -> memref<!tpu.dma_semaphore, #tpu.memory_space<semaphore_mem>>
      tpu.enqueue_indirect_dma source(%dma_start3A_333 : memref<125x32xf32, #tpu.memory_space<vmem>>) target(%dma_start3A_339 : memref<10240x32xf32, #tpu.memory_space<vmem_shared>>) offsets(%dma_start3A_336 : memref<125xi32, #tpu.memory_space<vmem>>) semaphore(%dma_start3A_341 : memref<!tpu.dma_semaphore, #tpu.memory_space<semaphore_mem>>) {add = true}
      %add3A_342 = arith.constant 4 : i32
      %add3A_343 = arith.addi %add3A_312, %add3A_342 : i32
      %lt3A_344 = arith.constant 80 : i32
      %lt3A_345 = arith.cmpi slt, %add3A_343, %lt3A_344 : i32
      %convert_element_type3A_346 = arith.extui %lt3A_345 : i1 to i32
      %cond3A_347 = arith.constant 0 : i32
      %cond3A_348 = arith.cmpi ne, %convert_element_type3A_346, %cond3A_347 : i32
      scf.if %cond3A_348 {
        %ge3A = arith.constant 4 : i32
        %ge3A_501 = arith.cmpi sge, %add3A_312, %ge3A : i32
        %convert_element_type3A_502 = arith.extui %ge3A_501 : i1 to i32
        %cond3A_503 = arith.constant 0 : i32
        %cond3A_504 = arith.cmpi ne, %convert_element_type3A_502, %cond3A_503 : i32
        scf.if %cond3A_504 {
          %dma_wait3A_519 = arith.constant 7 : i32
          %dma_wait3A_520 = arith.constant 0 : i32
          %dma_wait3A_521 = arith.constant 7 : i32
          %dma_wait3A_522 = arith.constant 0 : i32
          %dma_wait3A_523 = arith.constant 0 : i32
          %dma_wait3A_524 = tpu.memref_slice %arg9[%dma_wait3A_519, %dma_wait3A_522, %dma_wait3A_523] : memref<8x125x32xf32, #tpu.memory_space<vmem>> -> memref<1x125x32xf32, #tpu.memory_space<vmem>>
          %dma_wait3A_525 = tpu.memref_squeeze %dma_wait3A_524 : memref<1x125x32xf32, #tpu.memory_space<vmem>> -> memref<125x32xf32, #tpu.memory_space<vmem>>
          %dma_wait3A_526 = arith.constant 0 : i32
          %dma_wait3A_527 = tpu.memref_slice %arg8[%dma_wait3A_520, %dma_wait3A_526] : memref<80x125xi32, #tpu.memory_space<vmem>> -> memref<1x125xi32, #tpu.memory_space<vmem>>
          %dma_wait3A_528 = tpu.memref_squeeze %dma_wait3A_527 : memref<1x125xi32, #tpu.memory_space<vmem>> -> memref<125xi32, #tpu.memory_space<vmem>>
          %dma_wait3A_529 = arith.constant 0 : i32
          %dma_wait3A_530 = arith.constant 0 : i32
          %dma_wait3A_531 = tpu.memref_slice %arg10[%dma_wait3A_529, %dma_wait3A_530] : memref<10240x32xf32, #tpu.memory_space<vmem_shared>> -> memref<10240x32xf32, #tpu.memory_space<vmem_shared>>
          %dma_wait3A_532 = tpu.memref_slice %arg13[%dma_wait3A_521] : memref<8x!tpu.dma_semaphore, #tpu.memory_space<semaphore_mem>> -> memref<1x!tpu.dma_semaphore, #tpu.memory_space<semaphore_mem>>
          %dma_wait3A_533 = tpu.memref_squeeze %dma_wait3A_532 : memref<1x!tpu.dma_semaphore, #tpu.memory_space<semaphore_mem>> -> memref<!tpu.dma_semaphore, #tpu.memory_space<semaphore_mem>>
          tpu.wait_indirect_dma semaphore(%dma_wait3A_533 : memref<!tpu.dma_semaphore, #tpu.memory_space<semaphore_mem>>) src(%dma_wait3A_525 : memref<125x32xf32, #tpu.memory_space<vmem>>) dst(%dma_wait3A_531 : memref<10240x32xf32, #tpu.memory_space<vmem_shared>>)
        } else {
        }
        %dma_start3A_505 = arith.constant 7 : i32
        %dma_start3A_506 = arith.constant 7 : i32
        %dma_start3A_507 = arith.constant 0 : i32
        %dma_start3A_508 = arith.constant 0 : i32
        %dma_start3A_509 = tpu.memref_slice %arg9[%dma_start3A_505, %dma_start3A_507, %dma_start3A_508] : memref<8x125x32xf32, #tpu.memory_space<vmem>> -> memref<1x125x32xf32, #tpu.memory_space<vmem>>
        %dma_start3A_510 = tpu.memref_squeeze %dma_start3A_509 : memref<1x125x32xf32, #tpu.memory_space<vmem>> -> memref<125x32xf32, #tpu.memory_space<vmem>>
        %dma_start3A_511 = arith.constant 0 : i32
        %dma_start3A_512 = tpu.memref_slice %arg7[%add3A_343, %dma_start3A_511] : memref<80x125xi32, #tpu.memory_space<vmem>> -> memref<1x125xi32, #tpu.memory_space<vmem>>
        %dma_start3A_513 = tpu.memref_squeeze %dma_start3A_512 : memref<1x125xi32, #tpu.memory_space<vmem>> -> memref<125xi32, #tpu.memory_space<vmem>>
        %dma_start3A_514 = arith.constant 0 : i32
        %dma_start3A_515 = arith.constant 0 : i32
        %dma_start3A_516 = tpu.memref_slice %arg11[%dma_start3A_514, %dma_start3A_515] : memref<10240x32xf32, #tpu.memory_space<vmem_shared>> -> memref<10240x32xf32, #tpu.memory_space<vmem_shared>>
        %dma_start3A_517 = tpu.memref_slice %arg12[%dma_start3A_506] : memref<8x!tpu.dma_semaphore, #tpu.memory_space<semaphore_mem>> -> memref<1x!tpu.dma_semaphore, #tpu.memory_space<semaphore_mem>>
        %dma_start3A_518 = tpu.memref_squeeze %dma_start3A_517 : memref<1x!tpu.dma_semaphore, #tpu.memory_space<semaphore_mem>> -> memref<!tpu.dma_semaphore, #tpu.memory_space<semaphore_mem>>
        tpu.enqueue_indirect_dma source(%dma_start3A_516 : memref<10240x32xf32, #tpu.memory_space<vmem_shared>>) target(%dma_start3A_510 : memref<125x32xf32, #tpu.memory_space<vmem>>) offsets(%dma_start3A_513 : memref<125xi32, #tpu.memory_space<vmem>>) semaphore(%dma_start3A_518 : memref<!tpu.dma_semaphore, #tpu.memory_space<semaphore_mem>>)
      } else {
      }
      %add3A_349 = arith.constant 4 : i32
      %add3A_350 = arith.addi %mul3A_197, %add3A_349 : i32
      %dma_wait3A_351 = arith.constant 0 : i32
      %dma_wait3A_352 = arith.constant 4 : i32
      %dma_wait3A_353 = arith.constant 4 : i32
      %dma_wait3A_354 = arith.constant 0 : i32
      %dma_wait3A_355 = arith.constant 0 : i32
      %dma_wait3A_356 = tpu.memref_slice %arg9[%dma_wait3A_352, %dma_wait3A_354, %dma_wait3A_355] : memref<8x125x32xf32, #tpu.memory_space<vmem>> -> memref<1x125x32xf32, #tpu.memory_space<vmem>>
      %dma_wait3A_357 = tpu.memref_squeeze %dma_wait3A_356 : memref<1x125x32xf32, #tpu.memory_space<vmem>> -> memref<125x32xf32, #tpu.memory_space<vmem>>
      %dma_wait3A_358 = arith.constant 0 : i32
      %dma_wait3A_359 = tpu.memref_slice %arg7[%dma_wait3A_351, %dma_wait3A_358] : memref<80x125xi32, #tpu.memory_space<vmem>> -> memref<1x125xi32, #tpu.memory_space<vmem>>
      %dma_wait3A_360 = tpu.memref_squeeze %dma_wait3A_359 : memref<1x125xi32, #tpu.memory_space<vmem>> -> memref<125xi32, #tpu.memory_space<vmem>>
      %dma_wait3A_361 = arith.constant 0 : i32
      %dma_wait3A_362 = arith.constant 0 : i32
      %dma_wait3A_363 = tpu.memref_slice %arg11[%dma_wait3A_361, %dma_wait3A_362] : memref<10240x32xf32, #tpu.memory_space<vmem_shared>> -> memref<10240x32xf32, #tpu.memory_space<vmem_shared>>
      %dma_wait3A_364 = tpu.memref_slice %arg12[%dma_wait3A_353] : memref<8x!tpu.dma_semaphore, #tpu.memory_space<semaphore_mem>> -> memref<1x!tpu.dma_semaphore, #tpu.memory_space<semaphore_mem>>
      %dma_wait3A_365 = tpu.memref_squeeze %dma_wait3A_364 : memref<1x!tpu.dma_semaphore, #tpu.memory_space<semaphore_mem>> -> memref<!tpu.dma_semaphore, #tpu.memory_space<semaphore_mem>>
      tpu.wait_indirect_dma semaphore(%dma_wait3A_365 : memref<!tpu.dma_semaphore, #tpu.memory_space<semaphore_mem>>) src(%dma_wait3A_363 : memref<10240x32xf32, #tpu.memory_space<vmem_shared>>) dst(%dma_wait3A_357 : memref<125x32xf32, #tpu.memory_space<vmem>>)
      %dma_start3A_366 = arith.constant 4 : i32
      %dma_start3A_367 = arith.constant 4 : i32
      %dma_start3A_368 = arith.constant 0 : i32
      %dma_start3A_369 = arith.constant 0 : i32
      %dma_start3A_370 = tpu.memref_slice %arg9[%dma_start3A_366, %dma_start3A_368, %dma_start3A_369] : memref<8x125x32xf32, #tpu.memory_space<vmem>> -> memref<1x125x32xf32, #tpu.memory_space<vmem>>
      %dma_start3A_371 = tpu.memref_squeeze %dma_start3A_370 : memref<1x125x32xf32, #tpu.memory_space<vmem>> -> memref<125x32xf32, #tpu.memory_space<vmem>>
      %dma_start3A_372 = arith.constant 0 : i32
      %dma_start3A_373 = tpu.memref_slice %arg8[%add3A_350, %dma_start3A_372] : memref<80x125xi32, #tpu.memory_space<vmem>> -> memref<1x125xi32, #tpu.memory_space<vmem>>
      %dma_start3A_374 = tpu.memref_squeeze %dma_start3A_373 : memref<1x125xi32, #tpu.memory_space<vmem>> -> memref<125xi32, #tpu.memory_space<vmem>>
      %dma_start3A_375 = arith.constant 0 : i32
      %dma_start3A_376 = arith.constant 0 : i32
      %dma_start3A_377 = tpu.memref_slice %arg10[%dma_start3A_375, %dma_start3A_376] : memref<10240x32xf32, #tpu.memory_space<vmem_shared>> -> memref<10240x32xf32, #tpu.memory_space<vmem_shared>>
      %dma_start3A_378 = tpu.memref_slice %arg13[%dma_start3A_367] : memref<8x!tpu.dma_semaphore, #tpu.memory_space<semaphore_mem>> -> memref<1x!tpu.dma_semaphore, #tpu.memory_space<semaphore_mem>>
      %dma_start3A_379 = tpu.memref_squeeze %dma_start3A_378 : memref<1x!tpu.dma_semaphore, #tpu.memory_space<semaphore_mem>> -> memref<!tpu.dma_semaphore, #tpu.memory_space<semaphore_mem>>
      tpu.enqueue_indirect_dma source(%dma_start3A_371 : memref<125x32xf32, #tpu.memory_space<vmem>>) target(%dma_start3A_377 : memref<10240x32xf32, #tpu.memory_space<vmem_shared>>) offsets(%dma_start3A_374 : memref<125xi32, #tpu.memory_space<vmem>>) semaphore(%dma_start3A_379 : memref<!tpu.dma_semaphore, #tpu.memory_space<semaphore_mem>>) {add = true}
      %add3A_380 = arith.constant 4 : i32
      %add3A_381 = arith.addi %add3A_350, %add3A_380 : i32
      %lt3A_382 = arith.constant 80 : i32
      %lt3A_383 = arith.cmpi slt, %add3A_381, %lt3A_382 : i32
      %convert_element_type3A_384 = arith.extui %lt3A_383 : i1 to i32
      %cond3A_385 = arith.constant 0 : i32
      %cond3A_386 = arith.cmpi ne, %convert_element_type3A_384, %cond3A_385 : i32
      scf.if %cond3A_386 {
        %ge3A = arith.constant 4 : i32
        %ge3A_501 = arith.cmpi sge, %add3A_350, %ge3A : i32
        %convert_element_type3A_502 = arith.extui %ge3A_501 : i1 to i32
        %cond3A_503 = arith.constant 0 : i32
        %cond3A_504 = arith.cmpi ne, %convert_element_type3A_502, %cond3A_503 : i32
        scf.if %cond3A_504 {
          %dma_wait3A_519 = arith.constant 0 : i32
          %dma_wait3A_520 = arith.constant 0 : i32
          %dma_wait3A_521 = arith.constant 0 : i32
          %dma_wait3A_522 = arith.constant 0 : i32
          %dma_wait3A_523 = arith.constant 0 : i32
          %dma_wait3A_524 = tpu.memref_slice %arg9[%dma_wait3A_519, %dma_wait3A_522, %dma_wait3A_523] : memref<8x125x32xf32, #tpu.memory_space<vmem>> -> memref<1x125x32xf32, #tpu.memory_space<vmem>>
          %dma_wait3A_525 = tpu.memref_squeeze %dma_wait3A_524 : memref<1x125x32xf32, #tpu.memory_space<vmem>> -> memref<125x32xf32, #tpu.memory_space<vmem>>
          %dma_wait3A_526 = arith.constant 0 : i32
          %dma_wait3A_527 = tpu.memref_slice %arg8[%dma_wait3A_520, %dma_wait3A_526] : memref<80x125xi32, #tpu.memory_space<vmem>> -> memref<1x125xi32, #tpu.memory_space<vmem>>
          %dma_wait3A_528 = tpu.memref_squeeze %dma_wait3A_527 : memref<1x125xi32, #tpu.memory_space<vmem>> -> memref<125xi32, #tpu.memory_space<vmem>>
          %dma_wait3A_529 = arith.constant 0 : i32
          %dma_wait3A_530 = arith.constant 0 : i32
          %dma_wait3A_531 = tpu.memref_slice %arg10[%dma_wait3A_529, %dma_wait3A_530] : memref<10240x32xf32, #tpu.memory_space<vmem_shared>> -> memref<10240x32xf32, #tpu.memory_space<vmem_shared>>
          %dma_wait3A_532 = tpu.memref_slice %arg13[%dma_wait3A_521] : memref<8x!tpu.dma_semaphore, #tpu.memory_space<semaphore_mem>> -> memref<1x!tpu.dma_semaphore, #tpu.memory_space<semaphore_mem>>
          %dma_wait3A_533 = tpu.memref_squeeze %dma_wait3A_532 : memref<1x!tpu.dma_semaphore, #tpu.memory_space<semaphore_mem>> -> memref<!tpu.dma_semaphore, #tpu.memory_space<semaphore_mem>>
          tpu.wait_indirect_dma semaphore(%dma_wait3A_533 : memref<!tpu.dma_semaphore, #tpu.memory_space<semaphore_mem>>) src(%dma_wait3A_525 : memref<125x32xf32, #tpu.memory_space<vmem>>) dst(%dma_wait3A_531 : memref<10240x32xf32, #tpu.memory_space<vmem_shared>>)
        } else {
        }
        %dma_start3A_505 = arith.constant 0 : i32
        %dma_start3A_506 = arith.constant 0 : i32
        %dma_start3A_507 = arith.constant 0 : i32
        %dma_start3A_508 = arith.constant 0 : i32
        %dma_start3A_509 = tpu.memref_slice %arg9[%dma_start3A_505, %dma_start3A_507, %dma_start3A_508] : memref<8x125x32xf32, #tpu.memory_space<vmem>> -> memref<1x125x32xf32, #tpu.memory_space<vmem>>
        %dma_start3A_510 = tpu.memref_squeeze %dma_start3A_509 : memref<1x125x32xf32, #tpu.memory_space<vmem>> -> memref<125x32xf32, #tpu.memory_space<vmem>>
        %dma_start3A_511 = arith.constant 0 : i32
        %dma_start3A_512 = tpu.memref_slice %arg7[%add3A_381, %dma_start3A_511] : memref<80x125xi32, #tpu.memory_space<vmem>> -> memref<1x125xi32, #tpu.memory_space<vmem>>
        %dma_start3A_513 = tpu.memref_squeeze %dma_start3A_512 : memref<1x125xi32, #tpu.memory_space<vmem>> -> memref<125xi32, #tpu.memory_space<vmem>>
        %dma_start3A_514 = arith.constant 0 : i32
        %dma_start3A_515 = arith.constant 0 : i32
        %dma_start3A_516 = tpu.memref_slice %arg11[%dma_start3A_514, %dma_start3A_515] : memref<10240x32xf32, #tpu.memory_space<vmem_shared>> -> memref<10240x32xf32, #tpu.memory_space<vmem_shared>>
        %dma_start3A_517 = tpu.memref_slice %arg12[%dma_start3A_506] : memref<8x!tpu.dma_semaphore, #tpu.memory_space<semaphore_mem>> -> memref<1x!tpu.dma_semaphore, #tpu.memory_space<semaphore_mem>>
        %dma_start3A_518 = tpu.memref_squeeze %dma_start3A_517 : memref<1x!tpu.dma_semaphore, #tpu.memory_space<semaphore_mem>> -> memref<!tpu.dma_semaphore, #tpu.memory_space<semaphore_mem>>
        tpu.enqueue_indirect_dma source(%dma_start3A_516 : memref<10240x32xf32, #tpu.memory_space<vmem_shared>>) target(%dma_start3A_510 : memref<125x32xf32, #tpu.memory_space<vmem>>) offsets(%dma_start3A_513 : memref<125xi32, #tpu.memory_space<vmem>>) semaphore(%dma_start3A_518 : memref<!tpu.dma_semaphore, #tpu.memory_space<semaphore_mem>>)
      } else {
      }
      %add3A_387 = arith.constant 5 : i32
      %add3A_388 = arith.addi %mul3A_197, %add3A_387 : i32
      %dma_wait3A_389 = arith.constant 0 : i32
      %dma_wait3A_390 = arith.constant 5 : i32
      %dma_wait3A_391 = arith.constant 5 : i32
      %dma_wait3A_392 = arith.constant 0 : i32
      %dma_wait3A_393 = arith.constant 0 : i32
      %dma_wait3A_394 = tpu.memref_slice %arg9[%dma_wait3A_390, %dma_wait3A_392, %dma_wait3A_393] : memref<8x125x32xf32, #tpu.memory_space<vmem>> -> memref<1x125x32xf32, #tpu.memory_space<vmem>>
      %dma_wait3A_395 = tpu.memref_squeeze %dma_wait3A_394 : memref<1x125x32xf32, #tpu.memory_space<vmem>> -> memref<125x32xf32, #tpu.memory_space<vmem>>
      %dma_wait3A_396 = arith.constant 0 : i32
      %dma_wait3A_397 = tpu.memref_slice %arg7[%dma_wait3A_389, %dma_wait3A_396] : memref<80x125xi32, #tpu.memory_space<vmem>> -> memref<1x125xi32, #tpu.memory_space<vmem>>
      %dma_wait3A_398 = tpu.memref_squeeze %dma_wait3A_397 : memref<1x125xi32, #tpu.memory_space<vmem>> -> memref<125xi32, #tpu.memory_space<vmem>>
      %dma_wait3A_399 = arith.constant 0 : i32
      %dma_wait3A_400 = arith.constant 0 : i32
      %dma_wait3A_401 = tpu.memref_slice %arg11[%dma_wait3A_399, %dma_wait3A_400] : memref<10240x32xf32, #tpu.memory_space<vmem_shared>> -> memref<10240x32xf32, #tpu.memory_space<vmem_shared>>
      %dma_wait3A_402 = tpu.memref_slice %arg12[%dma_wait3A_391] : memref<8x!tpu.dma_semaphore, #tpu.memory_space<semaphore_mem>> -> memref<1x!tpu.dma_semaphore, #tpu.memory_space<semaphore_mem>>
      %dma_wait3A_403 = tpu.memref_squeeze %dma_wait3A_402 : memref<1x!tpu.dma_semaphore, #tpu.memory_space<semaphore_mem>> -> memref<!tpu.dma_semaphore, #tpu.memory_space<semaphore_mem>>
      tpu.wait_indirect_dma semaphore(%dma_wait3A_403 : memref<!tpu.dma_semaphore, #tpu.memory_space<semaphore_mem>>) src(%dma_wait3A_401 : memref<10240x32xf32, #tpu.memory_space<vmem_shared>>) dst(%dma_wait3A_395 : memref<125x32xf32, #tpu.memory_space<vmem>>)
      %dma_start3A_404 = arith.constant 5 : i32
      %dma_start3A_405 = arith.constant 5 : i32
      %dma_start3A_406 = arith.constant 0 : i32
      %dma_start3A_407 = arith.constant 0 : i32
      %dma_start3A_408 = tpu.memref_slice %arg9[%dma_start3A_404, %dma_start3A_406, %dma_start3A_407] : memref<8x125x32xf32, #tpu.memory_space<vmem>> -> memref<1x125x32xf32, #tpu.memory_space<vmem>>
      %dma_start3A_409 = tpu.memref_squeeze %dma_start3A_408 : memref<1x125x32xf32, #tpu.memory_space<vmem>> -> memref<125x32xf32, #tpu.memory_space<vmem>>
      %dma_start3A_410 = arith.constant 0 : i32
      %dma_start3A_411 = tpu.memref_slice %arg8[%add3A_388, %dma_start3A_410] : memref<80x125xi32, #tpu.memory_space<vmem>> -> memref<1x125xi32, #tpu.memory_space<vmem>>
      %dma_start3A_412 = tpu.memref_squeeze %dma_start3A_411 : memref<1x125xi32, #tpu.memory_space<vmem>> -> memref<125xi32, #tpu.memory_space<vmem>>
      %dma_start3A_413 = arith.constant 0 : i32
      %dma_start3A_414 = arith.constant 0 : i32
      %dma_start3A_415 = tpu.memref_slice %arg10[%dma_start3A_413, %dma_start3A_414] : memref<10240x32xf32, #tpu.memory_space<vmem_shared>> -> memref<10240x32xf32, #tpu.memory_space<vmem_shared>>
      %dma_start3A_416 = tpu.memref_slice %arg13[%dma_start3A_405] : memref<8x!tpu.dma_semaphore, #tpu.memory_space<semaphore_mem>> -> memref<1x!tpu.dma_semaphore, #tpu.memory_space<semaphore_mem>>
      %dma_start3A_417 = tpu.memref_squeeze %dma_start3A_416 : memref<1x!tpu.dma_semaphore, #tpu.memory_space<semaphore_mem>> -> memref<!tpu.dma_semaphore, #tpu.memory_space<semaphore_mem>>
      tpu.enqueue_indirect_dma source(%dma_start3A_409 : memref<125x32xf32, #tpu.memory_space<vmem>>) target(%dma_start3A_415 : memref<10240x32xf32, #tpu.memory_space<vmem_shared>>) offsets(%dma_start3A_412 : memref<125xi32, #tpu.memory_space<vmem>>) semaphore(%dma_start3A_417 : memref<!tpu.dma_semaphore, #tpu.memory_space<semaphore_mem>>) {add = true}
      %add3A_418 = arith.constant 4 : i32
      %add3A_419 = arith.addi %add3A_388, %add3A_418 : i32
      %lt3A_420 = arith.constant 80 : i32
      %lt3A_421 = arith.cmpi slt, %add3A_419, %lt3A_420 : i32
      %convert_element_type3A_422 = arith.extui %lt3A_421 : i1 to i32
      %cond3A_423 = arith.constant 0 : i32
      %cond3A_424 = arith.cmpi ne, %convert_element_type3A_422, %cond3A_423 : i32
      scf.if %cond3A_424 {
        %ge3A = arith.constant 4 : i32
        %ge3A_501 = arith.cmpi sge, %add3A_388, %ge3A : i32
        %convert_element_type3A_502 = arith.extui %ge3A_501 : i1 to i32
        %cond3A_503 = arith.constant 0 : i32
        %cond3A_504 = arith.cmpi ne, %convert_element_type3A_502, %cond3A_503 : i32
        scf.if %cond3A_504 {
          %dma_wait3A_519 = arith.constant 1 : i32
          %dma_wait3A_520 = arith.constant 0 : i32
          %dma_wait3A_521 = arith.constant 1 : i32
          %dma_wait3A_522 = arith.constant 0 : i32
          %dma_wait3A_523 = arith.constant 0 : i32
          %dma_wait3A_524 = tpu.memref_slice %arg9[%dma_wait3A_519, %dma_wait3A_522, %dma_wait3A_523] : memref<8x125x32xf32, #tpu.memory_space<vmem>> -> memref<1x125x32xf32, #tpu.memory_space<vmem>>
          %dma_wait3A_525 = tpu.memref_squeeze %dma_wait3A_524 : memref<1x125x32xf32, #tpu.memory_space<vmem>> -> memref<125x32xf32, #tpu.memory_space<vmem>>
          %dma_wait3A_526 = arith.constant 0 : i32
          %dma_wait3A_527 = tpu.memref_slice %arg8[%dma_wait3A_520, %dma_wait3A_526] : memref<80x125xi32, #tpu.memory_space<vmem>> -> memref<1x125xi32, #tpu.memory_space<vmem>>
          %dma_wait3A_528 = tpu.memref_squeeze %dma_wait3A_527 : memref<1x125xi32, #tpu.memory_space<vmem>> -> memref<125xi32, #tpu.memory_space<vmem>>
          %dma_wait3A_529 = arith.constant 0 : i32
          %dma_wait3A_530 = arith.constant 0 : i32
          %dma_wait3A_531 = tpu.memref_slice %arg10[%dma_wait3A_529, %dma_wait3A_530] : memref<10240x32xf32, #tpu.memory_space<vmem_shared>> -> memref<10240x32xf32, #tpu.memory_space<vmem_shared>>
          %dma_wait3A_532 = tpu.memref_slice %arg13[%dma_wait3A_521] : memref<8x!tpu.dma_semaphore, #tpu.memory_space<semaphore_mem>> -> memref<1x!tpu.dma_semaphore, #tpu.memory_space<semaphore_mem>>
          %dma_wait3A_533 = tpu.memref_squeeze %dma_wait3A_532 : memref<1x!tpu.dma_semaphore, #tpu.memory_space<semaphore_mem>> -> memref<!tpu.dma_semaphore, #tpu.memory_space<semaphore_mem>>
          tpu.wait_indirect_dma semaphore(%dma_wait3A_533 : memref<!tpu.dma_semaphore, #tpu.memory_space<semaphore_mem>>) src(%dma_wait3A_525 : memref<125x32xf32, #tpu.memory_space<vmem>>) dst(%dma_wait3A_531 : memref<10240x32xf32, #tpu.memory_space<vmem_shared>>)
        } else {
        }
        %dma_start3A_505 = arith.constant 1 : i32
        %dma_start3A_506 = arith.constant 1 : i32
        %dma_start3A_507 = arith.constant 0 : i32
        %dma_start3A_508 = arith.constant 0 : i32
        %dma_start3A_509 = tpu.memref_slice %arg9[%dma_start3A_505, %dma_start3A_507, %dma_start3A_508] : memref<8x125x32xf32, #tpu.memory_space<vmem>> -> memref<1x125x32xf32, #tpu.memory_space<vmem>>
        %dma_start3A_510 = tpu.memref_squeeze %dma_start3A_509 : memref<1x125x32xf32, #tpu.memory_space<vmem>> -> memref<125x32xf32, #tpu.memory_space<vmem>>
        %dma_start3A_511 = arith.constant 0 : i32
        %dma_start3A_512 = tpu.memref_slice %arg7[%add3A_419, %dma_start3A_511] : memref<80x125xi32, #tpu.memory_space<vmem>> -> memref<1x125xi32, #tpu.memory_space<vmem>>
        %dma_start3A_513 = tpu.memref_squeeze %dma_start3A_512 : memref<1x125xi32, #tpu.memory_space<vmem>> -> memref<125xi32, #tpu.memory_space<vmem>>
        %dma_start3A_514 = arith.constant 0 : i32
        %dma_start3A_515 = arith.constant 0 : i32
        %dma_start3A_516 = tpu.memref_slice %arg11[%dma_start3A_514, %dma_start3A_515] : memref<10240x32xf32, #tpu.memory_space<vmem_shared>> -> memref<10240x32xf32, #tpu.memory_space<vmem_shared>>
        %dma_start3A_517 = tpu.memref_slice %arg12[%dma_start3A_506] : memref<8x!tpu.dma_semaphore, #tpu.memory_space<semaphore_mem>> -> memref<1x!tpu.dma_semaphore, #tpu.memory_space<semaphore_mem>>
        %dma_start3A_518 = tpu.memref_squeeze %dma_start3A_517 : memref<1x!tpu.dma_semaphore, #tpu.memory_space<semaphore_mem>> -> memref<!tpu.dma_semaphore, #tpu.memory_space<semaphore_mem>>
        tpu.enqueue_indirect_dma source(%dma_start3A_516 : memref<10240x32xf32, #tpu.memory_space<vmem_shared>>) target(%dma_start3A_510 : memref<125x32xf32, #tpu.memory_space<vmem>>) offsets(%dma_start3A_513 : memref<125xi32, #tpu.memory_space<vmem>>) semaphore(%dma_start3A_518 : memref<!tpu.dma_semaphore, #tpu.memory_space<semaphore_mem>>)
      } else {
      }
      %add3A_425 = arith.constant 6 : i32
      %add3A_426 = arith.addi %mul3A_197, %add3A_425 : i32
      %dma_wait3A_427 = arith.constant 0 : i32
      %dma_wait3A_428 = arith.constant 6 : i32
      %dma_wait3A_429 = arith.constant 6 : i32
      %dma_wait3A_430 = arith.constant 0 : i32
      %dma_wait3A_431 = arith.constant 0 : i32
      %dma_wait3A_432 = tpu.memref_slice %arg9[%dma_wait3A_428, %dma_wait3A_430, %dma_wait3A_431] : memref<8x125x32xf32, #tpu.memory_space<vmem>> -> memref<1x125x32xf32, #tpu.memory_space<vmem>>
      %dma_wait3A_433 = tpu.memref_squeeze %dma_wait3A_432 : memref<1x125x32xf32, #tpu.memory_space<vmem>> -> memref<125x32xf32, #tpu.memory_space<vmem>>
      %dma_wait3A_434 = arith.constant 0 : i32
      %dma_wait3A_435 = tpu.memref_slice %arg7[%dma_wait3A_427, %dma_wait3A_434] : memref<80x125xi32, #tpu.memory_space<vmem>> -> memref<1x125xi32, #tpu.memory_space<vmem>>
      %dma_wait3A_436 = tpu.memref_squeeze %dma_wait3A_435 : memref<1x125xi32, #tpu.memory_space<vmem>> -> memref<125xi32, #tpu.memory_space<vmem>>
      %dma_wait3A_437 = arith.constant 0 : i32
      %dma_wait3A_438 = arith.constant 0 : i32
      %dma_wait3A_439 = tpu.memref_slice %arg11[%dma_wait3A_437, %dma_wait3A_438] : memref<10240x32xf32, #tpu.memory_space<vmem_shared>> -> memref<10240x32xf32, #tpu.memory_space<vmem_shared>>
      %dma_wait3A_440 = tpu.memref_slice %arg12[%dma_wait3A_429] : memref<8x!tpu.dma_semaphore, #tpu.memory_space<semaphore_mem>> -> memref<1x!tpu.dma_semaphore, #tpu.memory_space<semaphore_mem>>
      %dma_wait3A_441 = tpu.memref_squeeze %dma_wait3A_440 : memref<1x!tpu.dma_semaphore, #tpu.memory_space<semaphore_mem>> -> memref<!tpu.dma_semaphore, #tpu.memory_space<semaphore_mem>>
      tpu.wait_indirect_dma semaphore(%dma_wait3A_441 : memref<!tpu.dma_semaphore, #tpu.memory_space<semaphore_mem>>) src(%dma_wait3A_439 : memref<10240x32xf32, #tpu.memory_space<vmem_shared>>) dst(%dma_wait3A_433 : memref<125x32xf32, #tpu.memory_space<vmem>>)
      %dma_start3A_442 = arith.constant 6 : i32
      %dma_start3A_443 = arith.constant 6 : i32
      %dma_start3A_444 = arith.constant 0 : i32
      %dma_start3A_445 = arith.constant 0 : i32
      %dma_start3A_446 = tpu.memref_slice %arg9[%dma_start3A_442, %dma_start3A_444, %dma_start3A_445] : memref<8x125x32xf32, #tpu.memory_space<vmem>> -> memref<1x125x32xf32, #tpu.memory_space<vmem>>
      %dma_start3A_447 = tpu.memref_squeeze %dma_start3A_446 : memref<1x125x32xf32, #tpu.memory_space<vmem>> -> memref<125x32xf32, #tpu.memory_space<vmem>>
      %dma_start3A_448 = arith.constant 0 : i32
      %dma_start3A_449 = tpu.memref_slice %arg8[%add3A_426, %dma_start3A_448] : memref<80x125xi32, #tpu.memory_space<vmem>> -> memref<1x125xi32, #tpu.memory_space<vmem>>
      %dma_start3A_450 = tpu.memref_squeeze %dma_start3A_449 : memref<1x125xi32, #tpu.memory_space<vmem>> -> memref<125xi32, #tpu.memory_space<vmem>>
      %dma_start3A_451 = arith.constant 0 : i32
      %dma_start3A_452 = arith.constant 0 : i32
      %dma_start3A_453 = tpu.memref_slice %arg10[%dma_start3A_451, %dma_start3A_452] : memref<10240x32xf32, #tpu.memory_space<vmem_shared>> -> memref<10240x32xf32, #tpu.memory_space<vmem_shared>>
      %dma_start3A_454 = tpu.memref_slice %arg13[%dma_start3A_443] : memref<8x!tpu.dma_semaphore, #tpu.memory_space<semaphore_mem>> -> memref<1x!tpu.dma_semaphore, #tpu.memory_space<semaphore_mem>>
      %dma_start3A_455 = tpu.memref_squeeze %dma_start3A_454 : memref<1x!tpu.dma_semaphore, #tpu.memory_space<semaphore_mem>> -> memref<!tpu.dma_semaphore, #tpu.memory_space<semaphore_mem>>
      tpu.enqueue_indirect_dma source(%dma_start3A_447 : memref<125x32xf32, #tpu.memory_space<vmem>>) target(%dma_start3A_453 : memref<10240x32xf32, #tpu.memory_space<vmem_shared>>) offsets(%dma_start3A_450 : memref<125xi32, #tpu.memory_space<vmem>>) semaphore(%dma_start3A_455 : memref<!tpu.dma_semaphore, #tpu.memory_space<semaphore_mem>>) {add = true}
      %add3A_456 = arith.constant 4 : i32
      %add3A_457 = arith.addi %add3A_426, %add3A_456 : i32
      %lt3A_458 = arith.constant 80 : i32
      %lt3A_459 = arith.cmpi slt, %add3A_457, %lt3A_458 : i32
      %convert_element_type3A_460 = arith.extui %lt3A_459 : i1 to i32
      %cond3A_461 = arith.constant 0 : i32
      %cond3A_462 = arith.cmpi ne, %convert_element_type3A_460, %cond3A_461 : i32
      scf.if %cond3A_462 {
        %ge3A = arith.constant 4 : i32
        %ge3A_501 = arith.cmpi sge, %add3A_426, %ge3A : i32
        %convert_element_type3A_502 = arith.extui %ge3A_501 : i1 to i32
        %cond3A_503 = arith.constant 0 : i32
        %cond3A_504 = arith.cmpi ne, %convert_element_type3A_502, %cond3A_503 : i32
        scf.if %cond3A_504 {
          %dma_wait3A_519 = arith.constant 2 : i32
          %dma_wait3A_520 = arith.constant 0 : i32
          %dma_wait3A_521 = arith.constant 2 : i32
          %dma_wait3A_522 = arith.constant 0 : i32
          %dma_wait3A_523 = arith.constant 0 : i32
          %dma_wait3A_524 = tpu.memref_slice %arg9[%dma_wait3A_519, %dma_wait3A_522, %dma_wait3A_523] : memref<8x125x32xf32, #tpu.memory_space<vmem>> -> memref<1x125x32xf32, #tpu.memory_space<vmem>>
          %dma_wait3A_525 = tpu.memref_squeeze %dma_wait3A_524 : memref<1x125x32xf32, #tpu.memory_space<vmem>> -> memref<125x32xf32, #tpu.memory_space<vmem>>
          %dma_wait3A_526 = arith.constant 0 : i32
          %dma_wait3A_527 = tpu.memref_slice %arg8[%dma_wait3A_520, %dma_wait3A_526] : memref<80x125xi32, #tpu.memory_space<vmem>> -> memref<1x125xi32, #tpu.memory_space<vmem>>
          %dma_wait3A_528 = tpu.memref_squeeze %dma_wait3A_527 : memref<1x125xi32, #tpu.memory_space<vmem>> -> memref<125xi32, #tpu.memory_space<vmem>>
          %dma_wait3A_529 = arith.constant 0 : i32
          %dma_wait3A_530 = arith.constant 0 : i32
          %dma_wait3A_531 = tpu.memref_slice %arg10[%dma_wait3A_529, %dma_wait3A_530] : memref<10240x32xf32, #tpu.memory_space<vmem_shared>> -> memref<10240x32xf32, #tpu.memory_space<vmem_shared>>
          %dma_wait3A_532 = tpu.memref_slice %arg13[%dma_wait3A_521] : memref<8x!tpu.dma_semaphore, #tpu.memory_space<semaphore_mem>> -> memref<1x!tpu.dma_semaphore, #tpu.memory_space<semaphore_mem>>
          %dma_wait3A_533 = tpu.memref_squeeze %dma_wait3A_532 : memref<1x!tpu.dma_semaphore, #tpu.memory_space<semaphore_mem>> -> memref<!tpu.dma_semaphore, #tpu.memory_space<semaphore_mem>>
          tpu.wait_indirect_dma semaphore(%dma_wait3A_533 : memref<!tpu.dma_semaphore, #tpu.memory_space<semaphore_mem>>) src(%dma_wait3A_525 : memref<125x32xf32, #tpu.memory_space<vmem>>) dst(%dma_wait3A_531 : memref<10240x32xf32, #tpu.memory_space<vmem_shared>>)
        } else {
        }
        %dma_start3A_505 = arith.constant 2 : i32
        %dma_start3A_506 = arith.constant 2 : i32
        %dma_start3A_507 = arith.constant 0 : i32
        %dma_start3A_508 = arith.constant 0 : i32
        %dma_start3A_509 = tpu.memref_slice %arg9[%dma_start3A_505, %dma_start3A_507, %dma_start3A_508] : memref<8x125x32xf32, #tpu.memory_space<vmem>> -> memref<1x125x32xf32, #tpu.memory_space<vmem>>
        %dma_start3A_510 = tpu.memref_squeeze %dma_start3A_509 : memref<1x125x32xf32, #tpu.memory_space<vmem>> -> memref<125x32xf32, #tpu.memory_space<vmem>>
        %dma_start3A_511 = arith.constant 0 : i32
        %dma_start3A_512 = tpu.memref_slice %arg7[%add3A_457, %dma_start3A_511] : memref<80x125xi32, #tpu.memory_space<vmem>> -> memref<1x125xi32, #tpu.memory_space<vmem>>
        %dma_start3A_513 = tpu.memref_squeeze %dma_start3A_512 : memref<1x125xi32, #tpu.memory_space<vmem>> -> memref<125xi32, #tpu.memory_space<vmem>>
        %dma_start3A_514 = arith.constant 0 : i32
        %dma_start3A_515 = arith.constant 0 : i32
        %dma_start3A_516 = tpu.memref_slice %arg11[%dma_start3A_514, %dma_start3A_515] : memref<10240x32xf32, #tpu.memory_space<vmem_shared>> -> memref<10240x32xf32, #tpu.memory_space<vmem_shared>>
        %dma_start3A_517 = tpu.memref_slice %arg12[%dma_start3A_506] : memref<8x!tpu.dma_semaphore, #tpu.memory_space<semaphore_mem>> -> memref<1x!tpu.dma_semaphore, #tpu.memory_space<semaphore_mem>>
        %dma_start3A_518 = tpu.memref_squeeze %dma_start3A_517 : memref<1x!tpu.dma_semaphore, #tpu.memory_space<semaphore_mem>> -> memref<!tpu.dma_semaphore, #tpu.memory_space<semaphore_mem>>
        tpu.enqueue_indirect_dma source(%dma_start3A_516 : memref<10240x32xf32, #tpu.memory_space<vmem_shared>>) target(%dma_start3A_510 : memref<125x32xf32, #tpu.memory_space<vmem>>) offsets(%dma_start3A_513 : memref<125xi32, #tpu.memory_space<vmem>>) semaphore(%dma_start3A_518 : memref<!tpu.dma_semaphore, #tpu.memory_space<semaphore_mem>>)
      } else {
      }
      %add3A_463 = arith.constant 7 : i32
      %add3A_464 = arith.addi %mul3A_197, %add3A_463 : i32
      %dma_wait3A_465 = arith.constant 0 : i32
      %dma_wait3A_466 = arith.constant 7 : i32
      %dma_wait3A_467 = arith.constant 7 : i32
      %dma_wait3A_468 = arith.constant 0 : i32
      %dma_wait3A_469 = arith.constant 0 : i32
      %dma_wait3A_470 = tpu.memref_slice %arg9[%dma_wait3A_466, %dma_wait3A_468, %dma_wait3A_469] : memref<8x125x32xf32, #tpu.memory_space<vmem>> -> memref<1x125x32xf32, #tpu.memory_space<vmem>>
      %dma_wait3A_471 = tpu.memref_squeeze %dma_wait3A_470 : memref<1x125x32xf32, #tpu.memory_space<vmem>> -> memref<125x32xf32, #tpu.memory_space<vmem>>
      %dma_wait3A_472 = arith.constant 0 : i32
      %dma_wait3A_473 = tpu.memref_slice %arg7[%dma_wait3A_465, %dma_wait3A_472] : memref<80x125xi32, #tpu.memory_space<vmem>> -> memref<1x125xi32, #tpu.memory_space<vmem>>
      %dma_wait3A_474 = tpu.memref_squeeze %dma_wait3A_473 : memref<1x125xi32, #tpu.memory_space<vmem>> -> memref<125xi32, #tpu.memory_space<vmem>>
      %dma_wait3A_475 = arith.constant 0 : i32
      %dma_wait3A_476 = arith.constant 0 : i32
      %dma_wait3A_477 = tpu.memref_slice %arg11[%dma_wait3A_475, %dma_wait3A_476] : memref<10240x32xf32, #tpu.memory_space<vmem_shared>> -> memref<10240x32xf32, #tpu.memory_space<vmem_shared>>
      %dma_wait3A_478 = tpu.memref_slice %arg12[%dma_wait3A_467] : memref<8x!tpu.dma_semaphore, #tpu.memory_space<semaphore_mem>> -> memref<1x!tpu.dma_semaphore, #tpu.memory_space<semaphore_mem>>
      %dma_wait3A_479 = tpu.memref_squeeze %dma_wait3A_478 : memref<1x!tpu.dma_semaphore, #tpu.memory_space<semaphore_mem>> -> memref<!tpu.dma_semaphore, #tpu.memory_space<semaphore_mem>>
      tpu.wait_indirect_dma semaphore(%dma_wait3A_479 : memref<!tpu.dma_semaphore, #tpu.memory_space<semaphore_mem>>) src(%dma_wait3A_477 : memref<10240x32xf32, #tpu.memory_space<vmem_shared>>) dst(%dma_wait3A_471 : memref<125x32xf32, #tpu.memory_space<vmem>>)
      %dma_start3A_480 = arith.constant 7 : i32
      %dma_start3A_481 = arith.constant 7 : i32
      %dma_start3A_482 = arith.constant 0 : i32
      %dma_start3A_483 = arith.constant 0 : i32
      %dma_start3A_484 = tpu.memref_slice %arg9[%dma_start3A_480, %dma_start3A_482, %dma_start3A_483] : memref<8x125x32xf32, #tpu.memory_space<vmem>> -> memref<1x125x32xf32, #tpu.memory_space<vmem>>
      %dma_start3A_485 = tpu.memref_squeeze %dma_start3A_484 : memref<1x125x32xf32, #tpu.memory_space<vmem>> -> memref<125x32xf32, #tpu.memory_space<vmem>>
      %dma_start3A_486 = arith.constant 0 : i32
      %dma_start3A_487 = tpu.memref_slice %arg8[%add3A_464, %dma_start3A_486] : memref<80x125xi32, #tpu.memory_space<vmem>> -> memref<1x125xi32, #tpu.memory_space<vmem>>
      %dma_start3A_488 = tpu.memref_squeeze %dma_start3A_487 : memref<1x125xi32, #tpu.memory_space<vmem>> -> memref<125xi32, #tpu.memory_space<vmem>>
      %dma_start3A_489 = arith.constant 0 : i32
      %dma_start3A_490 = arith.constant 0 : i32
      %dma_start3A_491 = tpu.memref_slice %arg10[%dma_start3A_489, %dma_start3A_490] : memref<10240x32xf32, #tpu.memory_space<vmem_shared>> -> memref<10240x32xf32, #tpu.memory_space<vmem_shared>>
      %dma_start3A_492 = tpu.memref_slice %arg13[%dma_start3A_481] : memref<8x!tpu.dma_semaphore, #tpu.memory_space<semaphore_mem>> -> memref<1x!tpu.dma_semaphore, #tpu.memory_space<semaphore_mem>>
      %dma_start3A_493 = tpu.memref_squeeze %dma_start3A_492 : memref<1x!tpu.dma_semaphore, #tpu.memory_space<semaphore_mem>> -> memref<!tpu.dma_semaphore, #tpu.memory_space<semaphore_mem>>
      tpu.enqueue_indirect_dma source(%dma_start3A_485 : memref<125x32xf32, #tpu.memory_space<vmem>>) target(%dma_start3A_491 : memref<10240x32xf32, #tpu.memory_space<vmem_shared>>) offsets(%dma_start3A_488 : memref<125xi32, #tpu.memory_space<vmem>>) semaphore(%dma_start3A_493 : memref<!tpu.dma_semaphore, #tpu.memory_space<semaphore_mem>>) {add = true}
      %add3A_494 = arith.constant 4 : i32
      %add3A_495 = arith.addi %add3A_464, %add3A_494 : i32
      %lt3A_496 = arith.constant 80 : i32
      %lt3A_497 = arith.cmpi slt, %add3A_495, %lt3A_496 : i32
      %convert_element_type3A_498 = arith.extui %lt3A_497 : i1 to i32
      %cond3A_499 = arith.constant 0 : i32
      %cond3A_500 = arith.cmpi ne, %convert_element_type3A_498, %cond3A_499 : i32
      scf.if %cond3A_500 {
        %ge3A = arith.constant 4 : i32
        %ge3A_501 = arith.cmpi sge, %add3A_464, %ge3A : i32
        %convert_element_type3A_502 = arith.extui %ge3A_501 : i1 to i32
        %cond3A_503 = arith.constant 0 : i32
        %cond3A_504 = arith.cmpi ne, %convert_element_type3A_502, %cond3A_503 : i32
        scf.if %cond3A_504 {
          %dma_wait3A_519 = arith.constant 3 : i32
          %dma_wait3A_520 = arith.constant 0 : i32
          %dma_wait3A_521 = arith.constant 3 : i32
          %dma_wait3A_522 = arith.constant 0 : i32
          %dma_wait3A_523 = arith.constant 0 : i32
          %dma_wait3A_524 = tpu.memref_slice %arg9[%dma_wait3A_519, %dma_wait3A_522, %dma_wait3A_523] : memref<8x125x32xf32, #tpu.memory_space<vmem>> -> memref<1x125x32xf32, #tpu.memory_space<vmem>>
          %dma_wait3A_525 = tpu.memref_squeeze %dma_wait3A_524 : memref<1x125x32xf32, #tpu.memory_space<vmem>> -> memref<125x32xf32, #tpu.memory_space<vmem>>
          %dma_wait3A_526 = arith.constant 0 : i32
          %dma_wait3A_527 = tpu.memref_slice %arg8[%dma_wait3A_520, %dma_wait3A_526] : memref<80x125xi32, #tpu.memory_space<vmem>> -> memref<1x125xi32, #tpu.memory_space<vmem>>
          %dma_wait3A_528 = tpu.memref_squeeze %dma_wait3A_527 : memref<1x125xi32, #tpu.memory_space<vmem>> -> memref<125xi32, #tpu.memory_space<vmem>>
          %dma_wait3A_529 = arith.constant 0 : i32
          %dma_wait3A_530 = arith.constant 0 : i32
          %dma_wait3A_531 = tpu.memref_slice %arg10[%dma_wait3A_529, %dma_wait3A_530] : memref<10240x32xf32, #tpu.memory_space<vmem_shared>> -> memref<10240x32xf32, #tpu.memory_space<vmem_shared>>
          %dma_wait3A_532 = tpu.memref_slice %arg13[%dma_wait3A_521] : memref<8x!tpu.dma_semaphore, #tpu.memory_space<semaphore_mem>> -> memref<1x!tpu.dma_semaphore, #tpu.memory_space<semaphore_mem>>
          %dma_wait3A_533 = tpu.memref_squeeze %dma_wait3A_532 : memref<1x!tpu.dma_semaphore, #tpu.memory_space<semaphore_mem>> -> memref<!tpu.dma_semaphore, #tpu.memory_space<semaphore_mem>>
          tpu.wait_indirect_dma semaphore(%dma_wait3A_533 : memref<!tpu.dma_semaphore, #tpu.memory_space<semaphore_mem>>) src(%dma_wait3A_525 : memref<125x32xf32, #tpu.memory_space<vmem>>) dst(%dma_wait3A_531 : memref<10240x32xf32, #tpu.memory_space<vmem_shared>>)
        } else {
        }
        %dma_start3A_505 = arith.constant 3 : i32
        %dma_start3A_506 = arith.constant 3 : i32
        %dma_start3A_507 = arith.constant 0 : i32
        %dma_start3A_508 = arith.constant 0 : i32
        %dma_start3A_509 = tpu.memref_slice %arg9[%dma_start3A_505, %dma_start3A_507, %dma_start3A_508] : memref<8x125x32xf32, #tpu.memory_space<vmem>> -> memref<1x125x32xf32, #tpu.memory_space<vmem>>
        %dma_start3A_510 = tpu.memref_squeeze %dma_start3A_509 : memref<1x125x32xf32, #tpu.memory_space<vmem>> -> memref<125x32xf32, #tpu.memory_space<vmem>>
        %dma_start3A_511 = arith.constant 0 : i32
        %dma_start3A_512 = tpu.memref_slice %arg7[%add3A_495, %dma_start3A_511] : memref<80x125xi32, #tpu.memory_space<vmem>> -> memref<1x125xi32, #tpu.memory_space<vmem>>
        %dma_start3A_513 = tpu.memref_squeeze %dma_start3A_512 : memref<1x125xi32, #tpu.memory_space<vmem>> -> memref<125xi32, #tpu.memory_space<vmem>>
        %dma_start3A_514 = arith.constant 0 : i32
        %dma_start3A_515 = arith.constant 0 : i32
        %dma_start3A_516 = tpu.memref_slice %arg11[%dma_start3A_514, %dma_start3A_515] : memref<10240x32xf32, #tpu.memory_space<vmem_shared>> -> memref<10240x32xf32, #tpu.memory_space<vmem_shared>>
        %dma_start3A_517 = tpu.memref_slice %arg12[%dma_start3A_506] : memref<8x!tpu.dma_semaphore, #tpu.memory_space<semaphore_mem>> -> memref<1x!tpu.dma_semaphore, #tpu.memory_space<semaphore_mem>>
        %dma_start3A_518 = tpu.memref_squeeze %dma_start3A_517 : memref<1x!tpu.dma_semaphore, #tpu.memory_space<semaphore_mem>> -> memref<!tpu.dma_semaphore, #tpu.memory_space<semaphore_mem>>
        tpu.enqueue_indirect_dma source(%dma_start3A_516 : memref<10240x32xf32, #tpu.memory_space<vmem_shared>>) target(%dma_start3A_510 : memref<125x32xf32, #tpu.memory_space<vmem>>) offsets(%dma_start3A_513 : memref<125xi32, #tpu.memory_space<vmem>>) semaphore(%dma_start3A_518 : memref<!tpu.dma_semaphore, #tpu.memory_space<semaphore_mem>>)
      } else {
      }
    }
    %scan3A_72 = arith.constant 10 : i32
    %dma_wait3A = arith.constant 0 : i32
    %dma_wait3A_73 = arith.constant 0 : i32
    %dma_wait3A_74 = arith.constant 0 : i32
    %dma_wait3A_75 = arith.constant 0 : i32
    %dma_wait3A_76 = arith.constant 0 : i32
    %dma_wait3A_77 = tpu.memref_slice %arg9[%dma_wait3A, %dma_wait3A_75, %dma_wait3A_76] : memref<8x125x32xf32, #tpu.memory_space<vmem>> -> memref<1x125x32xf32, #tpu.memory_space<vmem>>
    %dma_wait3A_78 = tpu.memref_squeeze %dma_wait3A_77 : memref<1x125x32xf32, #tpu.memory_space<vmem>> -> memref<125x32xf32, #tpu.memory_space<vmem>>
    %dma_wait3A_79 = arith.constant 0 : i32
    %dma_wait3A_80 = tpu.memref_slice %arg8[%dma_wait3A_73, %dma_wait3A_79] : memref<80x125xi32, #tpu.memory_space<vmem>> -> memref<1x125xi32, #tpu.memory_space<vmem>>
    %dma_wait3A_81 = tpu.memref_squeeze %dma_wait3A_80 : memref<1x125xi32, #tpu.memory_space<vmem>> -> memref<125xi32, #tpu.memory_space<vmem>>
    %dma_wait3A_82 = arith.constant 0 : i32
    %dma_wait3A_83 = arith.constant 0 : i32
    %dma_wait3A_84 = tpu.memref_slice %arg10[%dma_wait3A_82, %dma_wait3A_83] : memref<10240x32xf32, #tpu.memory_space<vmem_shared>> -> memref<10240x32xf32, #tpu.memory_space<vmem_shared>>
    %dma_wait3A_85 = tpu.memref_slice %arg13[%dma_wait3A_74] : memref<8x!tpu.dma_semaphore, #tpu.memory_space<semaphore_mem>> -> memref<1x!tpu.dma_semaphore, #tpu.memory_space<semaphore_mem>>
    %dma_wait3A_86 = tpu.memref_squeeze %dma_wait3A_85 : memref<1x!tpu.dma_semaphore, #tpu.memory_space<semaphore_mem>> -> memref<!tpu.dma_semaphore, #tpu.memory_space<semaphore_mem>>
    tpu.wait_indirect_dma semaphore(%dma_wait3A_86 : memref<!tpu.dma_semaphore, #tpu.memory_space<semaphore_mem>>) src(%dma_wait3A_78 : memref<125x32xf32, #tpu.memory_space<vmem>>) dst(%dma_wait3A_84 : memref<10240x32xf32, #tpu.memory_space<vmem_shared>>)
    %dma_wait3A_87 = arith.constant 1 : i32
    %dma_wait3A_88 = arith.constant 0 : i32
    %dma_wait3A_89 = arith.constant 1 : i32
    %dma_wait3A_90 = arith.constant 0 : i32
    %dma_wait3A_91 = arith.constant 0 : i32
    %dma_wait3A_92 = tpu.memref_slice %arg9[%dma_wait3A_87, %dma_wait3A_90, %dma_wait3A_91] : memref<8x125x32xf32, #tpu.memory_space<vmem>> -> memref<1x125x32xf32, #tpu.memory_space<vmem>>
    %dma_wait3A_93 = tpu.memref_squeeze %dma_wait3A_92 : memref<1x125x32xf32, #tpu.memory_space<vmem>> -> memref<125x32xf32, #tpu.memory_space<vmem>>
    %dma_wait3A_94 = arith.constant 0 : i32
    %dma_wait3A_95 = tpu.memref_slice %arg8[%dma_wait3A_88, %dma_wait3A_94] : memref<80x125xi32, #tpu.memory_space<vmem>> -> memref<1x125xi32, #tpu.memory_space<vmem>>
    %dma_wait3A_96 = tpu.memref_squeeze %dma_wait3A_95 : memref<1x125xi32, #tpu.memory_space<vmem>> -> memref<125xi32, #tpu.memory_space<vmem>>
    %dma_wait3A_97 = arith.constant 0 : i32
    %dma_wait3A_98 = arith.constant 0 : i32
    %dma_wait3A_99 = tpu.memref_slice %arg10[%dma_wait3A_97, %dma_wait3A_98] : memref<10240x32xf32, #tpu.memory_space<vmem_shared>> -> memref<10240x32xf32, #tpu.memory_space<vmem_shared>>
    %dma_wait3A_100 = tpu.memref_slice %arg13[%dma_wait3A_89] : memref<8x!tpu.dma_semaphore, #tpu.memory_space<semaphore_mem>> -> memref<1x!tpu.dma_semaphore, #tpu.memory_space<semaphore_mem>>
    %dma_wait3A_101 = tpu.memref_squeeze %dma_wait3A_100 : memref<1x!tpu.dma_semaphore, #tpu.memory_space<semaphore_mem>> -> memref<!tpu.dma_semaphore, #tpu.memory_space<semaphore_mem>>
    tpu.wait_indirect_dma semaphore(%dma_wait3A_101 : memref<!tpu.dma_semaphore, #tpu.memory_space<semaphore_mem>>) src(%dma_wait3A_93 : memref<125x32xf32, #tpu.memory_space<vmem>>) dst(%dma_wait3A_99 : memref<10240x32xf32, #tpu.memory_space<vmem_shared>>)
    %dma_wait3A_102 = arith.constant 2 : i32
    %dma_wait3A_103 = arith.constant 0 : i32
    %dma_wait3A_104 = arith.constant 2 : i32
    %dma_wait3A_105 = arith.constant 0 : i32
    %dma_wait3A_106 = arith.constant 0 : i32
    %dma_wait3A_107 = tpu.memref_slice %arg9[%dma_wait3A_102, %dma_wait3A_105, %dma_wait3A_106] : memref<8x125x32xf32, #tpu.memory_space<vmem>> -> memref<1x125x32xf32, #tpu.memory_space<vmem>>
    %dma_wait3A_108 = tpu.memref_squeeze %dma_wait3A_107 : memref<1x125x32xf32, #tpu.memory_space<vmem>> -> memref<125x32xf32, #tpu.memory_space<vmem>>
    %dma_wait3A_109 = arith.constant 0 : i32
    %dma_wait3A_110 = tpu.memref_slice %arg8[%dma_wait3A_103, %dma_wait3A_109] : memref<80x125xi32, #tpu.memory_space<vmem>> -> memref<1x125xi32, #tpu.memory_space<vmem>>
    %dma_wait3A_111 = tpu.memref_squeeze %dma_wait3A_110 : memref<1x125xi32, #tpu.memory_space<vmem>> -> memref<125xi32, #tpu.memory_space<vmem>>
    %dma_wait3A_112 = arith.constant 0 : i32
    %dma_wait3A_113 = arith.constant 0 : i32
    %dma_wait3A_114 = tpu.memref_slice %arg10[%dma_wait3A_112, %dma_wait3A_113] : memref<10240x32xf32, #tpu.memory_space<vmem_shared>> -> memref<10240x32xf32, #tpu.memory_space<vmem_shared>>
    %dma_wait3A_115 = tpu.memref_slice %arg13[%dma_wait3A_104] : memref<8x!tpu.dma_semaphore, #tpu.memory_space<semaphore_mem>> -> memref<1x!tpu.dma_semaphore, #tpu.memory_space<semaphore_mem>>
    %dma_wait3A_116 = tpu.memref_squeeze %dma_wait3A_115 : memref<1x!tpu.dma_semaphore, #tpu.memory_space<semaphore_mem>> -> memref<!tpu.dma_semaphore, #tpu.memory_space<semaphore_mem>>
    tpu.wait_indirect_dma semaphore(%dma_wait3A_116 : memref<!tpu.dma_semaphore, #tpu.memory_space<semaphore_mem>>) src(%dma_wait3A_108 : memref<125x32xf32, #tpu.memory_space<vmem>>) dst(%dma_wait3A_114 : memref<10240x32xf32, #tpu.memory_space<vmem_shared>>)
    %dma_wait3A_117 = arith.constant 3 : i32
    %dma_wait3A_118 = arith.constant 0 : i32
    %dma_wait3A_119 = arith.constant 3 : i32
    %dma_wait3A_120 = arith.constant 0 : i32
    %dma_wait3A_121 = arith.constant 0 : i32
    %dma_wait3A_122 = tpu.memref_slice %arg9[%dma_wait3A_117, %dma_wait3A_120, %dma_wait3A_121] : memref<8x125x32xf32, #tpu.memory_space<vmem>> -> memref<1x125x32xf32, #tpu.memory_space<vmem>>
    %dma_wait3A_123 = tpu.memref_squeeze %dma_wait3A_122 : memref<1x125x32xf32, #tpu.memory_space<vmem>> -> memref<125x32xf32, #tpu.memory_space<vmem>>
    %dma_wait3A_124 = arith.constant 0 : i32
    %dma_wait3A_125 = tpu.memref_slice %arg8[%dma_wait3A_118, %dma_wait3A_124] : memref<80x125xi32, #tpu.memory_space<vmem>> -> memref<1x125xi32, #tpu.memory_space<vmem>>
    %dma_wait3A_126 = tpu.memref_squeeze %dma_wait3A_125 : memref<1x125xi32, #tpu.memory_space<vmem>> -> memref<125xi32, #tpu.memory_space<vmem>>
    %dma_wait3A_127 = arith.constant 0 : i32
    %dma_wait3A_128 = arith.constant 0 : i32
    %dma_wait3A_129 = tpu.memref_slice %arg10[%dma_wait3A_127, %dma_wait3A_128] : memref<10240x32xf32, #tpu.memory_space<vmem_shared>> -> memref<10240x32xf32, #tpu.memory_space<vmem_shared>>
    %dma_wait3A_130 = tpu.memref_slice %arg13[%dma_wait3A_119] : memref<8x!tpu.dma_semaphore, #tpu.memory_space<semaphore_mem>> -> memref<1x!tpu.dma_semaphore, #tpu.memory_space<semaphore_mem>>
    %dma_wait3A_131 = tpu.memref_squeeze %dma_wait3A_130 : memref<1x!tpu.dma_semaphore, #tpu.memory_space<semaphore_mem>> -> memref<!tpu.dma_semaphore, #tpu.memory_space<semaphore_mem>>
    tpu.wait_indirect_dma semaphore(%dma_wait3A_131 : memref<!tpu.dma_semaphore, #tpu.memory_space<semaphore_mem>>) src(%dma_wait3A_123 : memref<125x32xf32, #tpu.memory_space<vmem>>) dst(%dma_wait3A_129 : memref<10240x32xf32, #tpu.memory_space<vmem_shared>>)
    %dma_wait3A_132 = arith.constant 4 : i32
    %dma_wait3A_133 = arith.constant 0 : i32
    %dma_wait3A_134 = arith.constant 4 : i32
    %dma_wait3A_135 = arith.constant 0 : i32
    %dma_wait3A_136 = arith.constant 0 : i32
    %dma_wait3A_137 = tpu.memref_slice %arg9[%dma_wait3A_132, %dma_wait3A_135, %dma_wait3A_136] : memref<8x125x32xf32, #tpu.memory_space<vmem>> -> memref<1x125x32xf32, #tpu.memory_space<vmem>>
    %dma_wait3A_138 = tpu.memref_squeeze %dma_wait3A_137 : memref<1x125x32xf32, #tpu.memory_space<vmem>> -> memref<125x32xf32, #tpu.memory_space<vmem>>
    %dma_wait3A_139 = arith.constant 0 : i32
    %dma_wait3A_140 = tpu.memref_slice %arg8[%dma_wait3A_133, %dma_wait3A_139] : memref<80x125xi32, #tpu.memory_space<vmem>> -> memref<1x125xi32, #tpu.memory_space<vmem>>
    %dma_wait3A_141 = tpu.memref_squeeze %dma_wait3A_140 : memref<1x125xi32, #tpu.memory_space<vmem>> -> memref<125xi32, #tpu.memory_space<vmem>>
    %dma_wait3A_142 = arith.constant 0 : i32
    %dma_wait3A_143 = arith.constant 0 : i32
    %dma_wait3A_144 = tpu.memref_slice %arg10[%dma_wait3A_142, %dma_wait3A_143] : memref<10240x32xf32, #tpu.memory_space<vmem_shared>> -> memref<10240x32xf32, #tpu.memory_space<vmem_shared>>
    %dma_wait3A_145 = tpu.memref_slice %arg13[%dma_wait3A_134] : memref<8x!tpu.dma_semaphore, #tpu.memory_space<semaphore_mem>> -> memref<1x!tpu.dma_semaphore, #tpu.memory_space<semaphore_mem>>
    %dma_wait3A_146 = tpu.memref_squeeze %dma_wait3A_145 : memref<1x!tpu.dma_semaphore, #tpu.memory_space<semaphore_mem>> -> memref<!tpu.dma_semaphore, #tpu.memory_space<semaphore_mem>>
    tpu.wait_indirect_dma semaphore(%dma_wait3A_146 : memref<!tpu.dma_semaphore, #tpu.memory_space<semaphore_mem>>) src(%dma_wait3A_138 : memref<125x32xf32, #tpu.memory_space<vmem>>) dst(%dma_wait3A_144 : memref<10240x32xf32, #tpu.memory_space<vmem_shared>>)
    %dma_wait3A_147 = arith.constant 5 : i32
    %dma_wait3A_148 = arith.constant 0 : i32
    %dma_wait3A_149 = arith.constant 5 : i32
    %dma_wait3A_150 = arith.constant 0 : i32
    %dma_wait3A_151 = arith.constant 0 : i32
    %dma_wait3A_152 = tpu.memref_slice %arg9[%dma_wait3A_147, %dma_wait3A_150, %dma_wait3A_151] : memref<8x125x32xf32, #tpu.memory_space<vmem>> -> memref<1x125x32xf32, #tpu.memory_space<vmem>>
    %dma_wait3A_153 = tpu.memref_squeeze %dma_wait3A_152 : memref<1x125x32xf32, #tpu.memory_space<vmem>> -> memref<125x32xf32, #tpu.memory_space<vmem>>
    %dma_wait3A_154 = arith.constant 0 : i32
    %dma_wait3A_155 = tpu.memref_slice %arg8[%dma_wait3A_148, %dma_wait3A_154] : memref<80x125xi32, #tpu.memory_space<vmem>> -> memref<1x125xi32, #tpu.memory_space<vmem>>
    %dma_wait3A_156 = tpu.memref_squeeze %dma_wait3A_155 : memref<1x125xi32, #tpu.memory_space<vmem>> -> memref<125xi32, #tpu.memory_space<vmem>>
    %dma_wait3A_157 = arith.constant 0 : i32
    %dma_wait3A_158 = arith.constant 0 : i32
    %dma_wait3A_159 = tpu.memref_slice %arg10[%dma_wait3A_157, %dma_wait3A_158] : memref<10240x32xf32, #tpu.memory_space<vmem_shared>> -> memref<10240x32xf32, #tpu.memory_space<vmem_shared>>
    %dma_wait3A_160 = tpu.memref_slice %arg13[%dma_wait3A_149] : memref<8x!tpu.dma_semaphore, #tpu.memory_space<semaphore_mem>> -> memref<1x!tpu.dma_semaphore, #tpu.memory_space<semaphore_mem>>
    %dma_wait3A_161 = tpu.memref_squeeze %dma_wait3A_160 : memref<1x!tpu.dma_semaphore, #tpu.memory_space<semaphore_mem>> -> memref<!tpu.dma_semaphore, #tpu.memory_space<semaphore_mem>>
    tpu.wait_indirect_dma semaphore(%dma_wait3A_161 : memref<!tpu.dma_semaphore, #tpu.memory_space<semaphore_mem>>) src(%dma_wait3A_153 : memref<125x32xf32, #tpu.memory_space<vmem>>) dst(%dma_wait3A_159 : memref<10240x32xf32, #tpu.memory_space<vmem_shared>>)
    %dma_wait3A_162 = arith.constant 6 : i32
    %dma_wait3A_163 = arith.constant 0 : i32
    %dma_wait3A_164 = arith.constant 6 : i32
    %dma_wait3A_165 = arith.constant 0 : i32
    %dma_wait3A_166 = arith.constant 0 : i32
    %dma_wait3A_167 = tpu.memref_slice %arg9[%dma_wait3A_162, %dma_wait3A_165, %dma_wait3A_166] : memref<8x125x32xf32, #tpu.memory_space<vmem>> -> memref<1x125x32xf32, #tpu.memory_space<vmem>>
    %dma_wait3A_168 = tpu.memref_squeeze %dma_wait3A_167 : memref<1x125x32xf32, #tpu.memory_space<vmem>> -> memref<125x32xf32, #tpu.memory_space<vmem>>
    %dma_wait3A_169 = arith.constant 0 : i32
    %dma_wait3A_170 = tpu.memref_slice %arg8[%dma_wait3A_163, %dma_wait3A_169] : memref<80x125xi32, #tpu.memory_space<vmem>> -> memref<1x125xi32, #tpu.memory_space<vmem>>
    %dma_wait3A_171 = tpu.memref_squeeze %dma_wait3A_170 : memref<1x125xi32, #tpu.memory_space<vmem>> -> memref<125xi32, #tpu.memory_space<vmem>>
    %dma_wait3A_172 = arith.constant 0 : i32
    %dma_wait3A_173 = arith.constant 0 : i32
    %dma_wait3A_174 = tpu.memref_slice %arg10[%dma_wait3A_172, %dma_wait3A_173] : memref<10240x32xf32, #tpu.memory_space<vmem_shared>> -> memref<10240x32xf32, #tpu.memory_space<vmem_shared>>
    %dma_wait3A_175 = tpu.memref_slice %arg13[%dma_wait3A_164] : memref<8x!tpu.dma_semaphore, #tpu.memory_space<semaphore_mem>> -> memref<1x!tpu.dma_semaphore, #tpu.memory_space<semaphore_mem>>
    %dma_wait3A_176 = tpu.memref_squeeze %dma_wait3A_175 : memref<1x!tpu.dma_semaphore, #tpu.memory_space<semaphore_mem>> -> memref<!tpu.dma_semaphore, #tpu.memory_space<semaphore_mem>>
    tpu.wait_indirect_dma semaphore(%dma_wait3A_176 : memref<!tpu.dma_semaphore, #tpu.memory_space<semaphore_mem>>) src(%dma_wait3A_168 : memref<125x32xf32, #tpu.memory_space<vmem>>) dst(%dma_wait3A_174 : memref<10240x32xf32, #tpu.memory_space<vmem_shared>>)
    %dma_wait3A_177 = arith.constant 7 : i32
    %dma_wait3A_178 = arith.constant 0 : i32
    %dma_wait3A_179 = arith.constant 7 : i32
    %dma_wait3A_180 = arith.constant 0 : i32
    %dma_wait3A_181 = arith.constant 0 : i32
    %dma_wait3A_182 = tpu.memref_slice %arg9[%dma_wait3A_177, %dma_wait3A_180, %dma_wait3A_181] : memref<8x125x32xf32, #tpu.memory_space<vmem>> -> memref<1x125x32xf32, #tpu.memory_space<vmem>>
    %dma_wait3A_183 = tpu.memref_squeeze %dma_wait3A_182 : memref<1x125x32xf32, #tpu.memory_space<vmem>> -> memref<125x32xf32, #tpu.memory_space<vmem>>
    %dma_wait3A_184 = arith.constant 0 : i32
    %dma_wait3A_185 = tpu.memref_slice %arg8[%dma_wait3A_178, %dma_wait3A_184] : memref<80x125xi32, #tpu.memory_space<vmem>> -> memref<1x125xi32, #tpu.memory_space<vmem>>
    %dma_wait3A_186 = tpu.memref_squeeze %dma_wait3A_185 : memref<1x125xi32, #tpu.memory_space<vmem>> -> memref<125xi32, #tpu.memory_space<vmem>>
    %dma_wait3A_187 = arith.constant 0 : i32
    %dma_wait3A_188 = arith.constant 0 : i32
    %dma_wait3A_189 = tpu.memref_slice %arg10[%dma_wait3A_187, %dma_wait3A_188] : memref<10240x32xf32, #tpu.memory_space<vmem_shared>> -> memref<10240x32xf32, #tpu.memory_space<vmem_shared>>
    %dma_wait3A_190 = tpu.memref_slice %arg13[%dma_wait3A_179] : memref<8x!tpu.dma_semaphore, #tpu.memory_space<semaphore_mem>> -> memref<1x!tpu.dma_semaphore, #tpu.memory_space<semaphore_mem>>
    %dma_wait3A_191 = tpu.memref_squeeze %dma_wait3A_190 : memref<1x!tpu.dma_semaphore, #tpu.memory_space<semaphore_mem>> -> memref<!tpu.dma_semaphore, #tpu.memory_space<semaphore_mem>>
    tpu.wait_indirect_dma semaphore(%dma_wait3A_191 : memref<!tpu.dma_semaphore, #tpu.memory_space<semaphore_mem>>) src(%dma_wait3A_183 : memref<125x32xf32, #tpu.memory_space<vmem>>) dst(%dma_wait3A_189 : memref<10240x32xf32, #tpu.memory_space<vmem_shared>>)
    %barrier3A_192 = arith.constant 0 : index
    tpu.barrier barrier_id(%barrier3A_192)
    %eq3A = arith.constant 0 : i32
    %eq3A_193 = arith.cmpi eq, %arg1, %eq3A : i32
    %convert_element_type3A = arith.extui %eq3A_193 : i1 to i32
    %cond3A = arith.constant 0 : i32
    %cond3A_194 = arith.cmpi ne, %convert_element_type3A, %cond3A : i32
    scf.if %cond3A_194 {
      "tpu.region"() ({
        %run_scoped3A = tpu.sem_alloc : memref<!tpu.dma_semaphore, #tpu.memory_space<semaphore_mem>>
        %dma_start3A_195 = arith.constant 0 : i32
        %dma_start3A_196 = arith.constant 0 : i32
        %dma_start3A_197 = tpu.memref_slice %arg6[%arg0, %dma_start3A_195, %dma_start3A_196] : memref<2x10240x32xf32, #tpu.memory_space<hbm>> -> memref<1x10240x32xf32, #tpu.memory_space<hbm>>
        %dma_start3A_198 = tpu.memref_squeeze %dma_start3A_197 : memref<1x10240x32xf32, #tpu.memory_space<hbm>> -> memref<10240x32xf32, #tpu.memory_space<hbm>>
        tpu.enqueue_dma source(%arg10 : memref<10240x32xf32, #tpu.memory_space<vmem_shared>>) target(%dma_start3A_198 : memref<10240x32xf32, #tpu.memory_space<hbm>>) target_semaphore(%run_scoped3A : memref<!tpu.dma_semaphore, #tpu.memory_space<semaphore_mem>>)
        %dma_wait3A_199 = arith.constant 0 : i32
        %dma_wait3A_200 = arith.constant 0 : i32
        %dma_wait3A_201 = tpu.memref_slice %arg6[%arg0, %dma_wait3A_199, %dma_wait3A_200] : memref<2x10240x32xf32, #tpu.memory_space<hbm>> -> memref<1x10240x32xf32, #tpu.memory_space<hbm>>
        %dma_wait3A_202 = tpu.memref_squeeze %dma_wait3A_201 : memref<1x10240x32xf32, #tpu.memory_space<hbm>> -> memref<10240x32xf32, #tpu.memory_space<hbm>>
        tpu.wait_dma2 semaphore(%run_scoped3A : memref<!tpu.dma_semaphore, #tpu.memory_space<semaphore_mem>>) src(%arg10 : memref<10240x32xf32, #tpu.memory_space<vmem_shared>>) dst(%dma_wait3A_202 : memref<10240x32xf32, #tpu.memory_space<hbm>>)
        tpu.yield
      }) : () -> ()
    } else {
    }
    return
  }
}

#map = affine_map<(d0, d1) -> (0, 0)>
#map1 = affine_map<(d0, d1) -> (0, 0, 0)>
module attributes {stable_mosaic.version = 14 : i64} {
  func.func @_prop_kernel(%arg0: i32, %arg1: i32, %arg2: memref<10240x32xf32, #tpu.memory_space<hbm>>, %arg3: memref<32x80x125xi32, #tpu.memory_space<hbm>>, %arg4: memref<32x80x125xi32, #tpu.memory_space<hbm>>, %arg5: memref<10240x32xf32, #tpu.memory_space<hbm>>, %arg6: memref<2x10240x32xf32, #tpu.memory_space<hbm>>, %arg7: memref<80x125xi32, #tpu.memory_space<vmem>>, %arg8: memref<80x125xi32, #tpu.memory_space<vmem>>, %arg9: memref<8x125x32xf32, #tpu.memory_space<vmem>>, %arg10: memref<10240x32xf32, #tpu.memory_space<vmem_shared>>, %arg11: memref<10240x32xf32, #tpu.memory_space<vmem_shared>>, %arg12: memref<8x!tpu.dma_semaphore, #tpu.memory_space<semaphore_mem>>, %arg13: memref<8x!tpu.dma_semaphore, #tpu.memory_space<semaphore_mem>>) attributes {dimension_semantics = [#tpu.dimension_semantics<core_parallel>, #tpu.dimension_semantics<subcore_parallel>], iteration_bounds = array<i64: 2, 16>, scalar_prefetch = 0 : i64, scratch_operands = 7 : i64, tpu.core_type = #tpu.core_type<sc_vector_subcore>, window_params = [{transform_indices = #map}, {transform_indices = #map1}, {transform_indices = #map1}, {transform_indices = #map}, {transform_indices = #map1}]} {
    %mul3A = arith.constant 16 : i32
    %mul3A_0 = arith.muli %arg0, %mul3A : i32
    %add3A = arith.addi %mul3A_0, %arg1 : i32
    "tpu.region"() ({
      %run_scoped3A = tpu.sem_alloc : memref<!tpu.dma_semaphore, #tpu.memory_space<semaphore_mem>>
      %dma_start3A_195 = arith.constant 0 : i32
      %dma_start3A_196 = arith.constant 0 : i32
      %dma_start3A_197 = tpu.memref_slice %arg3[%add3A, %dma_start3A_195, %dma_start3A_196] : memref<32x80x125xi32, #tpu.memory_space<hbm>> -> memref<1x80x125xi32, #tpu.memory_space<hbm>>
      %dma_start3A_198 = tpu.memref_squeeze %dma_start3A_197 : memref<1x80x125xi32, #tpu.memory_space<hbm>> -> memref<80x125xi32, #tpu.memory_space<hbm>>
      %dma_start3A_199 = arith.constant 0 : i32
      %dma_start3A_200 = arith.constant 0 : i32
      %dma_start3A_201 = tpu.memref_slice %arg3[%add3A, %dma_start3A_199, %dma_start3A_200] : memref<32x80x125xi32, #tpu.memory_space<hbm>> -> memref<1x80x125xi32, #tpu.memory_space<hbm>>
      %dma_start3A_202 = tpu.memref_squeeze %dma_start3A_201 : memref<1x80x125xi32, #tpu.memory_space<hbm>> -> memref<80x125xi32, #tpu.memory_space<hbm>>
      tpu.enqueue_dma source(%dma_start3A_202 : memref<80x125xi32, #tpu.memory_space<hbm>>) target(%arg7 : memref<80x125xi32, #tpu.memory_space<vmem>>) target_semaphore(%run_scoped3A : memref<!tpu.dma_semaphore, #tpu.memory_space<semaphore_mem>>)
      %dma_wait3A_203 = arith.constant 0 : i32
      %dma_wait3A_204 = arith.constant 0 : i32
      %dma_wait3A_205 = tpu.memref_slice %arg3[%add3A, %dma_wait3A_203, %dma_wait3A_204] : memref<32x80x125xi32, #tpu.memory_space<hbm>> -> memref<1x80x125xi32, #tpu.memory_space<hbm>>
      %dma_wait3A_206 = tpu.memref_squeeze %dma_wait3A_205 : memref<1x80x125xi32, #tpu.memory_space<hbm>> -> memref<80x125xi32, #tpu.memory_space<hbm>>
      %dma_wait3A_207 = arith.constant 0 : i32
      %dma_wait3A_208 = arith.constant 0 : i32
      %dma_wait3A_209 = tpu.memref_slice %arg3[%add3A, %dma_wait3A_207, %dma_wait3A_208] : memref<32x80x125xi32, #tpu.memory_space<hbm>> -> memref<1x80x125xi32, #tpu.memory_space<hbm>>
      %dma_wait3A_210 = tpu.memref_squeeze %dma_wait3A_209 : memref<1x80x125xi32, #tpu.memory_space<hbm>> -> memref<80x125xi32, #tpu.memory_space<hbm>>
      tpu.wait_dma2 semaphore(%run_scoped3A : memref<!tpu.dma_semaphore, #tpu.memory_space<semaphore_mem>>) src(%dma_wait3A_210 : memref<80x125xi32, #tpu.memory_space<hbm>>) dst(%arg7 : memref<80x125xi32, #tpu.memory_space<vmem>>)
      tpu.yield
    }) : () -> ()
    "tpu.region"() ({
      %run_scoped3A = tpu.sem_alloc : memref<!tpu.dma_semaphore, #tpu.memory_space<semaphore_mem>>
      %dma_start3A_195 = arith.constant 0 : i32
      %dma_start3A_196 = arith.constant 0 : i32
      %dma_start3A_197 = tpu.memref_slice %arg4[%add3A, %dma_start3A_195, %dma_start3A_196] : memref<32x80x125xi32, #tpu.memory_space<hbm>> -> memref<1x80x125xi32, #tpu.memory_space<hbm>>
      %dma_start3A_198 = tpu.memref_squeeze %dma_start3A_197 : memref<1x80x125xi32, #tpu.memory_space<hbm>> -> memref<80x125xi32, #tpu.memory_space<hbm>>
      %dma_start3A_199 = arith.constant 0 : i32
      %dma_start3A_200 = arith.constant 0 : i32
      %dma_start3A_201 = tpu.memref_slice %arg4[%add3A, %dma_start3A_199, %dma_start3A_200] : memref<32x80x125xi32, #tpu.memory_space<hbm>> -> memref<1x80x125xi32, #tpu.memory_space<hbm>>
      %dma_start3A_202 = tpu.memref_squeeze %dma_start3A_201 : memref<1x80x125xi32, #tpu.memory_space<hbm>> -> memref<80x125xi32, #tpu.memory_space<hbm>>
      tpu.enqueue_dma source(%dma_start3A_202 : memref<80x125xi32, #tpu.memory_space<hbm>>) target(%arg8 : memref<80x125xi32, #tpu.memory_space<vmem>>) target_semaphore(%run_scoped3A : memref<!tpu.dma_semaphore, #tpu.memory_space<semaphore_mem>>)
      %dma_wait3A_203 = arith.constant 0 : i32
      %dma_wait3A_204 = arith.constant 0 : i32
      %dma_wait3A_205 = tpu.memref_slice %arg4[%add3A, %dma_wait3A_203, %dma_wait3A_204] : memref<32x80x125xi32, #tpu.memory_space<hbm>> -> memref<1x80x125xi32, #tpu.memory_space<hbm>>
      %dma_wait3A_206 = tpu.memref_squeeze %dma_wait3A_205 : memref<1x80x125xi32, #tpu.memory_space<hbm>> -> memref<80x125xi32, #tpu.memory_space<hbm>>
      %dma_wait3A_207 = arith.constant 0 : i32
      %dma_wait3A_208 = arith.constant 0 : i32
      %dma_wait3A_209 = tpu.memref_slice %arg4[%add3A, %dma_wait3A_207, %dma_wait3A_208] : memref<32x80x125xi32, #tpu.memory_space<hbm>> -> memref<1x80x125xi32, #tpu.memory_space<hbm>>
      %dma_wait3A_210 = tpu.memref_squeeze %dma_wait3A_209 : memref<1x80x125xi32, #tpu.memory_space<hbm>> -> memref<80x125xi32, #tpu.memory_space<hbm>>
      tpu.wait_dma2 semaphore(%run_scoped3A : memref<!tpu.dma_semaphore, #tpu.memory_space<semaphore_mem>>) src(%dma_wait3A_210 : memref<80x125xi32, #tpu.memory_space<hbm>>) dst(%arg8 : memref<80x125xi32, #tpu.memory_space<vmem>>)
      tpu.yield
    }) : () -> ()
    %mul3A_1 = arith.constant 640 : i32
    %mul3A_2 = arith.muli %arg1, %mul3A_1 : i32
    %mul3A_3 = arith.constant 640 : i32
    %mul3A_4 = arith.muli %arg1, %mul3A_3 : i32
    "tpu.region"() ({
      %run_scoped3A = tpu.sem_alloc : memref<!tpu.dma_semaphore, #tpu.memory_space<semaphore_mem>>
      %dma_start3A_195 = arith.constant 0 : i32
      %dma_start3A_196 = tpu.memref_slice %arg10[%mul3A_4, %dma_start3A_195] : memref<10240x32xf32, #tpu.memory_space<vmem_shared>> -> memref<640x32xf32, #tpu.memory_space<vmem_shared>>
      %dma_start3A_197 = arith.constant 0 : i32
      %dma_start3A_198 = tpu.memref_slice %arg5[%mul3A_2, %dma_start3A_197] : memref<10240x32xf32, #tpu.memory_space<hbm>> -> memref<640x32xf32, #tpu.memory_space<hbm>>
      tpu.enqueue_dma source(%dma_start3A_198 : memref<640x32xf32, #tpu.memory_space<hbm>>) target(%dma_start3A_196 : memref<640x32xf32, #tpu.memory_space<vmem_shared>>) target_semaphore(%run_scoped3A : memref<!tpu.dma_semaphore, #tpu.memory_space<semaphore_mem>>)
      %dma_wait3A_199 = arith.constant 0 : i32
      %dma_wait3A_200 = tpu.memref_slice %arg10[%mul3A_4, %dma_wait3A_199] : memref<10240x32xf32, #tpu.memory_space<vmem_shared>> -> memref<640x32xf32, #tpu.memory_space<vmem_shared>>
      %dma_wait3A_201 = arith.constant 0 : i32
      %dma_wait3A_202 = tpu.memref_slice %arg5[%mul3A_2, %dma_wait3A_201] : memref<10240x32xf32, #tpu.memory_space<hbm>> -> memref<640x32xf32, #tpu.memory_space<hbm>>
      tpu.wait_dma2 semaphore(%run_scoped3A : memref<!tpu.dma_semaphore, #tpu.memory_space<semaphore_mem>>) src(%dma_wait3A_202 : memref<640x32xf32, #tpu.memory_space<hbm>>) dst(%dma_wait3A_200 : memref<640x32xf32, #tpu.memory_space<vmem_shared>>)
      tpu.yield
    }) : () -> ()
    %mul3A_5 = arith.constant 640 : i32
    %mul3A_6 = arith.muli %arg1, %mul3A_5 : i32
    %mul3A_7 = arith.constant 640 : i32
    %mul3A_8 = arith.muli %arg1, %mul3A_7 : i32
    "tpu.region"() ({
      %run_scoped3A = tpu.sem_alloc : memref<!tpu.dma_semaphore, #tpu.memory_space<semaphore_mem>>
      %dma_start3A_195 = arith.constant 0 : i32
      %dma_start3A_196 = tpu.memref_slice %arg11[%mul3A_8, %dma_start3A_195] : memref<10240x32xf32, #tpu.memory_space<vmem_shared>> -> memref<640x32xf32, #tpu.memory_space<vmem_shared>>
      %dma_start3A_197 = arith.constant 0 : i32
      %dma_start3A_198 = tpu.memref_slice %arg2[%mul3A_6, %dma_start3A_197] : memref<10240x32xf32, #tpu.memory_space<hbm>> -> memref<640x32xf32, #tpu.memory_space<hbm>>
      tpu.enqueue_dma source(%dma_start3A_198 : memref<640x32xf32, #tpu.memory_space<hbm>>) target(%dma_start3A_196 : memref<640x32xf32, #tpu.memory_space<vmem_shared>>) target_semaphore(%run_scoped3A : memref<!tpu.dma_semaphore, #tpu.memory_space<semaphore_mem>>)
      %dma_wait3A_199 = arith.constant 0 : i32
      %dma_wait3A_200 = tpu.memref_slice %arg11[%mul3A_8, %dma_wait3A_199] : memref<10240x32xf32, #tpu.memory_space<vmem_shared>> -> memref<640x32xf32, #tpu.memory_space<vmem_shared>>
      %dma_wait3A_201 = arith.constant 0 : i32
      %dma_wait3A_202 = tpu.memref_slice %arg2[%mul3A_6, %dma_wait3A_201] : memref<10240x32xf32, #tpu.memory_space<hbm>> -> memref<640x32xf32, #tpu.memory_space<hbm>>
      tpu.wait_dma2 semaphore(%run_scoped3A : memref<!tpu.dma_semaphore, #tpu.memory_space<semaphore_mem>>) src(%dma_wait3A_202 : memref<640x32xf32, #tpu.memory_space<hbm>>) dst(%dma_wait3A_200 : memref<640x32xf32, #tpu.memory_space<vmem_shared>>)
      tpu.yield
    }) : () -> ()
    %barrier3A = arith.constant 0 : index
    tpu.barrier barrier_id(%barrier3A)
    %dma_start3A = arith.constant 0 : i32
    %dma_start3A_9 = arith.constant 0 : i32
    %dma_start3A_10 = arith.constant 0 : i32
    %dma_start3A_11 = arith.constant 0 : i32
    %dma_start3A_12 = arith.constant 0 : i32
    %dma_start3A_13 = tpu.memref_slice %arg9[%dma_start3A_9, %dma_start3A_11, %dma_start3A_12] : memref<8x125x32xf32, #tpu.memory_space<vmem>> -> memref<1x125x32xf32, #tpu.memory_space<vmem>>
    %dma_start3A_14 = tpu.memref_squeeze %dma_start3A_13 : memref<1x125x32xf32, #tpu.memory_space<vmem>> -> memref<125x32xf32, #tpu.memory_space<vmem>>
    %dma_start3A_15 = arith.constant 0 : i32
    %dma_start3A_16 = tpu.memref_slice %arg7[%dma_start3A, %dma_start3A_15] : memref<80x125xi32, #tpu.memory_space<vmem>> -> memref<1x125xi32, #tpu.memory_space<vmem>>
    %dma_start3A_17 = tpu.memref_squeeze %dma_start3A_16 : memref<1x125xi32, #tpu.memory_space<vmem>> -> memref<125xi32, #tpu.memory_space<vmem>>
    %dma_start3A_18 = arith.constant 0 : i32
    %dma_start3A_19 = arith.constant 0 : i32
    %dma_start3A_20 = tpu.memref_slice %arg11[%dma_start3A_18, %dma_start3A_19] : memref<10240x32xf32, #tpu.memory_space<vmem_shared>> -> memref<10240x32xf32, #tpu.memory_space<vmem_shared>>
    %dma_start3A_21 = tpu.memref_slice %arg12[%dma_start3A_10] : memref<8x!tpu.dma_semaphore, #tpu.memory_space<semaphore_mem>> -> memref<1x!tpu.dma_semaphore, #tpu.memory_space<semaphore_mem>>
    %dma_start3A_22 = tpu.memref_squeeze %dma_start3A_21 : memref<1x!tpu.dma_semaphore, #tpu.memory_space<semaphore_mem>> -> memref<!tpu.dma_semaphore, #tpu.memory_space<semaphore_mem>>
    tpu.enqueue_indirect_dma source(%dma_start3A_20 : memref<10240x32xf32, #tpu.memory_space<vmem_shared>>) target(%dma_start3A_14 : memref<125x32xf32, #tpu.memory_space<vmem>>) offsets(%dma_start3A_17 : memref<125xi32, #tpu.memory_space<vmem>>) semaphore(%dma_start3A_22 : memref<!tpu.dma_semaphore, #tpu.memory_space<semaphore_mem>>)
    %dma_start3A_23 = arith.constant 1 : i32
    %dma_start3A_24 = arith.constant 1 : i32
    %dma_start3A_25 = arith.constant 1 : i32
    %dma_start3A_26 = arith.constant 0 : i32
    %dma_start3A_27 = arith.constant 0 : i32
    %dma_start3A_28 = tpu.memref_slice %arg9[%dma_start3A_24, %dma_start3A_26, %dma_start3A_27] : memref<8x125x32xf32, #tpu.memory_space<vmem>> -> memref<1x125x32xf32, #tpu.memory_space<vmem>>
    %dma_start3A_29 = tpu.memref_squeeze %dma_start3A_28 : memref<1x125x32xf32, #tpu.memory_space<vmem>> -> memref<125x32xf32, #tpu.memory_space<vmem>>
    %dma_start3A_30 = arith.constant 0 : i32
    %dma_start3A_31 = tpu.memref_slice %arg7[%dma_start3A_23, %dma_start3A_30] : memref<80x125xi32, #tpu.memory_space<vmem>> -> memref<1x125xi32, #tpu.memory_space<vmem>>
    %dma_start3A_32 = tpu.memref_squeeze %dma_start3A_31 : memref<1x125xi32, #tpu.memory_space<vmem>> -> memref<125xi32, #tpu.memory_space<vmem>>
    %dma_start3A_33 = arith.constant 0 : i32
    %dma_start3A_34 = arith.constant 0 : i32
    %dma_start3A_35 = tpu.memref_slice %arg11[%dma_start3A_33, %dma_start3A_34] : memref<10240x32xf32, #tpu.memory_space<vmem_shared>> -> memref<10240x32xf32, #tpu.memory_space<vmem_shared>>
    %dma_start3A_36 = tpu.memref_slice %arg12[%dma_start3A_25] : memref<8x!tpu.dma_semaphore, #tpu.memory_space<semaphore_mem>> -> memref<1x!tpu.dma_semaphore, #tpu.memory_space<semaphore_mem>>
    %dma_start3A_37 = tpu.memref_squeeze %dma_start3A_36 : memref<1x!tpu.dma_semaphore, #tpu.memory_space<semaphore_mem>> -> memref<!tpu.dma_semaphore, #tpu.memory_space<semaphore_mem>>
    tpu.enqueue_indirect_dma source(%dma_start3A_35 : memref<10240x32xf32, #tpu.memory_space<vmem_shared>>) target(%dma_start3A_29 : memref<125x32xf32, #tpu.memory_space<vmem>>) offsets(%dma_start3A_32 : memref<125xi32, #tpu.memory_space<vmem>>) semaphore(%dma_start3A_37 : memref<!tpu.dma_semaphore, #tpu.memory_space<semaphore_mem>>)
    %dma_start3A_38 = arith.constant 2 : i32
    %dma_start3A_39 = arith.constant 2 : i32
    %dma_start3A_40 = arith.constant 2 : i32
    %dma_start3A_41 = arith.constant 0 : i32
    %dma_start3A_42 = arith.constant 0 : i32
    %dma_start3A_43 = tpu.memref_slice %arg9[%dma_start3A_39, %dma_start3A_41, %dma_start3A_42] : memref<8x125x32xf32, #tpu.memory_space<vmem>> -> memref<1x125x32xf32, #tpu.memory_space<vmem>>
    %dma_start3A_44 = tpu.memref_squeeze %dma_start3A_43 : memref<1x125x32xf32, #tpu.memory_space<vmem>> -> memref<125x32xf32, #tpu.memory_space<vmem>>
    %dma_start3A_45 = arith.constant 0 : i32
    %dma_start3A_46 = tpu.memref_slice %arg7[%dma_start3A_38, %dma_start3A_45] : memref<80x125xi32, #tpu.memory_space<vmem>> -> memref<1x125xi32, #tpu.memory_space<vmem>>
    %dma_start3A_47 = tpu.memref_squeeze %dma_start3A_46 : memref<1x125xi32, #tpu.memory_space<vmem>> -> memref<125xi32, #tpu.memory_space<vmem>>
    %dma_start3A_48 = arith.constant 0 : i32
    %dma_start3A_49 = arith.constant 0 : i32
    %dma_start3A_50 = tpu.memref_slice %arg11[%dma_start3A_48, %dma_start3A_49] : memref<10240x32xf32, #tpu.memory_space<vmem_shared>> -> memref<10240x32xf32, #tpu.memory_space<vmem_shared>>
    %dma_start3A_51 = tpu.memref_slice %arg12[%dma_start3A_40] : memref<8x!tpu.dma_semaphore, #tpu.memory_space<semaphore_mem>> -> memref<1x!tpu.dma_semaphore, #tpu.memory_space<semaphore_mem>>
    %dma_start3A_52 = tpu.memref_squeeze %dma_start3A_51 : memref<1x!tpu.dma_semaphore, #tpu.memory_space<semaphore_mem>> -> memref<!tpu.dma_semaphore, #tpu.memory_space<semaphore_mem>>
    tpu.enqueue_indirect_dma source(%dma_start3A_50 : memref<10240x32xf32, #tpu.memory_space<vmem_shared>>) target(%dma_start3A_44 : memref<125x32xf32, #tpu.memory_space<vmem>>) offsets(%dma_start3A_47 : memref<125xi32, #tpu.memory_space<vmem>>) semaphore(%dma_start3A_52 : memref<!tpu.dma_semaphore, #tpu.memory_space<semaphore_mem>>)
    %dma_start3A_53 = arith.constant 3 : i32
    %dma_start3A_54 = arith.constant 3 : i32
    %dma_start3A_55 = arith.constant 3 : i32
    %dma_start3A_56 = arith.constant 0 : i32
    %dma_start3A_57 = arith.constant 0 : i32
    %dma_start3A_58 = tpu.memref_slice %arg9[%dma_start3A_54, %dma_start3A_56, %dma_start3A_57] : memref<8x125x32xf32, #tpu.memory_space<vmem>> -> memref<1x125x32xf32, #tpu.memory_space<vmem>>
    %dma_start3A_59 = tpu.memref_squeeze %dma_start3A_58 : memref<1x125x32xf32, #tpu.memory_space<vmem>> -> memref<125x32xf32, #tpu.memory_space<vmem>>
    %dma_start3A_60 = arith.constant 0 : i32
    %dma_start3A_61 = tpu.memref_slice %arg7[%dma_start3A_53, %dma_start3A_60] : memref<80x125xi32, #tpu.memory_space<vmem>> -> memref<1x125xi32, #tpu.memory_space<vmem>>
    %dma_start3A_62 = tpu.memref_squeeze %dma_start3A_61 : memref<1x125xi32, #tpu.memory_space<vmem>> -> memref<125xi32, #tpu.memory_space<vmem>>
    %dma_start3A_63 = arith.constant 0 : i32
    %dma_start3A_64 = arith.constant 0 : i32
    %dma_start3A_65 = tpu.memref_slice %arg11[%dma_start3A_63, %dma_start3A_64] : memref<10240x32xf32, #tpu.memory_space<vmem_shared>> -> memref<10240x32xf32, #tpu.memory_space<vmem_shared>>
    %dma_start3A_66 = tpu.memref_slice %arg12[%dma_start3A_55] : memref<8x!tpu.dma_semaphore, #tpu.memory_space<semaphore_mem>> -> memref<1x!tpu.dma_semaphore, #tpu.memory_space<semaphore_mem>>
    %dma_start3A_67 = tpu.memref_squeeze %dma_start3A_66 : memref<1x!tpu.dma_semaphore, #tpu.memory_space<semaphore_mem>> -> memref<!tpu.dma_semaphore, #tpu.memory_space<semaphore_mem>>
    tpu.enqueue_indirect_dma source(%dma_start3A_65 : memref<10240x32xf32, #tpu.memory_space<vmem_shared>>) target(%dma_start3A_59 : memref<125x32xf32, #tpu.memory_space<vmem>>) offsets(%dma_start3A_62 : memref<125xi32, #tpu.memory_space<vmem>>) semaphore(%dma_start3A_67 : memref<!tpu.dma_semaphore, #tpu.memory_space<semaphore_mem>>)
    %scan3A = arith.constant 0 : i32
    %scan3A_68 = arith.constant 0 : i32
    %scan3A_69 = arith.constant 10 : i32
    %scan3A_70 = arith.addi %scan3A_68, %scan3A_69 : i32
    %scan3A_71 = arith.constant 1 : i32
    scf.for %scan3A_195 = %scan3A_68 to %scan3A_70 step %scan3A_71  : i32 {
      %mul3A_196 = arith.constant 8 : i32
      %mul3A_197 = arith.muli %scan3A_195, %mul3A_196 : i32
      %add3A_198 = arith.constant 0 : i32
      %add3A_199 = arith.addi %mul3A_197, %add3A_198 : i32
      %dma_wait3A_200 = arith.constant 0 : i32
      %dma_wait3A_201 = arith.constant 0 : i32
      %dma_wait3A_202 = arith.constant 0 : i32
      %dma_wait3A_203 = arith.constant 0 : i32
      %dma_wait3A_204 = arith.constant 0 : i32
      %dma_wait3A_205 = tpu.memref_slice %arg9[%dma_wait3A_201, %dma_wait3A_203, %dma_wait3A_204] : memref<8x125x32xf32, #tpu.memory_space<vmem>> -> memref<1x125x32xf32, #tpu.memory_space<vmem>>
      %dma_wait3A_206 = tpu.memref_squeeze %dma_wait3A_205 : memref<1x125x32xf32, #tpu.memory_space<vmem>> -> memref<125x32xf32, #tpu.memory_space<vmem>>
      %dma_wait3A_207 = arith.constant 0 : i32
      %dma_wait3A_208 = tpu.memref_slice %arg7[%dma_wait3A_200, %dma_wait3A_207] : memref<80x125xi32, #tpu.memory_space<vmem>> -> memref<1x125xi32, #tpu.memory_space<vmem>>
      %dma_wait3A_209 = tpu.memref_squeeze %dma_wait3A_208 : memref<1x125xi32, #tpu.memory_space<vmem>> -> memref<125xi32, #tpu.memory_space<vmem>>
      %dma_wait3A_210 = arith.constant 0 : i32
      %dma_wait3A_211 = arith.constant 0 : i32
      %dma_wait3A_212 = tpu.memref_slice %arg11[%dma_wait3A_210, %dma_wait3A_211] : memref<10240x32xf32, #tpu.memory_space<vmem_shared>> -> memref<10240x32xf32, #tpu.memory_space<vmem_shared>>
      %dma_wait3A_213 = tpu.memref_slice %arg12[%dma_wait3A_202] : memref<8x!tpu.dma_semaphore, #tpu.memory_space<semaphore_mem>> -> memref<1x!tpu.dma_semaphore, #tpu.memory_space<semaphore_mem>>
      %dma_wait3A_214 = tpu.memref_squeeze %dma_wait3A_213 : memref<1x!tpu.dma_semaphore, #tpu.memory_space<semaphore_mem>> -> memref<!tpu.dma_semaphore, #tpu.memory_space<semaphore_mem>>
      tpu.wait_indirect_dma semaphore(%dma_wait3A_214 : memref<!tpu.dma_semaphore, #tpu.memory_space<semaphore_mem>>) src(%dma_wait3A_212 : memref<10240x32xf32, #tpu.memory_space<vmem_shared>>) dst(%dma_wait3A_206 : memref<125x32xf32, #tpu.memory_space<vmem>>)
      %dma_start3A_215 = arith.constant 0 : i32
      %dma_start3A_216 = arith.constant 0 : i32
      %dma_start3A_217 = arith.constant 0 : i32
      %dma_start3A_218 = arith.constant 0 : i32
      %dma_start3A_219 = tpu.memref_slice %arg9[%dma_start3A_215, %dma_start3A_217, %dma_start3A_218] : memref<8x125x32xf32, #tpu.memory_space<vmem>> -> memref<1x125x32xf32, #tpu.memory_space<vmem>>
      %dma_start3A_220 = tpu.memref_squeeze %dma_start3A_219 : memref<1x125x32xf32, #tpu.memory_space<vmem>> -> memref<125x32xf32, #tpu.memory_space<vmem>>
      %dma_start3A_221 = arith.constant 0 : i32
      %dma_start3A_222 = tpu.memref_slice %arg8[%add3A_199, %dma_start3A_221] : memref<80x125xi32, #tpu.memory_space<vmem>> -> memref<1x125xi32, #tpu.memory_space<vmem>>
      %dma_start3A_223 = tpu.memref_squeeze %dma_start3A_222 : memref<1x125xi32, #tpu.memory_space<vmem>> -> memref<125xi32, #tpu.memory_space<vmem>>
      %dma_start3A_224 = arith.constant 0 : i32
      %dma_start3A_225 = arith.constant 0 : i32
      %dma_start3A_226 = tpu.memref_slice %arg10[%dma_start3A_224, %dma_start3A_225] : memref<10240x32xf32, #tpu.memory_space<vmem_shared>> -> memref<10240x32xf32, #tpu.memory_space<vmem_shared>>
      %dma_start3A_227 = tpu.memref_slice %arg13[%dma_start3A_216] : memref<8x!tpu.dma_semaphore, #tpu.memory_space<semaphore_mem>> -> memref<1x!tpu.dma_semaphore, #tpu.memory_space<semaphore_mem>>
      %dma_start3A_228 = tpu.memref_squeeze %dma_start3A_227 : memref<1x!tpu.dma_semaphore, #tpu.memory_space<semaphore_mem>> -> memref<!tpu.dma_semaphore, #tpu.memory_space<semaphore_mem>>
      tpu.enqueue_indirect_dma source(%dma_start3A_220 : memref<125x32xf32, #tpu.memory_space<vmem>>) target(%dma_start3A_226 : memref<10240x32xf32, #tpu.memory_space<vmem_shared>>) offsets(%dma_start3A_223 : memref<125xi32, #tpu.memory_space<vmem>>) semaphore(%dma_start3A_228 : memref<!tpu.dma_semaphore, #tpu.memory_space<semaphore_mem>>) {add = true}
      %add3A_229 = arith.constant 4 : i32
      %add3A_230 = arith.addi %add3A_199, %add3A_229 : i32
      %lt3A = arith.constant 80 : i32
      %lt3A_231 = arith.cmpi slt, %add3A_230, %lt3A : i32
      %convert_element_type3A_232 = arith.extui %lt3A_231 : i1 to i32
      %cond3A_233 = arith.constant 0 : i32
      %cond3A_234 = arith.cmpi ne, %convert_element_type3A_232, %cond3A_233 : i32
      scf.if %cond3A_234 {
        %ge3A = arith.constant 4 : i32
        %ge3A_501 = arith.cmpi sge, %add3A_199, %ge3A : i32
        %convert_element_type3A_502 = arith.extui %ge3A_501 : i1 to i32
        %cond3A_503 = arith.constant 0 : i32
        %cond3A_504 = arith.cmpi ne, %convert_element_type3A_502, %cond3A_503 : i32
        scf.if %cond3A_504 {
          %dma_wait3A_519 = arith.constant 4 : i32
          %dma_wait3A_520 = arith.constant 0 : i32
          %dma_wait3A_521 = arith.constant 4 : i32
          %dma_wait3A_522 = arith.constant 0 : i32
          %dma_wait3A_523 = arith.constant 0 : i32
          %dma_wait3A_524 = tpu.memref_slice %arg9[%dma_wait3A_519, %dma_wait3A_522, %dma_wait3A_523] : memref<8x125x32xf32, #tpu.memory_space<vmem>> -> memref<1x125x32xf32, #tpu.memory_space<vmem>>
          %dma_wait3A_525 = tpu.memref_squeeze %dma_wait3A_524 : memref<1x125x32xf32, #tpu.memory_space<vmem>> -> memref<125x32xf32, #tpu.memory_space<vmem>>
          %dma_wait3A_526 = arith.constant 0 : i32
          %dma_wait3A_527 = tpu.memref_slice %arg8[%dma_wait3A_520, %dma_wait3A_526] : memref<80x125xi32, #tpu.memory_space<vmem>> -> memref<1x125xi32, #tpu.memory_space<vmem>>
          %dma_wait3A_528 = tpu.memref_squeeze %dma_wait3A_527 : memref<1x125xi32, #tpu.memory_space<vmem>> -> memref<125xi32, #tpu.memory_space<vmem>>
          %dma_wait3A_529 = arith.constant 0 : i32
          %dma_wait3A_530 = arith.constant 0 : i32
          %dma_wait3A_531 = tpu.memref_slice %arg10[%dma_wait3A_529, %dma_wait3A_530] : memref<10240x32xf32, #tpu.memory_space<vmem_shared>> -> memref<10240x32xf32, #tpu.memory_space<vmem_shared>>
          %dma_wait3A_532 = tpu.memref_slice %arg13[%dma_wait3A_521] : memref<8x!tpu.dma_semaphore, #tpu.memory_space<semaphore_mem>> -> memref<1x!tpu.dma_semaphore, #tpu.memory_space<semaphore_mem>>
          %dma_wait3A_533 = tpu.memref_squeeze %dma_wait3A_532 : memref<1x!tpu.dma_semaphore, #tpu.memory_space<semaphore_mem>> -> memref<!tpu.dma_semaphore, #tpu.memory_space<semaphore_mem>>
          tpu.wait_indirect_dma semaphore(%dma_wait3A_533 : memref<!tpu.dma_semaphore, #tpu.memory_space<semaphore_mem>>) src(%dma_wait3A_525 : memref<125x32xf32, #tpu.memory_space<vmem>>) dst(%dma_wait3A_531 : memref<10240x32xf32, #tpu.memory_space<vmem_shared>>)
        } else {
        }
        %dma_start3A_505 = arith.constant 4 : i32
        %dma_start3A_506 = arith.constant 4 : i32
        %dma_start3A_507 = arith.constant 0 : i32
        %dma_start3A_508 = arith.constant 0 : i32
        %dma_start3A_509 = tpu.memref_slice %arg9[%dma_start3A_505, %dma_start3A_507, %dma_start3A_508] : memref<8x125x32xf32, #tpu.memory_space<vmem>> -> memref<1x125x32xf32, #tpu.memory_space<vmem>>
        %dma_start3A_510 = tpu.memref_squeeze %dma_start3A_509 : memref<1x125x32xf32, #tpu.memory_space<vmem>> -> memref<125x32xf32, #tpu.memory_space<vmem>>
        %dma_start3A_511 = arith.constant 0 : i32
        %dma_start3A_512 = tpu.memref_slice %arg7[%add3A_230, %dma_start3A_511] : memref<80x125xi32, #tpu.memory_space<vmem>> -> memref<1x125xi32, #tpu.memory_space<vmem>>
        %dma_start3A_513 = tpu.memref_squeeze %dma_start3A_512 : memref<1x125xi32, #tpu.memory_space<vmem>> -> memref<125xi32, #tpu.memory_space<vmem>>
        %dma_start3A_514 = arith.constant 0 : i32
        %dma_start3A_515 = arith.constant 0 : i32
        %dma_start3A_516 = tpu.memref_slice %arg11[%dma_start3A_514, %dma_start3A_515] : memref<10240x32xf32, #tpu.memory_space<vmem_shared>> -> memref<10240x32xf32, #tpu.memory_space<vmem_shared>>
        %dma_start3A_517 = tpu.memref_slice %arg12[%dma_start3A_506] : memref<8x!tpu.dma_semaphore, #tpu.memory_space<semaphore_mem>> -> memref<1x!tpu.dma_semaphore, #tpu.memory_space<semaphore_mem>>
        %dma_start3A_518 = tpu.memref_squeeze %dma_start3A_517 : memref<1x!tpu.dma_semaphore, #tpu.memory_space<semaphore_mem>> -> memref<!tpu.dma_semaphore, #tpu.memory_space<semaphore_mem>>
        tpu.enqueue_indirect_dma source(%dma_start3A_516 : memref<10240x32xf32, #tpu.memory_space<vmem_shared>>) target(%dma_start3A_510 : memref<125x32xf32, #tpu.memory_space<vmem>>) offsets(%dma_start3A_513 : memref<125xi32, #tpu.memory_space<vmem>>) semaphore(%dma_start3A_518 : memref<!tpu.dma_semaphore, #tpu.memory_space<semaphore_mem>>)
      } else {
      }
      %add3A_235 = arith.constant 1 : i32
      %add3A_236 = arith.addi %mul3A_197, %add3A_235 : i32
      %dma_wait3A_237 = arith.constant 0 : i32
      %dma_wait3A_238 = arith.constant 1 : i32
      %dma_wait3A_239 = arith.constant 1 : i32
      %dma_wait3A_240 = arith.constant 0 : i32
      %dma_wait3A_241 = arith.constant 0 : i32
      %dma_wait3A_242 = tpu.memref_slice %arg9[%dma_wait3A_238, %dma_wait3A_240, %dma_wait3A_241] : memref<8x125x32xf32, #tpu.memory_space<vmem>> -> memref<1x125x32xf32, #tpu.memory_space<vmem>>
      %dma_wait3A_243 = tpu.memref_squeeze %dma_wait3A_242 : memref<1x125x32xf32, #tpu.memory_space<vmem>> -> memref<125x32xf32, #tpu.memory_space<vmem>>
      %dma_wait3A_244 = arith.constant 0 : i32
      %dma_wait3A_245 = tpu.memref_slice %arg7[%dma_wait3A_237, %dma_wait3A_244] : memref<80x125xi32, #tpu.memory_space<vmem>> -> memref<1x125xi32, #tpu.memory_space<vmem>>
      %dma_wait3A_246 = tpu.memref_squeeze %dma_wait3A_245 : memref<1x125xi32, #tpu.memory_space<vmem>> -> memref<125xi32, #tpu.memory_space<vmem>>
      %dma_wait3A_247 = arith.constant 0 : i32
      %dma_wait3A_248 = arith.constant 0 : i32
      %dma_wait3A_249 = tpu.memref_slice %arg11[%dma_wait3A_247, %dma_wait3A_248] : memref<10240x32xf32, #tpu.memory_space<vmem_shared>> -> memref<10240x32xf32, #tpu.memory_space<vmem_shared>>
      %dma_wait3A_250 = tpu.memref_slice %arg12[%dma_wait3A_239] : memref<8x!tpu.dma_semaphore, #tpu.memory_space<semaphore_mem>> -> memref<1x!tpu.dma_semaphore, #tpu.memory_space<semaphore_mem>>
      %dma_wait3A_251 = tpu.memref_squeeze %dma_wait3A_250 : memref<1x!tpu.dma_semaphore, #tpu.memory_space<semaphore_mem>> -> memref<!tpu.dma_semaphore, #tpu.memory_space<semaphore_mem>>
      tpu.wait_indirect_dma semaphore(%dma_wait3A_251 : memref<!tpu.dma_semaphore, #tpu.memory_space<semaphore_mem>>) src(%dma_wait3A_249 : memref<10240x32xf32, #tpu.memory_space<vmem_shared>>) dst(%dma_wait3A_243 : memref<125x32xf32, #tpu.memory_space<vmem>>)
      %dma_start3A_252 = arith.constant 1 : i32
      %dma_start3A_253 = arith.constant 1 : i32
      %dma_start3A_254 = arith.constant 0 : i32
      %dma_start3A_255 = arith.constant 0 : i32
      %dma_start3A_256 = tpu.memref_slice %arg9[%dma_start3A_252, %dma_start3A_254, %dma_start3A_255] : memref<8x125x32xf32, #tpu.memory_space<vmem>> -> memref<1x125x32xf32, #tpu.memory_space<vmem>>
      %dma_start3A_257 = tpu.memref_squeeze %dma_start3A_256 : memref<1x125x32xf32, #tpu.memory_space<vmem>> -> memref<125x32xf32, #tpu.memory_space<vmem>>
      %dma_start3A_258 = arith.constant 0 : i32
      %dma_start3A_259 = tpu.memref_slice %arg8[%add3A_236, %dma_start3A_258] : memref<80x125xi32, #tpu.memory_space<vmem>> -> memref<1x125xi32, #tpu.memory_space<vmem>>
      %dma_start3A_260 = tpu.memref_squeeze %dma_start3A_259 : memref<1x125xi32, #tpu.memory_space<vmem>> -> memref<125xi32, #tpu.memory_space<vmem>>
      %dma_start3A_261 = arith.constant 0 : i32
      %dma_start3A_262 = arith.constant 0 : i32
      %dma_start3A_263 = tpu.memref_slice %arg10[%dma_start3A_261, %dma_start3A_262] : memref<10240x32xf32, #tpu.memory_space<vmem_shared>> -> memref<10240x32xf32, #tpu.memory_space<vmem_shared>>
      %dma_start3A_264 = tpu.memref_slice %arg13[%dma_start3A_253] : memref<8x!tpu.dma_semaphore, #tpu.memory_space<semaphore_mem>> -> memref<1x!tpu.dma_semaphore, #tpu.memory_space<semaphore_mem>>
      %dma_start3A_265 = tpu.memref_squeeze %dma_start3A_264 : memref<1x!tpu.dma_semaphore, #tpu.memory_space<semaphore_mem>> -> memref<!tpu.dma_semaphore, #tpu.memory_space<semaphore_mem>>
      tpu.enqueue_indirect_dma source(%dma_start3A_257 : memref<125x32xf32, #tpu.memory_space<vmem>>) target(%dma_start3A_263 : memref<10240x32xf32, #tpu.memory_space<vmem_shared>>) offsets(%dma_start3A_260 : memref<125xi32, #tpu.memory_space<vmem>>) semaphore(%dma_start3A_265 : memref<!tpu.dma_semaphore, #tpu.memory_space<semaphore_mem>>) {add = true}
      %add3A_266 = arith.constant 4 : i32
      %add3A_267 = arith.addi %add3A_236, %add3A_266 : i32
      %lt3A_268 = arith.constant 80 : i32
      %lt3A_269 = arith.cmpi slt, %add3A_267, %lt3A_268 : i32
      %convert_element_type3A_270 = arith.extui %lt3A_269 : i1 to i32
      %cond3A_271 = arith.constant 0 : i32
      %cond3A_272 = arith.cmpi ne, %convert_element_type3A_270, %cond3A_271 : i32
      scf.if %cond3A_272 {
        %ge3A = arith.constant 4 : i32
        %ge3A_501 = arith.cmpi sge, %add3A_236, %ge3A : i32
        %convert_element_type3A_502 = arith.extui %ge3A_501 : i1 to i32
        %cond3A_503 = arith.constant 0 : i32
        %cond3A_504 = arith.cmpi ne, %convert_element_type3A_502, %cond3A_503 : i32
        scf.if %cond3A_504 {
          %dma_wait3A_519 = arith.constant 5 : i32
          %dma_wait3A_520 = arith.constant 0 : i32
          %dma_wait3A_521 = arith.constant 5 : i32
          %dma_wait3A_522 = arith.constant 0 : i32
          %dma_wait3A_523 = arith.constant 0 : i32
          %dma_wait3A_524 = tpu.memref_slice %arg9[%dma_wait3A_519, %dma_wait3A_522, %dma_wait3A_523] : memref<8x125x32xf32, #tpu.memory_space<vmem>> -> memref<1x125x32xf32, #tpu.memory_space<vmem>>
          %dma_wait3A_525 = tpu.memref_squeeze %dma_wait3A_524 : memref<1x125x32xf32, #tpu.memory_space<vmem>> -> memref<125x32xf32, #tpu.memory_space<vmem>>
          %dma_wait3A_526 = arith.constant 0 : i32
          %dma_wait3A_527 = tpu.memref_slice %arg8[%dma_wait3A_520, %dma_wait3A_526] : memref<80x125xi32, #tpu.memory_space<vmem>> -> memref<1x125xi32, #tpu.memory_space<vmem>>
          %dma_wait3A_528 = tpu.memref_squeeze %dma_wait3A_527 : memref<1x125xi32, #tpu.memory_space<vmem>> -> memref<125xi32, #tpu.memory_space<vmem>>
          %dma_wait3A_529 = arith.constant 0 : i32
          %dma_wait3A_530 = arith.constant 0 : i32
          %dma_wait3A_531 = tpu.memref_slice %arg10[%dma_wait3A_529, %dma_wait3A_530] : memref<10240x32xf32, #tpu.memory_space<vmem_shared>> -> memref<10240x32xf32, #tpu.memory_space<vmem_shared>>
          %dma_wait3A_532 = tpu.memref_slice %arg13[%dma_wait3A_521] : memref<8x!tpu.dma_semaphore, #tpu.memory_space<semaphore_mem>> -> memref<1x!tpu.dma_semaphore, #tpu.memory_space<semaphore_mem>>
          %dma_wait3A_533 = tpu.memref_squeeze %dma_wait3A_532 : memref<1x!tpu.dma_semaphore, #tpu.memory_space<semaphore_mem>> -> memref<!tpu.dma_semaphore, #tpu.memory_space<semaphore_mem>>
          tpu.wait_indirect_dma semaphore(%dma_wait3A_533 : memref<!tpu.dma_semaphore, #tpu.memory_space<semaphore_mem>>) src(%dma_wait3A_525 : memref<125x32xf32, #tpu.memory_space<vmem>>) dst(%dma_wait3A_531 : memref<10240x32xf32, #tpu.memory_space<vmem_shared>>)
        } else {
        }
        %dma_start3A_505 = arith.constant 5 : i32
        %dma_start3A_506 = arith.constant 5 : i32
        %dma_start3A_507 = arith.constant 0 : i32
        %dma_start3A_508 = arith.constant 0 : i32
        %dma_start3A_509 = tpu.memref_slice %arg9[%dma_start3A_505, %dma_start3A_507, %dma_start3A_508] : memref<8x125x32xf32, #tpu.memory_space<vmem>> -> memref<1x125x32xf32, #tpu.memory_space<vmem>>
        %dma_start3A_510 = tpu.memref_squeeze %dma_start3A_509 : memref<1x125x32xf32, #tpu.memory_space<vmem>> -> memref<125x32xf32, #tpu.memory_space<vmem>>
        %dma_start3A_511 = arith.constant 0 : i32
        %dma_start3A_512 = tpu.memref_slice %arg7[%add3A_267, %dma_start3A_511] : memref<80x125xi32, #tpu.memory_space<vmem>> -> memref<1x125xi32, #tpu.memory_space<vmem>>
        %dma_start3A_513 = tpu.memref_squeeze %dma_start3A_512 : memref<1x125xi32, #tpu.memory_space<vmem>> -> memref<125xi32, #tpu.memory_space<vmem>>
        %dma_start3A_514 = arith.constant 0 : i32
        %dma_start3A_515 = arith.constant 0 : i32
        %dma_start3A_516 = tpu.memref_slice %arg11[%dma_start3A_514, %dma_start3A_515] : memref<10240x32xf32, #tpu.memory_space<vmem_shared>> -> memref<10240x32xf32, #tpu.memory_space<vmem_shared>>
        %dma_start3A_517 = tpu.memref_slice %arg12[%dma_start3A_506] : memref<8x!tpu.dma_semaphore, #tpu.memory_space<semaphore_mem>> -> memref<1x!tpu.dma_semaphore, #tpu.memory_space<semaphore_mem>>
        %dma_start3A_518 = tpu.memref_squeeze %dma_start3A_517 : memref<1x!tpu.dma_semaphore, #tpu.memory_space<semaphore_mem>> -> memref<!tpu.dma_semaphore, #tpu.memory_space<semaphore_mem>>
        tpu.enqueue_indirect_dma source(%dma_start3A_516 : memref<10240x32xf32, #tpu.memory_space<vmem_shared>>) target(%dma_start3A_510 : memref<125x32xf32, #tpu.memory_space<vmem>>) offsets(%dma_start3A_513 : memref<125xi32, #tpu.memory_space<vmem>>) semaphore(%dma_start3A_518 : memref<!tpu.dma_semaphore, #tpu.memory_space<semaphore_mem>>)
      } else {
      }
      %add3A_273 = arith.constant 2 : i32
      %add3A_274 = arith.addi %mul3A_197, %add3A_273 : i32
      %dma_wait3A_275 = arith.constant 0 : i32
      %dma_wait3A_276 = arith.constant 2 : i32
      %dma_wait3A_277 = arith.constant 2 : i32
      %dma_wait3A_278 = arith.constant 0 : i32
      %dma_wait3A_279 = arith.constant 0 : i32
      %dma_wait3A_280 = tpu.memref_slice %arg9[%dma_wait3A_276, %dma_wait3A_278, %dma_wait3A_279] : memref<8x125x32xf32, #tpu.memory_space<vmem>> -> memref<1x125x32xf32, #tpu.memory_space<vmem>>
      %dma_wait3A_281 = tpu.memref_squeeze %dma_wait3A_280 : memref<1x125x32xf32, #tpu.memory_space<vmem>> -> memref<125x32xf32, #tpu.memory_space<vmem>>
      %dma_wait3A_282 = arith.constant 0 : i32
      %dma_wait3A_283 = tpu.memref_slice %arg7[%dma_wait3A_275, %dma_wait3A_282] : memref<80x125xi32, #tpu.memory_space<vmem>> -> memref<1x125xi32, #tpu.memory_space<vmem>>
      %dma_wait3A_284 = tpu.memref_squeeze %dma_wait3A_283 : memref<1x125xi32, #tpu.memory_space<vmem>> -> memref<125xi32, #tpu.memory_space<vmem>>
      %dma_wait3A_285 = arith.constant 0 : i32
      %dma_wait3A_286 = arith.constant 0 : i32
      %dma_wait3A_287 = tpu.memref_slice %arg11[%dma_wait3A_285, %dma_wait3A_286] : memref<10240x32xf32, #tpu.memory_space<vmem_shared>> -> memref<10240x32xf32, #tpu.memory_space<vmem_shared>>
      %dma_wait3A_288 = tpu.memref_slice %arg12[%dma_wait3A_277] : memref<8x!tpu.dma_semaphore, #tpu.memory_space<semaphore_mem>> -> memref<1x!tpu.dma_semaphore, #tpu.memory_space<semaphore_mem>>
      %dma_wait3A_289 = tpu.memref_squeeze %dma_wait3A_288 : memref<1x!tpu.dma_semaphore, #tpu.memory_space<semaphore_mem>> -> memref<!tpu.dma_semaphore, #tpu.memory_space<semaphore_mem>>
      tpu.wait_indirect_dma semaphore(%dma_wait3A_289 : memref<!tpu.dma_semaphore, #tpu.memory_space<semaphore_mem>>) src(%dma_wait3A_287 : memref<10240x32xf32, #tpu.memory_space<vmem_shared>>) dst(%dma_wait3A_281 : memref<125x32xf32, #tpu.memory_space<vmem>>)
      %dma_start3A_290 = arith.constant 2 : i32
      %dma_start3A_291 = arith.constant 2 : i32
      %dma_start3A_292 = arith.constant 0 : i32
      %dma_start3A_293 = arith.constant 0 : i32
      %dma_start3A_294 = tpu.memref_slice %arg9[%dma_start3A_290, %dma_start3A_292, %dma_start3A_293] : memref<8x125x32xf32, #tpu.memory_space<vmem>> -> memref<1x125x32xf32, #tpu.memory_space<vmem>>
      %dma_start3A_295 = tpu.memref_squeeze %dma_start3A_294 : memref<1x125x32xf32, #tpu.memory_space<vmem>> -> memref<125x32xf32, #tpu.memory_space<vmem>>
      %dma_start3A_296 = arith.constant 0 : i32
      %dma_start3A_297 = tpu.memref_slice %arg8[%add3A_274, %dma_start3A_296] : memref<80x125xi32, #tpu.memory_space<vmem>> -> memref<1x125xi32, #tpu.memory_space<vmem>>
      %dma_start3A_298 = tpu.memref_squeeze %dma_start3A_297 : memref<1x125xi32, #tpu.memory_space<vmem>> -> memref<125xi32, #tpu.memory_space<vmem>>
      %dma_start3A_299 = arith.constant 0 : i32
      %dma_start3A_300 = arith.constant 0 : i32
      %dma_start3A_301 = tpu.memref_slice %arg10[%dma_start3A_299, %dma_start3A_300] : memref<10240x32xf32, #tpu.memory_space<vmem_shared>> -> memref<10240x32xf32, #tpu.memory_space<vmem_shared>>
      %dma_start3A_302 = tpu.memref_slice %arg13[%dma_start3A_291] : memref<8x!tpu.dma_semaphore, #tpu.memory_space<semaphore_mem>> -> memref<1x!tpu.dma_semaphore, #tpu.memory_space<semaphore_mem>>
      %dma_start3A_303 = tpu.memref_squeeze %dma_start3A_302 : memref<1x!tpu.dma_semaphore, #tpu.memory_space<semaphore_mem>> -> memref<!tpu.dma_semaphore, #tpu.memory_space<semaphore_mem>>
      tpu.enqueue_indirect_dma source(%dma_start3A_295 : memref<125x32xf32, #tpu.memory_space<vmem>>) target(%dma_start3A_301 : memref<10240x32xf32, #tpu.memory_space<vmem_shared>>) offsets(%dma_start3A_298 : memref<125xi32, #tpu.memory_space<vmem>>) semaphore(%dma_start3A_303 : memref<!tpu.dma_semaphore, #tpu.memory_space<semaphore_mem>>) {add = true}
      %add3A_304 = arith.constant 4 : i32
      %add3A_305 = arith.addi %add3A_274, %add3A_304 : i32
      %lt3A_306 = arith.constant 80 : i32
      %lt3A_307 = arith.cmpi slt, %add3A_305, %lt3A_306 : i32
      %convert_element_type3A_308 = arith.extui %lt3A_307 : i1 to i32
      %cond3A_309 = arith.constant 0 : i32
      %cond3A_310 = arith.cmpi ne, %convert_element_type3A_308, %cond3A_309 : i32
      scf.if %cond3A_310 {
        %ge3A = arith.constant 4 : i32
        %ge3A_501 = arith.cmpi sge, %add3A_274, %ge3A : i32
        %convert_element_type3A_502 = arith.extui %ge3A_501 : i1 to i32
        %cond3A_503 = arith.constant 0 : i32
        %cond3A_504 = arith.cmpi ne, %convert_element_type3A_502, %cond3A_503 : i32
        scf.if %cond3A_504 {
          %dma_wait3A_519 = arith.constant 6 : i32
          %dma_wait3A_520 = arith.constant 0 : i32
          %dma_wait3A_521 = arith.constant 6 : i32
          %dma_wait3A_522 = arith.constant 0 : i32
          %dma_wait3A_523 = arith.constant 0 : i32
          %dma_wait3A_524 = tpu.memref_slice %arg9[%dma_wait3A_519, %dma_wait3A_522, %dma_wait3A_523] : memref<8x125x32xf32, #tpu.memory_space<vmem>> -> memref<1x125x32xf32, #tpu.memory_space<vmem>>
          %dma_wait3A_525 = tpu.memref_squeeze %dma_wait3A_524 : memref<1x125x32xf32, #tpu.memory_space<vmem>> -> memref<125x32xf32, #tpu.memory_space<vmem>>
          %dma_wait3A_526 = arith.constant 0 : i32
          %dma_wait3A_527 = tpu.memref_slice %arg8[%dma_wait3A_520, %dma_wait3A_526] : memref<80x125xi32, #tpu.memory_space<vmem>> -> memref<1x125xi32, #tpu.memory_space<vmem>>
          %dma_wait3A_528 = tpu.memref_squeeze %dma_wait3A_527 : memref<1x125xi32, #tpu.memory_space<vmem>> -> memref<125xi32, #tpu.memory_space<vmem>>
          %dma_wait3A_529 = arith.constant 0 : i32
          %dma_wait3A_530 = arith.constant 0 : i32
          %dma_wait3A_531 = tpu.memref_slice %arg10[%dma_wait3A_529, %dma_wait3A_530] : memref<10240x32xf32, #tpu.memory_space<vmem_shared>> -> memref<10240x32xf32, #tpu.memory_space<vmem_shared>>
          %dma_wait3A_532 = tpu.memref_slice %arg13[%dma_wait3A_521] : memref<8x!tpu.dma_semaphore, #tpu.memory_space<semaphore_mem>> -> memref<1x!tpu.dma_semaphore, #tpu.memory_space<semaphore_mem>>
          %dma_wait3A_533 = tpu.memref_squeeze %dma_wait3A_532 : memref<1x!tpu.dma_semaphore, #tpu.memory_space<semaphore_mem>> -> memref<!tpu.dma_semaphore, #tpu.memory_space<semaphore_mem>>
          tpu.wait_indirect_dma semaphore(%dma_wait3A_533 : memref<!tpu.dma_semaphore, #tpu.memory_space<semaphore_mem>>) src(%dma_wait3A_525 : memref<125x32xf32, #tpu.memory_space<vmem>>) dst(%dma_wait3A_531 : memref<10240x32xf32, #tpu.memory_space<vmem_shared>>)
        } else {
        }
        %dma_start3A_505 = arith.constant 6 : i32
        %dma_start3A_506 = arith.constant 6 : i32
        %dma_start3A_507 = arith.constant 0 : i32
        %dma_start3A_508 = arith.constant 0 : i32
        %dma_start3A_509 = tpu.memref_slice %arg9[%dma_start3A_505, %dma_start3A_507, %dma_start3A_508] : memref<8x125x32xf32, #tpu.memory_space<vmem>> -> memref<1x125x32xf32, #tpu.memory_space<vmem>>
        %dma_start3A_510 = tpu.memref_squeeze %dma_start3A_509 : memref<1x125x32xf32, #tpu.memory_space<vmem>> -> memref<125x32xf32, #tpu.memory_space<vmem>>
        %dma_start3A_511 = arith.constant 0 : i32
        %dma_start3A_512 = tpu.memref_slice %arg7[%add3A_305, %dma_start3A_511] : memref<80x125xi32, #tpu.memory_space<vmem>> -> memref<1x125xi32, #tpu.memory_space<vmem>>
        %dma_start3A_513 = tpu.memref_squeeze %dma_start3A_512 : memref<1x125xi32, #tpu.memory_space<vmem>> -> memref<125xi32, #tpu.memory_space<vmem>>
        %dma_start3A_514 = arith.constant 0 : i32
        %dma_start3A_515 = arith.constant 0 : i32
        %dma_start3A_516 = tpu.memref_slice %arg11[%dma_start3A_514, %dma_start3A_515] : memref<10240x32xf32, #tpu.memory_space<vmem_shared>> -> memref<10240x32xf32, #tpu.memory_space<vmem_shared>>
        %dma_start3A_517 = tpu.memref_slice %arg12[%dma_start3A_506] : memref<8x!tpu.dma_semaphore, #tpu.memory_space<semaphore_mem>> -> memref<1x!tpu.dma_semaphore, #tpu.memory_space<semaphore_mem>>
        %dma_start3A_518 = tpu.memref_squeeze %dma_start3A_517 : memref<1x!tpu.dma_semaphore, #tpu.memory_space<semaphore_mem>> -> memref<!tpu.dma_semaphore, #tpu.memory_space<semaphore_mem>>
        tpu.enqueue_indirect_dma source(%dma_start3A_516 : memref<10240x32xf32, #tpu.memory_space<vmem_shared>>) target(%dma_start3A_510 : memref<125x32xf32, #tpu.memory_space<vmem>>) offsets(%dma_start3A_513 : memref<125xi32, #tpu.memory_space<vmem>>) semaphore(%dma_start3A_518 : memref<!tpu.dma_semaphore, #tpu.memory_space<semaphore_mem>>)
      } else {
      }
      %add3A_311 = arith.constant 3 : i32
      %add3A_312 = arith.addi %mul3A_197, %add3A_311 : i32
      %dma_wait3A_313 = arith.constant 0 : i32
      %dma_wait3A_314 = arith.constant 3 : i32
      %dma_wait3A_315 = arith.constant 3 : i32
      %dma_wait3A_316 = arith.constant 0 : i32
      %dma_wait3A_317 = arith.constant 0 : i32
      %dma_wait3A_318 = tpu.memref_slice %arg9[%dma_wait3A_314, %dma_wait3A_316, %dma_wait3A_317] : memref<8x125x32xf32, #tpu.memory_space<vmem>> -> memref<1x125x32xf32, #tpu.memory_space<vmem>>
      %dma_wait3A_319 = tpu.memref_squeeze %dma_wait3A_318 : memref<1x125x32xf32, #tpu.memory_space<vmem>> -> memref<125x32xf32, #tpu.memory_space<vmem>>
      %dma_wait3A_320 = arith.constant 0 : i32
      %dma_wait3A_321 = tpu.memref_slice %arg7[%dma_wait3A_313, %dma_wait3A_320] : memref<80x125xi32, #tpu.memory_space<vmem>> -> memref<1x125xi32, #tpu.memory_space<vmem>>
      %dma_wait3A_322 = tpu.memref_squeeze %dma_wait3A_321 : memref<1x125xi32, #tpu.memory_space<vmem>> -> memref<125xi32, #tpu.memory_space<vmem>>
      %dma_wait3A_323 = arith.constant 0 : i32
      %dma_wait3A_324 = arith.constant 0 : i32
      %dma_wait3A_325 = tpu.memref_slice %arg11[%dma_wait3A_323, %dma_wait3A_324] : memref<10240x32xf32, #tpu.memory_space<vmem_shared>> -> memref<10240x32xf32, #tpu.memory_space<vmem_shared>>
      %dma_wait3A_326 = tpu.memref_slice %arg12[%dma_wait3A_315] : memref<8x!tpu.dma_semaphore, #tpu.memory_space<semaphore_mem>> -> memref<1x!tpu.dma_semaphore, #tpu.memory_space<semaphore_mem>>
      %dma_wait3A_327 = tpu.memref_squeeze %dma_wait3A_326 : memref<1x!tpu.dma_semaphore, #tpu.memory_space<semaphore_mem>> -> memref<!tpu.dma_semaphore, #tpu.memory_space<semaphore_mem>>
      tpu.wait_indirect_dma semaphore(%dma_wait3A_327 : memref<!tpu.dma_semaphore, #tpu.memory_space<semaphore_mem>>) src(%dma_wait3A_325 : memref<10240x32xf32, #tpu.memory_space<vmem_shared>>) dst(%dma_wait3A_319 : memref<125x32xf32, #tpu.memory_space<vmem>>)
      %dma_start3A_328 = arith.constant 3 : i32
      %dma_start3A_329 = arith.constant 3 : i32
      %dma_start3A_330 = arith.constant 0 : i32
      %dma_start3A_331 = arith.constant 0 : i32
      %dma_start3A_332 = tpu.memref_slice %arg9[%dma_start3A_328, %dma_start3A_330, %dma_start3A_331] : memref<8x125x32xf32, #tpu.memory_space<vmem>> -> memref<1x125x32xf32, #tpu.memory_space<vmem>>
      %dma_start3A_333 = tpu.memref_squeeze %dma_start3A_332 : memref<1x125x32xf32, #tpu.memory_space<vmem>> -> memref<125x32xf32, #tpu.memory_space<vmem>>
      %dma_start3A_334 = arith.constant 0 : i32
      %dma_start3A_335 = tpu.memref_slice %arg8[%add3A_312, %dma_start3A_334] : memref<80x125xi32, #tpu.memory_space<vmem>> -> memref<1x125xi32, #tpu.memory_space<vmem>>
      %dma_start3A_336 = tpu.memref_squeeze %dma_start3A_335 : memref<1x125xi32, #tpu.memory_space<vmem>> -> memref<125xi32, #tpu.memory_space<vmem>>
      %dma_start3A_337 = arith.constant 0 : i32
      %dma_start3A_338 = arith.constant 0 : i32
      %dma_start3A_339 = tpu.memref_slice %arg10[%dma_start3A_337, %dma_start3A_338] : memref<10240x32xf32, #tpu.memory_space<vmem_shared>> -> memref<10240x32xf32, #tpu.memory_space<vmem_shared>>
      %dma_start3A_340 = tpu.memref_slice %arg13[%dma_start3A_329] : memref<8x!tpu.dma_semaphore, #tpu.memory_space<semaphore_mem>> -> memref<1x!tpu.dma_semaphore, #tpu.memory_space<semaphore_mem>>
      %dma_start3A_341 = tpu.memref_squeeze %dma_start3A_340 : memref<1x!tpu.dma_semaphore, #tpu.memory_space<semaphore_mem>> -> memref<!tpu.dma_semaphore, #tpu.memory_space<semaphore_mem>>
      tpu.enqueue_indirect_dma source(%dma_start3A_333 : memref<125x32xf32, #tpu.memory_space<vmem>>) target(%dma_start3A_339 : memref<10240x32xf32, #tpu.memory_space<vmem_shared>>) offsets(%dma_start3A_336 : memref<125xi32, #tpu.memory_space<vmem>>) semaphore(%dma_start3A_341 : memref<!tpu.dma_semaphore, #tpu.memory_space<semaphore_mem>>) {add = true}
      %add3A_342 = arith.constant 4 : i32
      %add3A_343 = arith.addi %add3A_312, %add3A_342 : i32
      %lt3A_344 = arith.constant 80 : i32
      %lt3A_345 = arith.cmpi slt, %add3A_343, %lt3A_344 : i32
      %convert_element_type3A_346 = arith.extui %lt3A_345 : i1 to i32
      %cond3A_347 = arith.constant 0 : i32
      %cond3A_348 = arith.cmpi ne, %convert_element_type3A_346, %cond3A_347 : i32
      scf.if %cond3A_348 {
        %ge3A = arith.constant 4 : i32
        %ge3A_501 = arith.cmpi sge, %add3A_312, %ge3A : i32
        %convert_element_type3A_502 = arith.extui %ge3A_501 : i1 to i32
        %cond3A_503 = arith.constant 0 : i32
        %cond3A_504 = arith.cmpi ne, %convert_element_type3A_502, %cond3A_503 : i32
        scf.if %cond3A_504 {
          %dma_wait3A_519 = arith.constant 7 : i32
          %dma_wait3A_520 = arith.constant 0 : i32
          %dma_wait3A_521 = arith.constant 7 : i32
          %dma_wait3A_522 = arith.constant 0 : i32
          %dma_wait3A_523 = arith.constant 0 : i32
          %dma_wait3A_524 = tpu.memref_slice %arg9[%dma_wait3A_519, %dma_wait3A_522, %dma_wait3A_523] : memref<8x125x32xf32, #tpu.memory_space<vmem>> -> memref<1x125x32xf32, #tpu.memory_space<vmem>>
          %dma_wait3A_525 = tpu.memref_squeeze %dma_wait3A_524 : memref<1x125x32xf32, #tpu.memory_space<vmem>> -> memref<125x32xf32, #tpu.memory_space<vmem>>
          %dma_wait3A_526 = arith.constant 0 : i32
          %dma_wait3A_527 = tpu.memref_slice %arg8[%dma_wait3A_520, %dma_wait3A_526] : memref<80x125xi32, #tpu.memory_space<vmem>> -> memref<1x125xi32, #tpu.memory_space<vmem>>
          %dma_wait3A_528 = tpu.memref_squeeze %dma_wait3A_527 : memref<1x125xi32, #tpu.memory_space<vmem>> -> memref<125xi32, #tpu.memory_space<vmem>>
          %dma_wait3A_529 = arith.constant 0 : i32
          %dma_wait3A_530 = arith.constant 0 : i32
          %dma_wait3A_531 = tpu.memref_slice %arg10[%dma_wait3A_529, %dma_wait3A_530] : memref<10240x32xf32, #tpu.memory_space<vmem_shared>> -> memref<10240x32xf32, #tpu.memory_space<vmem_shared>>
          %dma_wait3A_532 = tpu.memref_slice %arg13[%dma_wait3A_521] : memref<8x!tpu.dma_semaphore, #tpu.memory_space<semaphore_mem>> -> memref<1x!tpu.dma_semaphore, #tpu.memory_space<semaphore_mem>>
          %dma_wait3A_533 = tpu.memref_squeeze %dma_wait3A_532 : memref<1x!tpu.dma_semaphore, #tpu.memory_space<semaphore_mem>> -> memref<!tpu.dma_semaphore, #tpu.memory_space<semaphore_mem>>
          tpu.wait_indirect_dma semaphore(%dma_wait3A_533 : memref<!tpu.dma_semaphore, #tpu.memory_space<semaphore_mem>>) src(%dma_wait3A_525 : memref<125x32xf32, #tpu.memory_space<vmem>>) dst(%dma_wait3A_531 : memref<10240x32xf32, #tpu.memory_space<vmem_shared>>)
        } else {
        }
        %dma_start3A_505 = arith.constant 7 : i32
        %dma_start3A_506 = arith.constant 7 : i32
        %dma_start3A_507 = arith.constant 0 : i32
        %dma_start3A_508 = arith.constant 0 : i32
        %dma_start3A_509 = tpu.memref_slice %arg9[%dma_start3A_505, %dma_start3A_507, %dma_start3A_508] : memref<8x125x32xf32, #tpu.memory_space<vmem>> -> memref<1x125x32xf32, #tpu.memory_space<vmem>>
        %dma_start3A_510 = tpu.memref_squeeze %dma_start3A_509 : memref<1x125x32xf32, #tpu.memory_space<vmem>> -> memref<125x32xf32, #tpu.memory_space<vmem>>
        %dma_start3A_511 = arith.constant 0 : i32
        %dma_start3A_512 = tpu.memref_slice %arg7[%add3A_343, %dma_start3A_511] : memref<80x125xi32, #tpu.memory_space<vmem>> -> memref<1x125xi32, #tpu.memory_space<vmem>>
        %dma_start3A_513 = tpu.memref_squeeze %dma_start3A_512 : memref<1x125xi32, #tpu.memory_space<vmem>> -> memref<125xi32, #tpu.memory_space<vmem>>
        %dma_start3A_514 = arith.constant 0 : i32
        %dma_start3A_515 = arith.constant 0 : i32
        %dma_start3A_516 = tpu.memref_slice %arg11[%dma_start3A_514, %dma_start3A_515] : memref<10240x32xf32, #tpu.memory_space<vmem_shared>> -> memref<10240x32xf32, #tpu.memory_space<vmem_shared>>
        %dma_start3A_517 = tpu.memref_slice %arg12[%dma_start3A_506] : memref<8x!tpu.dma_semaphore, #tpu.memory_space<semaphore_mem>> -> memref<1x!tpu.dma_semaphore, #tpu.memory_space<semaphore_mem>>
        %dma_start3A_518 = tpu.memref_squeeze %dma_start3A_517 : memref<1x!tpu.dma_semaphore, #tpu.memory_space<semaphore_mem>> -> memref<!tpu.dma_semaphore, #tpu.memory_space<semaphore_mem>>
        tpu.enqueue_indirect_dma source(%dma_start3A_516 : memref<10240x32xf32, #tpu.memory_space<vmem_shared>>) target(%dma_start3A_510 : memref<125x32xf32, #tpu.memory_space<vmem>>) offsets(%dma_start3A_513 : memref<125xi32, #tpu.memory_space<vmem>>) semaphore(%dma_start3A_518 : memref<!tpu.dma_semaphore, #tpu.memory_space<semaphore_mem>>)
      } else {
      }
      %add3A_349 = arith.constant 4 : i32
      %add3A_350 = arith.addi %mul3A_197, %add3A_349 : i32
      %dma_wait3A_351 = arith.constant 0 : i32
      %dma_wait3A_352 = arith.constant 4 : i32
      %dma_wait3A_353 = arith.constant 4 : i32
      %dma_wait3A_354 = arith.constant 0 : i32
      %dma_wait3A_355 = arith.constant 0 : i32
      %dma_wait3A_356 = tpu.memref_slice %arg9[%dma_wait3A_352, %dma_wait3A_354, %dma_wait3A_355] : memref<8x125x32xf32, #tpu.memory_space<vmem>> -> memref<1x125x32xf32, #tpu.memory_space<vmem>>
      %dma_wait3A_357 = tpu.memref_squeeze %dma_wait3A_356 : memref<1x125x32xf32, #tpu.memory_space<vmem>> -> memref<125x32xf32, #tpu.memory_space<vmem>>
      %dma_wait3A_358 = arith.constant 0 : i32
      %dma_wait3A_359 = tpu.memref_slice %arg7[%dma_wait3A_351, %dma_wait3A_358] : memref<80x125xi32, #tpu.memory_space<vmem>> -> memref<1x125xi32, #tpu.memory_space<vmem>>
      %dma_wait3A_360 = tpu.memref_squeeze %dma_wait3A_359 : memref<1x125xi32, #tpu.memory_space<vmem>> -> memref<125xi32, #tpu.memory_space<vmem>>
      %dma_wait3A_361 = arith.constant 0 : i32
      %dma_wait3A_362 = arith.constant 0 : i32
      %dma_wait3A_363 = tpu.memref_slice %arg11[%dma_wait3A_361, %dma_wait3A_362] : memref<10240x32xf32, #tpu.memory_space<vmem_shared>> -> memref<10240x32xf32, #tpu.memory_space<vmem_shared>>
      %dma_wait3A_364 = tpu.memref_slice %arg12[%dma_wait3A_353] : memref<8x!tpu.dma_semaphore, #tpu.memory_space<semaphore_mem>> -> memref<1x!tpu.dma_semaphore, #tpu.memory_space<semaphore_mem>>
      %dma_wait3A_365 = tpu.memref_squeeze %dma_wait3A_364 : memref<1x!tpu.dma_semaphore, #tpu.memory_space<semaphore_mem>> -> memref<!tpu.dma_semaphore, #tpu.memory_space<semaphore_mem>>
      tpu.wait_indirect_dma semaphore(%dma_wait3A_365 : memref<!tpu.dma_semaphore, #tpu.memory_space<semaphore_mem>>) src(%dma_wait3A_363 : memref<10240x32xf32, #tpu.memory_space<vmem_shared>>) dst(%dma_wait3A_357 : memref<125x32xf32, #tpu.memory_space<vmem>>)
      %dma_start3A_366 = arith.constant 4 : i32
      %dma_start3A_367 = arith.constant 4 : i32
      %dma_start3A_368 = arith.constant 0 : i32
      %dma_start3A_369 = arith.constant 0 : i32
      %dma_start3A_370 = tpu.memref_slice %arg9[%dma_start3A_366, %dma_start3A_368, %dma_start3A_369] : memref<8x125x32xf32, #tpu.memory_space<vmem>> -> memref<1x125x32xf32, #tpu.memory_space<vmem>>
      %dma_start3A_371 = tpu.memref_squeeze %dma_start3A_370 : memref<1x125x32xf32, #tpu.memory_space<vmem>> -> memref<125x32xf32, #tpu.memory_space<vmem>>
      %dma_start3A_372 = arith.constant 0 : i32
      %dma_start3A_373 = tpu.memref_slice %arg8[%add3A_350, %dma_start3A_372] : memref<80x125xi32, #tpu.memory_space<vmem>> -> memref<1x125xi32, #tpu.memory_space<vmem>>
      %dma_start3A_374 = tpu.memref_squeeze %dma_start3A_373 : memref<1x125xi32, #tpu.memory_space<vmem>> -> memref<125xi32, #tpu.memory_space<vmem>>
      %dma_start3A_375 = arith.constant 0 : i32
      %dma_start3A_376 = arith.constant 0 : i32
      %dma_start3A_377 = tpu.memref_slice %arg10[%dma_start3A_375, %dma_start3A_376] : memref<10240x32xf32, #tpu.memory_space<vmem_shared>> -> memref<10240x32xf32, #tpu.memory_space<vmem_shared>>
      %dma_start3A_378 = tpu.memref_slice %arg13[%dma_start3A_367] : memref<8x!tpu.dma_semaphore, #tpu.memory_space<semaphore_mem>> -> memref<1x!tpu.dma_semaphore, #tpu.memory_space<semaphore_mem>>
      %dma_start3A_379 = tpu.memref_squeeze %dma_start3A_378 : memref<1x!tpu.dma_semaphore, #tpu.memory_space<semaphore_mem>> -> memref<!tpu.dma_semaphore, #tpu.memory_space<semaphore_mem>>
      tpu.enqueue_indirect_dma source(%dma_start3A_371 : memref<125x32xf32, #tpu.memory_space<vmem>>) target(%dma_start3A_377 : memref<10240x32xf32, #tpu.memory_space<vmem_shared>>) offsets(%dma_start3A_374 : memref<125xi32, #tpu.memory_space<vmem>>) semaphore(%dma_start3A_379 : memref<!tpu.dma_semaphore, #tpu.memory_space<semaphore_mem>>) {add = true}
      %add3A_380 = arith.constant 4 : i32
      %add3A_381 = arith.addi %add3A_350, %add3A_380 : i32
      %lt3A_382 = arith.constant 80 : i32
      %lt3A_383 = arith.cmpi slt, %add3A_381, %lt3A_382 : i32
      %convert_element_type3A_384 = arith.extui %lt3A_383 : i1 to i32
      %cond3A_385 = arith.constant 0 : i32
      %cond3A_386 = arith.cmpi ne, %convert_element_type3A_384, %cond3A_385 : i32
      scf.if %cond3A_386 {
        %ge3A = arith.constant 4 : i32
        %ge3A_501 = arith.cmpi sge, %add3A_350, %ge3A : i32
        %convert_element_type3A_502 = arith.extui %ge3A_501 : i1 to i32
        %cond3A_503 = arith.constant 0 : i32
        %cond3A_504 = arith.cmpi ne, %convert_element_type3A_502, %cond3A_503 : i32
        scf.if %cond3A_504 {
          %dma_wait3A_519 = arith.constant 0 : i32
          %dma_wait3A_520 = arith.constant 0 : i32
          %dma_wait3A_521 = arith.constant 0 : i32
          %dma_wait3A_522 = arith.constant 0 : i32
          %dma_wait3A_523 = arith.constant 0 : i32
          %dma_wait3A_524 = tpu.memref_slice %arg9[%dma_wait3A_519, %dma_wait3A_522, %dma_wait3A_523] : memref<8x125x32xf32, #tpu.memory_space<vmem>> -> memref<1x125x32xf32, #tpu.memory_space<vmem>>
          %dma_wait3A_525 = tpu.memref_squeeze %dma_wait3A_524 : memref<1x125x32xf32, #tpu.memory_space<vmem>> -> memref<125x32xf32, #tpu.memory_space<vmem>>
          %dma_wait3A_526 = arith.constant 0 : i32
          %dma_wait3A_527 = tpu.memref_slice %arg8[%dma_wait3A_520, %dma_wait3A_526] : memref<80x125xi32, #tpu.memory_space<vmem>> -> memref<1x125xi32, #tpu.memory_space<vmem>>
          %dma_wait3A_528 = tpu.memref_squeeze %dma_wait3A_527 : memref<1x125xi32, #tpu.memory_space<vmem>> -> memref<125xi32, #tpu.memory_space<vmem>>
          %dma_wait3A_529 = arith.constant 0 : i32
          %dma_wait3A_530 = arith.constant 0 : i32
          %dma_wait3A_531 = tpu.memref_slice %arg10[%dma_wait3A_529, %dma_wait3A_530] : memref<10240x32xf32, #tpu.memory_space<vmem_shared>> -> memref<10240x32xf32, #tpu.memory_space<vmem_shared>>
          %dma_wait3A_532 = tpu.memref_slice %arg13[%dma_wait3A_521] : memref<8x!tpu.dma_semaphore, #tpu.memory_space<semaphore_mem>> -> memref<1x!tpu.dma_semaphore, #tpu.memory_space<semaphore_mem>>
          %dma_wait3A_533 = tpu.memref_squeeze %dma_wait3A_532 : memref<1x!tpu.dma_semaphore, #tpu.memory_space<semaphore_mem>> -> memref<!tpu.dma_semaphore, #tpu.memory_space<semaphore_mem>>
          tpu.wait_indirect_dma semaphore(%dma_wait3A_533 : memref<!tpu.dma_semaphore, #tpu.memory_space<semaphore_mem>>) src(%dma_wait3A_525 : memref<125x32xf32, #tpu.memory_space<vmem>>) dst(%dma_wait3A_531 : memref<10240x32xf32, #tpu.memory_space<vmem_shared>>)
        } else {
        }
        %dma_start3A_505 = arith.constant 0 : i32
        %dma_start3A_506 = arith.constant 0 : i32
        %dma_start3A_507 = arith.constant 0 : i32
        %dma_start3A_508 = arith.constant 0 : i32
        %dma_start3A_509 = tpu.memref_slice %arg9[%dma_start3A_505, %dma_start3A_507, %dma_start3A_508] : memref<8x125x32xf32, #tpu.memory_space<vmem>> -> memref<1x125x32xf32, #tpu.memory_space<vmem>>
        %dma_start3A_510 = tpu.memref_squeeze %dma_start3A_509 : memref<1x125x32xf32, #tpu.memory_space<vmem>> -> memref<125x32xf32, #tpu.memory_space<vmem>>
        %dma_start3A_511 = arith.constant 0 : i32
        %dma_start3A_512 = tpu.memref_slice %arg7[%add3A_381, %dma_start3A_511] : memref<80x125xi32, #tpu.memory_space<vmem>> -> memref<1x125xi32, #tpu.memory_space<vmem>>
        %dma_start3A_513 = tpu.memref_squeeze %dma_start3A_512 : memref<1x125xi32, #tpu.memory_space<vmem>> -> memref<125xi32, #tpu.memory_space<vmem>>
        %dma_start3A_514 = arith.constant 0 : i32
        %dma_start3A_515 = arith.constant 0 : i32
        %dma_start3A_516 = tpu.memref_slice %arg11[%dma_start3A_514, %dma_start3A_515] : memref<10240x32xf32, #tpu.memory_space<vmem_shared>> -> memref<10240x32xf32, #tpu.memory_space<vmem_shared>>
        %dma_start3A_517 = tpu.memref_slice %arg12[%dma_start3A_506] : memref<8x!tpu.dma_semaphore, #tpu.memory_space<semaphore_mem>> -> memref<1x!tpu.dma_semaphore, #tpu.memory_space<semaphore_mem>>
        %dma_start3A_518 = tpu.memref_squeeze %dma_start3A_517 : memref<1x!tpu.dma_semaphore, #tpu.memory_space<semaphore_mem>> -> memref<!tpu.dma_semaphore, #tpu.memory_space<semaphore_mem>>
        tpu.enqueue_indirect_dma source(%dma_start3A_516 : memref<10240x32xf32, #tpu.memory_space<vmem_shared>>) target(%dma_start3A_510 : memref<125x32xf32, #tpu.memory_space<vmem>>) offsets(%dma_start3A_513 : memref<125xi32, #tpu.memory_space<vmem>>) semaphore(%dma_start3A_518 : memref<!tpu.dma_semaphore, #tpu.memory_space<semaphore_mem>>)
      } else {
      }
      %add3A_387 = arith.constant 5 : i32
      %add3A_388 = arith.addi %mul3A_197, %add3A_387 : i32
      %dma_wait3A_389 = arith.constant 0 : i32
      %dma_wait3A_390 = arith.constant 5 : i32
      %dma_wait3A_391 = arith.constant 5 : i32
      %dma_wait3A_392 = arith.constant 0 : i32
      %dma_wait3A_393 = arith.constant 0 : i32
      %dma_wait3A_394 = tpu.memref_slice %arg9[%dma_wait3A_390, %dma_wait3A_392, %dma_wait3A_393] : memref<8x125x32xf32, #tpu.memory_space<vmem>> -> memref<1x125x32xf32, #tpu.memory_space<vmem>>
      %dma_wait3A_395 = tpu.memref_squeeze %dma_wait3A_394 : memref<1x125x32xf32, #tpu.memory_space<vmem>> -> memref<125x32xf32, #tpu.memory_space<vmem>>
      %dma_wait3A_396 = arith.constant 0 : i32
      %dma_wait3A_397 = tpu.memref_slice %arg7[%dma_wait3A_389, %dma_wait3A_396] : memref<80x125xi32, #tpu.memory_space<vmem>> -> memref<1x125xi32, #tpu.memory_space<vmem>>
      %dma_wait3A_398 = tpu.memref_squeeze %dma_wait3A_397 : memref<1x125xi32, #tpu.memory_space<vmem>> -> memref<125xi32, #tpu.memory_space<vmem>>
      %dma_wait3A_399 = arith.constant 0 : i32
      %dma_wait3A_400 = arith.constant 0 : i32
      %dma_wait3A_401 = tpu.memref_slice %arg11[%dma_wait3A_399, %dma_wait3A_400] : memref<10240x32xf32, #tpu.memory_space<vmem_shared>> -> memref<10240x32xf32, #tpu.memory_space<vmem_shared>>
      %dma_wait3A_402 = tpu.memref_slice %arg12[%dma_wait3A_391] : memref<8x!tpu.dma_semaphore, #tpu.memory_space<semaphore_mem>> -> memref<1x!tpu.dma_semaphore, #tpu.memory_space<semaphore_mem>>
      %dma_wait3A_403 = tpu.memref_squeeze %dma_wait3A_402 : memref<1x!tpu.dma_semaphore, #tpu.memory_space<semaphore_mem>> -> memref<!tpu.dma_semaphore, #tpu.memory_space<semaphore_mem>>
      tpu.wait_indirect_dma semaphore(%dma_wait3A_403 : memref<!tpu.dma_semaphore, #tpu.memory_space<semaphore_mem>>) src(%dma_wait3A_401 : memref<10240x32xf32, #tpu.memory_space<vmem_shared>>) dst(%dma_wait3A_395 : memref<125x32xf32, #tpu.memory_space<vmem>>)
      %dma_start3A_404 = arith.constant 5 : i32
      %dma_start3A_405 = arith.constant 5 : i32
      %dma_start3A_406 = arith.constant 0 : i32
      %dma_start3A_407 = arith.constant 0 : i32
      %dma_start3A_408 = tpu.memref_slice %arg9[%dma_start3A_404, %dma_start3A_406, %dma_start3A_407] : memref<8x125x32xf32, #tpu.memory_space<vmem>> -> memref<1x125x32xf32, #tpu.memory_space<vmem>>
      %dma_start3A_409 = tpu.memref_squeeze %dma_start3A_408 : memref<1x125x32xf32, #tpu.memory_space<vmem>> -> memref<125x32xf32, #tpu.memory_space<vmem>>
      %dma_start3A_410 = arith.constant 0 : i32
      %dma_start3A_411 = tpu.memref_slice %arg8[%add3A_388, %dma_start3A_410] : memref<80x125xi32, #tpu.memory_space<vmem>> -> memref<1x125xi32, #tpu.memory_space<vmem>>
      %dma_start3A_412 = tpu.memref_squeeze %dma_start3A_411 : memref<1x125xi32, #tpu.memory_space<vmem>> -> memref<125xi32, #tpu.memory_space<vmem>>
      %dma_start3A_413 = arith.constant 0 : i32
      %dma_start3A_414 = arith.constant 0 : i32
      %dma_start3A_415 = tpu.memref_slice %arg10[%dma_start3A_413, %dma_start3A_414] : memref<10240x32xf32, #tpu.memory_space<vmem_shared>> -> memref<10240x32xf32, #tpu.memory_space<vmem_shared>>
      %dma_start3A_416 = tpu.memref_slice %arg13[%dma_start3A_405] : memref<8x!tpu.dma_semaphore, #tpu.memory_space<semaphore_mem>> -> memref<1x!tpu.dma_semaphore, #tpu.memory_space<semaphore_mem>>
      %dma_start3A_417 = tpu.memref_squeeze %dma_start3A_416 : memref<1x!tpu.dma_semaphore, #tpu.memory_space<semaphore_mem>> -> memref<!tpu.dma_semaphore, #tpu.memory_space<semaphore_mem>>
      tpu.enqueue_indirect_dma source(%dma_start3A_409 : memref<125x32xf32, #tpu.memory_space<vmem>>) target(%dma_start3A_415 : memref<10240x32xf32, #tpu.memory_space<vmem_shared>>) offsets(%dma_start3A_412 : memref<125xi32, #tpu.memory_space<vmem>>) semaphore(%dma_start3A_417 : memref<!tpu.dma_semaphore, #tpu.memory_space<semaphore_mem>>) {add = true}
      %add3A_418 = arith.constant 4 : i32
      %add3A_419 = arith.addi %add3A_388, %add3A_418 : i32
      %lt3A_420 = arith.constant 80 : i32
      %lt3A_421 = arith.cmpi slt, %add3A_419, %lt3A_420 : i32
      %convert_element_type3A_422 = arith.extui %lt3A_421 : i1 to i32
      %cond3A_423 = arith.constant 0 : i32
      %cond3A_424 = arith.cmpi ne, %convert_element_type3A_422, %cond3A_423 : i32
      scf.if %cond3A_424 {
        %ge3A = arith.constant 4 : i32
        %ge3A_501 = arith.cmpi sge, %add3A_388, %ge3A : i32
        %convert_element_type3A_502 = arith.extui %ge3A_501 : i1 to i32
        %cond3A_503 = arith.constant 0 : i32
        %cond3A_504 = arith.cmpi ne, %convert_element_type3A_502, %cond3A_503 : i32
        scf.if %cond3A_504 {
          %dma_wait3A_519 = arith.constant 1 : i32
          %dma_wait3A_520 = arith.constant 0 : i32
          %dma_wait3A_521 = arith.constant 1 : i32
          %dma_wait3A_522 = arith.constant 0 : i32
          %dma_wait3A_523 = arith.constant 0 : i32
          %dma_wait3A_524 = tpu.memref_slice %arg9[%dma_wait3A_519, %dma_wait3A_522, %dma_wait3A_523] : memref<8x125x32xf32, #tpu.memory_space<vmem>> -> memref<1x125x32xf32, #tpu.memory_space<vmem>>
          %dma_wait3A_525 = tpu.memref_squeeze %dma_wait3A_524 : memref<1x125x32xf32, #tpu.memory_space<vmem>> -> memref<125x32xf32, #tpu.memory_space<vmem>>
          %dma_wait3A_526 = arith.constant 0 : i32
          %dma_wait3A_527 = tpu.memref_slice %arg8[%dma_wait3A_520, %dma_wait3A_526] : memref<80x125xi32, #tpu.memory_space<vmem>> -> memref<1x125xi32, #tpu.memory_space<vmem>>
          %dma_wait3A_528 = tpu.memref_squeeze %dma_wait3A_527 : memref<1x125xi32, #tpu.memory_space<vmem>> -> memref<125xi32, #tpu.memory_space<vmem>>
          %dma_wait3A_529 = arith.constant 0 : i32
          %dma_wait3A_530 = arith.constant 0 : i32
          %dma_wait3A_531 = tpu.memref_slice %arg10[%dma_wait3A_529, %dma_wait3A_530] : memref<10240x32xf32, #tpu.memory_space<vmem_shared>> -> memref<10240x32xf32, #tpu.memory_space<vmem_shared>>
          %dma_wait3A_532 = tpu.memref_slice %arg13[%dma_wait3A_521] : memref<8x!tpu.dma_semaphore, #tpu.memory_space<semaphore_mem>> -> memref<1x!tpu.dma_semaphore, #tpu.memory_space<semaphore_mem>>
          %dma_wait3A_533 = tpu.memref_squeeze %dma_wait3A_532 : memref<1x!tpu.dma_semaphore, #tpu.memory_space<semaphore_mem>> -> memref<!tpu.dma_semaphore, #tpu.memory_space<semaphore_mem>>
          tpu.wait_indirect_dma semaphore(%dma_wait3A_533 : memref<!tpu.dma_semaphore, #tpu.memory_space<semaphore_mem>>) src(%dma_wait3A_525 : memref<125x32xf32, #tpu.memory_space<vmem>>) dst(%dma_wait3A_531 : memref<10240x32xf32, #tpu.memory_space<vmem_shared>>)
        } else {
        }
        %dma_start3A_505 = arith.constant 1 : i32
        %dma_start3A_506 = arith.constant 1 : i32
        %dma_start3A_507 = arith.constant 0 : i32
        %dma_start3A_508 = arith.constant 0 : i32
        %dma_start3A_509 = tpu.memref_slice %arg9[%dma_start3A_505, %dma_start3A_507, %dma_start3A_508] : memref<8x125x32xf32, #tpu.memory_space<vmem>> -> memref<1x125x32xf32, #tpu.memory_space<vmem>>
        %dma_start3A_510 = tpu.memref_squeeze %dma_start3A_509 : memref<1x125x32xf32, #tpu.memory_space<vmem>> -> memref<125x32xf32, #tpu.memory_space<vmem>>
        %dma_start3A_511 = arith.constant 0 : i32
        %dma_start3A_512 = tpu.memref_slice %arg7[%add3A_419, %dma_start3A_511] : memref<80x125xi32, #tpu.memory_space<vmem>> -> memref<1x125xi32, #tpu.memory_space<vmem>>
        %dma_start3A_513 = tpu.memref_squeeze %dma_start3A_512 : memref<1x125xi32, #tpu.memory_space<vmem>> -> memref<125xi32, #tpu.memory_space<vmem>>
        %dma_start3A_514 = arith.constant 0 : i32
        %dma_start3A_515 = arith.constant 0 : i32
        %dma_start3A_516 = tpu.memref_slice %arg11[%dma_start3A_514, %dma_start3A_515] : memref<10240x32xf32, #tpu.memory_space<vmem_shared>> -> memref<10240x32xf32, #tpu.memory_space<vmem_shared>>
        %dma_start3A_517 = tpu.memref_slice %arg12[%dma_start3A_506] : memref<8x!tpu.dma_semaphore, #tpu.memory_space<semaphore_mem>> -> memref<1x!tpu.dma_semaphore, #tpu.memory_space<semaphore_mem>>
        %dma_start3A_518 = tpu.memref_squeeze %dma_start3A_517 : memref<1x!tpu.dma_semaphore, #tpu.memory_space<semaphore_mem>> -> memref<!tpu.dma_semaphore, #tpu.memory_space<semaphore_mem>>
        tpu.enqueue_indirect_dma source(%dma_start3A_516 : memref<10240x32xf32, #tpu.memory_space<vmem_shared>>) target(%dma_start3A_510 : memref<125x32xf32, #tpu.memory_space<vmem>>) offsets(%dma_start3A_513 : memref<125xi32, #tpu.memory_space<vmem>>) semaphore(%dma_start3A_518 : memref<!tpu.dma_semaphore, #tpu.memory_space<semaphore_mem>>)
      } else {
      }
      %add3A_425 = arith.constant 6 : i32
      %add3A_426 = arith.addi %mul3A_197, %add3A_425 : i32
      %dma_wait3A_427 = arith.constant 0 : i32
      %dma_wait3A_428 = arith.constant 6 : i32
      %dma_wait3A_429 = arith.constant 6 : i32
      %dma_wait3A_430 = arith.constant 0 : i32
      %dma_wait3A_431 = arith.constant 0 : i32
      %dma_wait3A_432 = tpu.memref_slice %arg9[%dma_wait3A_428, %dma_wait3A_430, %dma_wait3A_431] : memref<8x125x32xf32, #tpu.memory_space<vmem>> -> memref<1x125x32xf32, #tpu.memory_space<vmem>>
      %dma_wait3A_433 = tpu.memref_squeeze %dma_wait3A_432 : memref<1x125x32xf32, #tpu.memory_space<vmem>> -> memref<125x32xf32, #tpu.memory_space<vmem>>
      %dma_wait3A_434 = arith.constant 0 : i32
      %dma_wait3A_435 = tpu.memref_slice %arg7[%dma_wait3A_427, %dma_wait3A_434] : memref<80x125xi32, #tpu.memory_space<vmem>> -> memref<1x125xi32, #tpu.memory_space<vmem>>
      %dma_wait3A_436 = tpu.memref_squeeze %dma_wait3A_435 : memref<1x125xi32, #tpu.memory_space<vmem>> -> memref<125xi32, #tpu.memory_space<vmem>>
      %dma_wait3A_437 = arith.constant 0 : i32
      %dma_wait3A_438 = arith.constant 0 : i32
      %dma_wait3A_439 = tpu.memref_slice %arg11[%dma_wait3A_437, %dma_wait3A_438] : memref<10240x32xf32, #tpu.memory_space<vmem_shared>> -> memref<10240x32xf32, #tpu.memory_space<vmem_shared>>
      %dma_wait3A_440 = tpu.memref_slice %arg12[%dma_wait3A_429] : memref<8x!tpu.dma_semaphore, #tpu.memory_space<semaphore_mem>> -> memref<1x!tpu.dma_semaphore, #tpu.memory_space<semaphore_mem>>
      %dma_wait3A_441 = tpu.memref_squeeze %dma_wait3A_440 : memref<1x!tpu.dma_semaphore, #tpu.memory_space<semaphore_mem>> -> memref<!tpu.dma_semaphore, #tpu.memory_space<semaphore_mem>>
      tpu.wait_indirect_dma semaphore(%dma_wait3A_441 : memref<!tpu.dma_semaphore, #tpu.memory_space<semaphore_mem>>) src(%dma_wait3A_439 : memref<10240x32xf32, #tpu.memory_space<vmem_shared>>) dst(%dma_wait3A_433 : memref<125x32xf32, #tpu.memory_space<vmem>>)
      %dma_start3A_442 = arith.constant 6 : i32
      %dma_start3A_443 = arith.constant 6 : i32
      %dma_start3A_444 = arith.constant 0 : i32
      %dma_start3A_445 = arith.constant 0 : i32
      %dma_start3A_446 = tpu.memref_slice %arg9[%dma_start3A_442, %dma_start3A_444, %dma_start3A_445] : memref<8x125x32xf32, #tpu.memory_space<vmem>> -> memref<1x125x32xf32, #tpu.memory_space<vmem>>
      %dma_start3A_447 = tpu.memref_squeeze %dma_start3A_446 : memref<1x125x32xf32, #tpu.memory_space<vmem>> -> memref<125x32xf32, #tpu.memory_space<vmem>>
      %dma_start3A_448 = arith.constant 0 : i32
      %dma_start3A_449 = tpu.memref_slice %arg8[%add3A_426, %dma_start3A_448] : memref<80x125xi32, #tpu.memory_space<vmem>> -> memref<1x125xi32, #tpu.memory_space<vmem>>
      %dma_start3A_450 = tpu.memref_squeeze %dma_start3A_449 : memref<1x125xi32, #tpu.memory_space<vmem>> -> memref<125xi32, #tpu.memory_space<vmem>>
      %dma_start3A_451 = arith.constant 0 : i32
      %dma_start3A_452 = arith.constant 0 : i32
      %dma_start3A_453 = tpu.memref_slice %arg10[%dma_start3A_451, %dma_start3A_452] : memref<10240x32xf32, #tpu.memory_space<vmem_shared>> -> memref<10240x32xf32, #tpu.memory_space<vmem_shared>>
      %dma_start3A_454 = tpu.memref_slice %arg13[%dma_start3A_443] : memref<8x!tpu.dma_semaphore, #tpu.memory_space<semaphore_mem>> -> memref<1x!tpu.dma_semaphore, #tpu.memory_space<semaphore_mem>>
      %dma_start3A_455 = tpu.memref_squeeze %dma_start3A_454 : memref<1x!tpu.dma_semaphore, #tpu.memory_space<semaphore_mem>> -> memref<!tpu.dma_semaphore, #tpu.memory_space<semaphore_mem>>
      tpu.enqueue_indirect_dma source(%dma_start3A_447 : memref<125x32xf32, #tpu.memory_space<vmem>>) target(%dma_start3A_453 : memref<10240x32xf32, #tpu.memory_space<vmem_shared>>) offsets(%dma_start3A_450 : memref<125xi32, #tpu.memory_space<vmem>>) semaphore(%dma_start3A_455 : memref<!tpu.dma_semaphore, #tpu.memory_space<semaphore_mem>>) {add = true}
      %add3A_456 = arith.constant 4 : i32
      %add3A_457 = arith.addi %add3A_426, %add3A_456 : i32
      %lt3A_458 = arith.constant 80 : i32
      %lt3A_459 = arith.cmpi slt, %add3A_457, %lt3A_458 : i32
      %convert_element_type3A_460 = arith.extui %lt3A_459 : i1 to i32
      %cond3A_461 = arith.constant 0 : i32
      %cond3A_462 = arith.cmpi ne, %convert_element_type3A_460, %cond3A_461 : i32
      scf.if %cond3A_462 {
        %ge3A = arith.constant 4 : i32
        %ge3A_501 = arith.cmpi sge, %add3A_426, %ge3A : i32
        %convert_element_type3A_502 = arith.extui %ge3A_501 : i1 to i32
        %cond3A_503 = arith.constant 0 : i32
        %cond3A_504 = arith.cmpi ne, %convert_element_type3A_502, %cond3A_503 : i32
        scf.if %cond3A_504 {
          %dma_wait3A_519 = arith.constant 2 : i32
          %dma_wait3A_520 = arith.constant 0 : i32
          %dma_wait3A_521 = arith.constant 2 : i32
          %dma_wait3A_522 = arith.constant 0 : i32
          %dma_wait3A_523 = arith.constant 0 : i32
          %dma_wait3A_524 = tpu.memref_slice %arg9[%dma_wait3A_519, %dma_wait3A_522, %dma_wait3A_523] : memref<8x125x32xf32, #tpu.memory_space<vmem>> -> memref<1x125x32xf32, #tpu.memory_space<vmem>>
          %dma_wait3A_525 = tpu.memref_squeeze %dma_wait3A_524 : memref<1x125x32xf32, #tpu.memory_space<vmem>> -> memref<125x32xf32, #tpu.memory_space<vmem>>
          %dma_wait3A_526 = arith.constant 0 : i32
          %dma_wait3A_527 = tpu.memref_slice %arg8[%dma_wait3A_520, %dma_wait3A_526] : memref<80x125xi32, #tpu.memory_space<vmem>> -> memref<1x125xi32, #tpu.memory_space<vmem>>
          %dma_wait3A_528 = tpu.memref_squeeze %dma_wait3A_527 : memref<1x125xi32, #tpu.memory_space<vmem>> -> memref<125xi32, #tpu.memory_space<vmem>>
          %dma_wait3A_529 = arith.constant 0 : i32
          %dma_wait3A_530 = arith.constant 0 : i32
          %dma_wait3A_531 = tpu.memref_slice %arg10[%dma_wait3A_529, %dma_wait3A_530] : memref<10240x32xf32, #tpu.memory_space<vmem_shared>> -> memref<10240x32xf32, #tpu.memory_space<vmem_shared>>
          %dma_wait3A_532 = tpu.memref_slice %arg13[%dma_wait3A_521] : memref<8x!tpu.dma_semaphore, #tpu.memory_space<semaphore_mem>> -> memref<1x!tpu.dma_semaphore, #tpu.memory_space<semaphore_mem>>
          %dma_wait3A_533 = tpu.memref_squeeze %dma_wait3A_532 : memref<1x!tpu.dma_semaphore, #tpu.memory_space<semaphore_mem>> -> memref<!tpu.dma_semaphore, #tpu.memory_space<semaphore_mem>>
          tpu.wait_indirect_dma semaphore(%dma_wait3A_533 : memref<!tpu.dma_semaphore, #tpu.memory_space<semaphore_mem>>) src(%dma_wait3A_525 : memref<125x32xf32, #tpu.memory_space<vmem>>) dst(%dma_wait3A_531 : memref<10240x32xf32, #tpu.memory_space<vmem_shared>>)
        } else {
        }
        %dma_start3A_505 = arith.constant 2 : i32
        %dma_start3A_506 = arith.constant 2 : i32
        %dma_start3A_507 = arith.constant 0 : i32
        %dma_start3A_508 = arith.constant 0 : i32
        %dma_start3A_509 = tpu.memref_slice %arg9[%dma_start3A_505, %dma_start3A_507, %dma_start3A_508] : memref<8x125x32xf32, #tpu.memory_space<vmem>> -> memref<1x125x32xf32, #tpu.memory_space<vmem>>
        %dma_start3A_510 = tpu.memref_squeeze %dma_start3A_509 : memref<1x125x32xf32, #tpu.memory_space<vmem>> -> memref<125x32xf32, #tpu.memory_space<vmem>>
        %dma_start3A_511 = arith.constant 0 : i32
        %dma_start3A_512 = tpu.memref_slice %arg7[%add3A_457, %dma_start3A_511] : memref<80x125xi32, #tpu.memory_space<vmem>> -> memref<1x125xi32, #tpu.memory_space<vmem>>
        %dma_start3A_513 = tpu.memref_squeeze %dma_start3A_512 : memref<1x125xi32, #tpu.memory_space<vmem>> -> memref<125xi32, #tpu.memory_space<vmem>>
        %dma_start3A_514 = arith.constant 0 : i32
        %dma_start3A_515 = arith.constant 0 : i32
        %dma_start3A_516 = tpu.memref_slice %arg11[%dma_start3A_514, %dma_start3A_515] : memref<10240x32xf32, #tpu.memory_space<vmem_shared>> -> memref<10240x32xf32, #tpu.memory_space<vmem_shared>>
        %dma_start3A_517 = tpu.memref_slice %arg12[%dma_start3A_506] : memref<8x!tpu.dma_semaphore, #tpu.memory_space<semaphore_mem>> -> memref<1x!tpu.dma_semaphore, #tpu.memory_space<semaphore_mem>>
        %dma_start3A_518 = tpu.memref_squeeze %dma_start3A_517 : memref<1x!tpu.dma_semaphore, #tpu.memory_space<semaphore_mem>> -> memref<!tpu.dma_semaphore, #tpu.memory_space<semaphore_mem>>
        tpu.enqueue_indirect_dma source(%dma_start3A_516 : memref<10240x32xf32, #tpu.memory_space<vmem_shared>>) target(%dma_start3A_510 : memref<125x32xf32, #tpu.memory_space<vmem>>) offsets(%dma_start3A_513 : memref<125xi32, #tpu.memory_space<vmem>>) semaphore(%dma_start3A_518 : memref<!tpu.dma_semaphore, #tpu.memory_space<semaphore_mem>>)
      } else {
      }
      %add3A_463 = arith.constant 7 : i32
      %add3A_464 = arith.addi %mul3A_197, %add3A_463 : i32
      %dma_wait3A_465 = arith.constant 0 : i32
      %dma_wait3A_466 = arith.constant 7 : i32
      %dma_wait3A_467 = arith.constant 7 : i32
      %dma_wait3A_468 = arith.constant 0 : i32
      %dma_wait3A_469 = arith.constant 0 : i32
      %dma_wait3A_470 = tpu.memref_slice %arg9[%dma_wait3A_466, %dma_wait3A_468, %dma_wait3A_469] : memref<8x125x32xf32, #tpu.memory_space<vmem>> -> memref<1x125x32xf32, #tpu.memory_space<vmem>>
      %dma_wait3A_471 = tpu.memref_squeeze %dma_wait3A_470 : memref<1x125x32xf32, #tpu.memory_space<vmem>> -> memref<125x32xf32, #tpu.memory_space<vmem>>
      %dma_wait3A_472 = arith.constant 0 : i32
      %dma_wait3A_473 = tpu.memref_slice %arg7[%dma_wait3A_465, %dma_wait3A_472] : memref<80x125xi32, #tpu.memory_space<vmem>> -> memref<1x125xi32, #tpu.memory_space<vmem>>
      %dma_wait3A_474 = tpu.memref_squeeze %dma_wait3A_473 : memref<1x125xi32, #tpu.memory_space<vmem>> -> memref<125xi32, #tpu.memory_space<vmem>>
      %dma_wait3A_475 = arith.constant 0 : i32
      %dma_wait3A_476 = arith.constant 0 : i32
      %dma_wait3A_477 = tpu.memref_slice %arg11[%dma_wait3A_475, %dma_wait3A_476] : memref<10240x32xf32, #tpu.memory_space<vmem_shared>> -> memref<10240x32xf32, #tpu.memory_space<vmem_shared>>
      %dma_wait3A_478 = tpu.memref_slice %arg12[%dma_wait3A_467] : memref<8x!tpu.dma_semaphore, #tpu.memory_space<semaphore_mem>> -> memref<1x!tpu.dma_semaphore, #tpu.memory_space<semaphore_mem>>
      %dma_wait3A_479 = tpu.memref_squeeze %dma_wait3A_478 : memref<1x!tpu.dma_semaphore, #tpu.memory_space<semaphore_mem>> -> memref<!tpu.dma_semaphore, #tpu.memory_space<semaphore_mem>>
      tpu.wait_indirect_dma semaphore(%dma_wait3A_479 : memref<!tpu.dma_semaphore, #tpu.memory_space<semaphore_mem>>) src(%dma_wait3A_477 : memref<10240x32xf32, #tpu.memory_space<vmem_shared>>) dst(%dma_wait3A_471 : memref<125x32xf32, #tpu.memory_space<vmem>>)
      %dma_start3A_480 = arith.constant 7 : i32
      %dma_start3A_481 = arith.constant 7 : i32
      %dma_start3A_482 = arith.constant 0 : i32
      %dma_start3A_483 = arith.constant 0 : i32
      %dma_start3A_484 = tpu.memref_slice %arg9[%dma_start3A_480, %dma_start3A_482, %dma_start3A_483] : memref<8x125x32xf32, #tpu.memory_space<vmem>> -> memref<1x125x32xf32, #tpu.memory_space<vmem>>
      %dma_start3A_485 = tpu.memref_squeeze %dma_start3A_484 : memref<1x125x32xf32, #tpu.memory_space<vmem>> -> memref<125x32xf32, #tpu.memory_space<vmem>>
      %dma_start3A_486 = arith.constant 0 : i32
      %dma_start3A_487 = tpu.memref_slice %arg8[%add3A_464, %dma_start3A_486] : memref<80x125xi32, #tpu.memory_space<vmem>> -> memref<1x125xi32, #tpu.memory_space<vmem>>
      %dma_start3A_488 = tpu.memref_squeeze %dma_start3A_487 : memref<1x125xi32, #tpu.memory_space<vmem>> -> memref<125xi32, #tpu.memory_space<vmem>>
      %dma_start3A_489 = arith.constant 0 : i32
      %dma_start3A_490 = arith.constant 0 : i32
      %dma_start3A_491 = tpu.memref_slice %arg10[%dma_start3A_489, %dma_start3A_490] : memref<10240x32xf32, #tpu.memory_space<vmem_shared>> -> memref<10240x32xf32, #tpu.memory_space<vmem_shared>>
      %dma_start3A_492 = tpu.memref_slice %arg13[%dma_start3A_481] : memref<8x!tpu.dma_semaphore, #tpu.memory_space<semaphore_mem>> -> memref<1x!tpu.dma_semaphore, #tpu.memory_space<semaphore_mem>>
      %dma_start3A_493 = tpu.memref_squeeze %dma_start3A_492 : memref<1x!tpu.dma_semaphore, #tpu.memory_space<semaphore_mem>> -> memref<!tpu.dma_semaphore, #tpu.memory_space<semaphore_mem>>
      tpu.enqueue_indirect_dma source(%dma_start3A_485 : memref<125x32xf32, #tpu.memory_space<vmem>>) target(%dma_start3A_491 : memref<10240x32xf32, #tpu.memory_space<vmem_shared>>) offsets(%dma_start3A_488 : memref<125xi32, #tpu.memory_space<vmem>>) semaphore(%dma_start3A_493 : memref<!tpu.dma_semaphore, #tpu.memory_space<semaphore_mem>>) {add = true}
      %add3A_494 = arith.constant 4 : i32
      %add3A_495 = arith.addi %add3A_464, %add3A_494 : i32
      %lt3A_496 = arith.constant 80 : i32
      %lt3A_497 = arith.cmpi slt, %add3A_495, %lt3A_496 : i32
      %convert_element_type3A_498 = arith.extui %lt3A_497 : i1 to i32
      %cond3A_499 = arith.constant 0 : i32
      %cond3A_500 = arith.cmpi ne, %convert_element_type3A_498, %cond3A_499 : i32
      scf.if %cond3A_500 {
        %ge3A = arith.constant 4 : i32
        %ge3A_501 = arith.cmpi sge, %add3A_464, %ge3A : i32
        %convert_element_type3A_502 = arith.extui %ge3A_501 : i1 to i32
        %cond3A_503 = arith.constant 0 : i32
        %cond3A_504 = arith.cmpi ne, %convert_element_type3A_502, %cond3A_503 : i32
        scf.if %cond3A_504 {
          %dma_wait3A_519 = arith.constant 3 : i32
          %dma_wait3A_520 = arith.constant 0 : i32
          %dma_wait3A_521 = arith.constant 3 : i32
          %dma_wait3A_522 = arith.constant 0 : i32
          %dma_wait3A_523 = arith.constant 0 : i32
          %dma_wait3A_524 = tpu.memref_slice %arg9[%dma_wait3A_519, %dma_wait3A_522, %dma_wait3A_523] : memref<8x125x32xf32, #tpu.memory_space<vmem>> -> memref<1x125x32xf32, #tpu.memory_space<vmem>>
          %dma_wait3A_525 = tpu.memref_squeeze %dma_wait3A_524 : memref<1x125x32xf32, #tpu.memory_space<vmem>> -> memref<125x32xf32, #tpu.memory_space<vmem>>
          %dma_wait3A_526 = arith.constant 0 : i32
          %dma_wait3A_527 = tpu.memref_slice %arg8[%dma_wait3A_520, %dma_wait3A_526] : memref<80x125xi32, #tpu.memory_space<vmem>> -> memref<1x125xi32, #tpu.memory_space<vmem>>
          %dma_wait3A_528 = tpu.memref_squeeze %dma_wait3A_527 : memref<1x125xi32, #tpu.memory_space<vmem>> -> memref<125xi32, #tpu.memory_space<vmem>>
          %dma_wait3A_529 = arith.constant 0 : i32
          %dma_wait3A_530 = arith.constant 0 : i32
          %dma_wait3A_531 = tpu.memref_slice %arg10[%dma_wait3A_529, %dma_wait3A_530] : memref<10240x32xf32, #tpu.memory_space<vmem_shared>> -> memref<10240x32xf32, #tpu.memory_space<vmem_shared>>
          %dma_wait3A_532 = tpu.memref_slice %arg13[%dma_wait3A_521] : memref<8x!tpu.dma_semaphore, #tpu.memory_space<semaphore_mem>> -> memref<1x!tpu.dma_semaphore, #tpu.memory_space<semaphore_mem>>
          %dma_wait3A_533 = tpu.memref_squeeze %dma_wait3A_532 : memref<1x!tpu.dma_semaphore, #tpu.memory_space<semaphore_mem>> -> memref<!tpu.dma_semaphore, #tpu.memory_space<semaphore_mem>>
          tpu.wait_indirect_dma semaphore(%dma_wait3A_533 : memref<!tpu.dma_semaphore, #tpu.memory_space<semaphore_mem>>) src(%dma_wait3A_525 : memref<125x32xf32, #tpu.memory_space<vmem>>) dst(%dma_wait3A_531 : memref<10240x32xf32, #tpu.memory_space<vmem_shared>>)
        } else {
        }
        %dma_start3A_505 = arith.constant 3 : i32
        %dma_start3A_506 = arith.constant 3 : i32
        %dma_start3A_507 = arith.constant 0 : i32
        %dma_start3A_508 = arith.constant 0 : i32
        %dma_start3A_509 = tpu.memref_slice %arg9[%dma_start3A_505, %dma_start3A_507, %dma_start3A_508] : memref<8x125x32xf32, #tpu.memory_space<vmem>> -> memref<1x125x32xf32, #tpu.memory_space<vmem>>
        %dma_start3A_510 = tpu.memref_squeeze %dma_start3A_509 : memref<1x125x32xf32, #tpu.memory_space<vmem>> -> memref<125x32xf32, #tpu.memory_space<vmem>>
        %dma_start3A_511 = arith.constant 0 : i32
        %dma_start3A_512 = tpu.memref_slice %arg7[%add3A_495, %dma_start3A_511] : memref<80x125xi32, #tpu.memory_space<vmem>> -> memref<1x125xi32, #tpu.memory_space<vmem>>
        %dma_start3A_513 = tpu.memref_squeeze %dma_start3A_512 : memref<1x125xi32, #tpu.memory_space<vmem>> -> memref<125xi32, #tpu.memory_space<vmem>>
        %dma_start3A_514 = arith.constant 0 : i32
        %dma_start3A_515 = arith.constant 0 : i32
        %dma_start3A_516 = tpu.memref_slice %arg11[%dma_start3A_514, %dma_start3A_515] : memref<10240x32xf32, #tpu.memory_space<vmem_shared>> -> memref<10240x32xf32, #tpu.memory_space<vmem_shared>>
        %dma_start3A_517 = tpu.memref_slice %arg12[%dma_start3A_506] : memref<8x!tpu.dma_semaphore, #tpu.memory_space<semaphore_mem>> -> memref<1x!tpu.dma_semaphore, #tpu.memory_space<semaphore_mem>>
        %dma_start3A_518 = tpu.memref_squeeze %dma_start3A_517 : memref<1x!tpu.dma_semaphore, #tpu.memory_space<semaphore_mem>> -> memref<!tpu.dma_semaphore, #tpu.memory_space<semaphore_mem>>
        tpu.enqueue_indirect_dma source(%dma_start3A_516 : memref<10240x32xf32, #tpu.memory_space<vmem_shared>>) target(%dma_start3A_510 : memref<125x32xf32, #tpu.memory_space<vmem>>) offsets(%dma_start3A_513 : memref<125xi32, #tpu.memory_space<vmem>>) semaphore(%dma_start3A_518 : memref<!tpu.dma_semaphore, #tpu.memory_space<semaphore_mem>>)
      } else {
      }
    }
    %scan3A_72 = arith.constant 10 : i32
    %dma_wait3A = arith.constant 0 : i32
    %dma_wait3A_73 = arith.constant 0 : i32
    %dma_wait3A_74 = arith.constant 0 : i32
    %dma_wait3A_75 = arith.constant 0 : i32
    %dma_wait3A_76 = arith.constant 0 : i32
    %dma_wait3A_77 = tpu.memref_slice %arg9[%dma_wait3A, %dma_wait3A_75, %dma_wait3A_76] : memref<8x125x32xf32, #tpu.memory_space<vmem>> -> memref<1x125x32xf32, #tpu.memory_space<vmem>>
    %dma_wait3A_78 = tpu.memref_squeeze %dma_wait3A_77 : memref<1x125x32xf32, #tpu.memory_space<vmem>> -> memref<125x32xf32, #tpu.memory_space<vmem>>
    %dma_wait3A_79 = arith.constant 0 : i32
    %dma_wait3A_80 = tpu.memref_slice %arg8[%dma_wait3A_73, %dma_wait3A_79] : memref<80x125xi32, #tpu.memory_space<vmem>> -> memref<1x125xi32, #tpu.memory_space<vmem>>
    %dma_wait3A_81 = tpu.memref_squeeze %dma_wait3A_80 : memref<1x125xi32, #tpu.memory_space<vmem>> -> memref<125xi32, #tpu.memory_space<vmem>>
    %dma_wait3A_82 = arith.constant 0 : i32
    %dma_wait3A_83 = arith.constant 0 : i32
    %dma_wait3A_84 = tpu.memref_slice %arg10[%dma_wait3A_82, %dma_wait3A_83] : memref<10240x32xf32, #tpu.memory_space<vmem_shared>> -> memref<10240x32xf32, #tpu.memory_space<vmem_shared>>
    %dma_wait3A_85 = tpu.memref_slice %arg13[%dma_wait3A_74] : memref<8x!tpu.dma_semaphore, #tpu.memory_space<semaphore_mem>> -> memref<1x!tpu.dma_semaphore, #tpu.memory_space<semaphore_mem>>
    %dma_wait3A_86 = tpu.memref_squeeze %dma_wait3A_85 : memref<1x!tpu.dma_semaphore, #tpu.memory_space<semaphore_mem>> -> memref<!tpu.dma_semaphore, #tpu.memory_space<semaphore_mem>>
    tpu.wait_indirect_dma semaphore(%dma_wait3A_86 : memref<!tpu.dma_semaphore, #tpu.memory_space<semaphore_mem>>) src(%dma_wait3A_78 : memref<125x32xf32, #tpu.memory_space<vmem>>) dst(%dma_wait3A_84 : memref<10240x32xf32, #tpu.memory_space<vmem_shared>>)
    %dma_wait3A_87 = arith.constant 1 : i32
    %dma_wait3A_88 = arith.constant 0 : i32
    %dma_wait3A_89 = arith.constant 1 : i32
    %dma_wait3A_90 = arith.constant 0 : i32
    %dma_wait3A_91 = arith.constant 0 : i32
    %dma_wait3A_92 = tpu.memref_slice %arg9[%dma_wait3A_87, %dma_wait3A_90, %dma_wait3A_91] : memref<8x125x32xf32, #tpu.memory_space<vmem>> -> memref<1x125x32xf32, #tpu.memory_space<vmem>>
    %dma_wait3A_93 = tpu.memref_squeeze %dma_wait3A_92 : memref<1x125x32xf32, #tpu.memory_space<vmem>> -> memref<125x32xf32, #tpu.memory_space<vmem>>
    %dma_wait3A_94 = arith.constant 0 : i32
    %dma_wait3A_95 = tpu.memref_slice %arg8[%dma_wait3A_88, %dma_wait3A_94] : memref<80x125xi32, #tpu.memory_space<vmem>> -> memref<1x125xi32, #tpu.memory_space<vmem>>
    %dma_wait3A_96 = tpu.memref_squeeze %dma_wait3A_95 : memref<1x125xi32, #tpu.memory_space<vmem>> -> memref<125xi32, #tpu.memory_space<vmem>>
    %dma_wait3A_97 = arith.constant 0 : i32
    %dma_wait3A_98 = arith.constant 0 : i32
    %dma_wait3A_99 = tpu.memref_slice %arg10[%dma_wait3A_97, %dma_wait3A_98] : memref<10240x32xf32, #tpu.memory_space<vmem_shared>> -> memref<10240x32xf32, #tpu.memory_space<vmem_shared>>
    %dma_wait3A_100 = tpu.memref_slice %arg13[%dma_wait3A_89] : memref<8x!tpu.dma_semaphore, #tpu.memory_space<semaphore_mem>> -> memref<1x!tpu.dma_semaphore, #tpu.memory_space<semaphore_mem>>
    %dma_wait3A_101 = tpu.memref_squeeze %dma_wait3A_100 : memref<1x!tpu.dma_semaphore, #tpu.memory_space<semaphore_mem>> -> memref<!tpu.dma_semaphore, #tpu.memory_space<semaphore_mem>>
    tpu.wait_indirect_dma semaphore(%dma_wait3A_101 : memref<!tpu.dma_semaphore, #tpu.memory_space<semaphore_mem>>) src(%dma_wait3A_93 : memref<125x32xf32, #tpu.memory_space<vmem>>) dst(%dma_wait3A_99 : memref<10240x32xf32, #tpu.memory_space<vmem_shared>>)
    %dma_wait3A_102 = arith.constant 2 : i32
    %dma_wait3A_103 = arith.constant 0 : i32
    %dma_wait3A_104 = arith.constant 2 : i32
    %dma_wait3A_105 = arith.constant 0 : i32
    %dma_wait3A_106 = arith.constant 0 : i32
    %dma_wait3A_107 = tpu.memref_slice %arg9[%dma_wait3A_102, %dma_wait3A_105, %dma_wait3A_106] : memref<8x125x32xf32, #tpu.memory_space<vmem>> -> memref<1x125x32xf32, #tpu.memory_space<vmem>>
    %dma_wait3A_108 = tpu.memref_squeeze %dma_wait3A_107 : memref<1x125x32xf32, #tpu.memory_space<vmem>> -> memref<125x32xf32, #tpu.memory_space<vmem>>
    %dma_wait3A_109 = arith.constant 0 : i32
    %dma_wait3A_110 = tpu.memref_slice %arg8[%dma_wait3A_103, %dma_wait3A_109] : memref<80x125xi32, #tpu.memory_space<vmem>> -> memref<1x125xi32, #tpu.memory_space<vmem>>
    %dma_wait3A_111 = tpu.memref_squeeze %dma_wait3A_110 : memref<1x125xi32, #tpu.memory_space<vmem>> -> memref<125xi32, #tpu.memory_space<vmem>>
    %dma_wait3A_112 = arith.constant 0 : i32
    %dma_wait3A_113 = arith.constant 0 : i32
    %dma_wait3A_114 = tpu.memref_slice %arg10[%dma_wait3A_112, %dma_wait3A_113] : memref<10240x32xf32, #tpu.memory_space<vmem_shared>> -> memref<10240x32xf32, #tpu.memory_space<vmem_shared>>
    %dma_wait3A_115 = tpu.memref_slice %arg13[%dma_wait3A_104] : memref<8x!tpu.dma_semaphore, #tpu.memory_space<semaphore_mem>> -> memref<1x!tpu.dma_semaphore, #tpu.memory_space<semaphore_mem>>
    %dma_wait3A_116 = tpu.memref_squeeze %dma_wait3A_115 : memref<1x!tpu.dma_semaphore, #tpu.memory_space<semaphore_mem>> -> memref<!tpu.dma_semaphore, #tpu.memory_space<semaphore_mem>>
    tpu.wait_indirect_dma semaphore(%dma_wait3A_116 : memref<!tpu.dma_semaphore, #tpu.memory_space<semaphore_mem>>) src(%dma_wait3A_108 : memref<125x32xf32, #tpu.memory_space<vmem>>) dst(%dma_wait3A_114 : memref<10240x32xf32, #tpu.memory_space<vmem_shared>>)
    %dma_wait3A_117 = arith.constant 3 : i32
    %dma_wait3A_118 = arith.constant 0 : i32
    %dma_wait3A_119 = arith.constant 3 : i32
    %dma_wait3A_120 = arith.constant 0 : i32
    %dma_wait3A_121 = arith.constant 0 : i32
    %dma_wait3A_122 = tpu.memref_slice %arg9[%dma_wait3A_117, %dma_wait3A_120, %dma_wait3A_121] : memref<8x125x32xf32, #tpu.memory_space<vmem>> -> memref<1x125x32xf32, #tpu.memory_space<vmem>>
    %dma_wait3A_123 = tpu.memref_squeeze %dma_wait3A_122 : memref<1x125x32xf32, #tpu.memory_space<vmem>> -> memref<125x32xf32, #tpu.memory_space<vmem>>
    %dma_wait3A_124 = arith.constant 0 : i32
    %dma_wait3A_125 = tpu.memref_slice %arg8[%dma_wait3A_118, %dma_wait3A_124] : memref<80x125xi32, #tpu.memory_space<vmem>> -> memref<1x125xi32, #tpu.memory_space<vmem>>
    %dma_wait3A_126 = tpu.memref_squeeze %dma_wait3A_125 : memref<1x125xi32, #tpu.memory_space<vmem>> -> memref<125xi32, #tpu.memory_space<vmem>>
    %dma_wait3A_127 = arith.constant 0 : i32
    %dma_wait3A_128 = arith.constant 0 : i32
    %dma_wait3A_129 = tpu.memref_slice %arg10[%dma_wait3A_127, %dma_wait3A_128] : memref<10240x32xf32, #tpu.memory_space<vmem_shared>> -> memref<10240x32xf32, #tpu.memory_space<vmem_shared>>
    %dma_wait3A_130 = tpu.memref_slice %arg13[%dma_wait3A_119] : memref<8x!tpu.dma_semaphore, #tpu.memory_space<semaphore_mem>> -> memref<1x!tpu.dma_semaphore, #tpu.memory_space<semaphore_mem>>
    %dma_wait3A_131 = tpu.memref_squeeze %dma_wait3A_130 : memref<1x!tpu.dma_semaphore, #tpu.memory_space<semaphore_mem>> -> memref<!tpu.dma_semaphore, #tpu.memory_space<semaphore_mem>>
    tpu.wait_indirect_dma semaphore(%dma_wait3A_131 : memref<!tpu.dma_semaphore, #tpu.memory_space<semaphore_mem>>) src(%dma_wait3A_123 : memref<125x32xf32, #tpu.memory_space<vmem>>) dst(%dma_wait3A_129 : memref<10240x32xf32, #tpu.memory_space<vmem_shared>>)
    %dma_wait3A_132 = arith.constant 4 : i32
    %dma_wait3A_133 = arith.constant 0 : i32
    %dma_wait3A_134 = arith.constant 4 : i32
    %dma_wait3A_135 = arith.constant 0 : i32
    %dma_wait3A_136 = arith.constant 0 : i32
    %dma_wait3A_137 = tpu.memref_slice %arg9[%dma_wait3A_132, %dma_wait3A_135, %dma_wait3A_136] : memref<8x125x32xf32, #tpu.memory_space<vmem>> -> memref<1x125x32xf32, #tpu.memory_space<vmem>>
    %dma_wait3A_138 = tpu.memref_squeeze %dma_wait3A_137 : memref<1x125x32xf32, #tpu.memory_space<vmem>> -> memref<125x32xf32, #tpu.memory_space<vmem>>
    %dma_wait3A_139 = arith.constant 0 : i32
    %dma_wait3A_140 = tpu.memref_slice %arg8[%dma_wait3A_133, %dma_wait3A_139] : memref<80x125xi32, #tpu.memory_space<vmem>> -> memref<1x125xi32, #tpu.memory_space<vmem>>
    %dma_wait3A_141 = tpu.memref_squeeze %dma_wait3A_140 : memref<1x125xi32, #tpu.memory_space<vmem>> -> memref<125xi32, #tpu.memory_space<vmem>>
    %dma_wait3A_142 = arith.constant 0 : i32
    %dma_wait3A_143 = arith.constant 0 : i32
    %dma_wait3A_144 = tpu.memref_slice %arg10[%dma_wait3A_142, %dma_wait3A_143] : memref<10240x32xf32, #tpu.memory_space<vmem_shared>> -> memref<10240x32xf32, #tpu.memory_space<vmem_shared>>
    %dma_wait3A_145 = tpu.memref_slice %arg13[%dma_wait3A_134] : memref<8x!tpu.dma_semaphore, #tpu.memory_space<semaphore_mem>> -> memref<1x!tpu.dma_semaphore, #tpu.memory_space<semaphore_mem>>
    %dma_wait3A_146 = tpu.memref_squeeze %dma_wait3A_145 : memref<1x!tpu.dma_semaphore, #tpu.memory_space<semaphore_mem>> -> memref<!tpu.dma_semaphore, #tpu.memory_space<semaphore_mem>>
    tpu.wait_indirect_dma semaphore(%dma_wait3A_146 : memref<!tpu.dma_semaphore, #tpu.memory_space<semaphore_mem>>) src(%dma_wait3A_138 : memref<125x32xf32, #tpu.memory_space<vmem>>) dst(%dma_wait3A_144 : memref<10240x32xf32, #tpu.memory_space<vmem_shared>>)
    %dma_wait3A_147 = arith.constant 5 : i32
    %dma_wait3A_148 = arith.constant 0 : i32
    %dma_wait3A_149 = arith.constant 5 : i32
    %dma_wait3A_150 = arith.constant 0 : i32
    %dma_wait3A_151 = arith.constant 0 : i32
    %dma_wait3A_152 = tpu.memref_slice %arg9[%dma_wait3A_147, %dma_wait3A_150, %dma_wait3A_151] : memref<8x125x32xf32, #tpu.memory_space<vmem>> -> memref<1x125x32xf32, #tpu.memory_space<vmem>>
    %dma_wait3A_153 = tpu.memref_squeeze %dma_wait3A_152 : memref<1x125x32xf32, #tpu.memory_space<vmem>> -> memref<125x32xf32, #tpu.memory_space<vmem>>
    %dma_wait3A_154 = arith.constant 0 : i32
    %dma_wait3A_155 = tpu.memref_slice %arg8[%dma_wait3A_148, %dma_wait3A_154] : memref<80x125xi32, #tpu.memory_space<vmem>> -> memref<1x125xi32, #tpu.memory_space<vmem>>
    %dma_wait3A_156 = tpu.memref_squeeze %dma_wait3A_155 : memref<1x125xi32, #tpu.memory_space<vmem>> -> memref<125xi32, #tpu.memory_space<vmem>>
    %dma_wait3A_157 = arith.constant 0 : i32
    %dma_wait3A_158 = arith.constant 0 : i32
    %dma_wait3A_159 = tpu.memref_slice %arg10[%dma_wait3A_157, %dma_wait3A_158] : memref<10240x32xf32, #tpu.memory_space<vmem_shared>> -> memref<10240x32xf32, #tpu.memory_space<vmem_shared>>
    %dma_wait3A_160 = tpu.memref_slice %arg13[%dma_wait3A_149] : memref<8x!tpu.dma_semaphore, #tpu.memory_space<semaphore_mem>> -> memref<1x!tpu.dma_semaphore, #tpu.memory_space<semaphore_mem>>
    %dma_wait3A_161 = tpu.memref_squeeze %dma_wait3A_160 : memref<1x!tpu.dma_semaphore, #tpu.memory_space<semaphore_mem>> -> memref<!tpu.dma_semaphore, #tpu.memory_space<semaphore_mem>>
    tpu.wait_indirect_dma semaphore(%dma_wait3A_161 : memref<!tpu.dma_semaphore, #tpu.memory_space<semaphore_mem>>) src(%dma_wait3A_153 : memref<125x32xf32, #tpu.memory_space<vmem>>) dst(%dma_wait3A_159 : memref<10240x32xf32, #tpu.memory_space<vmem_shared>>)
    %dma_wait3A_162 = arith.constant 6 : i32
    %dma_wait3A_163 = arith.constant 0 : i32
    %dma_wait3A_164 = arith.constant 6 : i32
    %dma_wait3A_165 = arith.constant 0 : i32
    %dma_wait3A_166 = arith.constant 0 : i32
    %dma_wait3A_167 = tpu.memref_slice %arg9[%dma_wait3A_162, %dma_wait3A_165, %dma_wait3A_166] : memref<8x125x32xf32, #tpu.memory_space<vmem>> -> memref<1x125x32xf32, #tpu.memory_space<vmem>>
    %dma_wait3A_168 = tpu.memref_squeeze %dma_wait3A_167 : memref<1x125x32xf32, #tpu.memory_space<vmem>> -> memref<125x32xf32, #tpu.memory_space<vmem>>
    %dma_wait3A_169 = arith.constant 0 : i32
    %dma_wait3A_170 = tpu.memref_slice %arg8[%dma_wait3A_163, %dma_wait3A_169] : memref<80x125xi32, #tpu.memory_space<vmem>> -> memref<1x125xi32, #tpu.memory_space<vmem>>
    %dma_wait3A_171 = tpu.memref_squeeze %dma_wait3A_170 : memref<1x125xi32, #tpu.memory_space<vmem>> -> memref<125xi32, #tpu.memory_space<vmem>>
    %dma_wait3A_172 = arith.constant 0 : i32
    %dma_wait3A_173 = arith.constant 0 : i32
    %dma_wait3A_174 = tpu.memref_slice %arg10[%dma_wait3A_172, %dma_wait3A_173] : memref<10240x32xf32, #tpu.memory_space<vmem_shared>> -> memref<10240x32xf32, #tpu.memory_space<vmem_shared>>
    %dma_wait3A_175 = tpu.memref_slice %arg13[%dma_wait3A_164] : memref<8x!tpu.dma_semaphore, #tpu.memory_space<semaphore_mem>> -> memref<1x!tpu.dma_semaphore, #tpu.memory_space<semaphore_mem>>
    %dma_wait3A_176 = tpu.memref_squeeze %dma_wait3A_175 : memref<1x!tpu.dma_semaphore, #tpu.memory_space<semaphore_mem>> -> memref<!tpu.dma_semaphore, #tpu.memory_space<semaphore_mem>>
    tpu.wait_indirect_dma semaphore(%dma_wait3A_176 : memref<!tpu.dma_semaphore, #tpu.memory_space<semaphore_mem>>) src(%dma_wait3A_168 : memref<125x32xf32, #tpu.memory_space<vmem>>) dst(%dma_wait3A_174 : memref<10240x32xf32, #tpu.memory_space<vmem_shared>>)
    %dma_wait3A_177 = arith.constant 7 : i32
    %dma_wait3A_178 = arith.constant 0 : i32
    %dma_wait3A_179 = arith.constant 7 : i32
    %dma_wait3A_180 = arith.constant 0 : i32
    %dma_wait3A_181 = arith.constant 0 : i32
    %dma_wait3A_182 = tpu.memref_slice %arg9[%dma_wait3A_177, %dma_wait3A_180, %dma_wait3A_181] : memref<8x125x32xf32, #tpu.memory_space<vmem>> -> memref<1x125x32xf32, #tpu.memory_space<vmem>>
    %dma_wait3A_183 = tpu.memref_squeeze %dma_wait3A_182 : memref<1x125x32xf32, #tpu.memory_space<vmem>> -> memref<125x32xf32, #tpu.memory_space<vmem>>
    %dma_wait3A_184 = arith.constant 0 : i32
    %dma_wait3A_185 = tpu.memref_slice %arg8[%dma_wait3A_178, %dma_wait3A_184] : memref<80x125xi32, #tpu.memory_space<vmem>> -> memref<1x125xi32, #tpu.memory_space<vmem>>
    %dma_wait3A_186 = tpu.memref_squeeze %dma_wait3A_185 : memref<1x125xi32, #tpu.memory_space<vmem>> -> memref<125xi32, #tpu.memory_space<vmem>>
    %dma_wait3A_187 = arith.constant 0 : i32
    %dma_wait3A_188 = arith.constant 0 : i32
    %dma_wait3A_189 = tpu.memref_slice %arg10[%dma_wait3A_187, %dma_wait3A_188] : memref<10240x32xf32, #tpu.memory_space<vmem_shared>> -> memref<10240x32xf32, #tpu.memory_space<vmem_shared>>
    %dma_wait3A_190 = tpu.memref_slice %arg13[%dma_wait3A_179] : memref<8x!tpu.dma_semaphore, #tpu.memory_space<semaphore_mem>> -> memref<1x!tpu.dma_semaphore, #tpu.memory_space<semaphore_mem>>
    %dma_wait3A_191 = tpu.memref_squeeze %dma_wait3A_190 : memref<1x!tpu.dma_semaphore, #tpu.memory_space<semaphore_mem>> -> memref<!tpu.dma_semaphore, #tpu.memory_space<semaphore_mem>>
    tpu.wait_indirect_dma semaphore(%dma_wait3A_191 : memref<!tpu.dma_semaphore, #tpu.memory_space<semaphore_mem>>) src(%dma_wait3A_183 : memref<125x32xf32, #tpu.memory_space<vmem>>) dst(%dma_wait3A_189 : memref<10240x32xf32, #tpu.memory_space<vmem_shared>>)
    %barrier3A_192 = arith.constant 0 : index
    tpu.barrier barrier_id(%barrier3A_192)
    %eq3A = arith.constant 0 : i32
    %eq3A_193 = arith.cmpi eq, %arg1, %eq3A : i32
    %convert_element_type3A = arith.extui %eq3A_193 : i1 to i32
    %cond3A = arith.constant 0 : i32
    %cond3A_194 = arith.cmpi ne, %convert_element_type3A, %cond3A : i32
    scf.if %cond3A_194 {
      "tpu.region"() ({
        %run_scoped3A = tpu.sem_alloc : memref<!tpu.dma_semaphore, #tpu.memory_space<semaphore_mem>>
        %dma_start3A_195 = arith.constant 0 : i32
        %dma_start3A_196 = arith.constant 0 : i32
        %dma_start3A_197 = tpu.memref_slice %arg6[%arg0, %dma_start3A_195, %dma_start3A_196] : memref<2x10240x32xf32, #tpu.memory_space<hbm>> -> memref<1x10240x32xf32, #tpu.memory_space<hbm>>
        %dma_start3A_198 = tpu.memref_squeeze %dma_start3A_197 : memref<1x10240x32xf32, #tpu.memory_space<hbm>> -> memref<10240x32xf32, #tpu.memory_space<hbm>>
        tpu.enqueue_dma source(%arg10 : memref<10240x32xf32, #tpu.memory_space<vmem_shared>>) target(%dma_start3A_198 : memref<10240x32xf32, #tpu.memory_space<hbm>>) target_semaphore(%run_scoped3A : memref<!tpu.dma_semaphore, #tpu.memory_space<semaphore_mem>>)
        %dma_wait3A_199 = arith.constant 0 : i32
        %dma_wait3A_200 = arith.constant 0 : i32
        %dma_wait3A_201 = tpu.memref_slice %arg6[%arg0, %dma_wait3A_199, %dma_wait3A_200] : memref<2x10240x32xf32, #tpu.memory_space<hbm>> -> memref<1x10240x32xf32, #tpu.memory_space<hbm>>
        %dma_wait3A_202 = tpu.memref_squeeze %dma_wait3A_201 : memref<1x10240x32xf32, #tpu.memory_space<hbm>> -> memref<10240x32xf32, #tpu.memory_space<hbm>>
        tpu.wait_dma2 semaphore(%run_scoped3A : memref<!tpu.dma_semaphore, #tpu.memory_space<semaphore_mem>>) src(%arg10 : memref<10240x32xf32, #tpu.memory_space<vmem_shared>>) dst(%dma_wait3A_202 : memref<10240x32xf32, #tpu.memory_space<hbm>>)
        tpu.yield
      }) : () -> ()
    } else {
    }
    return
  }
}

#map = affine_map<(d0, d1) -> (0, 0)>
#map1 = affine_map<(d0, d1) -> (0, 0, 0)>
module attributes {stable_mosaic.version = 14 : i64} {
  func.func @_prop_kernel(%arg0: i32, %arg1: i32, %arg2: memref<10240x32xf32, #tpu.memory_space<hbm>>, %arg3: memref<32x80x125xi32, #tpu.memory_space<hbm>>, %arg4: memref<32x80x125xi32, #tpu.memory_space<hbm>>, %arg5: memref<10240x32xf32, #tpu.memory_space<hbm>>, %arg6: memref<2x10240x32xf32, #tpu.memory_space<hbm>>, %arg7: memref<80x125xi32, #tpu.memory_space<vmem>>, %arg8: memref<80x125xi32, #tpu.memory_space<vmem>>, %arg9: memref<8x125x32xf32, #tpu.memory_space<vmem>>, %arg10: memref<10240x32xf32, #tpu.memory_space<vmem_shared>>, %arg11: memref<10240x32xf32, #tpu.memory_space<vmem_shared>>, %arg12: memref<8x!tpu.dma_semaphore, #tpu.memory_space<semaphore_mem>>, %arg13: memref<8x!tpu.dma_semaphore, #tpu.memory_space<semaphore_mem>>) attributes {dimension_semantics = [#tpu.dimension_semantics<core_parallel>, #tpu.dimension_semantics<subcore_parallel>], iteration_bounds = array<i64: 2, 16>, scalar_prefetch = 0 : i64, scratch_operands = 7 : i64, tpu.core_type = #tpu.core_type<sc_vector_subcore>, window_params = [{transform_indices = #map}, {transform_indices = #map1}, {transform_indices = #map1}, {transform_indices = #map}, {transform_indices = #map1}]} {
    %mul3A = arith.constant 16 : i32
    %mul3A_0 = arith.muli %arg0, %mul3A : i32
    %add3A = arith.addi %mul3A_0, %arg1 : i32
    "tpu.region"() ({
      %run_scoped3A = tpu.sem_alloc : memref<!tpu.dma_semaphore, #tpu.memory_space<semaphore_mem>>
      %dma_start3A_195 = arith.constant 0 : i32
      %dma_start3A_196 = arith.constant 0 : i32
      %dma_start3A_197 = tpu.memref_slice %arg3[%add3A, %dma_start3A_195, %dma_start3A_196] : memref<32x80x125xi32, #tpu.memory_space<hbm>> -> memref<1x80x125xi32, #tpu.memory_space<hbm>>
      %dma_start3A_198 = tpu.memref_squeeze %dma_start3A_197 : memref<1x80x125xi32, #tpu.memory_space<hbm>> -> memref<80x125xi32, #tpu.memory_space<hbm>>
      %dma_start3A_199 = arith.constant 0 : i32
      %dma_start3A_200 = arith.constant 0 : i32
      %dma_start3A_201 = tpu.memref_slice %arg3[%add3A, %dma_start3A_199, %dma_start3A_200] : memref<32x80x125xi32, #tpu.memory_space<hbm>> -> memref<1x80x125xi32, #tpu.memory_space<hbm>>
      %dma_start3A_202 = tpu.memref_squeeze %dma_start3A_201 : memref<1x80x125xi32, #tpu.memory_space<hbm>> -> memref<80x125xi32, #tpu.memory_space<hbm>>
      tpu.enqueue_dma source(%dma_start3A_202 : memref<80x125xi32, #tpu.memory_space<hbm>>) target(%arg7 : memref<80x125xi32, #tpu.memory_space<vmem>>) target_semaphore(%run_scoped3A : memref<!tpu.dma_semaphore, #tpu.memory_space<semaphore_mem>>)
      %dma_wait3A_203 = arith.constant 0 : i32
      %dma_wait3A_204 = arith.constant 0 : i32
      %dma_wait3A_205 = tpu.memref_slice %arg3[%add3A, %dma_wait3A_203, %dma_wait3A_204] : memref<32x80x125xi32, #tpu.memory_space<hbm>> -> memref<1x80x125xi32, #tpu.memory_space<hbm>>
      %dma_wait3A_206 = tpu.memref_squeeze %dma_wait3A_205 : memref<1x80x125xi32, #tpu.memory_space<hbm>> -> memref<80x125xi32, #tpu.memory_space<hbm>>
      %dma_wait3A_207 = arith.constant 0 : i32
      %dma_wait3A_208 = arith.constant 0 : i32
      %dma_wait3A_209 = tpu.memref_slice %arg3[%add3A, %dma_wait3A_207, %dma_wait3A_208] : memref<32x80x125xi32, #tpu.memory_space<hbm>> -> memref<1x80x125xi32, #tpu.memory_space<hbm>>
      %dma_wait3A_210 = tpu.memref_squeeze %dma_wait3A_209 : memref<1x80x125xi32, #tpu.memory_space<hbm>> -> memref<80x125xi32, #tpu.memory_space<hbm>>
      tpu.wait_dma2 semaphore(%run_scoped3A : memref<!tpu.dma_semaphore, #tpu.memory_space<semaphore_mem>>) src(%dma_wait3A_210 : memref<80x125xi32, #tpu.memory_space<hbm>>) dst(%arg7 : memref<80x125xi32, #tpu.memory_space<vmem>>)
      tpu.yield
    }) : () -> ()
    "tpu.region"() ({
      %run_scoped3A = tpu.sem_alloc : memref<!tpu.dma_semaphore, #tpu.memory_space<semaphore_mem>>
      %dma_start3A_195 = arith.constant 0 : i32
      %dma_start3A_196 = arith.constant 0 : i32
      %dma_start3A_197 = tpu.memref_slice %arg4[%add3A, %dma_start3A_195, %dma_start3A_196] : memref<32x80x125xi32, #tpu.memory_space<hbm>> -> memref<1x80x125xi32, #tpu.memory_space<hbm>>
      %dma_start3A_198 = tpu.memref_squeeze %dma_start3A_197 : memref<1x80x125xi32, #tpu.memory_space<hbm>> -> memref<80x125xi32, #tpu.memory_space<hbm>>
      %dma_start3A_199 = arith.constant 0 : i32
      %dma_start3A_200 = arith.constant 0 : i32
      %dma_start3A_201 = tpu.memref_slice %arg4[%add3A, %dma_start3A_199, %dma_start3A_200] : memref<32x80x125xi32, #tpu.memory_space<hbm>> -> memref<1x80x125xi32, #tpu.memory_space<hbm>>
      %dma_start3A_202 = tpu.memref_squeeze %dma_start3A_201 : memref<1x80x125xi32, #tpu.memory_space<hbm>> -> memref<80x125xi32, #tpu.memory_space<hbm>>
      tpu.enqueue_dma source(%dma_start3A_202 : memref<80x125xi32, #tpu.memory_space<hbm>>) target(%arg8 : memref<80x125xi32, #tpu.memory_space<vmem>>) target_semaphore(%run_scoped3A : memref<!tpu.dma_semaphore, #tpu.memory_space<semaphore_mem>>)
      %dma_wait3A_203 = arith.constant 0 : i32
      %dma_wait3A_204 = arith.constant 0 : i32
      %dma_wait3A_205 = tpu.memref_slice %arg4[%add3A, %dma_wait3A_203, %dma_wait3A_204] : memref<32x80x125xi32, #tpu.memory_space<hbm>> -> memref<1x80x125xi32, #tpu.memory_space<hbm>>
      %dma_wait3A_206 = tpu.memref_squeeze %dma_wait3A_205 : memref<1x80x125xi32, #tpu.memory_space<hbm>> -> memref<80x125xi32, #tpu.memory_space<hbm>>
      %dma_wait3A_207 = arith.constant 0 : i32
      %dma_wait3A_208 = arith.constant 0 : i32
      %dma_wait3A_209 = tpu.memref_slice %arg4[%add3A, %dma_wait3A_207, %dma_wait3A_208] : memref<32x80x125xi32, #tpu.memory_space<hbm>> -> memref<1x80x125xi32, #tpu.memory_space<hbm>>
      %dma_wait3A_210 = tpu.memref_squeeze %dma_wait3A_209 : memref<1x80x125xi32, #tpu.memory_space<hbm>> -> memref<80x125xi32, #tpu.memory_space<hbm>>
      tpu.wait_dma2 semaphore(%run_scoped3A : memref<!tpu.dma_semaphore, #tpu.memory_space<semaphore_mem>>) src(%dma_wait3A_210 : memref<80x125xi32, #tpu.memory_space<hbm>>) dst(%arg8 : memref<80x125xi32, #tpu.memory_space<vmem>>)
      tpu.yield
    }) : () -> ()
    %mul3A_1 = arith.constant 640 : i32
    %mul3A_2 = arith.muli %arg1, %mul3A_1 : i32
    %mul3A_3 = arith.constant 640 : i32
    %mul3A_4 = arith.muli %arg1, %mul3A_3 : i32
    "tpu.region"() ({
      %run_scoped3A = tpu.sem_alloc : memref<!tpu.dma_semaphore, #tpu.memory_space<semaphore_mem>>
      %dma_start3A_195 = arith.constant 0 : i32
      %dma_start3A_196 = tpu.memref_slice %arg10[%mul3A_4, %dma_start3A_195] : memref<10240x32xf32, #tpu.memory_space<vmem_shared>> -> memref<640x32xf32, #tpu.memory_space<vmem_shared>>
      %dma_start3A_197 = arith.constant 0 : i32
      %dma_start3A_198 = tpu.memref_slice %arg5[%mul3A_2, %dma_start3A_197] : memref<10240x32xf32, #tpu.memory_space<hbm>> -> memref<640x32xf32, #tpu.memory_space<hbm>>
      tpu.enqueue_dma source(%dma_start3A_198 : memref<640x32xf32, #tpu.memory_space<hbm>>) target(%dma_start3A_196 : memref<640x32xf32, #tpu.memory_space<vmem_shared>>) target_semaphore(%run_scoped3A : memref<!tpu.dma_semaphore, #tpu.memory_space<semaphore_mem>>)
      %dma_wait3A_199 = arith.constant 0 : i32
      %dma_wait3A_200 = tpu.memref_slice %arg10[%mul3A_4, %dma_wait3A_199] : memref<10240x32xf32, #tpu.memory_space<vmem_shared>> -> memref<640x32xf32, #tpu.memory_space<vmem_shared>>
      %dma_wait3A_201 = arith.constant 0 : i32
      %dma_wait3A_202 = tpu.memref_slice %arg5[%mul3A_2, %dma_wait3A_201] : memref<10240x32xf32, #tpu.memory_space<hbm>> -> memref<640x32xf32, #tpu.memory_space<hbm>>
      tpu.wait_dma2 semaphore(%run_scoped3A : memref<!tpu.dma_semaphore, #tpu.memory_space<semaphore_mem>>) src(%dma_wait3A_202 : memref<640x32xf32, #tpu.memory_space<hbm>>) dst(%dma_wait3A_200 : memref<640x32xf32, #tpu.memory_space<vmem_shared>>)
      tpu.yield
    }) : () -> ()
    %mul3A_5 = arith.constant 640 : i32
    %mul3A_6 = arith.muli %arg1, %mul3A_5 : i32
    %mul3A_7 = arith.constant 640 : i32
    %mul3A_8 = arith.muli %arg1, %mul3A_7 : i32
    "tpu.region"() ({
      %run_scoped3A = tpu.sem_alloc : memref<!tpu.dma_semaphore, #tpu.memory_space<semaphore_mem>>
      %dma_start3A_195 = arith.constant 0 : i32
      %dma_start3A_196 = tpu.memref_slice %arg11[%mul3A_8, %dma_start3A_195] : memref<10240x32xf32, #tpu.memory_space<vmem_shared>> -> memref<640x32xf32, #tpu.memory_space<vmem_shared>>
      %dma_start3A_197 = arith.constant 0 : i32
      %dma_start3A_198 = tpu.memref_slice %arg2[%mul3A_6, %dma_start3A_197] : memref<10240x32xf32, #tpu.memory_space<hbm>> -> memref<640x32xf32, #tpu.memory_space<hbm>>
      tpu.enqueue_dma source(%dma_start3A_198 : memref<640x32xf32, #tpu.memory_space<hbm>>) target(%dma_start3A_196 : memref<640x32xf32, #tpu.memory_space<vmem_shared>>) target_semaphore(%run_scoped3A : memref<!tpu.dma_semaphore, #tpu.memory_space<semaphore_mem>>)
      %dma_wait3A_199 = arith.constant 0 : i32
      %dma_wait3A_200 = tpu.memref_slice %arg11[%mul3A_8, %dma_wait3A_199] : memref<10240x32xf32, #tpu.memory_space<vmem_shared>> -> memref<640x32xf32, #tpu.memory_space<vmem_shared>>
      %dma_wait3A_201 = arith.constant 0 : i32
      %dma_wait3A_202 = tpu.memref_slice %arg2[%mul3A_6, %dma_wait3A_201] : memref<10240x32xf32, #tpu.memory_space<hbm>> -> memref<640x32xf32, #tpu.memory_space<hbm>>
      tpu.wait_dma2 semaphore(%run_scoped3A : memref<!tpu.dma_semaphore, #tpu.memory_space<semaphore_mem>>) src(%dma_wait3A_202 : memref<640x32xf32, #tpu.memory_space<hbm>>) dst(%dma_wait3A_200 : memref<640x32xf32, #tpu.memory_space<vmem_shared>>)
      tpu.yield
    }) : () -> ()
    %barrier3A = arith.constant 0 : index
    tpu.barrier barrier_id(%barrier3A)
    %dma_start3A = arith.constant 0 : i32
    %dma_start3A_9 = arith.constant 0 : i32
    %dma_start3A_10 = arith.constant 0 : i32
    %dma_start3A_11 = arith.constant 0 : i32
    %dma_start3A_12 = arith.constant 0 : i32
    %dma_start3A_13 = tpu.memref_slice %arg9[%dma_start3A_9, %dma_start3A_11, %dma_start3A_12] : memref<8x125x32xf32, #tpu.memory_space<vmem>> -> memref<1x125x32xf32, #tpu.memory_space<vmem>>
    %dma_start3A_14 = tpu.memref_squeeze %dma_start3A_13 : memref<1x125x32xf32, #tpu.memory_space<vmem>> -> memref<125x32xf32, #tpu.memory_space<vmem>>
    %dma_start3A_15 = arith.constant 0 : i32
    %dma_start3A_16 = tpu.memref_slice %arg7[%dma_start3A, %dma_start3A_15] : memref<80x125xi32, #tpu.memory_space<vmem>> -> memref<1x125xi32, #tpu.memory_space<vmem>>
    %dma_start3A_17 = tpu.memref_squeeze %dma_start3A_16 : memref<1x125xi32, #tpu.memory_space<vmem>> -> memref<125xi32, #tpu.memory_space<vmem>>
    %dma_start3A_18 = arith.constant 0 : i32
    %dma_start3A_19 = arith.constant 0 : i32
    %dma_start3A_20 = tpu.memref_slice %arg11[%dma_start3A_18, %dma_start3A_19] : memref<10240x32xf32, #tpu.memory_space<vmem_shared>> -> memref<10240x32xf32, #tpu.memory_space<vmem_shared>>
    %dma_start3A_21 = tpu.memref_slice %arg12[%dma_start3A_10] : memref<8x!tpu.dma_semaphore, #tpu.memory_space<semaphore_mem>> -> memref<1x!tpu.dma_semaphore, #tpu.memory_space<semaphore_mem>>
    %dma_start3A_22 = tpu.memref_squeeze %dma_start3A_21 : memref<1x!tpu.dma_semaphore, #tpu.memory_space<semaphore_mem>> -> memref<!tpu.dma_semaphore, #tpu.memory_space<semaphore_mem>>
    tpu.enqueue_indirect_dma source(%dma_start3A_20 : memref<10240x32xf32, #tpu.memory_space<vmem_shared>>) target(%dma_start3A_14 : memref<125x32xf32, #tpu.memory_space<vmem>>) offsets(%dma_start3A_17 : memref<125xi32, #tpu.memory_space<vmem>>) semaphore(%dma_start3A_22 : memref<!tpu.dma_semaphore, #tpu.memory_space<semaphore_mem>>)
    %dma_start3A_23 = arith.constant 1 : i32
    %dma_start3A_24 = arith.constant 1 : i32
    %dma_start3A_25 = arith.constant 1 : i32
    %dma_start3A_26 = arith.constant 0 : i32
    %dma_start3A_27 = arith.constant 0 : i32
    %dma_start3A_28 = tpu.memref_slice %arg9[%dma_start3A_24, %dma_start3A_26, %dma_start3A_27] : memref<8x125x32xf32, #tpu.memory_space<vmem>> -> memref<1x125x32xf32, #tpu.memory_space<vmem>>
    %dma_start3A_29 = tpu.memref_squeeze %dma_start3A_28 : memref<1x125x32xf32, #tpu.memory_space<vmem>> -> memref<125x32xf32, #tpu.memory_space<vmem>>
    %dma_start3A_30 = arith.constant 0 : i32
    %dma_start3A_31 = tpu.memref_slice %arg7[%dma_start3A_23, %dma_start3A_30] : memref<80x125xi32, #tpu.memory_space<vmem>> -> memref<1x125xi32, #tpu.memory_space<vmem>>
    %dma_start3A_32 = tpu.memref_squeeze %dma_start3A_31 : memref<1x125xi32, #tpu.memory_space<vmem>> -> memref<125xi32, #tpu.memory_space<vmem>>
    %dma_start3A_33 = arith.constant 0 : i32
    %dma_start3A_34 = arith.constant 0 : i32
    %dma_start3A_35 = tpu.memref_slice %arg11[%dma_start3A_33, %dma_start3A_34] : memref<10240x32xf32, #tpu.memory_space<vmem_shared>> -> memref<10240x32xf32, #tpu.memory_space<vmem_shared>>
    %dma_start3A_36 = tpu.memref_slice %arg12[%dma_start3A_25] : memref<8x!tpu.dma_semaphore, #tpu.memory_space<semaphore_mem>> -> memref<1x!tpu.dma_semaphore, #tpu.memory_space<semaphore_mem>>
    %dma_start3A_37 = tpu.memref_squeeze %dma_start3A_36 : memref<1x!tpu.dma_semaphore, #tpu.memory_space<semaphore_mem>> -> memref<!tpu.dma_semaphore, #tpu.memory_space<semaphore_mem>>
    tpu.enqueue_indirect_dma source(%dma_start3A_35 : memref<10240x32xf32, #tpu.memory_space<vmem_shared>>) target(%dma_start3A_29 : memref<125x32xf32, #tpu.memory_space<vmem>>) offsets(%dma_start3A_32 : memref<125xi32, #tpu.memory_space<vmem>>) semaphore(%dma_start3A_37 : memref<!tpu.dma_semaphore, #tpu.memory_space<semaphore_mem>>)
    %dma_start3A_38 = arith.constant 2 : i32
    %dma_start3A_39 = arith.constant 2 : i32
    %dma_start3A_40 = arith.constant 2 : i32
    %dma_start3A_41 = arith.constant 0 : i32
    %dma_start3A_42 = arith.constant 0 : i32
    %dma_start3A_43 = tpu.memref_slice %arg9[%dma_start3A_39, %dma_start3A_41, %dma_start3A_42] : memref<8x125x32xf32, #tpu.memory_space<vmem>> -> memref<1x125x32xf32, #tpu.memory_space<vmem>>
    %dma_start3A_44 = tpu.memref_squeeze %dma_start3A_43 : memref<1x125x32xf32, #tpu.memory_space<vmem>> -> memref<125x32xf32, #tpu.memory_space<vmem>>
    %dma_start3A_45 = arith.constant 0 : i32
    %dma_start3A_46 = tpu.memref_slice %arg7[%dma_start3A_38, %dma_start3A_45] : memref<80x125xi32, #tpu.memory_space<vmem>> -> memref<1x125xi32, #tpu.memory_space<vmem>>
    %dma_start3A_47 = tpu.memref_squeeze %dma_start3A_46 : memref<1x125xi32, #tpu.memory_space<vmem>> -> memref<125xi32, #tpu.memory_space<vmem>>
    %dma_start3A_48 = arith.constant 0 : i32
    %dma_start3A_49 = arith.constant 0 : i32
    %dma_start3A_50 = tpu.memref_slice %arg11[%dma_start3A_48, %dma_start3A_49] : memref<10240x32xf32, #tpu.memory_space<vmem_shared>> -> memref<10240x32xf32, #tpu.memory_space<vmem_shared>>
    %dma_start3A_51 = tpu.memref_slice %arg12[%dma_start3A_40] : memref<8x!tpu.dma_semaphore, #tpu.memory_space<semaphore_mem>> -> memref<1x!tpu.dma_semaphore, #tpu.memory_space<semaphore_mem>>
    %dma_start3A_52 = tpu.memref_squeeze %dma_start3A_51 : memref<1x!tpu.dma_semaphore, #tpu.memory_space<semaphore_mem>> -> memref<!tpu.dma_semaphore, #tpu.memory_space<semaphore_mem>>
    tpu.enqueue_indirect_dma source(%dma_start3A_50 : memref<10240x32xf32, #tpu.memory_space<vmem_shared>>) target(%dma_start3A_44 : memref<125x32xf32, #tpu.memory_space<vmem>>) offsets(%dma_start3A_47 : memref<125xi32, #tpu.memory_space<vmem>>) semaphore(%dma_start3A_52 : memref<!tpu.dma_semaphore, #tpu.memory_space<semaphore_mem>>)
    %dma_start3A_53 = arith.constant 3 : i32
    %dma_start3A_54 = arith.constant 3 : i32
    %dma_start3A_55 = arith.constant 3 : i32
    %dma_start3A_56 = arith.constant 0 : i32
    %dma_start3A_57 = arith.constant 0 : i32
    %dma_start3A_58 = tpu.memref_slice %arg9[%dma_start3A_54, %dma_start3A_56, %dma_start3A_57] : memref<8x125x32xf32, #tpu.memory_space<vmem>> -> memref<1x125x32xf32, #tpu.memory_space<vmem>>
    %dma_start3A_59 = tpu.memref_squeeze %dma_start3A_58 : memref<1x125x32xf32, #tpu.memory_space<vmem>> -> memref<125x32xf32, #tpu.memory_space<vmem>>
    %dma_start3A_60 = arith.constant 0 : i32
    %dma_start3A_61 = tpu.memref_slice %arg7[%dma_start3A_53, %dma_start3A_60] : memref<80x125xi32, #tpu.memory_space<vmem>> -> memref<1x125xi32, #tpu.memory_space<vmem>>
    %dma_start3A_62 = tpu.memref_squeeze %dma_start3A_61 : memref<1x125xi32, #tpu.memory_space<vmem>> -> memref<125xi32, #tpu.memory_space<vmem>>
    %dma_start3A_63 = arith.constant 0 : i32
    %dma_start3A_64 = arith.constant 0 : i32
    %dma_start3A_65 = tpu.memref_slice %arg11[%dma_start3A_63, %dma_start3A_64] : memref<10240x32xf32, #tpu.memory_space<vmem_shared>> -> memref<10240x32xf32, #tpu.memory_space<vmem_shared>>
    %dma_start3A_66 = tpu.memref_slice %arg12[%dma_start3A_55] : memref<8x!tpu.dma_semaphore, #tpu.memory_space<semaphore_mem>> -> memref<1x!tpu.dma_semaphore, #tpu.memory_space<semaphore_mem>>
    %dma_start3A_67 = tpu.memref_squeeze %dma_start3A_66 : memref<1x!tpu.dma_semaphore, #tpu.memory_space<semaphore_mem>> -> memref<!tpu.dma_semaphore, #tpu.memory_space<semaphore_mem>>
    tpu.enqueue_indirect_dma source(%dma_start3A_65 : memref<10240x32xf32, #tpu.memory_space<vmem_shared>>) target(%dma_start3A_59 : memref<125x32xf32, #tpu.memory_space<vmem>>) offsets(%dma_start3A_62 : memref<125xi32, #tpu.memory_space<vmem>>) semaphore(%dma_start3A_67 : memref<!tpu.dma_semaphore, #tpu.memory_space<semaphore_mem>>)
    %scan3A = arith.constant 0 : i32
    %scan3A_68 = arith.constant 0 : i32
    %scan3A_69 = arith.constant 10 : i32
    %scan3A_70 = arith.addi %scan3A_68, %scan3A_69 : i32
    %scan3A_71 = arith.constant 1 : i32
    scf.for %scan3A_195 = %scan3A_68 to %scan3A_70 step %scan3A_71  : i32 {
      %mul3A_196 = arith.constant 8 : i32
      %mul3A_197 = arith.muli %scan3A_195, %mul3A_196 : i32
      %add3A_198 = arith.constant 0 : i32
      %add3A_199 = arith.addi %mul3A_197, %add3A_198 : i32
      %dma_wait3A_200 = arith.constant 0 : i32
      %dma_wait3A_201 = arith.constant 0 : i32
      %dma_wait3A_202 = arith.constant 0 : i32
      %dma_wait3A_203 = arith.constant 0 : i32
      %dma_wait3A_204 = arith.constant 0 : i32
      %dma_wait3A_205 = tpu.memref_slice %arg9[%dma_wait3A_201, %dma_wait3A_203, %dma_wait3A_204] : memref<8x125x32xf32, #tpu.memory_space<vmem>> -> memref<1x125x32xf32, #tpu.memory_space<vmem>>
      %dma_wait3A_206 = tpu.memref_squeeze %dma_wait3A_205 : memref<1x125x32xf32, #tpu.memory_space<vmem>> -> memref<125x32xf32, #tpu.memory_space<vmem>>
      %dma_wait3A_207 = arith.constant 0 : i32
      %dma_wait3A_208 = tpu.memref_slice %arg7[%dma_wait3A_200, %dma_wait3A_207] : memref<80x125xi32, #tpu.memory_space<vmem>> -> memref<1x125xi32, #tpu.memory_space<vmem>>
      %dma_wait3A_209 = tpu.memref_squeeze %dma_wait3A_208 : memref<1x125xi32, #tpu.memory_space<vmem>> -> memref<125xi32, #tpu.memory_space<vmem>>
      %dma_wait3A_210 = arith.constant 0 : i32
      %dma_wait3A_211 = arith.constant 0 : i32
      %dma_wait3A_212 = tpu.memref_slice %arg11[%dma_wait3A_210, %dma_wait3A_211] : memref<10240x32xf32, #tpu.memory_space<vmem_shared>> -> memref<10240x32xf32, #tpu.memory_space<vmem_shared>>
      %dma_wait3A_213 = tpu.memref_slice %arg12[%dma_wait3A_202] : memref<8x!tpu.dma_semaphore, #tpu.memory_space<semaphore_mem>> -> memref<1x!tpu.dma_semaphore, #tpu.memory_space<semaphore_mem>>
      %dma_wait3A_214 = tpu.memref_squeeze %dma_wait3A_213 : memref<1x!tpu.dma_semaphore, #tpu.memory_space<semaphore_mem>> -> memref<!tpu.dma_semaphore, #tpu.memory_space<semaphore_mem>>
      tpu.wait_indirect_dma semaphore(%dma_wait3A_214 : memref<!tpu.dma_semaphore, #tpu.memory_space<semaphore_mem>>) src(%dma_wait3A_212 : memref<10240x32xf32, #tpu.memory_space<vmem_shared>>) dst(%dma_wait3A_206 : memref<125x32xf32, #tpu.memory_space<vmem>>)
      %dma_start3A_215 = arith.constant 0 : i32
      %dma_start3A_216 = arith.constant 0 : i32
      %dma_start3A_217 = arith.constant 0 : i32
      %dma_start3A_218 = arith.constant 0 : i32
      %dma_start3A_219 = tpu.memref_slice %arg9[%dma_start3A_215, %dma_start3A_217, %dma_start3A_218] : memref<8x125x32xf32, #tpu.memory_space<vmem>> -> memref<1x125x32xf32, #tpu.memory_space<vmem>>
      %dma_start3A_220 = tpu.memref_squeeze %dma_start3A_219 : memref<1x125x32xf32, #tpu.memory_space<vmem>> -> memref<125x32xf32, #tpu.memory_space<vmem>>
      %dma_start3A_221 = arith.constant 0 : i32
      %dma_start3A_222 = tpu.memref_slice %arg8[%add3A_199, %dma_start3A_221] : memref<80x125xi32, #tpu.memory_space<vmem>> -> memref<1x125xi32, #tpu.memory_space<vmem>>
      %dma_start3A_223 = tpu.memref_squeeze %dma_start3A_222 : memref<1x125xi32, #tpu.memory_space<vmem>> -> memref<125xi32, #tpu.memory_space<vmem>>
      %dma_start3A_224 = arith.constant 0 : i32
      %dma_start3A_225 = arith.constant 0 : i32
      %dma_start3A_226 = tpu.memref_slice %arg10[%dma_start3A_224, %dma_start3A_225] : memref<10240x32xf32, #tpu.memory_space<vmem_shared>> -> memref<10240x32xf32, #tpu.memory_space<vmem_shared>>
      %dma_start3A_227 = tpu.memref_slice %arg13[%dma_start3A_216] : memref<8x!tpu.dma_semaphore, #tpu.memory_space<semaphore_mem>> -> memref<1x!tpu.dma_semaphore, #tpu.memory_space<semaphore_mem>>
      %dma_start3A_228 = tpu.memref_squeeze %dma_start3A_227 : memref<1x!tpu.dma_semaphore, #tpu.memory_space<semaphore_mem>> -> memref<!tpu.dma_semaphore, #tpu.memory_space<semaphore_mem>>
      tpu.enqueue_indirect_dma source(%dma_start3A_220 : memref<125x32xf32, #tpu.memory_space<vmem>>) target(%dma_start3A_226 : memref<10240x32xf32, #tpu.memory_space<vmem_shared>>) offsets(%dma_start3A_223 : memref<125xi32, #tpu.memory_space<vmem>>) semaphore(%dma_start3A_228 : memref<!tpu.dma_semaphore, #tpu.memory_space<semaphore_mem>>) {add = true}
      %add3A_229 = arith.constant 4 : i32
      %add3A_230 = arith.addi %add3A_199, %add3A_229 : i32
      %lt3A = arith.constant 80 : i32
      %lt3A_231 = arith.cmpi slt, %add3A_230, %lt3A : i32
      %convert_element_type3A_232 = arith.extui %lt3A_231 : i1 to i32
      %cond3A_233 = arith.constant 0 : i32
      %cond3A_234 = arith.cmpi ne, %convert_element_type3A_232, %cond3A_233 : i32
      scf.if %cond3A_234 {
        %ge3A = arith.constant 4 : i32
        %ge3A_501 = arith.cmpi sge, %add3A_199, %ge3A : i32
        %convert_element_type3A_502 = arith.extui %ge3A_501 : i1 to i32
        %cond3A_503 = arith.constant 0 : i32
        %cond3A_504 = arith.cmpi ne, %convert_element_type3A_502, %cond3A_503 : i32
        scf.if %cond3A_504 {
          %dma_wait3A_519 = arith.constant 4 : i32
          %dma_wait3A_520 = arith.constant 0 : i32
          %dma_wait3A_521 = arith.constant 4 : i32
          %dma_wait3A_522 = arith.constant 0 : i32
          %dma_wait3A_523 = arith.constant 0 : i32
          %dma_wait3A_524 = tpu.memref_slice %arg9[%dma_wait3A_519, %dma_wait3A_522, %dma_wait3A_523] : memref<8x125x32xf32, #tpu.memory_space<vmem>> -> memref<1x125x32xf32, #tpu.memory_space<vmem>>
          %dma_wait3A_525 = tpu.memref_squeeze %dma_wait3A_524 : memref<1x125x32xf32, #tpu.memory_space<vmem>> -> memref<125x32xf32, #tpu.memory_space<vmem>>
          %dma_wait3A_526 = arith.constant 0 : i32
          %dma_wait3A_527 = tpu.memref_slice %arg8[%dma_wait3A_520, %dma_wait3A_526] : memref<80x125xi32, #tpu.memory_space<vmem>> -> memref<1x125xi32, #tpu.memory_space<vmem>>
          %dma_wait3A_528 = tpu.memref_squeeze %dma_wait3A_527 : memref<1x125xi32, #tpu.memory_space<vmem>> -> memref<125xi32, #tpu.memory_space<vmem>>
          %dma_wait3A_529 = arith.constant 0 : i32
          %dma_wait3A_530 = arith.constant 0 : i32
          %dma_wait3A_531 = tpu.memref_slice %arg10[%dma_wait3A_529, %dma_wait3A_530] : memref<10240x32xf32, #tpu.memory_space<vmem_shared>> -> memref<10240x32xf32, #tpu.memory_space<vmem_shared>>
          %dma_wait3A_532 = tpu.memref_slice %arg13[%dma_wait3A_521] : memref<8x!tpu.dma_semaphore, #tpu.memory_space<semaphore_mem>> -> memref<1x!tpu.dma_semaphore, #tpu.memory_space<semaphore_mem>>
          %dma_wait3A_533 = tpu.memref_squeeze %dma_wait3A_532 : memref<1x!tpu.dma_semaphore, #tpu.memory_space<semaphore_mem>> -> memref<!tpu.dma_semaphore, #tpu.memory_space<semaphore_mem>>
          tpu.wait_indirect_dma semaphore(%dma_wait3A_533 : memref<!tpu.dma_semaphore, #tpu.memory_space<semaphore_mem>>) src(%dma_wait3A_525 : memref<125x32xf32, #tpu.memory_space<vmem>>) dst(%dma_wait3A_531 : memref<10240x32xf32, #tpu.memory_space<vmem_shared>>)
        } else {
        }
        %dma_start3A_505 = arith.constant 4 : i32
        %dma_start3A_506 = arith.constant 4 : i32
        %dma_start3A_507 = arith.constant 0 : i32
        %dma_start3A_508 = arith.constant 0 : i32
        %dma_start3A_509 = tpu.memref_slice %arg9[%dma_start3A_505, %dma_start3A_507, %dma_start3A_508] : memref<8x125x32xf32, #tpu.memory_space<vmem>> -> memref<1x125x32xf32, #tpu.memory_space<vmem>>
        %dma_start3A_510 = tpu.memref_squeeze %dma_start3A_509 : memref<1x125x32xf32, #tpu.memory_space<vmem>> -> memref<125x32xf32, #tpu.memory_space<vmem>>
        %dma_start3A_511 = arith.constant 0 : i32
        %dma_start3A_512 = tpu.memref_slice %arg7[%add3A_230, %dma_start3A_511] : memref<80x125xi32, #tpu.memory_space<vmem>> -> memref<1x125xi32, #tpu.memory_space<vmem>>
        %dma_start3A_513 = tpu.memref_squeeze %dma_start3A_512 : memref<1x125xi32, #tpu.memory_space<vmem>> -> memref<125xi32, #tpu.memory_space<vmem>>
        %dma_start3A_514 = arith.constant 0 : i32
        %dma_start3A_515 = arith.constant 0 : i32
        %dma_start3A_516 = tpu.memref_slice %arg11[%dma_start3A_514, %dma_start3A_515] : memref<10240x32xf32, #tpu.memory_space<vmem_shared>> -> memref<10240x32xf32, #tpu.memory_space<vmem_shared>>
        %dma_start3A_517 = tpu.memref_slice %arg12[%dma_start3A_506] : memref<8x!tpu.dma_semaphore, #tpu.memory_space<semaphore_mem>> -> memref<1x!tpu.dma_semaphore, #tpu.memory_space<semaphore_mem>>
        %dma_start3A_518 = tpu.memref_squeeze %dma_start3A_517 : memref<1x!tpu.dma_semaphore, #tpu.memory_space<semaphore_mem>> -> memref<!tpu.dma_semaphore, #tpu.memory_space<semaphore_mem>>
        tpu.enqueue_indirect_dma source(%dma_start3A_516 : memref<10240x32xf32, #tpu.memory_space<vmem_shared>>) target(%dma_start3A_510 : memref<125x32xf32, #tpu.memory_space<vmem>>) offsets(%dma_start3A_513 : memref<125xi32, #tpu.memory_space<vmem>>) semaphore(%dma_start3A_518 : memref<!tpu.dma_semaphore, #tpu.memory_space<semaphore_mem>>)
      } else {
      }
      %add3A_235 = arith.constant 1 : i32
      %add3A_236 = arith.addi %mul3A_197, %add3A_235 : i32
      %dma_wait3A_237 = arith.constant 0 : i32
      %dma_wait3A_238 = arith.constant 1 : i32
      %dma_wait3A_239 = arith.constant 1 : i32
      %dma_wait3A_240 = arith.constant 0 : i32
      %dma_wait3A_241 = arith.constant 0 : i32
      %dma_wait3A_242 = tpu.memref_slice %arg9[%dma_wait3A_238, %dma_wait3A_240, %dma_wait3A_241] : memref<8x125x32xf32, #tpu.memory_space<vmem>> -> memref<1x125x32xf32, #tpu.memory_space<vmem>>
      %dma_wait3A_243 = tpu.memref_squeeze %dma_wait3A_242 : memref<1x125x32xf32, #tpu.memory_space<vmem>> -> memref<125x32xf32, #tpu.memory_space<vmem>>
      %dma_wait3A_244 = arith.constant 0 : i32
      %dma_wait3A_245 = tpu.memref_slice %arg7[%dma_wait3A_237, %dma_wait3A_244] : memref<80x125xi32, #tpu.memory_space<vmem>> -> memref<1x125xi32, #tpu.memory_space<vmem>>
      %dma_wait3A_246 = tpu.memref_squeeze %dma_wait3A_245 : memref<1x125xi32, #tpu.memory_space<vmem>> -> memref<125xi32, #tpu.memory_space<vmem>>
      %dma_wait3A_247 = arith.constant 0 : i32
      %dma_wait3A_248 = arith.constant 0 : i32
      %dma_wait3A_249 = tpu.memref_slice %arg11[%dma_wait3A_247, %dma_wait3A_248] : memref<10240x32xf32, #tpu.memory_space<vmem_shared>> -> memref<10240x32xf32, #tpu.memory_space<vmem_shared>>
      %dma_wait3A_250 = tpu.memref_slice %arg12[%dma_wait3A_239] : memref<8x!tpu.dma_semaphore, #tpu.memory_space<semaphore_mem>> -> memref<1x!tpu.dma_semaphore, #tpu.memory_space<semaphore_mem>>
      %dma_wait3A_251 = tpu.memref_squeeze %dma_wait3A_250 : memref<1x!tpu.dma_semaphore, #tpu.memory_space<semaphore_mem>> -> memref<!tpu.dma_semaphore, #tpu.memory_space<semaphore_mem>>
      tpu.wait_indirect_dma semaphore(%dma_wait3A_251 : memref<!tpu.dma_semaphore, #tpu.memory_space<semaphore_mem>>) src(%dma_wait3A_249 : memref<10240x32xf32, #tpu.memory_space<vmem_shared>>) dst(%dma_wait3A_243 : memref<125x32xf32, #tpu.memory_space<vmem>>)
      %dma_start3A_252 = arith.constant 1 : i32
      %dma_start3A_253 = arith.constant 1 : i32
      %dma_start3A_254 = arith.constant 0 : i32
      %dma_start3A_255 = arith.constant 0 : i32
      %dma_start3A_256 = tpu.memref_slice %arg9[%dma_start3A_252, %dma_start3A_254, %dma_start3A_255] : memref<8x125x32xf32, #tpu.memory_space<vmem>> -> memref<1x125x32xf32, #tpu.memory_space<vmem>>
      %dma_start3A_257 = tpu.memref_squeeze %dma_start3A_256 : memref<1x125x32xf32, #tpu.memory_space<vmem>> -> memref<125x32xf32, #tpu.memory_space<vmem>>
      %dma_start3A_258 = arith.constant 0 : i32
      %dma_start3A_259 = tpu.memref_slice %arg8[%add3A_236, %dma_start3A_258] : memref<80x125xi32, #tpu.memory_space<vmem>> -> memref<1x125xi32, #tpu.memory_space<vmem>>
      %dma_start3A_260 = tpu.memref_squeeze %dma_start3A_259 : memref<1x125xi32, #tpu.memory_space<vmem>> -> memref<125xi32, #tpu.memory_space<vmem>>
      %dma_start3A_261 = arith.constant 0 : i32
      %dma_start3A_262 = arith.constant 0 : i32
      %dma_start3A_263 = tpu.memref_slice %arg10[%dma_start3A_261, %dma_start3A_262] : memref<10240x32xf32, #tpu.memory_space<vmem_shared>> -> memref<10240x32xf32, #tpu.memory_space<vmem_shared>>
      %dma_start3A_264 = tpu.memref_slice %arg13[%dma_start3A_253] : memref<8x!tpu.dma_semaphore, #tpu.memory_space<semaphore_mem>> -> memref<1x!tpu.dma_semaphore, #tpu.memory_space<semaphore_mem>>
      %dma_start3A_265 = tpu.memref_squeeze %dma_start3A_264 : memref<1x!tpu.dma_semaphore, #tpu.memory_space<semaphore_mem>> -> memref<!tpu.dma_semaphore, #tpu.memory_space<semaphore_mem>>
      tpu.enqueue_indirect_dma source(%dma_start3A_257 : memref<125x32xf32, #tpu.memory_space<vmem>>) target(%dma_start3A_263 : memref<10240x32xf32, #tpu.memory_space<vmem_shared>>) offsets(%dma_start3A_260 : memref<125xi32, #tpu.memory_space<vmem>>) semaphore(%dma_start3A_265 : memref<!tpu.dma_semaphore, #tpu.memory_space<semaphore_mem>>) {add = true}
      %add3A_266 = arith.constant 4 : i32
      %add3A_267 = arith.addi %add3A_236, %add3A_266 : i32
      %lt3A_268 = arith.constant 80 : i32
      %lt3A_269 = arith.cmpi slt, %add3A_267, %lt3A_268 : i32
      %convert_element_type3A_270 = arith.extui %lt3A_269 : i1 to i32
      %cond3A_271 = arith.constant 0 : i32
      %cond3A_272 = arith.cmpi ne, %convert_element_type3A_270, %cond3A_271 : i32
      scf.if %cond3A_272 {
        %ge3A = arith.constant 4 : i32
        %ge3A_501 = arith.cmpi sge, %add3A_236, %ge3A : i32
        %convert_element_type3A_502 = arith.extui %ge3A_501 : i1 to i32
        %cond3A_503 = arith.constant 0 : i32
        %cond3A_504 = arith.cmpi ne, %convert_element_type3A_502, %cond3A_503 : i32
        scf.if %cond3A_504 {
          %dma_wait3A_519 = arith.constant 5 : i32
          %dma_wait3A_520 = arith.constant 0 : i32
          %dma_wait3A_521 = arith.constant 5 : i32
          %dma_wait3A_522 = arith.constant 0 : i32
          %dma_wait3A_523 = arith.constant 0 : i32
          %dma_wait3A_524 = tpu.memref_slice %arg9[%dma_wait3A_519, %dma_wait3A_522, %dma_wait3A_523] : memref<8x125x32xf32, #tpu.memory_space<vmem>> -> memref<1x125x32xf32, #tpu.memory_space<vmem>>
          %dma_wait3A_525 = tpu.memref_squeeze %dma_wait3A_524 : memref<1x125x32xf32, #tpu.memory_space<vmem>> -> memref<125x32xf32, #tpu.memory_space<vmem>>
          %dma_wait3A_526 = arith.constant 0 : i32
          %dma_wait3A_527 = tpu.memref_slice %arg8[%dma_wait3A_520, %dma_wait3A_526] : memref<80x125xi32, #tpu.memory_space<vmem>> -> memref<1x125xi32, #tpu.memory_space<vmem>>
          %dma_wait3A_528 = tpu.memref_squeeze %dma_wait3A_527 : memref<1x125xi32, #tpu.memory_space<vmem>> -> memref<125xi32, #tpu.memory_space<vmem>>
          %dma_wait3A_529 = arith.constant 0 : i32
          %dma_wait3A_530 = arith.constant 0 : i32
          %dma_wait3A_531 = tpu.memref_slice %arg10[%dma_wait3A_529, %dma_wait3A_530] : memref<10240x32xf32, #tpu.memory_space<vmem_shared>> -> memref<10240x32xf32, #tpu.memory_space<vmem_shared>>
          %dma_wait3A_532 = tpu.memref_slice %arg13[%dma_wait3A_521] : memref<8x!tpu.dma_semaphore, #tpu.memory_space<semaphore_mem>> -> memref<1x!tpu.dma_semaphore, #tpu.memory_space<semaphore_mem>>
          %dma_wait3A_533 = tpu.memref_squeeze %dma_wait3A_532 : memref<1x!tpu.dma_semaphore, #tpu.memory_space<semaphore_mem>> -> memref<!tpu.dma_semaphore, #tpu.memory_space<semaphore_mem>>
          tpu.wait_indirect_dma semaphore(%dma_wait3A_533 : memref<!tpu.dma_semaphore, #tpu.memory_space<semaphore_mem>>) src(%dma_wait3A_525 : memref<125x32xf32, #tpu.memory_space<vmem>>) dst(%dma_wait3A_531 : memref<10240x32xf32, #tpu.memory_space<vmem_shared>>)
        } else {
        }
        %dma_start3A_505 = arith.constant 5 : i32
        %dma_start3A_506 = arith.constant 5 : i32
        %dma_start3A_507 = arith.constant 0 : i32
        %dma_start3A_508 = arith.constant 0 : i32
        %dma_start3A_509 = tpu.memref_slice %arg9[%dma_start3A_505, %dma_start3A_507, %dma_start3A_508] : memref<8x125x32xf32, #tpu.memory_space<vmem>> -> memref<1x125x32xf32, #tpu.memory_space<vmem>>
        %dma_start3A_510 = tpu.memref_squeeze %dma_start3A_509 : memref<1x125x32xf32, #tpu.memory_space<vmem>> -> memref<125x32xf32, #tpu.memory_space<vmem>>
        %dma_start3A_511 = arith.constant 0 : i32
        %dma_start3A_512 = tpu.memref_slice %arg7[%add3A_267, %dma_start3A_511] : memref<80x125xi32, #tpu.memory_space<vmem>> -> memref<1x125xi32, #tpu.memory_space<vmem>>
        %dma_start3A_513 = tpu.memref_squeeze %dma_start3A_512 : memref<1x125xi32, #tpu.memory_space<vmem>> -> memref<125xi32, #tpu.memory_space<vmem>>
        %dma_start3A_514 = arith.constant 0 : i32
        %dma_start3A_515 = arith.constant 0 : i32
        %dma_start3A_516 = tpu.memref_slice %arg11[%dma_start3A_514, %dma_start3A_515] : memref<10240x32xf32, #tpu.memory_space<vmem_shared>> -> memref<10240x32xf32, #tpu.memory_space<vmem_shared>>
        %dma_start3A_517 = tpu.memref_slice %arg12[%dma_start3A_506] : memref<8x!tpu.dma_semaphore, #tpu.memory_space<semaphore_mem>> -> memref<1x!tpu.dma_semaphore, #tpu.memory_space<semaphore_mem>>
        %dma_start3A_518 = tpu.memref_squeeze %dma_start3A_517 : memref<1x!tpu.dma_semaphore, #tpu.memory_space<semaphore_mem>> -> memref<!tpu.dma_semaphore, #tpu.memory_space<semaphore_mem>>
        tpu.enqueue_indirect_dma source(%dma_start3A_516 : memref<10240x32xf32, #tpu.memory_space<vmem_shared>>) target(%dma_start3A_510 : memref<125x32xf32, #tpu.memory_space<vmem>>) offsets(%dma_start3A_513 : memref<125xi32, #tpu.memory_space<vmem>>) semaphore(%dma_start3A_518 : memref<!tpu.dma_semaphore, #tpu.memory_space<semaphore_mem>>)
      } else {
      }
      %add3A_273 = arith.constant 2 : i32
      %add3A_274 = arith.addi %mul3A_197, %add3A_273 : i32
      %dma_wait3A_275 = arith.constant 0 : i32
      %dma_wait3A_276 = arith.constant 2 : i32
      %dma_wait3A_277 = arith.constant 2 : i32
      %dma_wait3A_278 = arith.constant 0 : i32
      %dma_wait3A_279 = arith.constant 0 : i32
      %dma_wait3A_280 = tpu.memref_slice %arg9[%dma_wait3A_276, %dma_wait3A_278, %dma_wait3A_279] : memref<8x125x32xf32, #tpu.memory_space<vmem>> -> memref<1x125x32xf32, #tpu.memory_space<vmem>>
      %dma_wait3A_281 = tpu.memref_squeeze %dma_wait3A_280 : memref<1x125x32xf32, #tpu.memory_space<vmem>> -> memref<125x32xf32, #tpu.memory_space<vmem>>
      %dma_wait3A_282 = arith.constant 0 : i32
      %dma_wait3A_283 = tpu.memref_slice %arg7[%dma_wait3A_275, %dma_wait3A_282] : memref<80x125xi32, #tpu.memory_space<vmem>> -> memref<1x125xi32, #tpu.memory_space<vmem>>
      %dma_wait3A_284 = tpu.memref_squeeze %dma_wait3A_283 : memref<1x125xi32, #tpu.memory_space<vmem>> -> memref<125xi32, #tpu.memory_space<vmem>>
      %dma_wait3A_285 = arith.constant 0 : i32
      %dma_wait3A_286 = arith.constant 0 : i32
      %dma_wait3A_287 = tpu.memref_slice %arg11[%dma_wait3A_285, %dma_wait3A_286] : memref<10240x32xf32, #tpu.memory_space<vmem_shared>> -> memref<10240x32xf32, #tpu.memory_space<vmem_shared>>
      %dma_wait3A_288 = tpu.memref_slice %arg12[%dma_wait3A_277] : memref<8x!tpu.dma_semaphore, #tpu.memory_space<semaphore_mem>> -> memref<1x!tpu.dma_semaphore, #tpu.memory_space<semaphore_mem>>
      %dma_wait3A_289 = tpu.memref_squeeze %dma_wait3A_288 : memref<1x!tpu.dma_semaphore, #tpu.memory_space<semaphore_mem>> -> memref<!tpu.dma_semaphore, #tpu.memory_space<semaphore_mem>>
      tpu.wait_indirect_dma semaphore(%dma_wait3A_289 : memref<!tpu.dma_semaphore, #tpu.memory_space<semaphore_mem>>) src(%dma_wait3A_287 : memref<10240x32xf32, #tpu.memory_space<vmem_shared>>) dst(%dma_wait3A_281 : memref<125x32xf32, #tpu.memory_space<vmem>>)
      %dma_start3A_290 = arith.constant 2 : i32
      %dma_start3A_291 = arith.constant 2 : i32
      %dma_start3A_292 = arith.constant 0 : i32
      %dma_start3A_293 = arith.constant 0 : i32
      %dma_start3A_294 = tpu.memref_slice %arg9[%dma_start3A_290, %dma_start3A_292, %dma_start3A_293] : memref<8x125x32xf32, #tpu.memory_space<vmem>> -> memref<1x125x32xf32, #tpu.memory_space<vmem>>
      %dma_start3A_295 = tpu.memref_squeeze %dma_start3A_294 : memref<1x125x32xf32, #tpu.memory_space<vmem>> -> memref<125x32xf32, #tpu.memory_space<vmem>>
      %dma_start3A_296 = arith.constant 0 : i32
      %dma_start3A_297 = tpu.memref_slice %arg8[%add3A_274, %dma_start3A_296] : memref<80x125xi32, #tpu.memory_space<vmem>> -> memref<1x125xi32, #tpu.memory_space<vmem>>
      %dma_start3A_298 = tpu.memref_squeeze %dma_start3A_297 : memref<1x125xi32, #tpu.memory_space<vmem>> -> memref<125xi32, #tpu.memory_space<vmem>>
      %dma_start3A_299 = arith.constant 0 : i32
      %dma_start3A_300 = arith.constant 0 : i32
      %dma_start3A_301 = tpu.memref_slice %arg10[%dma_start3A_299, %dma_start3A_300] : memref<10240x32xf32, #tpu.memory_space<vmem_shared>> -> memref<10240x32xf32, #tpu.memory_space<vmem_shared>>
      %dma_start3A_302 = tpu.memref_slice %arg13[%dma_start3A_291] : memref<8x!tpu.dma_semaphore, #tpu.memory_space<semaphore_mem>> -> memref<1x!tpu.dma_semaphore, #tpu.memory_space<semaphore_mem>>
      %dma_start3A_303 = tpu.memref_squeeze %dma_start3A_302 : memref<1x!tpu.dma_semaphore, #tpu.memory_space<semaphore_mem>> -> memref<!tpu.dma_semaphore, #tpu.memory_space<semaphore_mem>>
      tpu.enqueue_indirect_dma source(%dma_start3A_295 : memref<125x32xf32, #tpu.memory_space<vmem>>) target(%dma_start3A_301 : memref<10240x32xf32, #tpu.memory_space<vmem_shared>>) offsets(%dma_start3A_298 : memref<125xi32, #tpu.memory_space<vmem>>) semaphore(%dma_start3A_303 : memref<!tpu.dma_semaphore, #tpu.memory_space<semaphore_mem>>) {add = true}
      %add3A_304 = arith.constant 4 : i32
      %add3A_305 = arith.addi %add3A_274, %add3A_304 : i32
      %lt3A_306 = arith.constant 80 : i32
      %lt3A_307 = arith.cmpi slt, %add3A_305, %lt3A_306 : i32
      %convert_element_type3A_308 = arith.extui %lt3A_307 : i1 to i32
      %cond3A_309 = arith.constant 0 : i32
      %cond3A_310 = arith.cmpi ne, %convert_element_type3A_308, %cond3A_309 : i32
      scf.if %cond3A_310 {
        %ge3A = arith.constant 4 : i32
        %ge3A_501 = arith.cmpi sge, %add3A_274, %ge3A : i32
        %convert_element_type3A_502 = arith.extui %ge3A_501 : i1 to i32
        %cond3A_503 = arith.constant 0 : i32
        %cond3A_504 = arith.cmpi ne, %convert_element_type3A_502, %cond3A_503 : i32
        scf.if %cond3A_504 {
          %dma_wait3A_519 = arith.constant 6 : i32
          %dma_wait3A_520 = arith.constant 0 : i32
          %dma_wait3A_521 = arith.constant 6 : i32
          %dma_wait3A_522 = arith.constant 0 : i32
          %dma_wait3A_523 = arith.constant 0 : i32
          %dma_wait3A_524 = tpu.memref_slice %arg9[%dma_wait3A_519, %dma_wait3A_522, %dma_wait3A_523] : memref<8x125x32xf32, #tpu.memory_space<vmem>> -> memref<1x125x32xf32, #tpu.memory_space<vmem>>
          %dma_wait3A_525 = tpu.memref_squeeze %dma_wait3A_524 : memref<1x125x32xf32, #tpu.memory_space<vmem>> -> memref<125x32xf32, #tpu.memory_space<vmem>>
          %dma_wait3A_526 = arith.constant 0 : i32
          %dma_wait3A_527 = tpu.memref_slice %arg8[%dma_wait3A_520, %dma_wait3A_526] : memref<80x125xi32, #tpu.memory_space<vmem>> -> memref<1x125xi32, #tpu.memory_space<vmem>>
          %dma_wait3A_528 = tpu.memref_squeeze %dma_wait3A_527 : memref<1x125xi32, #tpu.memory_space<vmem>> -> memref<125xi32, #tpu.memory_space<vmem>>
          %dma_wait3A_529 = arith.constant 0 : i32
          %dma_wait3A_530 = arith.constant 0 : i32
          %dma_wait3A_531 = tpu.memref_slice %arg10[%dma_wait3A_529, %dma_wait3A_530] : memref<10240x32xf32, #tpu.memory_space<vmem_shared>> -> memref<10240x32xf32, #tpu.memory_space<vmem_shared>>
          %dma_wait3A_532 = tpu.memref_slice %arg13[%dma_wait3A_521] : memref<8x!tpu.dma_semaphore, #tpu.memory_space<semaphore_mem>> -> memref<1x!tpu.dma_semaphore, #tpu.memory_space<semaphore_mem>>
          %dma_wait3A_533 = tpu.memref_squeeze %dma_wait3A_532 : memref<1x!tpu.dma_semaphore, #tpu.memory_space<semaphore_mem>> -> memref<!tpu.dma_semaphore, #tpu.memory_space<semaphore_mem>>
          tpu.wait_indirect_dma semaphore(%dma_wait3A_533 : memref<!tpu.dma_semaphore, #tpu.memory_space<semaphore_mem>>) src(%dma_wait3A_525 : memref<125x32xf32, #tpu.memory_space<vmem>>) dst(%dma_wait3A_531 : memref<10240x32xf32, #tpu.memory_space<vmem_shared>>)
        } else {
        }
        %dma_start3A_505 = arith.constant 6 : i32
        %dma_start3A_506 = arith.constant 6 : i32
        %dma_start3A_507 = arith.constant 0 : i32
        %dma_start3A_508 = arith.constant 0 : i32
        %dma_start3A_509 = tpu.memref_slice %arg9[%dma_start3A_505, %dma_start3A_507, %dma_start3A_508] : memref<8x125x32xf32, #tpu.memory_space<vmem>> -> memref<1x125x32xf32, #tpu.memory_space<vmem>>
        %dma_start3A_510 = tpu.memref_squeeze %dma_start3A_509 : memref<1x125x32xf32, #tpu.memory_space<vmem>> -> memref<125x32xf32, #tpu.memory_space<vmem>>
        %dma_start3A_511 = arith.constant 0 : i32
        %dma_start3A_512 = tpu.memref_slice %arg7[%add3A_305, %dma_start3A_511] : memref<80x125xi32, #tpu.memory_space<vmem>> -> memref<1x125xi32, #tpu.memory_space<vmem>>
        %dma_start3A_513 = tpu.memref_squeeze %dma_start3A_512 : memref<1x125xi32, #tpu.memory_space<vmem>> -> memref<125xi32, #tpu.memory_space<vmem>>
        %dma_start3A_514 = arith.constant 0 : i32
        %dma_start3A_515 = arith.constant 0 : i32
        %dma_start3A_516 = tpu.memref_slice %arg11[%dma_start3A_514, %dma_start3A_515] : memref<10240x32xf32, #tpu.memory_space<vmem_shared>> -> memref<10240x32xf32, #tpu.memory_space<vmem_shared>>
        %dma_start3A_517 = tpu.memref_slice %arg12[%dma_start3A_506] : memref<8x!tpu.dma_semaphore, #tpu.memory_space<semaphore_mem>> -> memref<1x!tpu.dma_semaphore, #tpu.memory_space<semaphore_mem>>
        %dma_start3A_518 = tpu.memref_squeeze %dma_start3A_517 : memref<1x!tpu.dma_semaphore, #tpu.memory_space<semaphore_mem>> -> memref<!tpu.dma_semaphore, #tpu.memory_space<semaphore_mem>>
        tpu.enqueue_indirect_dma source(%dma_start3A_516 : memref<10240x32xf32, #tpu.memory_space<vmem_shared>>) target(%dma_start3A_510 : memref<125x32xf32, #tpu.memory_space<vmem>>) offsets(%dma_start3A_513 : memref<125xi32, #tpu.memory_space<vmem>>) semaphore(%dma_start3A_518 : memref<!tpu.dma_semaphore, #tpu.memory_space<semaphore_mem>>)
      } else {
      }
      %add3A_311 = arith.constant 3 : i32
      %add3A_312 = arith.addi %mul3A_197, %add3A_311 : i32
      %dma_wait3A_313 = arith.constant 0 : i32
      %dma_wait3A_314 = arith.constant 3 : i32
      %dma_wait3A_315 = arith.constant 3 : i32
      %dma_wait3A_316 = arith.constant 0 : i32
      %dma_wait3A_317 = arith.constant 0 : i32
      %dma_wait3A_318 = tpu.memref_slice %arg9[%dma_wait3A_314, %dma_wait3A_316, %dma_wait3A_317] : memref<8x125x32xf32, #tpu.memory_space<vmem>> -> memref<1x125x32xf32, #tpu.memory_space<vmem>>
      %dma_wait3A_319 = tpu.memref_squeeze %dma_wait3A_318 : memref<1x125x32xf32, #tpu.memory_space<vmem>> -> memref<125x32xf32, #tpu.memory_space<vmem>>
      %dma_wait3A_320 = arith.constant 0 : i32
      %dma_wait3A_321 = tpu.memref_slice %arg7[%dma_wait3A_313, %dma_wait3A_320] : memref<80x125xi32, #tpu.memory_space<vmem>> -> memref<1x125xi32, #tpu.memory_space<vmem>>
      %dma_wait3A_322 = tpu.memref_squeeze %dma_wait3A_321 : memref<1x125xi32, #tpu.memory_space<vmem>> -> memref<125xi32, #tpu.memory_space<vmem>>
      %dma_wait3A_323 = arith.constant 0 : i32
      %dma_wait3A_324 = arith.constant 0 : i32
      %dma_wait3A_325 = tpu.memref_slice %arg11[%dma_wait3A_323, %dma_wait3A_324] : memref<10240x32xf32, #tpu.memory_space<vmem_shared>> -> memref<10240x32xf32, #tpu.memory_space<vmem_shared>>
      %dma_wait3A_326 = tpu.memref_slice %arg12[%dma_wait3A_315] : memref<8x!tpu.dma_semaphore, #tpu.memory_space<semaphore_mem>> -> memref<1x!tpu.dma_semaphore, #tpu.memory_space<semaphore_mem>>
      %dma_wait3A_327 = tpu.memref_squeeze %dma_wait3A_326 : memref<1x!tpu.dma_semaphore, #tpu.memory_space<semaphore_mem>> -> memref<!tpu.dma_semaphore, #tpu.memory_space<semaphore_mem>>
      tpu.wait_indirect_dma semaphore(%dma_wait3A_327 : memref<!tpu.dma_semaphore, #tpu.memory_space<semaphore_mem>>) src(%dma_wait3A_325 : memref<10240x32xf32, #tpu.memory_space<vmem_shared>>) dst(%dma_wait3A_319 : memref<125x32xf32, #tpu.memory_space<vmem>>)
      %dma_start3A_328 = arith.constant 3 : i32
      %dma_start3A_329 = arith.constant 3 : i32
      %dma_start3A_330 = arith.constant 0 : i32
      %dma_start3A_331 = arith.constant 0 : i32
      %dma_start3A_332 = tpu.memref_slice %arg9[%dma_start3A_328, %dma_start3A_330, %dma_start3A_331] : memref<8x125x32xf32, #tpu.memory_space<vmem>> -> memref<1x125x32xf32, #tpu.memory_space<vmem>>
      %dma_start3A_333 = tpu.memref_squeeze %dma_start3A_332 : memref<1x125x32xf32, #tpu.memory_space<vmem>> -> memref<125x32xf32, #tpu.memory_space<vmem>>
      %dma_start3A_334 = arith.constant 0 : i32
      %dma_start3A_335 = tpu.memref_slice %arg8[%add3A_312, %dma_start3A_334] : memref<80x125xi32, #tpu.memory_space<vmem>> -> memref<1x125xi32, #tpu.memory_space<vmem>>
      %dma_start3A_336 = tpu.memref_squeeze %dma_start3A_335 : memref<1x125xi32, #tpu.memory_space<vmem>> -> memref<125xi32, #tpu.memory_space<vmem>>
      %dma_start3A_337 = arith.constant 0 : i32
      %dma_start3A_338 = arith.constant 0 : i32
      %dma_start3A_339 = tpu.memref_slice %arg10[%dma_start3A_337, %dma_start3A_338] : memref<10240x32xf32, #tpu.memory_space<vmem_shared>> -> memref<10240x32xf32, #tpu.memory_space<vmem_shared>>
      %dma_start3A_340 = tpu.memref_slice %arg13[%dma_start3A_329] : memref<8x!tpu.dma_semaphore, #tpu.memory_space<semaphore_mem>> -> memref<1x!tpu.dma_semaphore, #tpu.memory_space<semaphore_mem>>
      %dma_start3A_341 = tpu.memref_squeeze %dma_start3A_340 : memref<1x!tpu.dma_semaphore, #tpu.memory_space<semaphore_mem>> -> memref<!tpu.dma_semaphore, #tpu.memory_space<semaphore_mem>>
      tpu.enqueue_indirect_dma source(%dma_start3A_333 : memref<125x32xf32, #tpu.memory_space<vmem>>) target(%dma_start3A_339 : memref<10240x32xf32, #tpu.memory_space<vmem_shared>>) offsets(%dma_start3A_336 : memref<125xi32, #tpu.memory_space<vmem>>) semaphore(%dma_start3A_341 : memref<!tpu.dma_semaphore, #tpu.memory_space<semaphore_mem>>) {add = true}
      %add3A_342 = arith.constant 4 : i32
      %add3A_343 = arith.addi %add3A_312, %add3A_342 : i32
      %lt3A_344 = arith.constant 80 : i32
      %lt3A_345 = arith.cmpi slt, %add3A_343, %lt3A_344 : i32
      %convert_element_type3A_346 = arith.extui %lt3A_345 : i1 to i32
      %cond3A_347 = arith.constant 0 : i32
      %cond3A_348 = arith.cmpi ne, %convert_element_type3A_346, %cond3A_347 : i32
      scf.if %cond3A_348 {
        %ge3A = arith.constant 4 : i32
        %ge3A_501 = arith.cmpi sge, %add3A_312, %ge3A : i32
        %convert_element_type3A_502 = arith.extui %ge3A_501 : i1 to i32
        %cond3A_503 = arith.constant 0 : i32
        %cond3A_504 = arith.cmpi ne, %convert_element_type3A_502, %cond3A_503 : i32
        scf.if %cond3A_504 {
          %dma_wait3A_519 = arith.constant 7 : i32
          %dma_wait3A_520 = arith.constant 0 : i32
          %dma_wait3A_521 = arith.constant 7 : i32
          %dma_wait3A_522 = arith.constant 0 : i32
          %dma_wait3A_523 = arith.constant 0 : i32
          %dma_wait3A_524 = tpu.memref_slice %arg9[%dma_wait3A_519, %dma_wait3A_522, %dma_wait3A_523] : memref<8x125x32xf32, #tpu.memory_space<vmem>> -> memref<1x125x32xf32, #tpu.memory_space<vmem>>
          %dma_wait3A_525 = tpu.memref_squeeze %dma_wait3A_524 : memref<1x125x32xf32, #tpu.memory_space<vmem>> -> memref<125x32xf32, #tpu.memory_space<vmem>>
          %dma_wait3A_526 = arith.constant 0 : i32
          %dma_wait3A_527 = tpu.memref_slice %arg8[%dma_wait3A_520, %dma_wait3A_526] : memref<80x125xi32, #tpu.memory_space<vmem>> -> memref<1x125xi32, #tpu.memory_space<vmem>>
          %dma_wait3A_528 = tpu.memref_squeeze %dma_wait3A_527 : memref<1x125xi32, #tpu.memory_space<vmem>> -> memref<125xi32, #tpu.memory_space<vmem>>
          %dma_wait3A_529 = arith.constant 0 : i32
          %dma_wait3A_530 = arith.constant 0 : i32
          %dma_wait3A_531 = tpu.memref_slice %arg10[%dma_wait3A_529, %dma_wait3A_530] : memref<10240x32xf32, #tpu.memory_space<vmem_shared>> -> memref<10240x32xf32, #tpu.memory_space<vmem_shared>>
          %dma_wait3A_532 = tpu.memref_slice %arg13[%dma_wait3A_521] : memref<8x!tpu.dma_semaphore, #tpu.memory_space<semaphore_mem>> -> memref<1x!tpu.dma_semaphore, #tpu.memory_space<semaphore_mem>>
          %dma_wait3A_533 = tpu.memref_squeeze %dma_wait3A_532 : memref<1x!tpu.dma_semaphore, #tpu.memory_space<semaphore_mem>> -> memref<!tpu.dma_semaphore, #tpu.memory_space<semaphore_mem>>
          tpu.wait_indirect_dma semaphore(%dma_wait3A_533 : memref<!tpu.dma_semaphore, #tpu.memory_space<semaphore_mem>>) src(%dma_wait3A_525 : memref<125x32xf32, #tpu.memory_space<vmem>>) dst(%dma_wait3A_531 : memref<10240x32xf32, #tpu.memory_space<vmem_shared>>)
        } else {
        }
        %dma_start3A_505 = arith.constant 7 : i32
        %dma_start3A_506 = arith.constant 7 : i32
        %dma_start3A_507 = arith.constant 0 : i32
        %dma_start3A_508 = arith.constant 0 : i32
        %dma_start3A_509 = tpu.memref_slice %arg9[%dma_start3A_505, %dma_start3A_507, %dma_start3A_508] : memref<8x125x32xf32, #tpu.memory_space<vmem>> -> memref<1x125x32xf32, #tpu.memory_space<vmem>>
        %dma_start3A_510 = tpu.memref_squeeze %dma_start3A_509 : memref<1x125x32xf32, #tpu.memory_space<vmem>> -> memref<125x32xf32, #tpu.memory_space<vmem>>
        %dma_start3A_511 = arith.constant 0 : i32
        %dma_start3A_512 = tpu.memref_slice %arg7[%add3A_343, %dma_start3A_511] : memref<80x125xi32, #tpu.memory_space<vmem>> -> memref<1x125xi32, #tpu.memory_space<vmem>>
        %dma_start3A_513 = tpu.memref_squeeze %dma_start3A_512 : memref<1x125xi32, #tpu.memory_space<vmem>> -> memref<125xi32, #tpu.memory_space<vmem>>
        %dma_start3A_514 = arith.constant 0 : i32
        %dma_start3A_515 = arith.constant 0 : i32
        %dma_start3A_516 = tpu.memref_slice %arg11[%dma_start3A_514, %dma_start3A_515] : memref<10240x32xf32, #tpu.memory_space<vmem_shared>> -> memref<10240x32xf32, #tpu.memory_space<vmem_shared>>
        %dma_start3A_517 = tpu.memref_slice %arg12[%dma_start3A_506] : memref<8x!tpu.dma_semaphore, #tpu.memory_space<semaphore_mem>> -> memref<1x!tpu.dma_semaphore, #tpu.memory_space<semaphore_mem>>
        %dma_start3A_518 = tpu.memref_squeeze %dma_start3A_517 : memref<1x!tpu.dma_semaphore, #tpu.memory_space<semaphore_mem>> -> memref<!tpu.dma_semaphore, #tpu.memory_space<semaphore_mem>>
        tpu.enqueue_indirect_dma source(%dma_start3A_516 : memref<10240x32xf32, #tpu.memory_space<vmem_shared>>) target(%dma_start3A_510 : memref<125x32xf32, #tpu.memory_space<vmem>>) offsets(%dma_start3A_513 : memref<125xi32, #tpu.memory_space<vmem>>) semaphore(%dma_start3A_518 : memref<!tpu.dma_semaphore, #tpu.memory_space<semaphore_mem>>)
      } else {
      }
      %add3A_349 = arith.constant 4 : i32
      %add3A_350 = arith.addi %mul3A_197, %add3A_349 : i32
      %dma_wait3A_351 = arith.constant 0 : i32
      %dma_wait3A_352 = arith.constant 4 : i32
      %dma_wait3A_353 = arith.constant 4 : i32
      %dma_wait3A_354 = arith.constant 0 : i32
      %dma_wait3A_355 = arith.constant 0 : i32
      %dma_wait3A_356 = tpu.memref_slice %arg9[%dma_wait3A_352, %dma_wait3A_354, %dma_wait3A_355] : memref<8x125x32xf32, #tpu.memory_space<vmem>> -> memref<1x125x32xf32, #tpu.memory_space<vmem>>
      %dma_wait3A_357 = tpu.memref_squeeze %dma_wait3A_356 : memref<1x125x32xf32, #tpu.memory_space<vmem>> -> memref<125x32xf32, #tpu.memory_space<vmem>>
      %dma_wait3A_358 = arith.constant 0 : i32
      %dma_wait3A_359 = tpu.memref_slice %arg7[%dma_wait3A_351, %dma_wait3A_358] : memref<80x125xi32, #tpu.memory_space<vmem>> -> memref<1x125xi32, #tpu.memory_space<vmem>>
      %dma_wait3A_360 = tpu.memref_squeeze %dma_wait3A_359 : memref<1x125xi32, #tpu.memory_space<vmem>> -> memref<125xi32, #tpu.memory_space<vmem>>
      %dma_wait3A_361 = arith.constant 0 : i32
      %dma_wait3A_362 = arith.constant 0 : i32
      %dma_wait3A_363 = tpu.memref_slice %arg11[%dma_wait3A_361, %dma_wait3A_362] : memref<10240x32xf32, #tpu.memory_space<vmem_shared>> -> memref<10240x32xf32, #tpu.memory_space<vmem_shared>>
      %dma_wait3A_364 = tpu.memref_slice %arg12[%dma_wait3A_353] : memref<8x!tpu.dma_semaphore, #tpu.memory_space<semaphore_mem>> -> memref<1x!tpu.dma_semaphore, #tpu.memory_space<semaphore_mem>>
      %dma_wait3A_365 = tpu.memref_squeeze %dma_wait3A_364 : memref<1x!tpu.dma_semaphore, #tpu.memory_space<semaphore_mem>> -> memref<!tpu.dma_semaphore, #tpu.memory_space<semaphore_mem>>
      tpu.wait_indirect_dma semaphore(%dma_wait3A_365 : memref<!tpu.dma_semaphore, #tpu.memory_space<semaphore_mem>>) src(%dma_wait3A_363 : memref<10240x32xf32, #tpu.memory_space<vmem_shared>>) dst(%dma_wait3A_357 : memref<125x32xf32, #tpu.memory_space<vmem>>)
      %dma_start3A_366 = arith.constant 4 : i32
      %dma_start3A_367 = arith.constant 4 : i32
      %dma_start3A_368 = arith.constant 0 : i32
      %dma_start3A_369 = arith.constant 0 : i32
      %dma_start3A_370 = tpu.memref_slice %arg9[%dma_start3A_366, %dma_start3A_368, %dma_start3A_369] : memref<8x125x32xf32, #tpu.memory_space<vmem>> -> memref<1x125x32xf32, #tpu.memory_space<vmem>>
      %dma_start3A_371 = tpu.memref_squeeze %dma_start3A_370 : memref<1x125x32xf32, #tpu.memory_space<vmem>> -> memref<125x32xf32, #tpu.memory_space<vmem>>
      %dma_start3A_372 = arith.constant 0 : i32
      %dma_start3A_373 = tpu.memref_slice %arg8[%add3A_350, %dma_start3A_372] : memref<80x125xi32, #tpu.memory_space<vmem>> -> memref<1x125xi32, #tpu.memory_space<vmem>>
      %dma_start3A_374 = tpu.memref_squeeze %dma_start3A_373 : memref<1x125xi32, #tpu.memory_space<vmem>> -> memref<125xi32, #tpu.memory_space<vmem>>
      %dma_start3A_375 = arith.constant 0 : i32
      %dma_start3A_376 = arith.constant 0 : i32
      %dma_start3A_377 = tpu.memref_slice %arg10[%dma_start3A_375, %dma_start3A_376] : memref<10240x32xf32, #tpu.memory_space<vmem_shared>> -> memref<10240x32xf32, #tpu.memory_space<vmem_shared>>
      %dma_start3A_378 = tpu.memref_slice %arg13[%dma_start3A_367] : memref<8x!tpu.dma_semaphore, #tpu.memory_space<semaphore_mem>> -> memref<1x!tpu.dma_semaphore, #tpu.memory_space<semaphore_mem>>
      %dma_start3A_379 = tpu.memref_squeeze %dma_start3A_378 : memref<1x!tpu.dma_semaphore, #tpu.memory_space<semaphore_mem>> -> memref<!tpu.dma_semaphore, #tpu.memory_space<semaphore_mem>>
      tpu.enqueue_indirect_dma source(%dma_start3A_371 : memref<125x32xf32, #tpu.memory_space<vmem>>) target(%dma_start3A_377 : memref<10240x32xf32, #tpu.memory_space<vmem_shared>>) offsets(%dma_start3A_374 : memref<125xi32, #tpu.memory_space<vmem>>) semaphore(%dma_start3A_379 : memref<!tpu.dma_semaphore, #tpu.memory_space<semaphore_mem>>) {add = true}
      %add3A_380 = arith.constant 4 : i32
      %add3A_381 = arith.addi %add3A_350, %add3A_380 : i32
      %lt3A_382 = arith.constant 80 : i32
      %lt3A_383 = arith.cmpi slt, %add3A_381, %lt3A_382 : i32
      %convert_element_type3A_384 = arith.extui %lt3A_383 : i1 to i32
      %cond3A_385 = arith.constant 0 : i32
      %cond3A_386 = arith.cmpi ne, %convert_element_type3A_384, %cond3A_385 : i32
      scf.if %cond3A_386 {
        %ge3A = arith.constant 4 : i32
        %ge3A_501 = arith.cmpi sge, %add3A_350, %ge3A : i32
        %convert_element_type3A_502 = arith.extui %ge3A_501 : i1 to i32
        %cond3A_503 = arith.constant 0 : i32
        %cond3A_504 = arith.cmpi ne, %convert_element_type3A_502, %cond3A_503 : i32
        scf.if %cond3A_504 {
          %dma_wait3A_519 = arith.constant 0 : i32
          %dma_wait3A_520 = arith.constant 0 : i32
          %dma_wait3A_521 = arith.constant 0 : i32
          %dma_wait3A_522 = arith.constant 0 : i32
          %dma_wait3A_523 = arith.constant 0 : i32
          %dma_wait3A_524 = tpu.memref_slice %arg9[%dma_wait3A_519, %dma_wait3A_522, %dma_wait3A_523] : memref<8x125x32xf32, #tpu.memory_space<vmem>> -> memref<1x125x32xf32, #tpu.memory_space<vmem>>
          %dma_wait3A_525 = tpu.memref_squeeze %dma_wait3A_524 : memref<1x125x32xf32, #tpu.memory_space<vmem>> -> memref<125x32xf32, #tpu.memory_space<vmem>>
          %dma_wait3A_526 = arith.constant 0 : i32
          %dma_wait3A_527 = tpu.memref_slice %arg8[%dma_wait3A_520, %dma_wait3A_526] : memref<80x125xi32, #tpu.memory_space<vmem>> -> memref<1x125xi32, #tpu.memory_space<vmem>>
          %dma_wait3A_528 = tpu.memref_squeeze %dma_wait3A_527 : memref<1x125xi32, #tpu.memory_space<vmem>> -> memref<125xi32, #tpu.memory_space<vmem>>
          %dma_wait3A_529 = arith.constant 0 : i32
          %dma_wait3A_530 = arith.constant 0 : i32
          %dma_wait3A_531 = tpu.memref_slice %arg10[%dma_wait3A_529, %dma_wait3A_530] : memref<10240x32xf32, #tpu.memory_space<vmem_shared>> -> memref<10240x32xf32, #tpu.memory_space<vmem_shared>>
          %dma_wait3A_532 = tpu.memref_slice %arg13[%dma_wait3A_521] : memref<8x!tpu.dma_semaphore, #tpu.memory_space<semaphore_mem>> -> memref<1x!tpu.dma_semaphore, #tpu.memory_space<semaphore_mem>>
          %dma_wait3A_533 = tpu.memref_squeeze %dma_wait3A_532 : memref<1x!tpu.dma_semaphore, #tpu.memory_space<semaphore_mem>> -> memref<!tpu.dma_semaphore, #tpu.memory_space<semaphore_mem>>
          tpu.wait_indirect_dma semaphore(%dma_wait3A_533 : memref<!tpu.dma_semaphore, #tpu.memory_space<semaphore_mem>>) src(%dma_wait3A_525 : memref<125x32xf32, #tpu.memory_space<vmem>>) dst(%dma_wait3A_531 : memref<10240x32xf32, #tpu.memory_space<vmem_shared>>)
        } else {
        }
        %dma_start3A_505 = arith.constant 0 : i32
        %dma_start3A_506 = arith.constant 0 : i32
        %dma_start3A_507 = arith.constant 0 : i32
        %dma_start3A_508 = arith.constant 0 : i32
        %dma_start3A_509 = tpu.memref_slice %arg9[%dma_start3A_505, %dma_start3A_507, %dma_start3A_508] : memref<8x125x32xf32, #tpu.memory_space<vmem>> -> memref<1x125x32xf32, #tpu.memory_space<vmem>>
        %dma_start3A_510 = tpu.memref_squeeze %dma_start3A_509 : memref<1x125x32xf32, #tpu.memory_space<vmem>> -> memref<125x32xf32, #tpu.memory_space<vmem>>
        %dma_start3A_511 = arith.constant 0 : i32
        %dma_start3A_512 = tpu.memref_slice %arg7[%add3A_381, %dma_start3A_511] : memref<80x125xi32, #tpu.memory_space<vmem>> -> memref<1x125xi32, #tpu.memory_space<vmem>>
        %dma_start3A_513 = tpu.memref_squeeze %dma_start3A_512 : memref<1x125xi32, #tpu.memory_space<vmem>> -> memref<125xi32, #tpu.memory_space<vmem>>
        %dma_start3A_514 = arith.constant 0 : i32
        %dma_start3A_515 = arith.constant 0 : i32
        %dma_start3A_516 = tpu.memref_slice %arg11[%dma_start3A_514, %dma_start3A_515] : memref<10240x32xf32, #tpu.memory_space<vmem_shared>> -> memref<10240x32xf32, #tpu.memory_space<vmem_shared>>
        %dma_start3A_517 = tpu.memref_slice %arg12[%dma_start3A_506] : memref<8x!tpu.dma_semaphore, #tpu.memory_space<semaphore_mem>> -> memref<1x!tpu.dma_semaphore, #tpu.memory_space<semaphore_mem>>
        %dma_start3A_518 = tpu.memref_squeeze %dma_start3A_517 : memref<1x!tpu.dma_semaphore, #tpu.memory_space<semaphore_mem>> -> memref<!tpu.dma_semaphore, #tpu.memory_space<semaphore_mem>>
        tpu.enqueue_indirect_dma source(%dma_start3A_516 : memref<10240x32xf32, #tpu.memory_space<vmem_shared>>) target(%dma_start3A_510 : memref<125x32xf32, #tpu.memory_space<vmem>>) offsets(%dma_start3A_513 : memref<125xi32, #tpu.memory_space<vmem>>) semaphore(%dma_start3A_518 : memref<!tpu.dma_semaphore, #tpu.memory_space<semaphore_mem>>)
      } else {
      }
      %add3A_387 = arith.constant 5 : i32
      %add3A_388 = arith.addi %mul3A_197, %add3A_387 : i32
      %dma_wait3A_389 = arith.constant 0 : i32
      %dma_wait3A_390 = arith.constant 5 : i32
      %dma_wait3A_391 = arith.constant 5 : i32
      %dma_wait3A_392 = arith.constant 0 : i32
      %dma_wait3A_393 = arith.constant 0 : i32
      %dma_wait3A_394 = tpu.memref_slice %arg9[%dma_wait3A_390, %dma_wait3A_392, %dma_wait3A_393] : memref<8x125x32xf32, #tpu.memory_space<vmem>> -> memref<1x125x32xf32, #tpu.memory_space<vmem>>
      %dma_wait3A_395 = tpu.memref_squeeze %dma_wait3A_394 : memref<1x125x32xf32, #tpu.memory_space<vmem>> -> memref<125x32xf32, #tpu.memory_space<vmem>>
      %dma_wait3A_396 = arith.constant 0 : i32
      %dma_wait3A_397 = tpu.memref_slice %arg7[%dma_wait3A_389, %dma_wait3A_396] : memref<80x125xi32, #tpu.memory_space<vmem>> -> memref<1x125xi32, #tpu.memory_space<vmem>>
      %dma_wait3A_398 = tpu.memref_squeeze %dma_wait3A_397 : memref<1x125xi32, #tpu.memory_space<vmem>> -> memref<125xi32, #tpu.memory_space<vmem>>
      %dma_wait3A_399 = arith.constant 0 : i32
      %dma_wait3A_400 = arith.constant 0 : i32
      %dma_wait3A_401 = tpu.memref_slice %arg11[%dma_wait3A_399, %dma_wait3A_400] : memref<10240x32xf32, #tpu.memory_space<vmem_shared>> -> memref<10240x32xf32, #tpu.memory_space<vmem_shared>>
      %dma_wait3A_402 = tpu.memref_slice %arg12[%dma_wait3A_391] : memref<8x!tpu.dma_semaphore, #tpu.memory_space<semaphore_mem>> -> memref<1x!tpu.dma_semaphore, #tpu.memory_space<semaphore_mem>>
      %dma_wait3A_403 = tpu.memref_squeeze %dma_wait3A_402 : memref<1x!tpu.dma_semaphore, #tpu.memory_space<semaphore_mem>> -> memref<!tpu.dma_semaphore, #tpu.memory_space<semaphore_mem>>
      tpu.wait_indirect_dma semaphore(%dma_wait3A_403 : memref<!tpu.dma_semaphore, #tpu.memory_space<semaphore_mem>>) src(%dma_wait3A_401 : memref<10240x32xf32, #tpu.memory_space<vmem_shared>>) dst(%dma_wait3A_395 : memref<125x32xf32, #tpu.memory_space<vmem>>)
      %dma_start3A_404 = arith.constant 5 : i32
      %dma_start3A_405 = arith.constant 5 : i32
      %dma_start3A_406 = arith.constant 0 : i32
      %dma_start3A_407 = arith.constant 0 : i32
      %dma_start3A_408 = tpu.memref_slice %arg9[%dma_start3A_404, %dma_start3A_406, %dma_start3A_407] : memref<8x125x32xf32, #tpu.memory_space<vmem>> -> memref<1x125x32xf32, #tpu.memory_space<vmem>>
      %dma_start3A_409 = tpu.memref_squeeze %dma_start3A_408 : memref<1x125x32xf32, #tpu.memory_space<vmem>> -> memref<125x32xf32, #tpu.memory_space<vmem>>
      %dma_start3A_410 = arith.constant 0 : i32
      %dma_start3A_411 = tpu.memref_slice %arg8[%add3A_388, %dma_start3A_410] : memref<80x125xi32, #tpu.memory_space<vmem>> -> memref<1x125xi32, #tpu.memory_space<vmem>>
      %dma_start3A_412 = tpu.memref_squeeze %dma_start3A_411 : memref<1x125xi32, #tpu.memory_space<vmem>> -> memref<125xi32, #tpu.memory_space<vmem>>
      %dma_start3A_413 = arith.constant 0 : i32
      %dma_start3A_414 = arith.constant 0 : i32
      %dma_start3A_415 = tpu.memref_slice %arg10[%dma_start3A_413, %dma_start3A_414] : memref<10240x32xf32, #tpu.memory_space<vmem_shared>> -> memref<10240x32xf32, #tpu.memory_space<vmem_shared>>
      %dma_start3A_416 = tpu.memref_slice %arg13[%dma_start3A_405] : memref<8x!tpu.dma_semaphore, #tpu.memory_space<semaphore_mem>> -> memref<1x!tpu.dma_semaphore, #tpu.memory_space<semaphore_mem>>
      %dma_start3A_417 = tpu.memref_squeeze %dma_start3A_416 : memref<1x!tpu.dma_semaphore, #tpu.memory_space<semaphore_mem>> -> memref<!tpu.dma_semaphore, #tpu.memory_space<semaphore_mem>>
      tpu.enqueue_indirect_dma source(%dma_start3A_409 : memref<125x32xf32, #tpu.memory_space<vmem>>) target(%dma_start3A_415 : memref<10240x32xf32, #tpu.memory_space<vmem_shared>>) offsets(%dma_start3A_412 : memref<125xi32, #tpu.memory_space<vmem>>) semaphore(%dma_start3A_417 : memref<!tpu.dma_semaphore, #tpu.memory_space<semaphore_mem>>) {add = true}
      %add3A_418 = arith.constant 4 : i32
      %add3A_419 = arith.addi %add3A_388, %add3A_418 : i32
      %lt3A_420 = arith.constant 80 : i32
      %lt3A_421 = arith.cmpi slt, %add3A_419, %lt3A_420 : i32
      %convert_element_type3A_422 = arith.extui %lt3A_421 : i1 to i32
      %cond3A_423 = arith.constant 0 : i32
      %cond3A_424 = arith.cmpi ne, %convert_element_type3A_422, %cond3A_423 : i32
      scf.if %cond3A_424 {
        %ge3A = arith.constant 4 : i32
        %ge3A_501 = arith.cmpi sge, %add3A_388, %ge3A : i32
        %convert_element_type3A_502 = arith.extui %ge3A_501 : i1 to i32
        %cond3A_503 = arith.constant 0 : i32
        %cond3A_504 = arith.cmpi ne, %convert_element_type3A_502, %cond3A_503 : i32
        scf.if %cond3A_504 {
          %dma_wait3A_519 = arith.constant 1 : i32
          %dma_wait3A_520 = arith.constant 0 : i32
          %dma_wait3A_521 = arith.constant 1 : i32
          %dma_wait3A_522 = arith.constant 0 : i32
          %dma_wait3A_523 = arith.constant 0 : i32
          %dma_wait3A_524 = tpu.memref_slice %arg9[%dma_wait3A_519, %dma_wait3A_522, %dma_wait3A_523] : memref<8x125x32xf32, #tpu.memory_space<vmem>> -> memref<1x125x32xf32, #tpu.memory_space<vmem>>
          %dma_wait3A_525 = tpu.memref_squeeze %dma_wait3A_524 : memref<1x125x32xf32, #tpu.memory_space<vmem>> -> memref<125x32xf32, #tpu.memory_space<vmem>>
          %dma_wait3A_526 = arith.constant 0 : i32
          %dma_wait3A_527 = tpu.memref_slice %arg8[%dma_wait3A_520, %dma_wait3A_526] : memref<80x125xi32, #tpu.memory_space<vmem>> -> memref<1x125xi32, #tpu.memory_space<vmem>>
          %dma_wait3A_528 = tpu.memref_squeeze %dma_wait3A_527 : memref<1x125xi32, #tpu.memory_space<vmem>> -> memref<125xi32, #tpu.memory_space<vmem>>
          %dma_wait3A_529 = arith.constant 0 : i32
          %dma_wait3A_530 = arith.constant 0 : i32
          %dma_wait3A_531 = tpu.memref_slice %arg10[%dma_wait3A_529, %dma_wait3A_530] : memref<10240x32xf32, #tpu.memory_space<vmem_shared>> -> memref<10240x32xf32, #tpu.memory_space<vmem_shared>>
          %dma_wait3A_532 = tpu.memref_slice %arg13[%dma_wait3A_521] : memref<8x!tpu.dma_semaphore, #tpu.memory_space<semaphore_mem>> -> memref<1x!tpu.dma_semaphore, #tpu.memory_space<semaphore_mem>>
          %dma_wait3A_533 = tpu.memref_squeeze %dma_wait3A_532 : memref<1x!tpu.dma_semaphore, #tpu.memory_space<semaphore_mem>> -> memref<!tpu.dma_semaphore, #tpu.memory_space<semaphore_mem>>
          tpu.wait_indirect_dma semaphore(%dma_wait3A_533 : memref<!tpu.dma_semaphore, #tpu.memory_space<semaphore_mem>>) src(%dma_wait3A_525 : memref<125x32xf32, #tpu.memory_space<vmem>>) dst(%dma_wait3A_531 : memref<10240x32xf32, #tpu.memory_space<vmem_shared>>)
        } else {
        }
        %dma_start3A_505 = arith.constant 1 : i32
        %dma_start3A_506 = arith.constant 1 : i32
        %dma_start3A_507 = arith.constant 0 : i32
        %dma_start3A_508 = arith.constant 0 : i32
        %dma_start3A_509 = tpu.memref_slice %arg9[%dma_start3A_505, %dma_start3A_507, %dma_start3A_508] : memref<8x125x32xf32, #tpu.memory_space<vmem>> -> memref<1x125x32xf32, #tpu.memory_space<vmem>>
        %dma_start3A_510 = tpu.memref_squeeze %dma_start3A_509 : memref<1x125x32xf32, #tpu.memory_space<vmem>> -> memref<125x32xf32, #tpu.memory_space<vmem>>
        %dma_start3A_511 = arith.constant 0 : i32
        %dma_start3A_512 = tpu.memref_slice %arg7[%add3A_419, %dma_start3A_511] : memref<80x125xi32, #tpu.memory_space<vmem>> -> memref<1x125xi32, #tpu.memory_space<vmem>>
        %dma_start3A_513 = tpu.memref_squeeze %dma_start3A_512 : memref<1x125xi32, #tpu.memory_space<vmem>> -> memref<125xi32, #tpu.memory_space<vmem>>
        %dma_start3A_514 = arith.constant 0 : i32
        %dma_start3A_515 = arith.constant 0 : i32
        %dma_start3A_516 = tpu.memref_slice %arg11[%dma_start3A_514, %dma_start3A_515] : memref<10240x32xf32, #tpu.memory_space<vmem_shared>> -> memref<10240x32xf32, #tpu.memory_space<vmem_shared>>
        %dma_start3A_517 = tpu.memref_slice %arg12[%dma_start3A_506] : memref<8x!tpu.dma_semaphore, #tpu.memory_space<semaphore_mem>> -> memref<1x!tpu.dma_semaphore, #tpu.memory_space<semaphore_mem>>
        %dma_start3A_518 = tpu.memref_squeeze %dma_start3A_517 : memref<1x!tpu.dma_semaphore, #tpu.memory_space<semaphore_mem>> -> memref<!tpu.dma_semaphore, #tpu.memory_space<semaphore_mem>>
        tpu.enqueue_indirect_dma source(%dma_start3A_516 : memref<10240x32xf32, #tpu.memory_space<vmem_shared>>) target(%dma_start3A_510 : memref<125x32xf32, #tpu.memory_space<vmem>>) offsets(%dma_start3A_513 : memref<125xi32, #tpu.memory_space<vmem>>) semaphore(%dma_start3A_518 : memref<!tpu.dma_semaphore, #tpu.memory_space<semaphore_mem>>)
      } else {
      }
      %add3A_425 = arith.constant 6 : i32
      %add3A_426 = arith.addi %mul3A_197, %add3A_425 : i32
      %dma_wait3A_427 = arith.constant 0 : i32
      %dma_wait3A_428 = arith.constant 6 : i32
      %dma_wait3A_429 = arith.constant 6 : i32
      %dma_wait3A_430 = arith.constant 0 : i32
      %dma_wait3A_431 = arith.constant 0 : i32
      %dma_wait3A_432 = tpu.memref_slice %arg9[%dma_wait3A_428, %dma_wait3A_430, %dma_wait3A_431] : memref<8x125x32xf32, #tpu.memory_space<vmem>> -> memref<1x125x32xf32, #tpu.memory_space<vmem>>
      %dma_wait3A_433 = tpu.memref_squeeze %dma_wait3A_432 : memref<1x125x32xf32, #tpu.memory_space<vmem>> -> memref<125x32xf32, #tpu.memory_space<vmem>>
      %dma_wait3A_434 = arith.constant 0 : i32
      %dma_wait3A_435 = tpu.memref_slice %arg7[%dma_wait3A_427, %dma_wait3A_434] : memref<80x125xi32, #tpu.memory_space<vmem>> -> memref<1x125xi32, #tpu.memory_space<vmem>>
      %dma_wait3A_436 = tpu.memref_squeeze %dma_wait3A_435 : memref<1x125xi32, #tpu.memory_space<vmem>> -> memref<125xi32, #tpu.memory_space<vmem>>
      %dma_wait3A_437 = arith.constant 0 : i32
      %dma_wait3A_438 = arith.constant 0 : i32
      %dma_wait3A_439 = tpu.memref_slice %arg11[%dma_wait3A_437, %dma_wait3A_438] : memref<10240x32xf32, #tpu.memory_space<vmem_shared>> -> memref<10240x32xf32, #tpu.memory_space<vmem_shared>>
      %dma_wait3A_440 = tpu.memref_slice %arg12[%dma_wait3A_429] : memref<8x!tpu.dma_semaphore, #tpu.memory_space<semaphore_mem>> -> memref<1x!tpu.dma_semaphore, #tpu.memory_space<semaphore_mem>>
      %dma_wait3A_441 = tpu.memref_squeeze %dma_wait3A_440 : memref<1x!tpu.dma_semaphore, #tpu.memory_space<semaphore_mem>> -> memref<!tpu.dma_semaphore, #tpu.memory_space<semaphore_mem>>
      tpu.wait_indirect_dma semaphore(%dma_wait3A_441 : memref<!tpu.dma_semaphore, #tpu.memory_space<semaphore_mem>>) src(%dma_wait3A_439 : memref<10240x32xf32, #tpu.memory_space<vmem_shared>>) dst(%dma_wait3A_433 : memref<125x32xf32, #tpu.memory_space<vmem>>)
      %dma_start3A_442 = arith.constant 6 : i32
      %dma_start3A_443 = arith.constant 6 : i32
      %dma_start3A_444 = arith.constant 0 : i32
      %dma_start3A_445 = arith.constant 0 : i32
      %dma_start3A_446 = tpu.memref_slice %arg9[%dma_start3A_442, %dma_start3A_444, %dma_start3A_445] : memref<8x125x32xf32, #tpu.memory_space<vmem>> -> memref<1x125x32xf32, #tpu.memory_space<vmem>>
      %dma_start3A_447 = tpu.memref_squeeze %dma_start3A_446 : memref<1x125x32xf32, #tpu.memory_space<vmem>> -> memref<125x32xf32, #tpu.memory_space<vmem>>
      %dma_start3A_448 = arith.constant 0 : i32
      %dma_start3A_449 = tpu.memref_slice %arg8[%add3A_426, %dma_start3A_448] : memref<80x125xi32, #tpu.memory_space<vmem>> -> memref<1x125xi32, #tpu.memory_space<vmem>>
      %dma_start3A_450 = tpu.memref_squeeze %dma_start3A_449 : memref<1x125xi32, #tpu.memory_space<vmem>> -> memref<125xi32, #tpu.memory_space<vmem>>
      %dma_start3A_451 = arith.constant 0 : i32
      %dma_start3A_452 = arith.constant 0 : i32
      %dma_start3A_453 = tpu.memref_slice %arg10[%dma_start3A_451, %dma_start3A_452] : memref<10240x32xf32, #tpu.memory_space<vmem_shared>> -> memref<10240x32xf32, #tpu.memory_space<vmem_shared>>
      %dma_start3A_454 = tpu.memref_slice %arg13[%dma_start3A_443] : memref<8x!tpu.dma_semaphore, #tpu.memory_space<semaphore_mem>> -> memref<1x!tpu.dma_semaphore, #tpu.memory_space<semaphore_mem>>
      %dma_start3A_455 = tpu.memref_squeeze %dma_start3A_454 : memref<1x!tpu.dma_semaphore, #tpu.memory_space<semaphore_mem>> -> memref<!tpu.dma_semaphore, #tpu.memory_space<semaphore_mem>>
      tpu.enqueue_indirect_dma source(%dma_start3A_447 : memref<125x32xf32, #tpu.memory_space<vmem>>) target(%dma_start3A_453 : memref<10240x32xf32, #tpu.memory_space<vmem_shared>>) offsets(%dma_start3A_450 : memref<125xi32, #tpu.memory_space<vmem>>) semaphore(%dma_start3A_455 : memref<!tpu.dma_semaphore, #tpu.memory_space<semaphore_mem>>) {add = true}
      %add3A_456 = arith.constant 4 : i32
      %add3A_457 = arith.addi %add3A_426, %add3A_456 : i32
      %lt3A_458 = arith.constant 80 : i32
      %lt3A_459 = arith.cmpi slt, %add3A_457, %lt3A_458 : i32
      %convert_element_type3A_460 = arith.extui %lt3A_459 : i1 to i32
      %cond3A_461 = arith.constant 0 : i32
      %cond3A_462 = arith.cmpi ne, %convert_element_type3A_460, %cond3A_461 : i32
      scf.if %cond3A_462 {
        %ge3A = arith.constant 4 : i32
        %ge3A_501 = arith.cmpi sge, %add3A_426, %ge3A : i32
        %convert_element_type3A_502 = arith.extui %ge3A_501 : i1 to i32
        %cond3A_503 = arith.constant 0 : i32
        %cond3A_504 = arith.cmpi ne, %convert_element_type3A_502, %cond3A_503 : i32
        scf.if %cond3A_504 {
          %dma_wait3A_519 = arith.constant 2 : i32
          %dma_wait3A_520 = arith.constant 0 : i32
          %dma_wait3A_521 = arith.constant 2 : i32
          %dma_wait3A_522 = arith.constant 0 : i32
          %dma_wait3A_523 = arith.constant 0 : i32
          %dma_wait3A_524 = tpu.memref_slice %arg9[%dma_wait3A_519, %dma_wait3A_522, %dma_wait3A_523] : memref<8x125x32xf32, #tpu.memory_space<vmem>> -> memref<1x125x32xf32, #tpu.memory_space<vmem>>
          %dma_wait3A_525 = tpu.memref_squeeze %dma_wait3A_524 : memref<1x125x32xf32, #tpu.memory_space<vmem>> -> memref<125x32xf32, #tpu.memory_space<vmem>>
          %dma_wait3A_526 = arith.constant 0 : i32
          %dma_wait3A_527 = tpu.memref_slice %arg8[%dma_wait3A_520, %dma_wait3A_526] : memref<80x125xi32, #tpu.memory_space<vmem>> -> memref<1x125xi32, #tpu.memory_space<vmem>>
          %dma_wait3A_528 = tpu.memref_squeeze %dma_wait3A_527 : memref<1x125xi32, #tpu.memory_space<vmem>> -> memref<125xi32, #tpu.memory_space<vmem>>
          %dma_wait3A_529 = arith.constant 0 : i32
          %dma_wait3A_530 = arith.constant 0 : i32
          %dma_wait3A_531 = tpu.memref_slice %arg10[%dma_wait3A_529, %dma_wait3A_530] : memref<10240x32xf32, #tpu.memory_space<vmem_shared>> -> memref<10240x32xf32, #tpu.memory_space<vmem_shared>>
          %dma_wait3A_532 = tpu.memref_slice %arg13[%dma_wait3A_521] : memref<8x!tpu.dma_semaphore, #tpu.memory_space<semaphore_mem>> -> memref<1x!tpu.dma_semaphore, #tpu.memory_space<semaphore_mem>>
          %dma_wait3A_533 = tpu.memref_squeeze %dma_wait3A_532 : memref<1x!tpu.dma_semaphore, #tpu.memory_space<semaphore_mem>> -> memref<!tpu.dma_semaphore, #tpu.memory_space<semaphore_mem>>
          tpu.wait_indirect_dma semaphore(%dma_wait3A_533 : memref<!tpu.dma_semaphore, #tpu.memory_space<semaphore_mem>>) src(%dma_wait3A_525 : memref<125x32xf32, #tpu.memory_space<vmem>>) dst(%dma_wait3A_531 : memref<10240x32xf32, #tpu.memory_space<vmem_shared>>)
        } else {
        }
        %dma_start3A_505 = arith.constant 2 : i32
        %dma_start3A_506 = arith.constant 2 : i32
        %dma_start3A_507 = arith.constant 0 : i32
        %dma_start3A_508 = arith.constant 0 : i32
        %dma_start3A_509 = tpu.memref_slice %arg9[%dma_start3A_505, %dma_start3A_507, %dma_start3A_508] : memref<8x125x32xf32, #tpu.memory_space<vmem>> -> memref<1x125x32xf32, #tpu.memory_space<vmem>>
        %dma_start3A_510 = tpu.memref_squeeze %dma_start3A_509 : memref<1x125x32xf32, #tpu.memory_space<vmem>> -> memref<125x32xf32, #tpu.memory_space<vmem>>
        %dma_start3A_511 = arith.constant 0 : i32
        %dma_start3A_512 = tpu.memref_slice %arg7[%add3A_457, %dma_start3A_511] : memref<80x125xi32, #tpu.memory_space<vmem>> -> memref<1x125xi32, #tpu.memory_space<vmem>>
        %dma_start3A_513 = tpu.memref_squeeze %dma_start3A_512 : memref<1x125xi32, #tpu.memory_space<vmem>> -> memref<125xi32, #tpu.memory_space<vmem>>
        %dma_start3A_514 = arith.constant 0 : i32
        %dma_start3A_515 = arith.constant 0 : i32
        %dma_start3A_516 = tpu.memref_slice %arg11[%dma_start3A_514, %dma_start3A_515] : memref<10240x32xf32, #tpu.memory_space<vmem_shared>> -> memref<10240x32xf32, #tpu.memory_space<vmem_shared>>
        %dma_start3A_517 = tpu.memref_slice %arg12[%dma_start3A_506] : memref<8x!tpu.dma_semaphore, #tpu.memory_space<semaphore_mem>> -> memref<1x!tpu.dma_semaphore, #tpu.memory_space<semaphore_mem>>
        %dma_start3A_518 = tpu.memref_squeeze %dma_start3A_517 : memref<1x!tpu.dma_semaphore, #tpu.memory_space<semaphore_mem>> -> memref<!tpu.dma_semaphore, #tpu.memory_space<semaphore_mem>>
        tpu.enqueue_indirect_dma source(%dma_start3A_516 : memref<10240x32xf32, #tpu.memory_space<vmem_shared>>) target(%dma_start3A_510 : memref<125x32xf32, #tpu.memory_space<vmem>>) offsets(%dma_start3A_513 : memref<125xi32, #tpu.memory_space<vmem>>) semaphore(%dma_start3A_518 : memref<!tpu.dma_semaphore, #tpu.memory_space<semaphore_mem>>)
      } else {
      }
      %add3A_463 = arith.constant 7 : i32
      %add3A_464 = arith.addi %mul3A_197, %add3A_463 : i32
      %dma_wait3A_465 = arith.constant 0 : i32
      %dma_wait3A_466 = arith.constant 7 : i32
      %dma_wait3A_467 = arith.constant 7 : i32
      %dma_wait3A_468 = arith.constant 0 : i32
      %dma_wait3A_469 = arith.constant 0 : i32
      %dma_wait3A_470 = tpu.memref_slice %arg9[%dma_wait3A_466, %dma_wait3A_468, %dma_wait3A_469] : memref<8x125x32xf32, #tpu.memory_space<vmem>> -> memref<1x125x32xf32, #tpu.memory_space<vmem>>
      %dma_wait3A_471 = tpu.memref_squeeze %dma_wait3A_470 : memref<1x125x32xf32, #tpu.memory_space<vmem>> -> memref<125x32xf32, #tpu.memory_space<vmem>>
      %dma_wait3A_472 = arith.constant 0 : i32
      %dma_wait3A_473 = tpu.memref_slice %arg7[%dma_wait3A_465, %dma_wait3A_472] : memref<80x125xi32, #tpu.memory_space<vmem>> -> memref<1x125xi32, #tpu.memory_space<vmem>>
      %dma_wait3A_474 = tpu.memref_squeeze %dma_wait3A_473 : memref<1x125xi32, #tpu.memory_space<vmem>> -> memref<125xi32, #tpu.memory_space<vmem>>
      %dma_wait3A_475 = arith.constant 0 : i32
      %dma_wait3A_476 = arith.constant 0 : i32
      %dma_wait3A_477 = tpu.memref_slice %arg11[%dma_wait3A_475, %dma_wait3A_476] : memref<10240x32xf32, #tpu.memory_space<vmem_shared>> -> memref<10240x32xf32, #tpu.memory_space<vmem_shared>>
      %dma_wait3A_478 = tpu.memref_slice %arg12[%dma_wait3A_467] : memref<8x!tpu.dma_semaphore, #tpu.memory_space<semaphore_mem>> -> memref<1x!tpu.dma_semaphore, #tpu.memory_space<semaphore_mem>>
      %dma_wait3A_479 = tpu.memref_squeeze %dma_wait3A_478 : memref<1x!tpu.dma_semaphore, #tpu.memory_space<semaphore_mem>> -> memref<!tpu.dma_semaphore, #tpu.memory_space<semaphore_mem>>
      tpu.wait_indirect_dma semaphore(%dma_wait3A_479 : memref<!tpu.dma_semaphore, #tpu.memory_space<semaphore_mem>>) src(%dma_wait3A_477 : memref<10240x32xf32, #tpu.memory_space<vmem_shared>>) dst(%dma_wait3A_471 : memref<125x32xf32, #tpu.memory_space<vmem>>)
      %dma_start3A_480 = arith.constant 7 : i32
      %dma_start3A_481 = arith.constant 7 : i32
      %dma_start3A_482 = arith.constant 0 : i32
      %dma_start3A_483 = arith.constant 0 : i32
      %dma_start3A_484 = tpu.memref_slice %arg9[%dma_start3A_480, %dma_start3A_482, %dma_start3A_483] : memref<8x125x32xf32, #tpu.memory_space<vmem>> -> memref<1x125x32xf32, #tpu.memory_space<vmem>>
      %dma_start3A_485 = tpu.memref_squeeze %dma_start3A_484 : memref<1x125x32xf32, #tpu.memory_space<vmem>> -> memref<125x32xf32, #tpu.memory_space<vmem>>
      %dma_start3A_486 = arith.constant 0 : i32
      %dma_start3A_487 = tpu.memref_slice %arg8[%add3A_464, %dma_start3A_486] : memref<80x125xi32, #tpu.memory_space<vmem>> -> memref<1x125xi32, #tpu.memory_space<vmem>>
      %dma_start3A_488 = tpu.memref_squeeze %dma_start3A_487 : memref<1x125xi32, #tpu.memory_space<vmem>> -> memref<125xi32, #tpu.memory_space<vmem>>
      %dma_start3A_489 = arith.constant 0 : i32
      %dma_start3A_490 = arith.constant 0 : i32
      %dma_start3A_491 = tpu.memref_slice %arg10[%dma_start3A_489, %dma_start3A_490] : memref<10240x32xf32, #tpu.memory_space<vmem_shared>> -> memref<10240x32xf32, #tpu.memory_space<vmem_shared>>
      %dma_start3A_492 = tpu.memref_slice %arg13[%dma_start3A_481] : memref<8x!tpu.dma_semaphore, #tpu.memory_space<semaphore_mem>> -> memref<1x!tpu.dma_semaphore, #tpu.memory_space<semaphore_mem>>
      %dma_start3A_493 = tpu.memref_squeeze %dma_start3A_492 : memref<1x!tpu.dma_semaphore, #tpu.memory_space<semaphore_mem>> -> memref<!tpu.dma_semaphore, #tpu.memory_space<semaphore_mem>>
      tpu.enqueue_indirect_dma source(%dma_start3A_485 : memref<125x32xf32, #tpu.memory_space<vmem>>) target(%dma_start3A_491 : memref<10240x32xf32, #tpu.memory_space<vmem_shared>>) offsets(%dma_start3A_488 : memref<125xi32, #tpu.memory_space<vmem>>) semaphore(%dma_start3A_493 : memref<!tpu.dma_semaphore, #tpu.memory_space<semaphore_mem>>) {add = true}
      %add3A_494 = arith.constant 4 : i32
      %add3A_495 = arith.addi %add3A_464, %add3A_494 : i32
      %lt3A_496 = arith.constant 80 : i32
      %lt3A_497 = arith.cmpi slt, %add3A_495, %lt3A_496 : i32
      %convert_element_type3A_498 = arith.extui %lt3A_497 : i1 to i32
      %cond3A_499 = arith.constant 0 : i32
      %cond3A_500 = arith.cmpi ne, %convert_element_type3A_498, %cond3A_499 : i32
      scf.if %cond3A_500 {
        %ge3A = arith.constant 4 : i32
        %ge3A_501 = arith.cmpi sge, %add3A_464, %ge3A : i32
        %convert_element_type3A_502 = arith.extui %ge3A_501 : i1 to i32
        %cond3A_503 = arith.constant 0 : i32
        %cond3A_504 = arith.cmpi ne, %convert_element_type3A_502, %cond3A_503 : i32
        scf.if %cond3A_504 {
          %dma_wait3A_519 = arith.constant 3 : i32
          %dma_wait3A_520 = arith.constant 0 : i32
          %dma_wait3A_521 = arith.constant 3 : i32
          %dma_wait3A_522 = arith.constant 0 : i32
          %dma_wait3A_523 = arith.constant 0 : i32
          %dma_wait3A_524 = tpu.memref_slice %arg9[%dma_wait3A_519, %dma_wait3A_522, %dma_wait3A_523] : memref<8x125x32xf32, #tpu.memory_space<vmem>> -> memref<1x125x32xf32, #tpu.memory_space<vmem>>
          %dma_wait3A_525 = tpu.memref_squeeze %dma_wait3A_524 : memref<1x125x32xf32, #tpu.memory_space<vmem>> -> memref<125x32xf32, #tpu.memory_space<vmem>>
          %dma_wait3A_526 = arith.constant 0 : i32
          %dma_wait3A_527 = tpu.memref_slice %arg8[%dma_wait3A_520, %dma_wait3A_526] : memref<80x125xi32, #tpu.memory_space<vmem>> -> memref<1x125xi32, #tpu.memory_space<vmem>>
          %dma_wait3A_528 = tpu.memref_squeeze %dma_wait3A_527 : memref<1x125xi32, #tpu.memory_space<vmem>> -> memref<125xi32, #tpu.memory_space<vmem>>
          %dma_wait3A_529 = arith.constant 0 : i32
          %dma_wait3A_530 = arith.constant 0 : i32
          %dma_wait3A_531 = tpu.memref_slice %arg10[%dma_wait3A_529, %dma_wait3A_530] : memref<10240x32xf32, #tpu.memory_space<vmem_shared>> -> memref<10240x32xf32, #tpu.memory_space<vmem_shared>>
          %dma_wait3A_532 = tpu.memref_slice %arg13[%dma_wait3A_521] : memref<8x!tpu.dma_semaphore, #tpu.memory_space<semaphore_mem>> -> memref<1x!tpu.dma_semaphore, #tpu.memory_space<semaphore_mem>>
          %dma_wait3A_533 = tpu.memref_squeeze %dma_wait3A_532 : memref<1x!tpu.dma_semaphore, #tpu.memory_space<semaphore_mem>> -> memref<!tpu.dma_semaphore, #tpu.memory_space<semaphore_mem>>
          tpu.wait_indirect_dma semaphore(%dma_wait3A_533 : memref<!tpu.dma_semaphore, #tpu.memory_space<semaphore_mem>>) src(%dma_wait3A_525 : memref<125x32xf32, #tpu.memory_space<vmem>>) dst(%dma_wait3A_531 : memref<10240x32xf32, #tpu.memory_space<vmem_shared>>)
        } else {
        }
        %dma_start3A_505 = arith.constant 3 : i32
        %dma_start3A_506 = arith.constant 3 : i32
        %dma_start3A_507 = arith.constant 0 : i32
        %dma_start3A_508 = arith.constant 0 : i32
        %dma_start3A_509 = tpu.memref_slice %arg9[%dma_start3A_505, %dma_start3A_507, %dma_start3A_508] : memref<8x125x32xf32, #tpu.memory_space<vmem>> -> memref<1x125x32xf32, #tpu.memory_space<vmem>>
        %dma_start3A_510 = tpu.memref_squeeze %dma_start3A_509 : memref<1x125x32xf32, #tpu.memory_space<vmem>> -> memref<125x32xf32, #tpu.memory_space<vmem>>
        %dma_start3A_511 = arith.constant 0 : i32
        %dma_start3A_512 = tpu.memref_slice %arg7[%add3A_495, %dma_start3A_511] : memref<80x125xi32, #tpu.memory_space<vmem>> -> memref<1x125xi32, #tpu.memory_space<vmem>>
        %dma_start3A_513 = tpu.memref_squeeze %dma_start3A_512 : memref<1x125xi32, #tpu.memory_space<vmem>> -> memref<125xi32, #tpu.memory_space<vmem>>
        %dma_start3A_514 = arith.constant 0 : i32
        %dma_start3A_515 = arith.constant 0 : i32
        %dma_start3A_516 = tpu.memref_slice %arg11[%dma_start3A_514, %dma_start3A_515] : memref<10240x32xf32, #tpu.memory_space<vmem_shared>> -> memref<10240x32xf32, #tpu.memory_space<vmem_shared>>
        %dma_start3A_517 = tpu.memref_slice %arg12[%dma_start3A_506] : memref<8x!tpu.dma_semaphore, #tpu.memory_space<semaphore_mem>> -> memref<1x!tpu.dma_semaphore, #tpu.memory_space<semaphore_mem>>
        %dma_start3A_518 = tpu.memref_squeeze %dma_start3A_517 : memref<1x!tpu.dma_semaphore, #tpu.memory_space<semaphore_mem>> -> memref<!tpu.dma_semaphore, #tpu.memory_space<semaphore_mem>>
        tpu.enqueue_indirect_dma source(%dma_start3A_516 : memref<10240x32xf32, #tpu.memory_space<vmem_shared>>) target(%dma_start3A_510 : memref<125x32xf32, #tpu.memory_space<vmem>>) offsets(%dma_start3A_513 : memref<125xi32, #tpu.memory_space<vmem>>) semaphore(%dma_start3A_518 : memref<!tpu.dma_semaphore, #tpu.memory_space<semaphore_mem>>)
      } else {
      }
    }
    %scan3A_72 = arith.constant 10 : i32
    %dma_wait3A = arith.constant 0 : i32
    %dma_wait3A_73 = arith.constant 0 : i32
    %dma_wait3A_74 = arith.constant 0 : i32
    %dma_wait3A_75 = arith.constant 0 : i32
    %dma_wait3A_76 = arith.constant 0 : i32
    %dma_wait3A_77 = tpu.memref_slice %arg9[%dma_wait3A, %dma_wait3A_75, %dma_wait3A_76] : memref<8x125x32xf32, #tpu.memory_space<vmem>> -> memref<1x125x32xf32, #tpu.memory_space<vmem>>
    %dma_wait3A_78 = tpu.memref_squeeze %dma_wait3A_77 : memref<1x125x32xf32, #tpu.memory_space<vmem>> -> memref<125x32xf32, #tpu.memory_space<vmem>>
    %dma_wait3A_79 = arith.constant 0 : i32
    %dma_wait3A_80 = tpu.memref_slice %arg8[%dma_wait3A_73, %dma_wait3A_79] : memref<80x125xi32, #tpu.memory_space<vmem>> -> memref<1x125xi32, #tpu.memory_space<vmem>>
    %dma_wait3A_81 = tpu.memref_squeeze %dma_wait3A_80 : memref<1x125xi32, #tpu.memory_space<vmem>> -> memref<125xi32, #tpu.memory_space<vmem>>
    %dma_wait3A_82 = arith.constant 0 : i32
    %dma_wait3A_83 = arith.constant 0 : i32
    %dma_wait3A_84 = tpu.memref_slice %arg10[%dma_wait3A_82, %dma_wait3A_83] : memref<10240x32xf32, #tpu.memory_space<vmem_shared>> -> memref<10240x32xf32, #tpu.memory_space<vmem_shared>>
    %dma_wait3A_85 = tpu.memref_slice %arg13[%dma_wait3A_74] : memref<8x!tpu.dma_semaphore, #tpu.memory_space<semaphore_mem>> -> memref<1x!tpu.dma_semaphore, #tpu.memory_space<semaphore_mem>>
    %dma_wait3A_86 = tpu.memref_squeeze %dma_wait3A_85 : memref<1x!tpu.dma_semaphore, #tpu.memory_space<semaphore_mem>> -> memref<!tpu.dma_semaphore, #tpu.memory_space<semaphore_mem>>
    tpu.wait_indirect_dma semaphore(%dma_wait3A_86 : memref<!tpu.dma_semaphore, #tpu.memory_space<semaphore_mem>>) src(%dma_wait3A_78 : memref<125x32xf32, #tpu.memory_space<vmem>>) dst(%dma_wait3A_84 : memref<10240x32xf32, #tpu.memory_space<vmem_shared>>)
    %dma_wait3A_87 = arith.constant 1 : i32
    %dma_wait3A_88 = arith.constant 0 : i32
    %dma_wait3A_89 = arith.constant 1 : i32
    %dma_wait3A_90 = arith.constant 0 : i32
    %dma_wait3A_91 = arith.constant 0 : i32
    %dma_wait3A_92 = tpu.memref_slice %arg9[%dma_wait3A_87, %dma_wait3A_90, %dma_wait3A_91] : memref<8x125x32xf32, #tpu.memory_space<vmem>> -> memref<1x125x32xf32, #tpu.memory_space<vmem>>
    %dma_wait3A_93 = tpu.memref_squeeze %dma_wait3A_92 : memref<1x125x32xf32, #tpu.memory_space<vmem>> -> memref<125x32xf32, #tpu.memory_space<vmem>>
    %dma_wait3A_94 = arith.constant 0 : i32
    %dma_wait3A_95 = tpu.memref_slice %arg8[%dma_wait3A_88, %dma_wait3A_94] : memref<80x125xi32, #tpu.memory_space<vmem>> -> memref<1x125xi32, #tpu.memory_space<vmem>>
    %dma_wait3A_96 = tpu.memref_squeeze %dma_wait3A_95 : memref<1x125xi32, #tpu.memory_space<vmem>> -> memref<125xi32, #tpu.memory_space<vmem>>
    %dma_wait3A_97 = arith.constant 0 : i32
    %dma_wait3A_98 = arith.constant 0 : i32
    %dma_wait3A_99 = tpu.memref_slice %arg10[%dma_wait3A_97, %dma_wait3A_98] : memref<10240x32xf32, #tpu.memory_space<vmem_shared>> -> memref<10240x32xf32, #tpu.memory_space<vmem_shared>>
    %dma_wait3A_100 = tpu.memref_slice %arg13[%dma_wait3A_89] : memref<8x!tpu.dma_semaphore, #tpu.memory_space<semaphore_mem>> -> memref<1x!tpu.dma_semaphore, #tpu.memory_space<semaphore_mem>>
    %dma_wait3A_101 = tpu.memref_squeeze %dma_wait3A_100 : memref<1x!tpu.dma_semaphore, #tpu.memory_space<semaphore_mem>> -> memref<!tpu.dma_semaphore, #tpu.memory_space<semaphore_mem>>
    tpu.wait_indirect_dma semaphore(%dma_wait3A_101 : memref<!tpu.dma_semaphore, #tpu.memory_space<semaphore_mem>>) src(%dma_wait3A_93 : memref<125x32xf32, #tpu.memory_space<vmem>>) dst(%dma_wait3A_99 : memref<10240x32xf32, #tpu.memory_space<vmem_shared>>)
    %dma_wait3A_102 = arith.constant 2 : i32
    %dma_wait3A_103 = arith.constant 0 : i32
    %dma_wait3A_104 = arith.constant 2 : i32
    %dma_wait3A_105 = arith.constant 0 : i32
    %dma_wait3A_106 = arith.constant 0 : i32
    %dma_wait3A_107 = tpu.memref_slice %arg9[%dma_wait3A_102, %dma_wait3A_105, %dma_wait3A_106] : memref<8x125x32xf32, #tpu.memory_space<vmem>> -> memref<1x125x32xf32, #tpu.memory_space<vmem>>
    %dma_wait3A_108 = tpu.memref_squeeze %dma_wait3A_107 : memref<1x125x32xf32, #tpu.memory_space<vmem>> -> memref<125x32xf32, #tpu.memory_space<vmem>>
    %dma_wait3A_109 = arith.constant 0 : i32
    %dma_wait3A_110 = tpu.memref_slice %arg8[%dma_wait3A_103, %dma_wait3A_109] : memref<80x125xi32, #tpu.memory_space<vmem>> -> memref<1x125xi32, #tpu.memory_space<vmem>>
    %dma_wait3A_111 = tpu.memref_squeeze %dma_wait3A_110 : memref<1x125xi32, #tpu.memory_space<vmem>> -> memref<125xi32, #tpu.memory_space<vmem>>
    %dma_wait3A_112 = arith.constant 0 : i32
    %dma_wait3A_113 = arith.constant 0 : i32
    %dma_wait3A_114 = tpu.memref_slice %arg10[%dma_wait3A_112, %dma_wait3A_113] : memref<10240x32xf32, #tpu.memory_space<vmem_shared>> -> memref<10240x32xf32, #tpu.memory_space<vmem_shared>>
    %dma_wait3A_115 = tpu.memref_slice %arg13[%dma_wait3A_104] : memref<8x!tpu.dma_semaphore, #tpu.memory_space<semaphore_mem>> -> memref<1x!tpu.dma_semaphore, #tpu.memory_space<semaphore_mem>>
    %dma_wait3A_116 = tpu.memref_squeeze %dma_wait3A_115 : memref<1x!tpu.dma_semaphore, #tpu.memory_space<semaphore_mem>> -> memref<!tpu.dma_semaphore, #tpu.memory_space<semaphore_mem>>
    tpu.wait_indirect_dma semaphore(%dma_wait3A_116 : memref<!tpu.dma_semaphore, #tpu.memory_space<semaphore_mem>>) src(%dma_wait3A_108 : memref<125x32xf32, #tpu.memory_space<vmem>>) dst(%dma_wait3A_114 : memref<10240x32xf32, #tpu.memory_space<vmem_shared>>)
    %dma_wait3A_117 = arith.constant 3 : i32
    %dma_wait3A_118 = arith.constant 0 : i32
    %dma_wait3A_119 = arith.constant 3 : i32
    %dma_wait3A_120 = arith.constant 0 : i32
    %dma_wait3A_121 = arith.constant 0 : i32
    %dma_wait3A_122 = tpu.memref_slice %arg9[%dma_wait3A_117, %dma_wait3A_120, %dma_wait3A_121] : memref<8x125x32xf32, #tpu.memory_space<vmem>> -> memref<1x125x32xf32, #tpu.memory_space<vmem>>
    %dma_wait3A_123 = tpu.memref_squeeze %dma_wait3A_122 : memref<1x125x32xf32, #tpu.memory_space<vmem>> -> memref<125x32xf32, #tpu.memory_space<vmem>>
    %dma_wait3A_124 = arith.constant 0 : i32
    %dma_wait3A_125 = tpu.memref_slice %arg8[%dma_wait3A_118, %dma_wait3A_124] : memref<80x125xi32, #tpu.memory_space<vmem>> -> memref<1x125xi32, #tpu.memory_space<vmem>>
    %dma_wait3A_126 = tpu.memref_squeeze %dma_wait3A_125 : memref<1x125xi32, #tpu.memory_space<vmem>> -> memref<125xi32, #tpu.memory_space<vmem>>
    %dma_wait3A_127 = arith.constant 0 : i32
    %dma_wait3A_128 = arith.constant 0 : i32
    %dma_wait3A_129 = tpu.memref_slice %arg10[%dma_wait3A_127, %dma_wait3A_128] : memref<10240x32xf32, #tpu.memory_space<vmem_shared>> -> memref<10240x32xf32, #tpu.memory_space<vmem_shared>>
    %dma_wait3A_130 = tpu.memref_slice %arg13[%dma_wait3A_119] : memref<8x!tpu.dma_semaphore, #tpu.memory_space<semaphore_mem>> -> memref<1x!tpu.dma_semaphore, #tpu.memory_space<semaphore_mem>>
    %dma_wait3A_131 = tpu.memref_squeeze %dma_wait3A_130 : memref<1x!tpu.dma_semaphore, #tpu.memory_space<semaphore_mem>> -> memref<!tpu.dma_semaphore, #tpu.memory_space<semaphore_mem>>
    tpu.wait_indirect_dma semaphore(%dma_wait3A_131 : memref<!tpu.dma_semaphore, #tpu.memory_space<semaphore_mem>>) src(%dma_wait3A_123 : memref<125x32xf32, #tpu.memory_space<vmem>>) dst(%dma_wait3A_129 : memref<10240x32xf32, #tpu.memory_space<vmem_shared>>)
    %dma_wait3A_132 = arith.constant 4 : i32
    %dma_wait3A_133 = arith.constant 0 : i32
    %dma_wait3A_134 = arith.constant 4 : i32
    %dma_wait3A_135 = arith.constant 0 : i32
    %dma_wait3A_136 = arith.constant 0 : i32
    %dma_wait3A_137 = tpu.memref_slice %arg9[%dma_wait3A_132, %dma_wait3A_135, %dma_wait3A_136] : memref<8x125x32xf32, #tpu.memory_space<vmem>> -> memref<1x125x32xf32, #tpu.memory_space<vmem>>
    %dma_wait3A_138 = tpu.memref_squeeze %dma_wait3A_137 : memref<1x125x32xf32, #tpu.memory_space<vmem>> -> memref<125x32xf32, #tpu.memory_space<vmem>>
    %dma_wait3A_139 = arith.constant 0 : i32
    %dma_wait3A_140 = tpu.memref_slice %arg8[%dma_wait3A_133, %dma_wait3A_139] : memref<80x125xi32, #tpu.memory_space<vmem>> -> memref<1x125xi32, #tpu.memory_space<vmem>>
    %dma_wait3A_141 = tpu.memref_squeeze %dma_wait3A_140 : memref<1x125xi32, #tpu.memory_space<vmem>> -> memref<125xi32, #tpu.memory_space<vmem>>
    %dma_wait3A_142 = arith.constant 0 : i32
    %dma_wait3A_143 = arith.constant 0 : i32
    %dma_wait3A_144 = tpu.memref_slice %arg10[%dma_wait3A_142, %dma_wait3A_143] : memref<10240x32xf32, #tpu.memory_space<vmem_shared>> -> memref<10240x32xf32, #tpu.memory_space<vmem_shared>>
    %dma_wait3A_145 = tpu.memref_slice %arg13[%dma_wait3A_134] : memref<8x!tpu.dma_semaphore, #tpu.memory_space<semaphore_mem>> -> memref<1x!tpu.dma_semaphore, #tpu.memory_space<semaphore_mem>>
    %dma_wait3A_146 = tpu.memref_squeeze %dma_wait3A_145 : memref<1x!tpu.dma_semaphore, #tpu.memory_space<semaphore_mem>> -> memref<!tpu.dma_semaphore, #tpu.memory_space<semaphore_mem>>
    tpu.wait_indirect_dma semaphore(%dma_wait3A_146 : memref<!tpu.dma_semaphore, #tpu.memory_space<semaphore_mem>>) src(%dma_wait3A_138 : memref<125x32xf32, #tpu.memory_space<vmem>>) dst(%dma_wait3A_144 : memref<10240x32xf32, #tpu.memory_space<vmem_shared>>)
    %dma_wait3A_147 = arith.constant 5 : i32
    %dma_wait3A_148 = arith.constant 0 : i32
    %dma_wait3A_149 = arith.constant 5 : i32
    %dma_wait3A_150 = arith.constant 0 : i32
    %dma_wait3A_151 = arith.constant 0 : i32
    %dma_wait3A_152 = tpu.memref_slice %arg9[%dma_wait3A_147, %dma_wait3A_150, %dma_wait3A_151] : memref<8x125x32xf32, #tpu.memory_space<vmem>> -> memref<1x125x32xf32, #tpu.memory_space<vmem>>
    %dma_wait3A_153 = tpu.memref_squeeze %dma_wait3A_152 : memref<1x125x32xf32, #tpu.memory_space<vmem>> -> memref<125x32xf32, #tpu.memory_space<vmem>>
    %dma_wait3A_154 = arith.constant 0 : i32
    %dma_wait3A_155 = tpu.memref_slice %arg8[%dma_wait3A_148, %dma_wait3A_154] : memref<80x125xi32, #tpu.memory_space<vmem>> -> memref<1x125xi32, #tpu.memory_space<vmem>>
    %dma_wait3A_156 = tpu.memref_squeeze %dma_wait3A_155 : memref<1x125xi32, #tpu.memory_space<vmem>> -> memref<125xi32, #tpu.memory_space<vmem>>
    %dma_wait3A_157 = arith.constant 0 : i32
    %dma_wait3A_158 = arith.constant 0 : i32
    %dma_wait3A_159 = tpu.memref_slice %arg10[%dma_wait3A_157, %dma_wait3A_158] : memref<10240x32xf32, #tpu.memory_space<vmem_shared>> -> memref<10240x32xf32, #tpu.memory_space<vmem_shared>>
    %dma_wait3A_160 = tpu.memref_slice %arg13[%dma_wait3A_149] : memref<8x!tpu.dma_semaphore, #tpu.memory_space<semaphore_mem>> -> memref<1x!tpu.dma_semaphore, #tpu.memory_space<semaphore_mem>>
    %dma_wait3A_161 = tpu.memref_squeeze %dma_wait3A_160 : memref<1x!tpu.dma_semaphore, #tpu.memory_space<semaphore_mem>> -> memref<!tpu.dma_semaphore, #tpu.memory_space<semaphore_mem>>
    tpu.wait_indirect_dma semaphore(%dma_wait3A_161 : memref<!tpu.dma_semaphore, #tpu.memory_space<semaphore_mem>>) src(%dma_wait3A_153 : memref<125x32xf32, #tpu.memory_space<vmem>>) dst(%dma_wait3A_159 : memref<10240x32xf32, #tpu.memory_space<vmem_shared>>)
    %dma_wait3A_162 = arith.constant 6 : i32
    %dma_wait3A_163 = arith.constant 0 : i32
    %dma_wait3A_164 = arith.constant 6 : i32
    %dma_wait3A_165 = arith.constant 0 : i32
    %dma_wait3A_166 = arith.constant 0 : i32
    %dma_wait3A_167 = tpu.memref_slice %arg9[%dma_wait3A_162, %dma_wait3A_165, %dma_wait3A_166] : memref<8x125x32xf32, #tpu.memory_space<vmem>> -> memref<1x125x32xf32, #tpu.memory_space<vmem>>
    %dma_wait3A_168 = tpu.memref_squeeze %dma_wait3A_167 : memref<1x125x32xf32, #tpu.memory_space<vmem>> -> memref<125x32xf32, #tpu.memory_space<vmem>>
    %dma_wait3A_169 = arith.constant 0 : i32
    %dma_wait3A_170 = tpu.memref_slice %arg8[%dma_wait3A_163, %dma_wait3A_169] : memref<80x125xi32, #tpu.memory_space<vmem>> -> memref<1x125xi32, #tpu.memory_space<vmem>>
    %dma_wait3A_171 = tpu.memref_squeeze %dma_wait3A_170 : memref<1x125xi32, #tpu.memory_space<vmem>> -> memref<125xi32, #tpu.memory_space<vmem>>
    %dma_wait3A_172 = arith.constant 0 : i32
    %dma_wait3A_173 = arith.constant 0 : i32
    %dma_wait3A_174 = tpu.memref_slice %arg10[%dma_wait3A_172, %dma_wait3A_173] : memref<10240x32xf32, #tpu.memory_space<vmem_shared>> -> memref<10240x32xf32, #tpu.memory_space<vmem_shared>>
    %dma_wait3A_175 = tpu.memref_slice %arg13[%dma_wait3A_164] : memref<8x!tpu.dma_semaphore, #tpu.memory_space<semaphore_mem>> -> memref<1x!tpu.dma_semaphore, #tpu.memory_space<semaphore_mem>>
    %dma_wait3A_176 = tpu.memref_squeeze %dma_wait3A_175 : memref<1x!tpu.dma_semaphore, #tpu.memory_space<semaphore_mem>> -> memref<!tpu.dma_semaphore, #tpu.memory_space<semaphore_mem>>
    tpu.wait_indirect_dma semaphore(%dma_wait3A_176 : memref<!tpu.dma_semaphore, #tpu.memory_space<semaphore_mem>>) src(%dma_wait3A_168 : memref<125x32xf32, #tpu.memory_space<vmem>>) dst(%dma_wait3A_174 : memref<10240x32xf32, #tpu.memory_space<vmem_shared>>)
    %dma_wait3A_177 = arith.constant 7 : i32
    %dma_wait3A_178 = arith.constant 0 : i32
    %dma_wait3A_179 = arith.constant 7 : i32
    %dma_wait3A_180 = arith.constant 0 : i32
    %dma_wait3A_181 = arith.constant 0 : i32
    %dma_wait3A_182 = tpu.memref_slice %arg9[%dma_wait3A_177, %dma_wait3A_180, %dma_wait3A_181] : memref<8x125x32xf32, #tpu.memory_space<vmem>> -> memref<1x125x32xf32, #tpu.memory_space<vmem>>
    %dma_wait3A_183 = tpu.memref_squeeze %dma_wait3A_182 : memref<1x125x32xf32, #tpu.memory_space<vmem>> -> memref<125x32xf32, #tpu.memory_space<vmem>>
    %dma_wait3A_184 = arith.constant 0 : i32
    %dma_wait3A_185 = tpu.memref_slice %arg8[%dma_wait3A_178, %dma_wait3A_184] : memref<80x125xi32, #tpu.memory_space<vmem>> -> memref<1x125xi32, #tpu.memory_space<vmem>>
    %dma_wait3A_186 = tpu.memref_squeeze %dma_wait3A_185 : memref<1x125xi32, #tpu.memory_space<vmem>> -> memref<125xi32, #tpu.memory_space<vmem>>
    %dma_wait3A_187 = arith.constant 0 : i32
    %dma_wait3A_188 = arith.constant 0 : i32
    %dma_wait3A_189 = tpu.memref_slice %arg10[%dma_wait3A_187, %dma_wait3A_188] : memref<10240x32xf32, #tpu.memory_space<vmem_shared>> -> memref<10240x32xf32, #tpu.memory_space<vmem_shared>>
    %dma_wait3A_190 = tpu.memref_slice %arg13[%dma_wait3A_179] : memref<8x!tpu.dma_semaphore, #tpu.memory_space<semaphore_mem>> -> memref<1x!tpu.dma_semaphore, #tpu.memory_space<semaphore_mem>>
    %dma_wait3A_191 = tpu.memref_squeeze %dma_wait3A_190 : memref<1x!tpu.dma_semaphore, #tpu.memory_space<semaphore_mem>> -> memref<!tpu.dma_semaphore, #tpu.memory_space<semaphore_mem>>
    tpu.wait_indirect_dma semaphore(%dma_wait3A_191 : memref<!tpu.dma_semaphore, #tpu.memory_space<semaphore_mem>>) src(%dma_wait3A_183 : memref<125x32xf32, #tpu.memory_space<vmem>>) dst(%dma_wait3A_189 : memref<10240x32xf32, #tpu.memory_space<vmem_shared>>)
    %barrier3A_192 = arith.constant 0 : index
    tpu.barrier barrier_id(%barrier3A_192)
    %eq3A = arith.constant 0 : i32
    %eq3A_193 = arith.cmpi eq, %arg1, %eq3A : i32
    %convert_element_type3A = arith.extui %eq3A_193 : i1 to i32
    %cond3A = arith.constant 0 : i32
    %cond3A_194 = arith.cmpi ne, %convert_element_type3A, %cond3A : i32
    scf.if %cond3A_194 {
      "tpu.region"() ({
        %run_scoped3A = tpu.sem_alloc : memref<!tpu.dma_semaphore, #tpu.memory_space<semaphore_mem>>
        %dma_start3A_195 = arith.constant 0 : i32
        %dma_start3A_196 = arith.constant 0 : i32
        %dma_start3A_197 = tpu.memref_slice %arg6[%arg0, %dma_start3A_195, %dma_start3A_196] : memref<2x10240x32xf32, #tpu.memory_space<hbm>> -> memref<1x10240x32xf32, #tpu.memory_space<hbm>>
        %dma_start3A_198 = tpu.memref_squeeze %dma_start3A_197 : memref<1x10240x32xf32, #tpu.memory_space<hbm>> -> memref<10240x32xf32, #tpu.memory_space<hbm>>
        tpu.enqueue_dma source(%arg10 : memref<10240x32xf32, #tpu.memory_space<vmem_shared>>) target(%dma_start3A_198 : memref<10240x32xf32, #tpu.memory_space<hbm>>) target_semaphore(%run_scoped3A : memref<!tpu.dma_semaphore, #tpu.memory_space<semaphore_mem>>)
        %dma_wait3A_199 = arith.constant 0 : i32
        %dma_wait3A_200 = arith.constant 0 : i32
        %dma_wait3A_201 = tpu.memref_slice %arg6[%arg0, %dma_wait3A_199, %dma_wait3A_200] : memref<2x10240x32xf32, #tpu.memory_space<hbm>> -> memref<1x10240x32xf32, #tpu.memory_space<hbm>>
        %dma_wait3A_202 = tpu.memref_squeeze %dma_wait3A_201 : memref<1x10240x32xf32, #tpu.memory_space<hbm>> -> memref<10240x32xf32, #tpu.memory_space<hbm>>
        tpu.wait_dma2 semaphore(%run_scoped3A : memref<!tpu.dma_semaphore, #tpu.memory_space<semaphore_mem>>) src(%arg10 : memref<10240x32xf32, #tpu.memory_space<vmem_shared>>) dst(%dma_wait3A_202 : memref<10240x32xf32, #tpu.memory_space<hbm>>)
        tpu.yield
      }) : () -> ()
    } else {
    }
    return
  }
}

module attributes {stable_mosaic.version = 14 : i64} {
  func.func @_tc_mm1(%arg0: memref<2500x512xf32, #tpu.memory_space<vmem>>, %arg1: memref<512x128xf32, #tpu.memory_space<vmem>>, %arg2: memref<2500x128xf32, #tpu.memory_space<vmem>>) attributes {dimension_semantics = [], scalar_prefetch = 0 : i64, scratch_operands = 0 : i64, tpu.core_type = #tpu.core_type<tc>} {
    %get3A = arith.constant 0 : index
    %get3A_0 = arith.constant 0 : index
    %get3A_1 = vector.load %arg0[%get3A, %get3A_0] : memref<2500x512xf32, #tpu.memory_space<vmem>>, vector<2500x512xf32>
    %get3A_2 = arith.constant 0 : index
    %get3A_3 = arith.constant 0 : index
    %get3A_4 = vector.load %arg1[%get3A_2, %get3A_3] : memref<512x128xf32, #tpu.memory_space<vmem>>, vector<512x128xf32>
    %dot_general3A = arith.constant dense<0.000000e+00> : vector<2500x128xf32>
    %dot_general3A_5 = tpu.matmul %get3A_1, %get3A_4, %dot_general3A {dimension_numbers = #tpu.dot_dimension_numbers<[1], [0], [0], [1], [0, 0, 1, 1], [], []>, transpose_lhs_hint = false} : vector<2500x512xf32>, vector<512x128xf32>, vector<2500x128xf32> -> vector<2500x128xf32>
    %swap3A = arith.constant 0 : index
    %swap3A_6 = arith.constant 0 : index
    %swap3A_7 = vector.load %arg2[%swap3A, %swap3A_6] : memref<2500x128xf32, #tpu.memory_space<vmem>>, vector<2500x128xf32>
    tpu.vector_store %arg2[%swap3A, %swap3A_6], %dot_general3A_5 {strides = array<i32>} : memref<2500x128xf32, #tpu.memory_space<vmem>>, vector<2500x128xf32>,
    return
  }
}

module attributes {stable_mosaic.version = 14 : i64} {
  func.func @_tc_pre(%arg0: memref<2500x128xf32, #tpu.memory_space<vmem>>, %arg1: memref<2x2560x64xf32, #tpu.memory_space<vmem>>, %arg2: memref<64x128xf32, #tpu.memory_space<vmem>>, %arg3: memref<2560x128xf32, #tpu.memory_space<vmem>>, %arg4: memref<2500x128xf32, #tpu.memory_space<vmem>>) attributes {dimension_semantics = [], scalar_prefetch = 0 : i64, scratch_operands = 0 : i64, tpu.core_type = #tpu.core_type<tc>} {
    %get3A = arith.constant 0 : index
    %get3A_0 = arith.constant 0 : index
    %get3A_1 = arith.constant 0 : index
    %get3A_2 = vector.load %arg1[%get3A, %get3A_0, %get3A_1] : memref<2x2560x64xf32, #tpu.memory_space<vmem>>, vector<1x2500x64xf32>
    %get3A_3 = vector.shape_cast %get3A_2 : vector<1x2500x64xf32> to vector<2500x64xf32>
    %get3A_4 = arith.constant 1 : index
    %get3A_5 = arith.constant 0 : index
    %get3A_6 = arith.constant 0 : index
    %get3A_7 = vector.load %arg1[%get3A_4, %get3A_5, %get3A_6] : memref<2x2560x64xf32, #tpu.memory_space<vmem>>, vector<1x2500x64xf32>
    %get3A_8 = vector.shape_cast %get3A_7 : vector<1x2500x64xf32> to vector<2500x64xf32>
    %add3A = arith.addf %get3A_3, %get3A_8 : vector<2500x64xf32>
    %get3A_9 = arith.constant 0 : index
    %get3A_10 = arith.constant 0 : index
    %get3A_11 = vector.load %arg2[%get3A_9, %get3A_10] : memref<64x128xf32, #tpu.memory_space<vmem>>, vector<64x128xf32>
    %dot_general3A = arith.constant dense<0.000000e+00> : vector<2500x128xf32>
    %dot_general3A_12 = tpu.matmul %add3A, %get3A_11, %dot_general3A {dimension_numbers = #tpu.dot_dimension_numbers<[1], [0], [0], [1], [0, 0, 1, 1], [], []>, transpose_lhs_hint = false} : vector<2500x64xf32>, vector<64x128xf32>, vector<2500x128xf32> -> vector<2500x128xf32>
    %add3A_13 = arith.constant 1.000000e+00 : f32
    %add3A_14 = vector.broadcast %add3A_13 : f32 to vector<2500x128xf32>
    %add3A_15 = arith.addf %dot_general3A_12, %add3A_14 : vector<2500x128xf32>
    %rsqrt3A = math.rsqrt %add3A_15 : vector<2500x128xf32>
    %swap3A = arith.constant 0 : index
    %swap3A_16 = arith.constant 0 : index
    %swap3A_17 = vector.load %arg4[%swap3A, %swap3A_16] : memref<2500x128xf32, #tpu.memory_space<vmem>>, vector<2500x128xf32>
    tpu.vector_store %arg4[%swap3A, %swap3A_16], %rsqrt3A {strides = array<i32>} : memref<2500x128xf32, #tpu.memory_space<vmem>>, vector<2500x128xf32>,
    %get3A_18 = arith.constant 0 : index
    %get3A_19 = arith.constant 0 : index
    %get3A_20 = vector.load %arg0[%get3A_18, %get3A_19] : memref<2500x128xf32, #tpu.memory_space<vmem>>, vector<2500x128xf32>
    %mul3A = arith.mulf %rsqrt3A, %get3A_20 : vector<2500x128xf32>
    %swap3A_21 = arith.constant 0 : index
    %swap3A_22 = arith.constant 0 : index
    %swap3A_23 = vector.load %arg3[%swap3A_21, %swap3A_22] : memref<2560x128xf32, #tpu.memory_space<vmem>>, vector<2500x128xf32>
    tpu.vector_store %arg3[%swap3A_21, %swap3A_22], %mul3A {strides = array<i32>} : memref<2560x128xf32, #tpu.memory_space<vmem>>, vector<2500x128xf32>,
    return
  }
}

module attributes {stable_mosaic.version = 14 : i64} {
  func.func @_tc_mid1(%arg0: memref<2x2560x128xf32, #tpu.memory_space<vmem>>, %arg1: memref<2560x128xf32, #tpu.memory_space<vmem>>, %arg2: memref<2500x128xf32, #tpu.memory_space<vmem>>, %arg3: memref<128x128xf32, #tpu.memory_space<vmem>>, %arg4: memref<1x128xf32, #tpu.memory_space<vmem>>, %arg5: memref<1x128xf32, #tpu.memory_space<vmem>>, %arg6: memref<1x128xf32, #tpu.memory_space<vmem>>, %arg7: memref<128x128xf32, #tpu.memory_space<vmem>>, %arg8: memref<2560x128xf32, #tpu.memory_space<vmem>>) attributes {dimension_semantics = [], scalar_prefetch = 0 : i64, scratch_operands = 0 : i64, tpu.core_type = #tpu.core_type<tc>} {
    %get3A = arith.constant 0 : index
    %get3A_0 = arith.constant 0 : index
    %get3A_1 = vector.load %arg2[%get3A, %get3A_0] : memref<2500x128xf32, #tpu.memory_space<vmem>>, vector<2500x128xf32>
    %get3A_2 = arith.constant 0 : index
    %get3A_3 = arith.constant 0 : index
    %get3A_4 = arith.constant 0 : index
    %get3A_5 = vector.load %arg0[%get3A_2, %get3A_3, %get3A_4] : memref<2x2560x128xf32, #tpu.memory_space<vmem>>, vector<1x2500x128xf32>
    %get3A_6 = vector.shape_cast %get3A_5 : vector<1x2500x128xf32> to vector<2500x128xf32>
    %get3A_7 = arith.constant 1 : index
    %get3A_8 = arith.constant 0 : index
    %get3A_9 = arith.constant 0 : index
    %get3A_10 = vector.load %arg0[%get3A_7, %get3A_8, %get3A_9] : memref<2x2560x128xf32, #tpu.memory_space<vmem>>, vector<1x2500x128xf32>
    %get3A_11 = vector.shape_cast %get3A_10 : vector<1x2500x128xf32> to vector<2500x128xf32>
    %add3A = arith.addf %get3A_6, %get3A_11 : vector<2500x128xf32>
    %get3A_12 = arith.constant 0 : index
    %get3A_13 = arith.constant 0 : index
    %get3A_14 = vector.load %arg1[%get3A_12, %get3A_13] : memref<2560x128xf32, #tpu.memory_space<vmem>>, vector<2500x128xf32>
    %add3A_15 = arith.addf %add3A, %get3A_14 : vector<2500x128xf32>
    %mul3A = arith.mulf %get3A_1, %add3A_15 : vector<2500x128xf32>
    %get3A_16 = arith.constant 0 : index
    %get3A_17 = arith.constant 0 : index
    %get3A_18 = vector.load %arg4[%get3A_16, %get3A_17] : memref<1x128xf32, #tpu.memory_space<vmem>>, vector<1x128xf32>
    %add3A_19 = vector.broadcast %get3A_18 : vector<1x128xf32> to vector<2500x128xf32>
    %add3A_20 = arith.addf %mul3A, %add3A_19 : vector<2500x128xf32>
    %get3A_21 = arith.constant 0 : index
    %get3A_22 = arith.constant 0 : index
    %get3A_23 = vector.load %arg5[%get3A_21, %get3A_22] : memref<1x128xf32, #tpu.memory_space<vmem>>, vector<1x128xf32>
    %get3A_24 = arith.constant 0 : index
    %get3A_25 = arith.constant 0 : index
    %get3A_26 = vector.load %arg6[%get3A_24, %get3A_25] : memref<1x128xf32, #tpu.memory_space<vmem>>, vector<1x128xf32>
    %reduce_sum3A = arith.constant dense<0.000000e+00> : vector<128xf32>
    %reduce_sum3A_27 = vector.multi_reduction <add>, %add3A_20, %reduce_sum3A [0] : vector<2500x128xf32> to vector<128xf32>
    %broadcast_in_dim3A = vector.shape_cast %reduce_sum3A_27 : vector<128xf32> to vector<1x128xf32>
    %div3A = arith.constant 2.500000e+03 : f32
    %div3A_28 = vector.broadcast %div3A : f32 to vector<1x128xf32>
    %div3A_29 = arith.divf %broadcast_in_dim3A, %div3A_28 : vector<1x128xf32>
    %get3A_30 = arith.constant 0 : index
    %get3A_31 = arith.constant 0 : index
    %get3A_32 = vector.load %arg3[%get3A_30, %get3A_31] : memref<128x128xf32, #tpu.memory_space<vmem>>, vector<128x128xf32>
    %dot_general3A = arith.constant dense<0.000000e+00> : vector<1x128xf32>
    %dot_general3A_33 = tpu.matmul %div3A_29, %get3A_32, %dot_general3A {dimension_numbers = #tpu.dot_dimension_numbers<[1], [0], [0], [1], [0, 0, 1, 1], [], []>, transpose_lhs_hint = false} : vector<1x128xf32>, vector<128x128xf32>, vector<1x128xf32> -> vector<1x128xf32>
    %sub3A = vector.broadcast %dot_general3A_33 : vector<1x128xf32> to vector<2500x128xf32>
    %sub3A_34 = arith.subf %add3A_20, %sub3A : vector<2500x128xf32>
    %sub3A_35 = vector.broadcast %dot_general3A_33 : vector<1x128xf32> to vector<2500x128xf32>
    %sub3A_36 = arith.subf %add3A_20, %sub3A_35 : vector<2500x128xf32>
    %mul3A_37 = arith.mulf %sub3A_34, %sub3A_36 : vector<2500x128xf32>
    %reduce_sum3A_38 = arith.constant dense<0.000000e+00> : vector<128xf32>
    %reduce_sum3A_39 = vector.multi_reduction <add>, %mul3A_37, %reduce_sum3A_38 [0] : vector<2500x128xf32> to vector<128xf32>
    %broadcast_in_dim3A_40 = vector.shape_cast %reduce_sum3A_39 : vector<128xf32> to vector<1x128xf32>
    %div3A_41 = arith.constant 2.500000e+03 : f32
    %div3A_42 = vector.broadcast %div3A_41 : f32 to vector<1x128xf32>
    %div3A_43 = arith.divf %broadcast_in_dim3A_40, %div3A_42 : vector<1x128xf32>
    %get3A_44 = arith.constant 0 : index
    %get3A_45 = arith.constant 0 : index
    %get3A_46 = vector.load %arg3[%get3A_44, %get3A_45] : memref<128x128xf32, #tpu.memory_space<vmem>>, vector<128x128xf32>
    %dot_general3A_47 = arith.constant dense<0.000000e+00> : vector<1x128xf32>
    %dot_general3A_48 = tpu.matmul %div3A_43, %get3A_46, %dot_general3A_47 {dimension_numbers = #tpu.dot_dimension_numbers<[1], [0], [0], [1], [0, 0, 1, 1], [], []>, transpose_lhs_hint = false} : vector<1x128xf32>, vector<128x128xf32>, vector<1x128xf32> -> vector<1x128xf32>
    %sub3A_49 = vector.broadcast %dot_general3A_33 : vector<1x128xf32> to vector<2500x128xf32>
    %sub3A_50 = arith.subf %add3A_20, %sub3A_49 : vector<2500x128xf32>
    %add3A_51 = arith.constant 9.99999974E-6 : f32
    %add3A_52 = vector.broadcast %add3A_51 : f32 to vector<1x128xf32>
    %add3A_53 = arith.addf %dot_general3A_48, %add3A_52 : vector<1x128xf32>
    %rsqrt3A = math.rsqrt %add3A_53 : vector<1x128xf32>
    %mul3A_54 = vector.broadcast %rsqrt3A : vector<1x128xf32> to vector<2500x128xf32>
    %mul3A_55 = arith.mulf %sub3A_50, %mul3A_54 : vector<2500x128xf32>
    %mul3A_56 = vector.broadcast %get3A_23 : vector<1x128xf32> to vector<2500x128xf32>
    %mul3A_57 = arith.mulf %mul3A_55, %mul3A_56 : vector<2500x128xf32>
    %add3A_58 = vector.broadcast %get3A_26 : vector<1x128xf32> to vector<2500x128xf32>
    %add3A_59 = arith.addf %mul3A_57, %add3A_58 : vector<2500x128xf32>
    %max3A = arith.constant 0.000000e+00 : f32
    %max3A_60 = vector.broadcast %max3A : f32 to vector<2500x128xf32>
    %max3A_61 = arith.maximumf %add3A_59, %max3A_60 : vector<2500x128xf32>
    %get3A_62 = arith.constant 0 : index
    %get3A_63 = arith.constant 0 : index
    %get3A_64 = vector.load %arg7[%get3A_62, %get3A_63] : memref<128x128xf32, #tpu.memory_space<vmem>>, vector<128x128xf32>
    %dot_general3A_65 = arith.constant dense<0.000000e+00> : vector<2500x128xf32>
    %dot_general3A_66 = tpu.matmul %max3A_61, %get3A_64, %dot_general3A_65 {dimension_numbers = #tpu.dot_dimension_numbers<[1], [0], [0], [1], [0, 0, 1, 1], [], []>, transpose_lhs_hint = false} : vector<2500x128xf32>, vector<128x128xf32>, vector<2500x128xf32> -> vector<2500x128xf32>
    %mul3A_67 = arith.mulf %get3A_1, %dot_general3A_66 : vector<2500x128xf32>
    %swap3A = arith.constant 0 : index
    %swap3A_68 = arith.constant 0 : index
    %swap3A_69 = vector.load %arg8[%swap3A, %swap3A_68] : memref<2560x128xf32, #tpu.memory_space<vmem>>, vector<2500x128xf32>
    tpu.vector_store %arg8[%swap3A, %swap3A_68], %mul3A_67 {strides = array<i32>} : memref<2560x128xf32, #tpu.memory_space<vmem>>, vector<2500x128xf32>,
    return
  }
}

module attributes {stable_mosaic.version = 14 : i64} {
  func.func @_tc_mid2(%arg0: memref<2x2560x128xf32, #tpu.memory_space<vmem>>, %arg1: memref<2560x128xf32, #tpu.memory_space<vmem>>, %arg2: memref<2500x128xf32, #tpu.memory_space<vmem>>, %arg3: memref<128x128xf32, #tpu.memory_space<vmem>>, %arg4: memref<1x128xf32, #tpu.memory_space<vmem>>, %arg5: memref<1x128xf32, #tpu.memory_space<vmem>>, %arg6: memref<1x128xf32, #tpu.memory_space<vmem>>, %arg7: memref<2560x128xf32, #tpu.memory_space<vmem>>) attributes {dimension_semantics = [], scalar_prefetch = 0 : i64, scratch_operands = 0 : i64, tpu.core_type = #tpu.core_type<tc>} {
    %get3A = arith.constant 0 : index
    %get3A_0 = arith.constant 0 : index
    %get3A_1 = vector.load %arg2[%get3A, %get3A_0] : memref<2500x128xf32, #tpu.memory_space<vmem>>, vector<2500x128xf32>
    %get3A_2 = arith.constant 0 : index
    %get3A_3 = arith.constant 0 : index
    %get3A_4 = arith.constant 0 : index
    %get3A_5 = vector.load %arg0[%get3A_2, %get3A_3, %get3A_4] : memref<2x2560x128xf32, #tpu.memory_space<vmem>>, vector<1x2500x128xf32>
    %get3A_6 = vector.shape_cast %get3A_5 : vector<1x2500x128xf32> to vector<2500x128xf32>
    %get3A_7 = arith.constant 1 : index
    %get3A_8 = arith.constant 0 : index
    %get3A_9 = arith.constant 0 : index
    %get3A_10 = vector.load %arg0[%get3A_7, %get3A_8, %get3A_9] : memref<2x2560x128xf32, #tpu.memory_space<vmem>>, vector<1x2500x128xf32>
    %get3A_11 = vector.shape_cast %get3A_10 : vector<1x2500x128xf32> to vector<2500x128xf32>
    %add3A = arith.addf %get3A_6, %get3A_11 : vector<2500x128xf32>
    %get3A_12 = arith.constant 0 : index
    %get3A_13 = arith.constant 0 : index
    %get3A_14 = vector.load %arg1[%get3A_12, %get3A_13] : memref<2560x128xf32, #tpu.memory_space<vmem>>, vector<2500x128xf32>
    %add3A_15 = arith.addf %add3A, %get3A_14 : vector<2500x128xf32>
    %mul3A = arith.mulf %get3A_1, %add3A_15 : vector<2500x128xf32>
    %get3A_16 = arith.constant 0 : index
    %get3A_17 = arith.constant 0 : index
    %get3A_18 = vector.load %arg4[%get3A_16, %get3A_17] : memref<1x128xf32, #tpu.memory_space<vmem>>, vector<1x128xf32>
    %add3A_19 = vector.broadcast %get3A_18 : vector<1x128xf32> to vector<2500x128xf32>
    %add3A_20 = arith.addf %mul3A, %add3A_19 : vector<2500x128xf32>
    %get3A_21 = arith.constant 0 : index
    %get3A_22 = arith.constant 0 : index
    %get3A_23 = vector.load %arg5[%get3A_21, %get3A_22] : memref<1x128xf32, #tpu.memory_space<vmem>>, vector<1x128xf32>
    %get3A_24 = arith.constant 0 : index
    %get3A_25 = arith.constant 0 : index
    %get3A_26 = vector.load %arg6[%get3A_24, %get3A_25] : memref<1x128xf32, #tpu.memory_space<vmem>>, vector<1x128xf32>
    %reduce_sum3A = arith.constant dense<0.000000e+00> : vector<128xf32>
    %reduce_sum3A_27 = vector.multi_reduction <add>, %add3A_20, %reduce_sum3A [0] : vector<2500x128xf32> to vector<128xf32>
    %broadcast_in_dim3A = vector.shape_cast %reduce_sum3A_27 : vector<128xf32> to vector<1x128xf32>
    %div3A = arith.constant 2.500000e+03 : f32
    %div3A_28 = vector.broadcast %div3A : f32 to vector<1x128xf32>
    %div3A_29 = arith.divf %broadcast_in_dim3A, %div3A_28 : vector<1x128xf32>
    %get3A_30 = arith.constant 0 : index
    %get3A_31 = arith.constant 0 : index
    %get3A_32 = vector.load %arg3[%get3A_30, %get3A_31] : memref<128x128xf32, #tpu.memory_space<vmem>>, vector<128x128xf32>
    %dot_general3A = arith.constant dense<0.000000e+00> : vector<1x128xf32>
    %dot_general3A_33 = tpu.matmul %div3A_29, %get3A_32, %dot_general3A {dimension_numbers = #tpu.dot_dimension_numbers<[1], [0], [0], [1], [0, 0, 1, 1], [], []>, transpose_lhs_hint = false} : vector<1x128xf32>, vector<128x128xf32>, vector<1x128xf32> -> vector<1x128xf32>
    %sub3A = vector.broadcast %dot_general3A_33 : vector<1x128xf32> to vector<2500x128xf32>
    %sub3A_34 = arith.subf %add3A_20, %sub3A : vector<2500x128xf32>
    %sub3A_35 = vector.broadcast %dot_general3A_33 : vector<1x128xf32> to vector<2500x128xf32>
    %sub3A_36 = arith.subf %add3A_20, %sub3A_35 : vector<2500x128xf32>
    %mul3A_37 = arith.mulf %sub3A_34, %sub3A_36 : vector<2500x128xf32>
    %reduce_sum3A_38 = arith.constant dense<0.000000e+00> : vector<128xf32>
    %reduce_sum3A_39 = vector.multi_reduction <add>, %mul3A_37, %reduce_sum3A_38 [0] : vector<2500x128xf32> to vector<128xf32>
    %broadcast_in_dim3A_40 = vector.shape_cast %reduce_sum3A_39 : vector<128xf32> to vector<1x128xf32>
    %div3A_41 = arith.constant 2.500000e+03 : f32
    %div3A_42 = vector.broadcast %div3A_41 : f32 to vector<1x128xf32>
    %div3A_43 = arith.divf %broadcast_in_dim3A_40, %div3A_42 : vector<1x128xf32>
    %get3A_44 = arith.constant 0 : index
    %get3A_45 = arith.constant 0 : index
    %get3A_46 = vector.load %arg3[%get3A_44, %get3A_45] : memref<128x128xf32, #tpu.memory_space<vmem>>, vector<128x128xf32>
    %dot_general3A_47 = arith.constant dense<0.000000e+00> : vector<1x128xf32>
    %dot_general3A_48 = tpu.matmul %div3A_43, %get3A_46, %dot_general3A_47 {dimension_numbers = #tpu.dot_dimension_numbers<[1], [0], [0], [1], [0, 0, 1, 1], [], []>, transpose_lhs_hint = false} : vector<1x128xf32>, vector<128x128xf32>, vector<1x128xf32> -> vector<1x128xf32>
    %sub3A_49 = vector.broadcast %dot_general3A_33 : vector<1x128xf32> to vector<2500x128xf32>
    %sub3A_50 = arith.subf %add3A_20, %sub3A_49 : vector<2500x128xf32>
    %add3A_51 = arith.constant 9.99999974E-6 : f32
    %add3A_52 = vector.broadcast %add3A_51 : f32 to vector<1x128xf32>
    %add3A_53 = arith.addf %dot_general3A_48, %add3A_52 : vector<1x128xf32>
    %rsqrt3A = math.rsqrt %add3A_53 : vector<1x128xf32>
    %mul3A_54 = vector.broadcast %rsqrt3A : vector<1x128xf32> to vector<2500x128xf32>
    %mul3A_55 = arith.mulf %sub3A_50, %mul3A_54 : vector<2500x128xf32>
    %mul3A_56 = vector.broadcast %get3A_23 : vector<1x128xf32> to vector<2500x128xf32>
    %mul3A_57 = arith.mulf %mul3A_55, %mul3A_56 : vector<2500x128xf32>
    %add3A_58 = vector.broadcast %get3A_26 : vector<1x128xf32> to vector<2500x128xf32>
    %add3A_59 = arith.addf %mul3A_57, %add3A_58 : vector<2500x128xf32>
    %max3A = arith.constant 0.000000e+00 : f32
    %max3A_60 = vector.broadcast %max3A : f32 to vector<2500x128xf32>
    %max3A_61 = arith.maximumf %add3A_59, %max3A_60 : vector<2500x128xf32>
    %mul3A_62 = arith.mulf %get3A_1, %max3A_61 : vector<2500x128xf32>
    %swap3A = arith.constant 0 : index
    %swap3A_63 = arith.constant 0 : index
    %swap3A_64 = vector.load %arg7[%swap3A, %swap3A_63] : memref<2560x128xf32, #tpu.memory_space<vmem>>, vector<2500x128xf32>
    tpu.vector_store %arg7[%swap3A, %swap3A_63], %mul3A_62 {strides = array<i32>} : memref<2560x128xf32, #tpu.memory_space<vmem>>, vector<2500x128xf32>,
    return
  }
}

module attributes {stable_mosaic.version = 14 : i64} {
  func.func @_tc_fin(%arg0: memref<2x2560x128xf32, #tpu.memory_space<vmem>>, %arg1: memref<2560x128xf32, #tpu.memory_space<vmem>>, %arg2: memref<2500x128xf32, #tpu.memory_space<vmem>>, %arg3: memref<512x512xf32, #tpu.memory_space<vmem>>, %arg4: memref<2500x512xf32, #tpu.memory_space<vmem>>, %arg5: memref<128x512xf32, #tpu.memory_space<vmem>>, %arg6: memref<1x512xf32, #tpu.memory_space<vmem>>, %arg7: memref<1x512xf32, #tpu.memory_space<vmem>>, %arg8: memref<1x512xf32, #tpu.memory_space<vmem>>, %arg9: memref<2500x512xf32, #tpu.memory_space<vmem>>) attributes {dimension_semantics = [], scalar_prefetch = 0 : i64, scratch_operands = 0 : i64, tpu.core_type = #tpu.core_type<tc>} {
    %get3A = arith.constant 0 : index
    %get3A_0 = arith.constant 0 : index
    %get3A_1 = vector.load %arg2[%get3A, %get3A_0] : memref<2500x128xf32, #tpu.memory_space<vmem>>, vector<2500x128xf32>
    %get3A_2 = arith.constant 0 : index
    %get3A_3 = arith.constant 0 : index
    %get3A_4 = arith.constant 0 : index
    %get3A_5 = vector.load %arg0[%get3A_2, %get3A_3, %get3A_4] : memref<2x2560x128xf32, #tpu.memory_space<vmem>>, vector<1x2500x128xf32>
    %get3A_6 = vector.shape_cast %get3A_5 : vector<1x2500x128xf32> to vector<2500x128xf32>
    %get3A_7 = arith.constant 1 : index
    %get3A_8 = arith.constant 0 : index
    %get3A_9 = arith.constant 0 : index
    %get3A_10 = vector.load %arg0[%get3A_7, %get3A_8, %get3A_9] : memref<2x2560x128xf32, #tpu.memory_space<vmem>>, vector<1x2500x128xf32>
    %get3A_11 = vector.shape_cast %get3A_10 : vector<1x2500x128xf32> to vector<2500x128xf32>
    %add3A = arith.addf %get3A_6, %get3A_11 : vector<2500x128xf32>
    %get3A_12 = arith.constant 0 : index
    %get3A_13 = arith.constant 0 : index
    %get3A_14 = vector.load %arg1[%get3A_12, %get3A_13] : memref<2560x128xf32, #tpu.memory_space<vmem>>, vector<2500x128xf32>
    %add3A_15 = arith.addf %add3A, %get3A_14 : vector<2500x128xf32>
    %mul3A = arith.mulf %get3A_1, %add3A_15 : vector<2500x128xf32>
    %get3A_16 = arith.constant 0 : index
    %get3A_17 = arith.constant 0 : index
    %get3A_18 = vector.load %arg5[%get3A_16, %get3A_17] : memref<128x512xf32, #tpu.memory_space<vmem>>, vector<128x512xf32>
    %dot_general3A = arith.constant dense<0.000000e+00> : vector<2500x512xf32>
    %dot_general3A_19 = tpu.matmul %mul3A, %get3A_18, %dot_general3A {dimension_numbers = #tpu.dot_dimension_numbers<[1], [0], [0], [1], [0, 0, 1, 1], [], []>, transpose_lhs_hint = false} : vector<2500x128xf32>, vector<128x512xf32>, vector<2500x512xf32> -> vector<2500x512xf32>
    %get3A_20 = arith.constant 0 : index
    %get3A_21 = arith.constant 0 : index
    %get3A_22 = vector.load %arg6[%get3A_20, %get3A_21] : memref<1x512xf32, #tpu.memory_space<vmem>>, vector<1x512xf32>
    %add3A_23 = vector.broadcast %get3A_22 : vector<1x512xf32> to vector<2500x512xf32>
    %add3A_24 = arith.addf %dot_general3A_19, %add3A_23 : vector<2500x512xf32>
    %reduce_sum3A = arith.constant dense<0.000000e+00> : vector<512xf32>
    %reduce_sum3A_25 = vector.multi_reduction <add>, %add3A_24, %reduce_sum3A [0] : vector<2500x512xf32> to vector<512xf32>
    %broadcast_in_dim3A = vector.shape_cast %reduce_sum3A_25 : vector<512xf32> to vector<1x512xf32>
    %div3A = arith.constant 2.500000e+03 : f32
    %div3A_26 = vector.broadcast %div3A : f32 to vector<1x512xf32>
    %div3A_27 = arith.divf %broadcast_in_dim3A, %div3A_26 : vector<1x512xf32>
    %get3A_28 = arith.constant 0 : index
    %get3A_29 = arith.constant 0 : index
    %get3A_30 = vector.load %arg3[%get3A_28, %get3A_29] : memref<512x512xf32, #tpu.memory_space<vmem>>, vector<512x512xf32>
    %dot_general3A_31 = arith.constant dense<0.000000e+00> : vector<1x512xf32>
    %dot_general3A_32 = tpu.matmul %div3A_27, %get3A_30, %dot_general3A_31 {dimension_numbers = #tpu.dot_dimension_numbers<[1], [0], [0], [1], [0, 0, 1, 1], [], []>, transpose_lhs_hint = false} : vector<1x512xf32>, vector<512x512xf32>, vector<1x512xf32> -> vector<1x512xf32>
    %sub3A = vector.broadcast %dot_general3A_32 : vector<1x512xf32> to vector<2500x512xf32>
    %sub3A_33 = arith.subf %add3A_24, %sub3A : vector<2500x512xf32>
    %sub3A_34 = vector.broadcast %dot_general3A_32 : vector<1x512xf32> to vector<2500x512xf32>
    %sub3A_35 = arith.subf %add3A_24, %sub3A_34 : vector<2500x512xf32>
    %mul3A_36 = arith.mulf %sub3A_33, %sub3A_35 : vector<2500x512xf32>
    %reduce_sum3A_37 = arith.constant dense<0.000000e+00> : vector<512xf32>
    %reduce_sum3A_38 = vector.multi_reduction <add>, %mul3A_36, %reduce_sum3A_37 [0] : vector<2500x512xf32> to vector<512xf32>
    %broadcast_in_dim3A_39 = vector.shape_cast %reduce_sum3A_38 : vector<512xf32> to vector<1x512xf32>
    %div3A_40 = arith.constant 2.500000e+03 : f32
    %div3A_41 = vector.broadcast %div3A_40 : f32 to vector<1x512xf32>
    %div3A_42 = arith.divf %broadcast_in_dim3A_39, %div3A_41 : vector<1x512xf32>
    %get3A_43 = arith.constant 0 : index
    %get3A_44 = arith.constant 0 : index
    %get3A_45 = vector.load %arg3[%get3A_43, %get3A_44] : memref<512x512xf32, #tpu.memory_space<vmem>>, vector<512x512xf32>
    %dot_general3A_46 = arith.constant dense<0.000000e+00> : vector<1x512xf32>
    %dot_general3A_47 = tpu.matmul %div3A_42, %get3A_45, %dot_general3A_46 {dimension_numbers = #tpu.dot_dimension_numbers<[1], [0], [0], [1], [0, 0, 1, 1], [], []>, transpose_lhs_hint = false} : vector<1x512xf32>, vector<512x512xf32>, vector<1x512xf32> -> vector<1x512xf32>
    %sub3A_48 = vector.broadcast %dot_general3A_32 : vector<1x512xf32> to vector<2500x512xf32>
    %sub3A_49 = arith.subf %add3A_24, %sub3A_48 : vector<2500x512xf32>
    %add3A_50 = arith.constant 9.99999974E-6 : f32
    %add3A_51 = vector.broadcast %add3A_50 : f32 to vector<1x512xf32>
    %add3A_52 = arith.addf %dot_general3A_47, %add3A_51 : vector<1x512xf32>
    %rsqrt3A = math.rsqrt %add3A_52 : vector<1x512xf32>
    %mul3A_53 = vector.broadcast %rsqrt3A : vector<1x512xf32> to vector<2500x512xf32>
    %mul3A_54 = arith.mulf %sub3A_49, %mul3A_53 : vector<2500x512xf32>
    %get3A_55 = arith.constant 0 : index
    %get3A_56 = arith.constant 0 : index
    %get3A_57 = vector.load %arg7[%get3A_55, %get3A_56] : memref<1x512xf32, #tpu.memory_space<vmem>>, vector<1x512xf32>
    %mul3A_58 = vector.broadcast %get3A_57 : vector<1x512xf32> to vector<2500x512xf32>
    %mul3A_59 = arith.mulf %mul3A_54, %mul3A_58 : vector<2500x512xf32>
    %get3A_60 = arith.constant 0 : index
    %get3A_61 = arith.constant 0 : index
    %get3A_62 = vector.load %arg8[%get3A_60, %get3A_61] : memref<1x512xf32, #tpu.memory_space<vmem>>, vector<1x512xf32>
    %add3A_63 = vector.broadcast %get3A_62 : vector<1x512xf32> to vector<2500x512xf32>
    %add3A_64 = arith.addf %mul3A_59, %add3A_63 : vector<2500x512xf32>
    %get3A_65 = arith.constant 0 : index
    %get3A_66 = arith.constant 0 : index
    %get3A_67 = vector.load %arg4[%get3A_65, %get3A_66] : memref<2500x512xf32, #tpu.memory_space<vmem>>, vector<2500x512xf32>
    %add3A_68 = arith.addf %add3A_64, %get3A_67 : vector<2500x512xf32>
    %max3A = arith.constant 0.000000e+00 : f32
    %max3A_69 = vector.broadcast %max3A : f32 to vector<2500x512xf32>
    %max3A_70 = arith.maximumf %add3A_68, %max3A_69 : vector<2500x512xf32>
    %swap3A = arith.constant 0 : index
    %swap3A_71 = arith.constant 0 : index
    %swap3A_72 = vector.load %arg9[%swap3A, %swap3A_71] : memref<2500x512xf32, #tpu.memory_space<vmem>>, vector<2500x512xf32>
    tpu.vector_store %arg9[%swap3A, %swap3A_71], %max3A_70 {strides = array<i32>} : memref<2500x512xf32, #tpu.memory_space<vmem>>, vector<2500x512xf32>,
    return
  }
}

</mosaic_0001>

<sc_bundles>
// kernel: kernel.11.cloned.1.call-start
scs
__scs_entry_jumppad:
0x0: {  	(pc) =	sbr.rel $0x88, $3  }
0x1: {  	(tag) =	ssettag $0x0;
	lr =	simm.s32 $0x1  }
0x2: {  	[smem:$0x3F93] =	sst lr;
	_ =	strace $0xD0000000  }
0x3: {  	_ = 	snop  }
0x4: {  	_ = 	snop  }
0x5: {  	_ = 	snop  }
0x6: {  	_ = 	snop  }
0x7: {  	_ = 	snop  }
__scs_overlays_trampoline_lowered:
0x8: {  	[smem:$0x3FA2] =	sst s0  }
0x9: {  	[smem:$0x3FA3] =	sst s1  }
0xa: {  	[smem:$0x3FA4] =	sst s2  }
0xb: {  	[smem:$0x3FA5] =	sst s3  }
0xc: {  	[smem:$0x3FA6] =	sst s4  }
0xd: {  	[smem:$0x3FA7] =	sst s5  }
0xe: {  	[smem:$0x3FA8] =	sst s6  }
0xf: {  	[smem:$0x3FA9] =	sst s7  }
0x10: {  	[smem:$0x3FAA] =	sst s8  }
0x11: {  	[smem:$0x3FAB] =	sst s9;
	s0 =	simm.s32 @!p0 $0x0  }
0x12: {  	s1 =	sld [smem:$0x3F91];
	s0 =	simm.s32 @p0 $0x1  }
0x13: {  	[smem:$0x3FAC] =	sst s0;
	s0 =	simm.s32 @!p1 $0x0  }
0x14: {  	s2 =	sld [smem:$0x3F90];
	s0 =	simm.s32 @p1 $0x1  }
0x15: {  	[smem:$0x3FAD] =	sst s0;
	s0 =	simm.s32 @!p2 $0x0  }
0x16: {  	s3 =	sld [smem:$0x3FDB];
	s0 =	simm.s32 @p2 $0x1  }
0x17: {  	s4 =	simm.s32 $0x1BF5;
	[smem:$0x3FAF] =	sst s0  }
0x18: {  	s0 =	sld [smem:$0x3F92];
	_ =	swait.ge [sflag:s4], $0x0  }
0x19: {  	s7 =	sld [smem:$0x3F93]  }
0x1a: {  	s8 =	sadd.s32 $0xFFFFE003, lr  }
0x1b: {  	s9 =	sadd.s32 $0xFFFFFEF7, lr;
	s5 =	simm.s32 $0xFFFFFFFF;
	p2 =	slt.u32 s8, $0xFFFFF086  }
0x1c: {  	p1 =	slt.u32 s9, $0xF7A;
	s5 =	simm.s32 @!p2 $0x0  }
0x1d: {  	s5 =	simm.s32 @p1 $0x1;
	p0 =	seq.s32 s7, s2  }
0x1e: {  	s7 =	smul.u32 @!p0 $0xF7A, s2;
	p2 =	seq.s32 @!p0 s5, $0x0  }
0x1f: {  	s9 =	smul.u32 $0xF7A, s1;
	s8 =	simm.s32 @!p0 $0x1BF5;
	p2 =	por !p2, p0  }
0x20: {  	[sflag:s8] =	ssyncset.s32 @!p0 $0xFFFFF086;
	s6 =	sadd.s32 @!p0 s3, s7;
	s7 =	simm.s32 @!p0 $0x108  }
0x21: {  	s3 =	sadd.s32 s3, s9;
	s6 =	sadd.s32 @!p0 $0x88, s6;
	s7 =	simm.s32 @p2 $0x1082  }
0x22: {  	[simem:s7], [sflag:s8] =	dma.local @!p0 [hbm:s6], $0xF7A  }
0x23: {  	s9 =	sor.u32 $0xD0000000, s2;
	s6 =	simm.s32 $0x108;
	_ =	swait.ge @!p0 [sflag:s8], $0x0  }
0x24: {  	s3 =	sadd.s32 $0x88, s3;
	s6 =	simm.s32 @!p1 $0x1082;
	[sflag:s4] =	ssyncset.s32 $0xFFFFF086  }
0x25: {  	[simem:s6], [sflag:s4] =	dma.local [hbm:s3], $0xF7A  }
0x26: {  	[smem:$0x3F93] =	sst s1;
	(tag) =	ssettag s2;
	_ =	strace s9  }
0x27: {  	s1 =	sld [smem:$0x3FA3]  }
0x28: {  	s2 =	sld [smem:$0x3FA4]  }
0x29: {  	s4 =	sld [smem:$0x3FA6]  }
0x2a: {  	p0 =	seq.s32 s5, $0x0;
	s5 =	sld [smem:$0x3FA7]  }
0x2b: {  	s6 =	sld [smem:$0x3FA8]  }
0x2c: {  	s7 =	sld [smem:$0x3FA9]  }
0x2d: {  	s3 =	simm.s32 $0x108;
	s8 =	sld [smem:$0x3FAA]  }
0x2e: {  	s3 =	simm.s32 @!p0 $0x1082;
	s9 =	sld [smem:$0x3FAB]  }
0x2f: {  	lr =	sadd.s32 s0, s3;
	s0 =	sld [smem:$0x3FA2]  }
0x30: {  	s3 =	sld [smem:$0x3FA5]  }
0x31: {  	[smem:$0x3FAE] =	sst s10  }
0x32: {  	s10 =	sld [smem:$0x3FAC];
	_ =	sdelay $0x3  }
0x33: {  	p0 =	seq.s32 s10, $0x1;
	s10 =	sld [smem:$0x3FAE];
	_ =	sdelay $0x3  }
0x34: {  	[smem:$0x3FAE] =	sst s10  }
0x35: {  	s10 =	sld [smem:$0x3FAD];
	_ =	sdelay $0x3  }
0x36: {  	p1 =	seq.s32 s10, $0x1;
	s10 =	sld [smem:$0x3FAE];
	_ =	sdelay $0x3  }
0x37: {  	[smem:$0x3FAE] =	sst s10  }
0x38: {  	s10 =	sld [smem:$0x3FAF]  }
0x39: {  	_ = 	snop;
	(pc) =	sbr.ind lr, $3  }
0x3a: {  	_ = 	snop  }
0x3b: {  	_ = 	snop  }
0x3c: {  	p2 =	seq.s32 s10, $0x1;
	s10 =	sld [smem:$0x3FAE]  }
0x3d: {  	_ =	shalt  }
0x3e: {  	_ =	shalt  }
0x3f: {  	_ =	shalt  }
0x40: {  	_ =	shalt  }
0x41: {  	_ =	shalt  }
0x42: {  	_ =	shalt  }
0x43: {  	_ =	shalt  }
0x44: {  	_ =	shalt  }
0x45: {  	_ =	shalt  }
0x46: {  	_ =	shalt  }
0x47: {  	_ =	shalt  }
0x48: {  	_ =	shalt  }
0x49: {  	_ =	shalt  }
0x4a: {  	_ =	shalt  }
0x4b: {  	_ =	shalt  }
0x4c: {  	_ =	shalt  }
0x4d: {  	_ =	shalt  }
0x4e: {  	_ =	shalt  }
0x4f: {  	_ =	shalt  }
0x50: {  	_ =	shalt  }
0x51: {  	_ =	shalt  }
0x52: {  	_ =	shalt  }
0x53: {  	_ =	shalt  }
0x54: {  	_ =	shalt  }
0x55: {  	_ =	shalt  }
0x56: {  	_ =	shalt  }
0x57: {  	_ =	shalt  }
0x58: {  	_ =	shalt  }
0x59: {  	_ =	shalt  }
0x5a: {  	_ =	shalt  }
0x5b: {  	_ =	shalt  }
0x5c: {  	_ =	shalt  }
0x5d: {  	_ =	shalt  }
0x5e: {  	_ =	shalt  }
0x5f: {  	_ =	shalt  }
0x60: {  	_ =	shalt  }
0x61: {  	_ =	shalt  }
0x62: {  	_ =	shalt  }
0x63: {  	_ =	shalt  }
0x64: {  	_ =	shalt  }
0x65: {  	_ =	shalt  }
0x66: {  	_ =	shalt  }
0x67: {  	_ =	shalt  }
0x68: {  	_ =	shalt  }
0x69: {  	_ =	shalt  }
0x6a: {  	_ =	shalt  }
0x6b: {  	_ =	shalt  }
0x6c: {  	_ =	shalt  }
0x6d: {  	_ =	shalt  }
0x6e: {  	_ =	shalt  }
0x6f: {  	_ =	shalt  }
0x70: {  	_ =	shalt  }
0x71: {  	_ =	shalt  }
0x72: {  	_ =	shalt  }
0x73: {  	_ =	shalt  }
0x74: {  	_ =	shalt  }
0x75: {  	_ =	shalt  }
0x76: {  	_ =	shalt  }
0x77: {  	_ =	shalt  }
0x78: {  	_ =	shalt  }
0x79: {  	_ =	shalt  }
0x7a: {  	_ =	shalt  }
0x7b: {  	_ =	shalt  }
0x7c: {  	_ =	shalt  }
0x7d: {  	_ =	shalt  }
0x7e: {  	_ =	shalt  }
0x7f: {  	_ =	shalt  }
0x80: {  	_ =	shalt  }
0x81: {  	_ =	shalt  }
0x82: {  	_ =	shalt  }
0x83: {  	_ =	shalt  }
0x84: {  	_ =	shalt  }
0x85: {  	_ =	shalt  }
0x86: {  	_ =	shalt  }
0x87: {  	_ =	shalt  }
.Lfunc_end0:
.L_simem_size_0:
called_computation_lowered:
.L_overlay_start_0:
0x88: {  	s2 =	sld [smem:$0x3FD9]  }
0x89: {  	s3 =	sld [smem:$0x3FFE];
	_ =	sdelay $0x1  }
0x8a: {  	s1 =	srdreg.scid  }
0x8b: {  	s0 =	sand.u32 $0x1, s1  }
0x8c: {  	s17 =	sshll.u32 s0, $0xA;
	s2 =	sadd.s32 s3, s2  }
0x8d: {  	s2 =	sadd.s32 s2, s17  }
0x8e: {  	[smem:$0x3FBA] =	sst s2  }
0x8f: {  	_ = 	snop  }
0x90: {  	s2 =	sld [smem:$0x3FD0];
	(tm) =	ssettm $0x1  }
0x91: {  	s18 =	sld [smem:$0x3FFB];
	_ =	sdelay $0x3  }
0x92: {  	_ =	strace s18  }
0x93: {  	s3 =	sld [smem:$0x3FFC];
	_ =	sdelay $0x3  }
0x94: {  	_ =	strace s3  }
0x95: {  	s3 =	sld [smem:$0x3FFD];
	_ =	sdelay $0x3  }
0x96: {  	_ =	strace s3  }
0x97: {  	_ =	strace $0x8FFFFFFF  }
0x98: {  	s19 =	sld [smem:$0x3FDB];
	_ =	sdelay $0x1  }
0x99: {  	s4 =	simm.s32 $_scs_section_size  }
0x9a: {  	s5 =	simm.s32 $_size__tile_overlayer_lowered;
	s6 =	simm.s32 $_tile_overlayer_lowered  }
0x9b: {  	s22 =	simm.s32 $0x1BFF;
	s21 =	sshll.u32 s6, $0x1;
	s3 =	sadd.s32 s4, s19  }
0x9c: {  	s7 =	simm.s32 $0x0;
	s20 =	sshll.u32 s5, $0x1;
	s5 =	sadd.s32 s21, s3  }
0x9d: {  	[timem:s7], [sflag:s22] =	dma.local [hbm:s5], s20  }
0x9e: {  	_ =	swait.ge [sflag:s22], s20  }
0x9f: {  	s4 =	ssub.s32 $0x0, s20;
	[sflag:s22] =	ssyncset.done $0x0  }
0xa0: {  	[sflag:s22] =	ssyncadd.s32 s4;
	_ =	sdelay $0x1  }
0xa1: {  	s23 =	simm.s32 $0x1B8B  }
0xa2: {  	_ =	swait.ge [sflag:s23], $0x1  }
0xa3: {  	[sflag:s23] =	ssyncset.done $0x0  }
0xa4: {  	s25 =	simm.s32 $0x1B8E;
	s24 =	sld [smem:$0x3FFE];
	[sflag:s23] =	ssyncadd.s32 $0xFFFFFFFF  }
0xa5: {  	s26 =	simm.s32 $execute0_lowered;
	[smem:$0x3FD2] =	sst s25  }
0xa6: {  	s5 =	sshll.u32 s26, $0x1;
	_ =	strace $0x80000046;
	[dreg:$0x1] =	wrdreg $0xFFFFFFFF  }
0xa7: {  	s28 =	simm.s32 $_size_execute0_lowered;
	s3 =	sadd.s32 s3, s5;
	[dreg:$0x0] =	wrdreg $0x0  }
0xa8: {  	s5 =	sshll.u32 s28, $0x1;
	[dreg:$0x2] =	wrdreg s3  }
0xa9: {  	[dreg:$0x3] =	wrdreg s5  }
0xaa: {  	[dreg:$0x4] =	wrdreg $0xC0  }
0xab: {  	_ =	task [dreg:s7], $0x5FFFF  }
0xac: {  	[dreg:$0x1] =	wrdreg $0xFFFFFFFF  }
0xad: {  	[dreg:$0x0] =	wrdreg $0x60  }
0xae: {  	[dreg:$0x2] =	wrdreg s24  }
0xaf: {  	[dreg:$0x3] =	wrdreg s2  }
0xb0: {  	[dreg:$0x4] =	wrdreg $0x2FD00  }
0xb1: {  	[dreg:$0x5] =	wrdreg $0x9  }
0xb2: {  	_ =	task.clear_ibuf [dreg:s7], $0x6FFFF;
	_ =	strace $0x90000046  }
0xb3: {  	s29 =	simm.s32 $0x9;
	_ =	strace $0x80000048  }
0xb4: {  	_ =	swait.ge [sflag:s29], $0x1  }
0xb5: {  	[sflag:s29] =	ssyncadd.s32 $0xFFFFFFFF  }
0xb6: {  	_ =	strace $0x90000048  }
0xb7: {  	_ =	sfence  }
0xb8: {  	s30 =	sld [smem:$0x0];
	_ =	sdelay $0x2  }
0xb9: {  	s31 =	sshll.u32 s1, $0xD;
	s1 =	sshrl.u32 s1, $0x2  }
0xba: {  	s3 =	sand.u32 $0x4000, s31;
	s1 =	sadd.s32 s1, s30  }
0xbb: {  	s0 =	sor.u32 s3, s0;
	s1 =	sshll.u32 s1, $0x11  }
0xbc: {  	s0 =	sor.u32 s1, s0  }
0xbd: {  	s0 =	sadd.s32 $0x8F2B, s0  }
0xbe: {  	[sflag:s0] =	ssyncadd.remote.s32 $0x1  }
0xbf: {  	_ =	sfence.sel $0xFFFF  }
0xc0: {  	[dreg:$0x0] =	wrdreg $0xFFFFFFFF;
	(pc) =	sbr.abs _section_cstart, $3  }
0xc1: {  	[dreg:$0x1] =	wrdreg $0xFFFFFFFF  }
0xc2: {  	_ =	task.clear_ibuf [dreg:s7], $0x2FFFF;
	_ =	strace $0x9FFFFFFF  }
0xc3: {  	(tm) =	ssettm $0x7FFFFFFF  }
tec
execute0_lowered:
.L_overlay_start_1:
0x0: {  	(tag) =	ssettag $0x1  }
0x1: {  	s3 =	rddreg [dreg:$0x0]  }
0x2: {  	s0 =	srdreg.scid;
	s5 =	rddreg [dreg:$0x1]  }
0x3: {  	s11 =	stileid.u32;
	s1 =	rddreg [dreg:$0x2]  }
0x4: {  	s2 =	simm.s32 $0x0;
	s13 =	simm.s32 $0x0;
	s4 =	sand.u32 $0x1, s0  }
0x5: {  	[smem:$0x7FF] =	sst s2;
	s7 =	smul.u32 $0x2800, s11;
	s31 =	sshll.u32 s11, $0x6  }
0x6: {  	p0 =	sne.s32 s11, $0x0;
	s0 =	sshll.u32 s4, $0x4;
	s9 =	ssub.s32 $0x2, s4  }
0x7: {  	s10 =	smul.u32 $0x5000, s4;
	s6 =	sor.u32 s11, s0;
	s0 =	rddreg [dreg:$0x3]  }
0x8: {  	_ =	strace $0x80000047;
	s8 =	sshrl.u32 s7, $0x3;
	s30 =	sshrl.u32 s9, $0x1  }
0x9: {  	s12 =	sadd.s32 s7, s1;
	s7 =	simm.s32 $0x1;
	s6 =	smul.u32 $0x500, s6  }
0xa: {  	s11 =	simm.s32 $0x2800;
	s8 =	sadd.s32 s8, s3;
	s9 =	ssub.s32 s9, s30  }
0xb: {  	s5 =	sadd.s32 s5, s10;
	s10 =	simm.s32 $0x7D;
	s6 =	sadd.s32 s6, s3  }
0xc: {  	s4 =	sadd.s32 $0xE400, s8;
	s8 =	sor.u32 $0x1C01, s31;
	s3 =	sadd.s32 $0x4400, s6  }
0xd: {  	v0 =	vimm.f32 $1.000000000e+00;
	s6 =	smax.u32 s9, $0x1;
	s9 =	sshrl.u32 s12, $0x3;
	s12 =	sshrl.u32 @!p0 s1, $0x3  }
.LBB2_1:
0xe: {  	[tilespmem:s2], [sflag:$0x1] =	stream.linear.gather [hbm4b:s3+s2], $0x2800, $0x38;
	[tilespmem:$0x57D0] =	vst v63  }
0xf: {  	_ =	swait.ge [sflag:s7], $0x2800  }
0x10: {  	[sflag:s7] =	ssyncset.done $0x0  }
0x11: {  	s14 =	simm.s32 $0x40;
	s15 =	simm.s32 $0x0;
	[sflag:s7] =	ssyncadd.s32 $0xFFFFD800  }
.LBB2_2:
0x12: {  	p1 =	sne.s32 s14, $0x1F00;
	[tilespmem:s15+$0x2800] =	vst v0;
	s15 =	smov.u32 s14;
	s14 =	sadd.s32 $0x40, s14  }
.Ltmp0:
0x13: {  	(pc) =	sbr.rel @p1 .LBB2_2-.Ltmp0, $2  }
0x14: {  	_ =	sdelay $0x2  }
0x15: {  	s15 =	sshra.s32 s15, $0x2  }
0x16: {  	[tilespmem:s15+$0x2800] =	vst v0  }
0x17: {  	[spmem:s9], [sflag:s8] =	dma.local [hbm:s4], $0x500  }
0x18: {  	_ =	swait.ge [sflag:s7], $0x500  }
0x19: {  	[sflag:s7] =	ssyncset.done $0x0  }
0x1a: {  	[sflag:s7] =	ssyncadd.s32 $0xFFFFFB00  }
0x1b: {  	s14 =	simm.s32 $0x0;
	[bflag:$0x0] =	sbarrier.arrive $0xFFFF  }
0x1c: {  	[spmem:s1] =	stream.indirect.scatter.add.f32 [tilespmem:s11], [sflag:$0x1], $0x10, s14, s10, $0xb8;
	[tilespmem:$0x57D0] =	vst v63  }
0x1d: {  	_ =	swait.ge [sflag:s7], $0x7D0  }
0x1e: {  	s14 =	simm.s32 $0x200;
	[sflag:s7] =	ssyncset.done $0x0  }
.LBB2_4:
0x1f: {  	s15 =	sshra.s32 s14, $0x2;
	[sflag:s7] =	ssyncadd.s32 $0xFFFFF830;
	p1 =	sne.s32 s14, $0x9E00  }
0x20: {  	[spmem:s1] =	stream.indirect.scatter.add.f32 [tilespmem:s11], [sflag:$0x1], $0x10, s15, s10, $0xb8;
	[tilespmem:$0x57D0] =	vst v63  }
.Ltmp1:
0x21: {  	_ = 	snop;
	(pc) =	sbr.rel @p1 .LBB2_4-.Ltmp1, $4  }
0x22: {  	_ = 	snop  }
0x23: {  	s14 =	sadd.s32 $0x200, s14  }
0x24: {  	_ =	swait.ge [sflag:s7], $0x7D0  }
0x25: {  	[sflag:s7] =	ssyncset.done $0x0  }
0x26: {  	s13 =	sadd.s32 $0x1, s13  }
0x27: {  	[sflag:s7] =	ssyncadd.s32 $0xFFFFF830;
	p1 =	sne.s32 s13, s6  }
.Ltmp2:
0x28: {  	s14 =	simm.s32 @!p0 $0x1;
	[bflag:$0x0] =	sbarrier.arrive $0xFFFF;
	(pc) =	sbr.rel @p1 .LBB2_1-.Ltmp2, $4  }
0x29: {  	[hbm:s5], [sflag:s8] =	dma.local @!p0 [spmem:s12], $0x5000  }
0x2a: {  	_ =	swait.ge @!p0 [sflag:s14], $0x5000  }
0x2b: {  	[sflag:s14] =	ssyncset.done @!p0 $0x0  }
0x2c: {  	[sflag:s14] =	ssyncadd.s32 @!p0 $0xFFFFB000  }
0x2d: {  	_ =	sfence.sel $0x180000  }
0x2e: {  	[bflag:$0x0] =	sbarrier.arrive $0xFFFF  }
0x2f: {  	_ =	strace $0x90000047  }
0x30: {  	s0 =	sadd.s32 @!p0 $0x100000, s0;
	[bflag:$0x2] =	sbarrier.arrive $0xFFFF  }
0x31: {  	[sflag:s0] =	ssyncadd.tile.s32 @!p0 $0x1;
	_ =	shalt  }
.Lfunc_end2:
_tile_overlayer_lowered:
.L_overlay_start_2:
0x32: {  	(tag) =	ssettag $0x2  }
0x33: {  	s0 =	rddreg [dreg:$0x0];
	s2 =	stileid.u32  }
0x34: {  	s1 =	rddreg [dreg:$0x1];
	p0 =	sne.s32 s2, $0x0  }
0x35: {  	s3 =	rddreg [dreg:$0x2];
	[bflag:$0x3] =	sbarrier.arrive $0xFFFF;
	s2 =	simm.s32 @!p0 $0x1C01  }
0x36: {  	[timem:s3], [sflag:s2] =	dma.local @!p0 [hbm:s0], s1  }
0x37: {  	s0 =	simm.s32 @!p0 $0x1  }
0x38: {  	_ =	swait.ge @!p0 [sflag:s0], s1  }
0x39: {  	s1 =	ssub.s32 @!p0 $0x0, s1;
	[sflag:s0] =	ssyncset.done @!p0 $0x0  }
0x3a: {  	[sflag:s0] =	ssyncadd.s32 @!p0 s1  }
0x3b: {  	[bflag:$0x3] =	sbarrier.arrive $0xFFFF  }
0x3c: {  	_ =	shalt  }

// kernel: kernel.14.cloned.1.call-start
scs
__scs_entry_jumppad:
0x0: {  	(pc) =	sbr.rel $0x88, $3  }
0x1: {  	(tag) =	ssettag $0x0;
	lr =	simm.s32 $0x1  }
0x2: {  	[smem:$0x3F93] =	sst lr;
	_ =	strace $0xD0000000  }
0x3: {  	_ = 	snop  }
0x4: {  	_ = 	snop  }
0x5: {  	_ = 	snop  }
0x6: {  	_ = 	snop  }
0x7: {  	_ = 	snop  }
__scs_overlays_trampoline_lowered:
0x8: {  	[smem:$0x3FA2] =	sst s0  }
0x9: {  	[smem:$0x3FA3] =	sst s1  }
0xa: {  	[smem:$0x3FA4] =	sst s2  }
0xb: {  	[smem:$0x3FA5] =	sst s3  }
0xc: {  	[smem:$0x3FA6] =	sst s4  }
0xd: {  	[smem:$0x3FA7] =	sst s5  }
0xe: {  	[smem:$0x3FA8] =	sst s6  }
0xf: {  	[smem:$0x3FA9] =	sst s7  }
0x10: {  	[smem:$0x3FAA] =	sst s8  }
0x11: {  	[smem:$0x3FAB] =	sst s9;
	s0 =	simm.s32 @!p0 $0x0  }
0x12: {  	s1 =	sld [smem:$0x3F91];
	s0 =	simm.s32 @p0 $0x1  }
0x13: {  	[smem:$0x3FAC] =	sst s0;
	s0 =	simm.s32 @!p1 $0x0  }
0x14: {  	s2 =	sld [smem:$0x3F90];
	s0 =	simm.s32 @p1 $0x1  }
0x15: {  	[smem:$0x3FAD] =	sst s0;
	s0 =	simm.s32 @!p2 $0x0  }
0x16: {  	s3 =	sld [smem:$0x3FDB];
	s0 =	simm.s32 @p2 $0x1  }
0x17: {  	s4 =	simm.s32 $0x1BF5;
	[smem:$0x3FAF] =	sst s0  }
0x18: {  	s0 =	sld [smem:$0x3F92];
	_ =	swait.ge [sflag:s4], $0x0  }
0x19: {  	s7 =	sld [smem:$0x3F93]  }
0x1a: {  	s8 =	sadd.s32 $0xFFFFE003, lr  }
0x1b: {  	s9 =	sadd.s32 $0xFFFFFEF7, lr;
	s5 =	simm.s32 $0xFFFFFFFF;
	p2 =	slt.u32 s8, $0xFFFFF086  }
0x1c: {  	p1 =	slt.u32 s9, $0xF7A;
	s5 =	simm.s32 @!p2 $0x0  }
0x1d: {  	s5 =	simm.s32 @p1 $0x1;
	p0 =	seq.s32 s7, s2  }
0x1e: {  	s7 =	smul.u32 @!p0 $0xF7A, s2;
	p2 =	seq.s32 @!p0 s5, $0x0  }
0x1f: {  	s9 =	smul.u32 $0xF7A, s1;
	s8 =	simm.s32 @!p0 $0x1BF5;
	p2 =	por !p2, p0  }
0x20: {  	[sflag:s8] =	ssyncset.s32 @!p0 $0xFFFFF086;
	s6 =	sadd.s32 @!p0 s3, s7;
	s7 =	simm.s32 @!p0 $0x108  }
0x21: {  	s3 =	sadd.s32 s3, s9;
	s6 =	sadd.s32 @!p0 $0x88, s6;
	s7 =	simm.s32 @p2 $0x1082  }
0x22: {  	[simem:s7], [sflag:s8] =	dma.local @!p0 [hbm:s6], $0xF7A  }
0x23: {  	s9 =	sor.u32 $0xD0000000, s2;
	s6 =	simm.s32 $0x108;
	_ =	swait.ge @!p0 [sflag:s8], $0x0  }
0x24: {  	s3 =	sadd.s32 $0x88, s3;
	s6 =	simm.s32 @!p1 $0x1082;
	[sflag:s4] =	ssyncset.s32 $0xFFFFF086  }
0x25: {  	[simem:s6], [sflag:s4] =	dma.local [hbm:s3], $0xF7A  }
0x26: {  	[smem:$0x3F93] =	sst s1;
	(tag) =	ssettag s2;
	_ =	strace s9  }
0x27: {  	s1 =	sld [smem:$0x3FA3]  }
0x28: {  	s2 =	sld [smem:$0x3FA4]  }
0x29: {  	s4 =	sld [smem:$0x3FA6]  }
0x2a: {  	p0 =	seq.s32 s5, $0x0;
	s5 =	sld [smem:$0x3FA7]  }
0x2b: {  	s6 =	sld [smem:$0x3FA8]  }
0x2c: {  	s7 =	sld [smem:$0x3FA9]  }
0x2d: {  	s3 =	simm.s32 $0x108;
	s8 =	sld [smem:$0x3FAA]  }
0x2e: {  	s3 =	simm.s32 @!p0 $0x1082;
	s9 =	sld [smem:$0x3FAB]  }
0x2f: {  	lr =	sadd.s32 s0, s3;
	s0 =	sld [smem:$0x3FA2]  }
0x30: {  	s3 =	sld [smem:$0x3FA5]  }
0x31: {  	[smem:$0x3FAE] =	sst s10  }
0x32: {  	s10 =	sld [smem:$0x3FAC];
	_ =	sdelay $0x3  }
0x33: {  	p0 =	seq.s32 s10, $0x1;
	s10 =	sld [smem:$0x3FAE];
	_ =	sdelay $0x3  }
0x34: {  	[smem:$0x3FAE] =	sst s10  }
0x35: {  	s10 =	sld [smem:$0x3FAD];
	_ =	sdelay $0x3  }
0x36: {  	p1 =	seq.s32 s10, $0x1;
	s10 =	sld [smem:$0x3FAE];
	_ =	sdelay $0x3  }
0x37: {  	[smem:$0x3FAE] =	sst s10  }
0x38: {  	s10 =	sld [smem:$0x3FAF]  }
0x39: {  	_ = 	snop;
	(pc) =	sbr.ind lr, $3  }
0x3a: {  	_ = 	snop  }
0x3b: {  	_ = 	snop  }
0x3c: {  	p2 =	seq.s32 s10, $0x1;
	s10 =	sld [smem:$0x3FAE]  }
0x3d: {  	_ =	shalt  }
0x3e: {  	_ =	shalt  }
0x3f: {  	_ =	shalt  }
0x40: {  	_ =	shalt  }
0x41: {  	_ =	shalt  }
0x42: {  	_ =	shalt  }
0x43: {  	_ =	shalt  }
0x44: {  	_ =	shalt  }
0x45: {  	_ =	shalt  }
0x46: {  	_ =	shalt  }
0x47: {  	_ =	shalt  }
0x48: {  	_ =	shalt  }
0x49: {  	_ =	shalt  }
0x4a: {  	_ =	shalt  }
0x4b: {  	_ =	shalt  }
0x4c: {  	_ =	shalt  }
0x4d: {  	_ =	shalt  }
0x4e: {  	_ =	shalt  }
0x4f: {  	_ =	shalt  }
0x50: {  	_ =	shalt  }
0x51: {  	_ =	shalt  }
0x52: {  	_ =	shalt  }
0x53: {  	_ =	shalt  }
0x54: {  	_ =	shalt  }
0x55: {  	_ =	shalt  }
0x56: {  	_ =	shalt  }
0x57: {  	_ =	shalt  }
0x58: {  	_ =	shalt  }
0x59: {  	_ =	shalt  }
0x5a: {  	_ =	shalt  }
0x5b: {  	_ =	shalt  }
0x5c: {  	_ =	shalt  }
0x5d: {  	_ =	shalt  }
0x5e: {  	_ =	shalt  }
0x5f: {  	_ =	shalt  }
0x60: {  	_ =	shalt  }
0x61: {  	_ =	shalt  }
0x62: {  	_ =	shalt  }
0x63: {  	_ =	shalt  }
0x64: {  	_ =	shalt  }
0x65: {  	_ =	shalt  }
0x66: {  	_ =	shalt  }
0x67: {  	_ =	shalt  }
0x68: {  	_ =	shalt  }
0x69: {  	_ =	shalt  }
0x6a: {  	_ =	shalt  }
0x6b: {  	_ =	shalt  }
0x6c: {  	_ =	shalt  }
0x6d: {  	_ =	shalt  }
0x6e: {  	_ =	shalt  }
0x6f: {  	_ =	shalt  }
0x70: {  	_ =	shalt  }
0x71: {  	_ =	shalt  }
0x72: {  	_ =	shalt  }
0x73: {  	_ =	shalt  }
0x74: {  	_ =	shalt  }
0x75: {  	_ =	shalt  }
0x76: {  	_ =	shalt  }
0x77: {  	_ =	shalt  }
0x78: {  	_ =	shalt  }
0x79: {  	_ =	shalt  }
0x7a: {  	_ =	shalt  }
0x7b: {  	_ =	shalt  }
0x7c: {  	_ =	shalt  }
0x7d: {  	_ =	shalt  }
0x7e: {  	_ =	shalt  }
0x7f: {  	_ =	shalt  }
0x80: {  	_ =	shalt  }
0x81: {  	_ =	shalt  }
0x82: {  	_ =	shalt  }
0x83: {  	_ =	shalt  }
0x84: {  	_ =	shalt  }
0x85: {  	_ =	shalt  }
0x86: {  	_ =	shalt  }
0x87: {  	_ =	shalt  }
.Lfunc_end0:
.L_simem_size_0:
called_computation.1_lowered:
.L_overlay_start_0:
0x88: {  	s2 =	sld [smem:$0x3FD9]  }
0x89: {  	s3 =	sld [smem:$0x3FFE];
	_ =	sdelay $0x1  }
0x8a: {  	s1 =	srdreg.scid  }
0x8b: {  	s0 =	sand.u32 $0x1, s1  }
0x8c: {  	s17 =	sshll.u32 s0, $0xA;
	s2 =	sadd.s32 s3, s2  }
0x8d: {  	s2 =	sadd.s32 s2, s17  }
0x8e: {  	[smem:$0x3FBA] =	sst s2  }
0x8f: {  	_ = 	snop  }
0x90: {  	s2 =	sld [smem:$0x3FD0];
	(tm) =	ssettm $0x1  }
0x91: {  	s18 =	sld [smem:$0x3FFB];
	_ =	sdelay $0x3  }
0x92: {  	_ =	strace s18  }
0x93: {  	s3 =	sld [smem:$0x3FFC];
	_ =	sdelay $0x3  }
0x94: {  	_ =	strace s3  }
0x95: {  	s3 =	sld [smem:$0x3FFD];
	_ =	sdelay $0x3  }
0x96: {  	_ =	strace s3  }
0x97: {  	_ =	strace $0x8FFFFFFF  }
0x98: {  	s19 =	sld [smem:$0x3FDB];
	_ =	sdelay $0x1  }
0x99: {  	s4 =	simm.s32 $_scs_section_size  }
0x9a: {  	s5 =	simm.s32 $_size__tile_overlayer_lowered;
	s6 =	simm.s32 $_tile_overlayer_lowered  }
0x9b: {  	s22 =	simm.s32 $0x1BFF;
	s21 =	sshll.u32 s6, $0x1;
	s3 =	sadd.s32 s4, s19  }
0x9c: {  	s7 =	simm.s32 $0x0;
	s20 =	sshll.u32 s5, $0x1;
	s5 =	sadd.s32 s21, s3  }
0x9d: {  	[timem:s7], [sflag:s22] =	dma.local [hbm:s5], s20  }
0x9e: {  	_ =	swait.ge [sflag:s22], s20  }
0x9f: {  	s4 =	ssub.s32 $0x0, s20;
	[sflag:s22] =	ssyncset.done $0x0  }
0xa0: {  	[sflag:s22] =	ssyncadd.s32 s4;
	_ =	sdelay $0x1  }
0xa1: {  	s23 =	simm.s32 $0x1B8B  }
0xa2: {  	_ =	swait.ge [sflag:s23], $0x1  }
0xa3: {  	[sflag:s23] =	ssyncset.done $0x0  }
0xa4: {  	s25 =	simm.s32 $0x1B8E;
	s24 =	sld [smem:$0x3FFE];
	[sflag:s23] =	ssyncadd.s32 $0xFFFFFFFF  }
0xa5: {  	s26 =	simm.s32 $execute0_lowered;
	[smem:$0x3FD2] =	sst s25  }
0xa6: {  	s5 =	sshll.u32 s26, $0x1;
	_ =	strace $0x80000049;
	[dreg:$0x1] =	wrdreg $0xFFFFFFFF  }
0xa7: {  	s28 =	simm.s32 $_size_execute0_lowered;
	s3 =	sadd.s32 s3, s5;
	[dreg:$0x0] =	wrdreg $0x0  }
0xa8: {  	s5 =	sshll.u32 s28, $0x1;
	[dreg:$0x2] =	wrdreg s3  }
0xa9: {  	[dreg:$0x3] =	wrdreg s5  }
0xaa: {  	[dreg:$0x4] =	wrdreg $0xC0  }
0xab: {  	_ =	task [dreg:s7], $0x5FFFF  }
0xac: {  	[dreg:$0x1] =	wrdreg $0xFFFFFFFF  }
0xad: {  	[dreg:$0x0] =	wrdreg $0x60  }
0xae: {  	[dreg:$0x2] =	wrdreg s24  }
0xaf: {  	[dreg:$0x3] =	wrdreg s2  }
0xb0: {  	[dreg:$0x4] =	wrdreg $0xCD000  }
0xb1: {  	[dreg:$0x5] =	wrdreg $0x11D000  }
0xb2: {  	[dreg:$0x6] =	wrdreg $0x9  }
0xb3: {  	_ =	task.clear_ibuf [dreg:s7], $0x7FFFF;
	_ =	strace $0x90000049  }
0xb4: {  	s29 =	simm.s32 $0x9;
	_ =	strace $0x8000004B  }
0xb5: {  	_ =	swait.ge [sflag:s29], $0x1  }
0xb6: {  	[sflag:s29] =	ssyncadd.s32 $0xFFFFFFFF  }
0xb7: {  	_ =	strace $0x9000004B  }
0xb8: {  	_ =	sfence  }
0xb9: {  	s30 =	sld [smem:$0x0];
	_ =	sdelay $0x2  }
0xba: {  	s31 =	sshll.u32 s1, $0xD;
	s1 =	sshrl.u32 s1, $0x2  }
0xbb: {  	s3 =	sand.u32 $0x4000, s31;
	s1 =	sadd.s32 s1, s30  }
0xbc: {  	s0 =	sor.u32 s3, s0;
	s1 =	sshll.u32 s1, $0x11  }
0xbd: {  	s0 =	sor.u32 s1, s0  }
0xbe: {  	s0 =	sadd.s32 $0x8F2B, s0  }
0xbf: {  	[sflag:s0] =	ssyncadd.remote.s32 $0x1  }
0xc0: {  	_ =	sfence.sel $0xFFFF  }
0xc1: {  	[dreg:$0x0] =	wrdreg $0xFFFFFFFF;
	(pc) =	sbr.abs _section_cstart, $3  }
0xc2: {  	[dreg:$0x1] =	wrdreg $0xFFFFFFFF  }
0xc3: {  	_ =	task.clear_ibuf [dreg:s7], $0x2FFFF;
	_ =	strace $0x9FFFFFFF  }
0xc4: {  	(tm) =	ssettm $0x7FFFFFFF  }
0xc5: {  	_ =	shalt  }
tec
execute0_lowered:
.L_overlay_start_1:
0x0: {  	(tag) =	ssettag $0x1  }
0x1: {  	s0 =	rddreg [dreg:$0x0]  }
0x2: {  	s3 =	rddreg [dreg:$0x1]  }
0x3: {  	s1 =	rddreg [dreg:$0x2]  }
0x4: {  	s4 =	srdreg.scid;
	s2 =	rddreg [dreg:$0x3]  }
0x5: {  	s5 =	stileid.u32;
	s8 =	simm.s32 $0x0;
	s10 =	simm.s32 $0x11  }
0x6: {  	s15 =	simm.s32 $0x7D;
	s16 =	simm.s32 $0x5000;
	s18 =	simm.s32 $0x5FA0  }
0x7: {  	s28 =	simm.s32 $0x3;
	s29 =	simm.s32 $0xADC0;
	s30 =	simm.s32 $0x4  }
0x8: {  	s31 =	simm.s32 $0xBD60;
	s11 =	simm.s32 $0x7;
	s17 =	simm.s32 $0x8  }
0x9: {  	s13 =	simm.s32 $0x0;
	s4 =	sand.u32 $0x1, s4;
	s7 =	smul.u32 $0x5000, s5  }
0xa: {  	[smem:$0x7FF] =	sst s8;
	s25 =	sshll.u32 s5, $0x6;
	p0 =	sne.s32 s5, $0x0  }
0xb: {  	s6 =	sshll.u32 s4, $0x4;
	_ =	strace $0x8000004A;
	s9 =	ssub.s32 $0x2, s4  }
0xc: {  	s4 =	smul.u32 $0xA000, s4;
	s12 =	sor.u32 $0x1C11, s25;
	s25 =	simm.s32 $0x2  }
0xd: {  	s6 =	sor.u32 s5, s6;
	s19 =	sshrl.u32 s7, $0x3;
	s20 =	sshrl.u32 s9, $0x1  }
0xe: {  	s22 =	sadd.s32 s7, s1;
	s7 =	sadd.s32 s7, s2;
	s5 =	simm.s32 $0xC  }
0xf: {  	s6 =	smul.u32 $0x500, s6;
	s8 =	sadd.s32 s19, s0;
	s3 =	sadd.s32 s3, s4  }
0x10: {  	s26 =	sshrl.u32 s7, $0x3;
	s4 =	simm.s32 $0xB;
	[dreg:$0x9] =	wrdreg s3  }
0x11: {  	s23 =	sadd.s32 $0x27400, s8;
	s8 =	sadd.s32 $0x1D400, s8;
	[dreg:$0xc] =	wrdreg s26  }
0x12: {  	s26 =	simm.s32 $0x9E20;
	s0 =	sadd.s32 s6, s0;
	[dreg:$0x7] =	wrdreg s23  }
0x13: {  	s6 =	ssub.s32 s9, s20;
	[dreg:$0x8] =	wrdreg s8;
	s20 =	simm.s32 $0x6F40  }
.Ltmp0:
0x14: {  	s23 =	simm.s32 $0x1;
	s21 =	sadd.s32 $0x13400, s0;
	(pc) =	sbr.rel .LBB2_1-.Ltmp0, $4  }
0x15: {  	s8 =	simm.s32 $0xF;
	s0 =	sadd.s32 $0x4400, s0;
	[dreg:$0x5] =	wrdreg s21  }
0x16: {  	s9 =	simm.s32 $0x10;
	s24 =	smax.u32 s6, $0x1;
	[dreg:$0x6] =	wrdreg s0  }
0x17: {  	[dreg:$0xa] =	wrdreg s24;
	s0 =	sshrl.u32 s22, $0x3;
	s22 =	simm.s32 $0x7EE0  }
0x18: {  	s24 =	simm.s32 $0x8E80;
	[dreg:$0xb] =	wrdreg s0;
	s0 =	simm.s32 $0x5  }
.LBB2_4:
0x19: {  	_ =	swait.ge [sflag:s17], $0xFA0  }
0x1a: {  	[sflag:s17] =	ssyncset.done $0x0  }
0x1b: {  	s3 =	simm.s32 $0x9;
	[sflag:s17] =	ssyncadd.s32 $0xFFFFF060  }
0x1c: {  	[spmem:s1] =	stream.indirect.scatter.add.f32 [tilespmem:s31], [sflag:$0x10], $0x20, s19, s15, $0xb8;
	[tilespmem:$0x16D00] =	vst v63  }
0x1d: {  	_ =	swait.ge [sflag:s3], $0xFA0  }
0x1e: {  	[sflag:s3] =	ssyncset.done $0x0  }
0x1f: {  	s7 =	simm.s32 $0xA;
	[sflag:s3] =	ssyncadd.s32 $0xFFFFF060  }
0x20: {  	_ =	swait.ge [sflag:s7], $0xFA0  }
0x21: {  	[sflag:s7] =	ssyncset.done $0x0  }
0x22: {  	[sflag:s7] =	ssyncadd.s32 $0xFFFFF060  }
0x23: {  	_ =	swait.ge [sflag:s4], $0xFA0  }
0x24: {  	[sflag:s4] =	ssyncset.done $0x0  }
0x25: {  	[sflag:s4] =	ssyncadd.s32 $0xFFFFF060  }
0x26: {  	_ =	swait.ge [sflag:s5], $0xFA0  }
0x27: {  	[sflag:s5] =	ssyncset.done $0x0  }
0x28: {  	s14 =	simm.s32 $0xD;
	[sflag:s5] =	ssyncadd.s32 $0xFFFFF060  }
0x29: {  	_ =	swait.ge [sflag:s14], $0xFA0  }
0x2a: {  	[sflag:s14] =	ssyncset.done $0x0  }
0x2b: {  	s19 =	simm.s32 $0xE;
	[sflag:s14] =	ssyncadd.s32 $0xFFFFF060  }
0x2c: {  	_ =	swait.ge [sflag:s19], $0xFA0  }
0x2d: {  	[sflag:s19] =	ssyncset.done $0x0  }
0x2e: {  	[sflag:s19] =	ssyncadd.s32 $0xFFFFF060  }
0x2f: {  	_ =	swait.ge [sflag:s8], $0xFA0  }
0x30: {  	[sflag:s8] =	ssyncset.done $0x0  }
0x31: {  	[sflag:s8] =	ssyncadd.s32 $0xFFFFF060  }
0x32: {  	_ =	swait.ge [sflag:s9], $0xFA0  }
0x33: {  	[sflag:s9] =	ssyncset.done $0x0  }
0x34: {  	[sflag:s9] =	ssyncadd.s32 $0xFFFFF060  }
0x35: {  	[bflag:$0x0] =	sbarrier.arrive $0xFFFF  }
0x36: {  	s3 =	sshrl.u32 @!p0 s1, $0x3;
	s6 =	rddreg [dreg:$0x9]  }
0x37: {  	[hbm:s6], [sflag:s12] =	dma.local @!p0 [spmem:s3], $0xA000  }
0x38: {  	s3 =	simm.s32 @!p0 $0x11  }
0x39: {  	_ =	swait.ge @!p0 [sflag:s3], $0xA000  }
0x3a: {  	s13 =	sadd.s32 $0x1, s13;
	s21 =	rddreg [dreg:$0xa]  }
0x3b: {  	p1 =	sne.s32 s13, s21  }
.Ltmp1:
0x3c: {  	_ = 	snop;
	(pc) =	sbr.rel @!p1 .LBB2_5-.Ltmp1, $3  }
0x3d: {  	_ =	sdelay $0x1  }
0x3e: {  	[sflag:s3] =	ssyncset.done @!p0 $0x0  }
0x3f: {  	[sflag:s3] =	ssyncadd.s32 @!p0 $0xFFFF6000  }
.LBB2_1:
0x40: {  	s3 =	simm.s32 $0x0;
	s6 =	rddreg [dreg:$0x5]  }
0x41: {  	[tilespmem:s3], [sflag:$0x11] =	stream.linear.gather [hbm4b:s6+s3], $0x2800, $0x38;
	[tilespmem:$0x16D00] =	vst v63  }
0x42: {  	_ =	swait.ge [sflag:s10], $0x2800  }
0x43: {  	[sflag:s10] =	ssyncset.done $0x0  }
0x44: {  	s7 =	simm.s32 $0x2800;
	s21 =	rddreg [dreg:$0x6];
	[sflag:s10] =	ssyncadd.s32 $0xFFFFD800  }
0x45: {  	[tilespmem:s7], [sflag:$0x11] =	stream.linear.gather [hbm4b:s21+s3], $0x2800, $0x38;
	[tilespmem:$0x16D00] =	vst v63  }
0x46: {  	_ =	swait.ge [sflag:s10], $0x2800  }
0x47: {  	[sflag:s10] =	ssyncset.done $0x0;
	s7 =	rddreg [dreg:$0x7]  }
0x48: {  	s14 =	rddreg [dreg:$0xb];
	[sflag:s10] =	ssyncadd.s32 $0xFFFFD800  }
0x49: {  	[spmem:s14], [sflag:s12] =	dma.local [hbm:s7], $0xA00  }
0x4a: {  	_ =	swait.ge [sflag:s10], $0xA00  }
0x4b: {  	[sflag:s10] =	ssyncset.done $0x0;
	s19 =	rddreg [dreg:$0x8]  }
0x4c: {  	s21 =	rddreg [dreg:$0xc];
	[sflag:s10] =	ssyncadd.s32 $0xFFFFF600  }
0x4d: {  	[spmem:s21], [sflag:s12] =	dma.local [hbm:s19], $0xA00  }
0x4e: {  	_ =	swait.ge [sflag:s10], $0xA00  }
0x4f: {  	[sflag:s10] =	ssyncset.done $0x0  }
0x50: {  	[sflag:s10] =	ssyncadd.s32 $0xFFFFF600  }
0x51: {  	[bflag:$0x0] =	sbarrier.arrive $0xFFFF  }
0x52: {  	[tilespmem:s16], [sflag:$0x1] =	stream.indirect.gather [spmem:s2], $0x20, s3, s15, $0xb8;
	[tilespmem:$0x16D00] =	vst v63  }
0x53: {  	s14 =	simm.s32 $0x80  }
0x54: {  	[tilespmem:s18], [sflag:$0x2] =	stream.indirect.gather [spmem:s2], $0x20, s14, s15, $0xb8;
	[tilespmem:$0x16D00] =	vst v63  }
0x55: {  	s19 =	simm.s32 $0x100  }
0x56: {  	[tilespmem:s20], [sflag:$0x3] =	stream.indirect.gather [spmem:s2], $0x20, s19, s15, $0xb8;
	[tilespmem:$0x16D00] =	vst v63  }
0x57: {  	s21 =	simm.s32 $0x180;
	s14 =	simm.s32 $0x0  }
0x58: {  	[tilespmem:s22], [sflag:$0x4] =	stream.indirect.gather [spmem:s2], $0x20, s21, s15, $0xb8;
	[tilespmem:$0x16D00] =	vst v63  }
.LBB2_2:
0x59: {  	_ =	swait.ge [sflag:s23], $0xFA0  }
0x5a: {  	s3 =	sshra.s32 s14, $0x2;
	[sflag:s23] =	ssyncset.done $0x0  }
0x5b: {  	p1 =	seq.s32 s14, $0x0;
	s19 =	sadd.s32 $0x2800, s3;
	[sflag:s23] =	ssyncadd.s32 $0xFFFFF060  }
0x5c: {  	[spmem:s1] =	stream.indirect.scatter.add.f32 [tilespmem:s16], [sflag:$0x9], $0x20, s19, s15, $0xb8;
	[tilespmem:$0x16D00] =	vst v63  }
0x5d: {  	s19 =	simm.s32 @!p1 $0xD  }
0x5e: {  	_ =	swait.ge @!p1 [sflag:s19], $0xFA0  }
0x5f: {  	[sflag:s19] =	ssyncset.done @!p1 $0x0  }
0x60: {  	s6 =	sadd.s32 $0x200, s3;
	[sflag:s19] =	ssyncadd.s32 @!p1 $0xFFFFF060  }
0x61: {  	[tilespmem:s24], [sflag:$0x5] =	stream.indirect.gather [spmem:s2], $0x20, s6, s15, $0xb8;
	[tilespmem:$0x16D00] =	vst v63  }
0x62: {  	_ =	swait.ge [sflag:s25], $0xFA0  }
0x63: {  	[sflag:s25] =	ssyncset.done $0x0  }
0x64: {  	s7 =	sadd.s32 $0x2880, s3;
	s19 =	simm.s32 @!p1 $0xE;
	[sflag:s25] =	ssyncadd.s32 $0xFFFFF060  }
0x65: {  	[spmem:s1] =	stream.indirect.scatter.add.f32 [tilespmem:s18], [sflag:$0xA], $0x20, s7, s15, $0xb8;
	[tilespmem:$0x16D00] =	vst v63  }
0x66: {  	_ =	swait.ge @!p1 [sflag:s19], $0xFA0  }
0x67: {  	[sflag:s19] =	ssyncset.done @!p1 $0x0  }
0x68: {  	s21 =	sadd.s32 $0x280, s3;
	[sflag:s19] =	ssyncadd.s32 @!p1 $0xFFFFF060  }
0x69: {  	[tilespmem:s26], [sflag:$0x6] =	stream.indirect.gather [spmem:s2], $0x20, s21, s15, $0xb8;
	[tilespmem:$0x16D00] =	vst v63  }
0x6a: {  	_ =	swait.ge [sflag:s28], $0xFA0  }
0x6b: {  	[sflag:s28] =	ssyncset.done $0x0  }
0x6c: {  	s6 =	sadd.s32 $0x2900, s3;
	s19 =	simm.s32 @!p1 $0xF;
	[sflag:s28] =	ssyncadd.s32 $0xFFFFF060  }
0x6d: {  	[spmem:s1] =	stream.indirect.scatter.add.f32 [tilespmem:s20], [sflag:$0xB], $0x20, s6, s15, $0xb8;
	[tilespmem:$0x16D00] =	vst v63  }
0x6e: {  	_ =	swait.ge @!p1 [sflag:s19], $0xFA0  }
0x6f: {  	[sflag:s19] =	ssyncset.done @!p1 $0x0  }
0x70: {  	s7 =	sadd.s32 $0x300, s3;
	[sflag:s19] =	ssyncadd.s32 @!p1 $0xFFFFF060  }
0x71: {  	[tilespmem:s29], [sflag:$0x7] =	stream.indirect.gather [spmem:s2], $0x20, s7, s15, $0xb8;
	[tilespmem:$0x16D00] =	vst v63  }
0x72: {  	_ =	swait.ge [sflag:s30], $0xFA0  }
0x73: {  	[sflag:s30] =	ssyncset.done $0x0  }
0x74: {  	s21 =	sadd.s32 $0x2980, s3;
	s19 =	simm.s32 @!p1 $0x10;
	[sflag:s30] =	ssyncadd.s32 $0xFFFFF060  }
0x75: {  	[spmem:s1] =	stream.indirect.scatter.add.f32 [tilespmem:s22], [sflag:$0xC], $0x20, s21, s15, $0xb8;
	[tilespmem:$0x16D00] =	vst v63  }
0x76: {  	_ =	swait.ge @!p1 [sflag:s19], $0xFA0  }
0x77: {  	[sflag:s19] =	ssyncset.done @!p1 $0x0  }
0x78: {  	s6 =	sadd.s32 $0x380, s3;
	[sflag:s19] =	ssyncadd.s32 @!p1 $0xFFFFF060  }
0x79: {  	[tilespmem:s31], [sflag:$0x8] =	stream.indirect.gather [spmem:s2], $0x20, s6, s15, $0xb8;
	[tilespmem:$0x16D00] =	vst v63  }
0x7a: {  	_ =	swait.ge [sflag:s0], $0xFA0  }
0x7b: {  	p1 =	seq.s32 s14, $0x9000;
	[sflag:s0] =	ssyncset.done $0x0  }
0x7c: {  	s7 =	sadd.s32 $0x2A00, s3;
	s19 =	simm.s32 @p1 $0x6;
	[sflag:s0] =	ssyncadd.s32 $0xFFFFF060  }
0x7d: {  	[spmem:s1] =	stream.indirect.scatter.add.f32 [tilespmem:s24], [sflag:$0xD], $0x20, s7, s15, $0xb8;
	[tilespmem:$0x16D00] =	vst v63  }
0x7e: {  	_ =	swait.ge @p1 [sflag:s19], $0xFA0  }
0x7f: {  	[sflag:s19] =	ssyncset.done @p1 $0x0  }
0x80: {  	[sflag:s19] =	ssyncadd.s32 @p1 $0xFFFFF060;
	s19 =	sshra.s32 @p1 s14, $0x2  }
0x81: {  	s21 =	simm.s32 @p1 $0x7D;
	s6 =	simm.s32 @p1 $0x9E20;
	s19 =	sadd.s32 @p1 $0x2A80, s19  }
0x82: {  	[spmem:s1] =	stream.indirect.scatter.add.f32 @p1 [tilespmem:s6], [sflag:$0xE], $0x20, s19, s21, $0xb8;
	[tilespmem:$0x16D00] =	vst v63  }
0x83: {  	s6 =	simm.s32 @!p1 $0x9  }
0x84: {  	_ =	swait.ge @!p1 [sflag:s6], $0xFA0  }
0x85: {  	[sflag:s6] =	ssyncset.done @!p1 $0x0  }
0x86: {  	[sflag:s6] =	ssyncadd.s32 @!p1 $0xFFFFF060;
	s6 =	sshra.s32 @!p1 s14, $0x2  }
0x87: {  	s7 =	simm.s32 @!p1 $0x5000;
	s21 =	simm.s32 @!p1 $0x7D;
	s19 =	sadd.s32 @!p1 $0x400, s6  }
0x88: {  	[tilespmem:s7], [sflag:$0x1] =	stream.indirect.gather @!p1 [spmem:s2], $0x20, s19, s21, $0xb8;
	[tilespmem:$0x16D00] =	vst v63  }
0x89: {  	s7 =	simm.s32 @!p1 $0x6  }
0x8a: {  	_ =	swait.ge @!p1 [sflag:s7], $0xFA0  }
0x8b: {  	[sflag:s7] =	ssyncset.done @!p1 $0x0  }
0x8c: {  	s19 =	simm.s32 @!p1 $0x9E20;
	[sflag:s7] =	ssyncadd.s32 @!p1 $0xFFFFF060;
	s7 =	sadd.s32 @!p1 $0x2A80, s6  }
0x8d: {  	[spmem:s1] =	stream.indirect.scatter.add.f32 @!p1 [tilespmem:s19], [sflag:$0xE], $0x20, s7, s21, $0xb8;
	[tilespmem:$0x16D00] =	vst v63  }
0x8e: {  	s7 =	simm.s32 @!p1 $0xA  }
0x8f: {  	_ =	swait.ge @!p1 [sflag:s7], $0xFA0  }
0x90: {  	[sflag:s7] =	ssyncset.done @!p1 $0x0  }
0x91: {  	s6 =	sadd.s32 @!p1 $0x480, s6;
	[sflag:s7] =	ssyncadd.s32 @!p1 $0xFFFFF060;
	s7 =	simm.s32 @!p1 $0x5FA0  }
0x92: {  	[tilespmem:s7], [sflag:$0x2] =	stream.indirect.gather @!p1 [spmem:s2], $0x20, s6, s21, $0xb8;
	[tilespmem:$0x16D00] =	vst v63  }
.Ltmp2:
0x93: {  	_ = 	snop;
	(pc) =	sbr.rel @p1 .LBB2_4-.Ltmp2, $4  }
0x94: {  	_ =	swait.ge [sflag:s11], $0xFA0  }
0x95: {  	[sflag:s11] =	ssyncset.done $0x0  }
0x96: {  	s19 =	sadd.s32 $0x2B80, s3;
	s21 =	sadd.s32 $0x2B00, s3;
	[sflag:s11] =	ssyncadd.s32 $0xFFFFF060  }
0x97: {  	[spmem:s1] =	stream.indirect.scatter.add.f32 [tilespmem:s29], [sflag:$0xF], $0x20, s21, s15, $0xb8;
	[tilespmem:$0x16D00] =	vst v63  }
0x98: {  	_ =	swait.ge [sflag:s4], $0xFA0  }
0x99: {  	[sflag:s4] =	ssyncset.done $0x0  }
0x9a: {  	s6 =	sadd.s32 $0x500, s3;
	[sflag:s4] =	ssyncadd.s32 $0xFFFFF060  }
0x9b: {  	[tilespmem:s20], [sflag:$0x3] =	stream.indirect.gather [spmem:s2], $0x20, s6, s15, $0xb8;
	[tilespmem:$0x16D00] =	vst v63  }
0x9c: {  	_ =	swait.ge [sflag:s17], $0xFA0  }
0x9d: {  	[sflag:s17] =	ssyncset.done $0x0  }
0x9e: {  	[sflag:s17] =	ssyncadd.s32 $0xFFFFF060  }
0x9f: {  	[spmem:s1] =	stream.indirect.scatter.add.f32 [tilespmem:s31], [sflag:$0x10], $0x20, s19, s15, $0xb8;
	[tilespmem:$0x16D00] =	vst v63  }
.Ltmp3:
0xa0: {  	_ = 	snop;
	(pc) =	sbr.rel .LBB2_2-.Ltmp3, $4  }
0xa1: {  	_ =	swait.ge [sflag:s5], $0xFA0  }
0xa2: {  	[sflag:s5] =	ssyncset.done $0x0  }
0xa3: {  	s21 =	sadd.s32 $0x580, s3;
	s14 =	sadd.s32 $0x1000, s14;
	[sflag:s5] =	ssyncadd.s32 $0xFFFFF060  }
0xa4: {  	[tilespmem:s22], [sflag:$0x4] =	stream.indirect.gather [spmem:s2], $0x20, s21, s15, $0xb8;
	[tilespmem:$0x16D00] =	vst v63  }
.LBB2_5:
0xa5: {  	_ =	sfence.sel $0x180000  }
0xa6: {  	[bflag:$0x0] =	sbarrier.arrive $0xFFFF  }
0xa7: {  	_ =	strace $0x9000004A  }
0xa8: {  	[bflag:$0x2] =	sbarrier.arrive $0xFFFF  }
0xa9: {  	s0 =	rddreg [dreg:$0x4]  }
0xaa: {  	s0 =	sadd.s32 @!p0 $0x100000, s0  }
0xab: {  	[sflag:s0] =	ssyncadd.tile.s32 @!p0 $0x1;
	_ =	shalt  }
.Lfunc_end2:
_tile_overlayer_lowered:
.L_overlay_start_2:
0xac: {  	(tag) =	ssettag $0x2  }
0xad: {  	s0 =	rddreg [dreg:$0x0];
	s2 =	stileid.u32  }
0xae: {  	s1 =	rddreg [dreg:$0x1];
	p0 =	sne.s32 s2, $0x0  }
0xaf: {  	s3 =	rddreg [dreg:$0x2];
	[bflag:$0x3] =	sbarrier.arrive $0xFFFF;
	s2 =	simm.s32 @!p0 $0x1C11  }
0xb0: {  	[timem:s3], [sflag:s2] =	dma.local @!p0 [hbm:s0], s1  }
0xb1: {  	s0 =	simm.s32 @!p0 $0x11  }
0xb2: {  	_ =	swait.ge @!p0 [sflag:s0], s1  }
0xb3: {  	s1 =	ssub.s32 @!p0 $0x0, s1;
	[sflag:s0] =	ssyncset.done @!p0 $0x0  }
0xb4: {  	[sflag:s0] =	ssyncadd.s32 @!p0 s1  }
0xb5: {  	[bflag:$0x3] =	sbarrier.arrive $0xFFFF  }
0xb6: {  	_ =	shalt  }

// kernel: kernel.17.cloned.1.call-start
scs
__scs_entry_jumppad:
0x0: {  	(pc) =	sbr.rel $0x88, $3  }
0x1: {  	(tag) =	ssettag $0x0;
	lr =	simm.s32 $0x1  }
0x2: {  	[smem:$0x3F93] =	sst lr;
	_ =	strace $0xD0000000  }
0x3: {  	_ = 	snop  }
0x4: {  	_ = 	snop  }
0x5: {  	_ = 	snop  }
0x6: {  	_ = 	snop  }
0x7: {  	_ = 	snop  }
__scs_overlays_trampoline_lowered:
0x8: {  	[smem:$0x3FA2] =	sst s0  }
0x9: {  	[smem:$0x3FA3] =	sst s1  }
0xa: {  	[smem:$0x3FA4] =	sst s2  }
0xb: {  	[smem:$0x3FA5] =	sst s3  }
0xc: {  	[smem:$0x3FA6] =	sst s4  }
0xd: {  	[smem:$0x3FA7] =	sst s5  }
0xe: {  	[smem:$0x3FA8] =	sst s6  }
0xf: {  	[smem:$0x3FA9] =	sst s7  }
0x10: {  	[smem:$0x3FAA] =	sst s8  }
0x11: {  	[smem:$0x3FAB] =	sst s9;
	s0 =	simm.s32 @!p0 $0x0  }
0x12: {  	s1 =	sld [smem:$0x3F91];
	s0 =	simm.s32 @p0 $0x1  }
0x13: {  	[smem:$0x3FAC] =	sst s0;
	s0 =	simm.s32 @!p1 $0x0  }
0x14: {  	s2 =	sld [smem:$0x3F90];
	s0 =	simm.s32 @p1 $0x1  }
0x15: {  	[smem:$0x3FAD] =	sst s0;
	s0 =	simm.s32 @!p2 $0x0  }
0x16: {  	s3 =	sld [smem:$0x3FDB];
	s0 =	simm.s32 @p2 $0x1  }
0x17: {  	s4 =	simm.s32 $0x1BF5;
	[smem:$0x3FAF] =	sst s0  }
0x18: {  	s0 =	sld [smem:$0x3F92];
	_ =	swait.ge [sflag:s4], $0x0  }
0x19: {  	s7 =	sld [smem:$0x3F93]  }
0x1a: {  	s8 =	sadd.s32 $0xFFFFE003, lr  }
0x1b: {  	s9 =	sadd.s32 $0xFFFFFEF7, lr;
	s5 =	simm.s32 $0xFFFFFFFF;
	p2 =	slt.u32 s8, $0xFFFFF086  }
0x1c: {  	p1 =	slt.u32 s9, $0xF7A;
	s5 =	simm.s32 @!p2 $0x0  }
0x1d: {  	s5 =	simm.s32 @p1 $0x1;
	p0 =	seq.s32 s7, s2  }
0x1e: {  	s7 =	smul.u32 @!p0 $0xF7A, s2;
	p2 =	seq.s32 @!p0 s5, $0x0  }
0x1f: {  	s9 =	smul.u32 $0xF7A, s1;
	s8 =	simm.s32 @!p0 $0x1BF5;
	p2 =	por !p2, p0  }
0x20: {  	[sflag:s8] =	ssyncset.s32 @!p0 $0xFFFFF086;
	s6 =	sadd.s32 @!p0 s3, s7;
	s7 =	simm.s32 @!p0 $0x108  }
0x21: {  	s3 =	sadd.s32 s3, s9;
	s6 =	sadd.s32 @!p0 $0x88, s6;
	s7 =	simm.s32 @p2 $0x1082  }
0x22: {  	[simem:s7], [sflag:s8] =	dma.local @!p0 [hbm:s6], $0xF7A  }
0x23: {  	s9 =	sor.u32 $0xD0000000, s2;
	s6 =	simm.s32 $0x108;
	_ =	swait.ge @!p0 [sflag:s8], $0x0  }
0x24: {  	s3 =	sadd.s32 $0x88, s3;
	s6 =	simm.s32 @!p1 $0x1082;
	[sflag:s4] =	ssyncset.s32 $0xFFFFF086  }
0x25: {  	[simem:s6], [sflag:s4] =	dma.local [hbm:s3], $0xF7A  }
0x26: {  	[smem:$0x3F93] =	sst s1;
	(tag) =	ssettag s2;
	_ =	strace s9  }
0x27: {  	s1 =	sld [smem:$0x3FA3]  }
0x28: {  	s2 =	sld [smem:$0x3FA4]  }
0x29: {  	s4 =	sld [smem:$0x3FA6]  }
0x2a: {  	p0 =	seq.s32 s5, $0x0;
	s5 =	sld [smem:$0x3FA7]  }
0x2b: {  	s6 =	sld [smem:$0x3FA8]  }
0x2c: {  	s7 =	sld [smem:$0x3FA9]  }
0x2d: {  	s3 =	simm.s32 $0x108;
	s8 =	sld [smem:$0x3FAA]  }
0x2e: {  	s3 =	simm.s32 @!p0 $0x1082;
	s9 =	sld [smem:$0x3FAB]  }
0x2f: {  	lr =	sadd.s32 s0, s3;
	s0 =	sld [smem:$0x3FA2]  }
0x30: {  	s3 =	sld [smem:$0x3FA5]  }
0x31: {  	[smem:$0x3FAE] =	sst s10  }
0x32: {  	s10 =	sld [smem:$0x3FAC];
	_ =	sdelay $0x3  }
0x33: {  	p0 =	seq.s32 s10, $0x1;
	s10 =	sld [smem:$0x3FAE];
	_ =	sdelay $0x3  }
0x34: {  	[smem:$0x3FAE] =	sst s10  }
0x35: {  	s10 =	sld [smem:$0x3FAD];
	_ =	sdelay $0x3  }
0x36: {  	p1 =	seq.s32 s10, $0x1;
	s10 =	sld [smem:$0x3FAE];
	_ =	sdelay $0x3  }
0x37: {  	[smem:$0x3FAE] =	sst s10  }
0x38: {  	s10 =	sld [smem:$0x3FAF]  }
0x39: {  	_ = 	snop;
	(pc) =	sbr.ind lr, $3  }
0x3a: {  	_ = 	snop  }
0x3b: {  	_ = 	snop  }
0x3c: {  	p2 =	seq.s32 s10, $0x1;
	s10 =	sld [smem:$0x3FAE]  }
0x3d: {  	_ =	shalt  }
0x3e: {  	_ =	shalt  }
0x3f: {  	_ =	shalt  }
0x40: {  	_ =	shalt  }
0x41: {  	_ =	shalt  }
0x42: {  	_ =	shalt  }
0x43: {  	_ =	shalt  }
0x44: {  	_ =	shalt  }
0x45: {  	_ =	shalt  }
0x46: {  	_ =	shalt  }
0x47: {  	_ =	shalt  }
0x48: {  	_ =	shalt  }
0x49: {  	_ =	shalt  }
0x4a: {  	_ =	shalt  }
0x4b: {  	_ =	shalt  }
0x4c: {  	_ =	shalt  }
0x4d: {  	_ =	shalt  }
0x4e: {  	_ =	shalt  }
0x4f: {  	_ =	shalt  }
0x50: {  	_ =	shalt  }
0x51: {  	_ =	shalt  }
0x52: {  	_ =	shalt  }
0x53: {  	_ =	shalt  }
0x54: {  	_ =	shalt  }
0x55: {  	_ =	shalt  }
0x56: {  	_ =	shalt  }
0x57: {  	_ =	shalt  }
0x58: {  	_ =	shalt  }
0x59: {  	_ =	shalt  }
0x5a: {  	_ =	shalt  }
0x5b: {  	_ =	shalt  }
0x5c: {  	_ =	shalt  }
0x5d: {  	_ =	shalt  }
0x5e: {  	_ =	shalt  }
0x5f: {  	_ =	shalt  }
0x60: {  	_ =	shalt  }
0x61: {  	_ =	shalt  }
0x62: {  	_ =	shalt  }
0x63: {  	_ =	shalt  }
0x64: {  	_ =	shalt  }
0x65: {  	_ =	shalt  }
0x66: {  	_ =	shalt  }
0x67: {  	_ =	shalt  }
0x68: {  	_ =	shalt  }
0x69: {  	_ =	shalt  }
0x6a: {  	_ =	shalt  }
0x6b: {  	_ =	shalt  }
0x6c: {  	_ =	shalt  }
0x6d: {  	_ =	shalt  }
0x6e: {  	_ =	shalt  }
0x6f: {  	_ =	shalt  }
0x70: {  	_ =	shalt  }
0x71: {  	_ =	shalt  }
0x72: {  	_ =	shalt  }
0x73: {  	_ =	shalt  }
0x74: {  	_ =	shalt  }
0x75: {  	_ =	shalt  }
0x76: {  	_ =	shalt  }
0x77: {  	_ =	shalt  }
0x78: {  	_ =	shalt  }
0x79: {  	_ =	shalt  }
0x7a: {  	_ =	shalt  }
0x7b: {  	_ =	shalt  }
0x7c: {  	_ =	shalt  }
0x7d: {  	_ =	shalt  }
0x7e: {  	_ =	shalt  }
0x7f: {  	_ =	shalt  }
0x80: {  	_ =	shalt  }
0x81: {  	_ =	shalt  }
0x82: {  	_ =	shalt  }
0x83: {  	_ =	shalt  }
0x84: {  	_ =	shalt  }
0x85: {  	_ =	shalt  }
0x86: {  	_ =	shalt  }
0x87: {  	_ =	shalt  }
.Lfunc_end0:
.L_simem_size_0:
called_computation.2_lowered:
.L_overlay_start_0:
0x88: {  	s2 =	sld [smem:$0x3FD9]  }
0x89: {  	s3 =	sld [smem:$0x3FFE];
	_ =	sdelay $0x1  }
0x8a: {  	s1 =	srdreg.scid  }
0x8b: {  	s0 =	sand.u32 $0x1, s1  }
0x8c: {  	s17 =	sshll.u32 s0, $0xA;
	s2 =	sadd.s32 s3, s2  }
0x8d: {  	s2 =	sadd.s32 s2, s17  }
0x8e: {  	[smem:$0x3FBA] =	sst s2  }
0x8f: {  	_ = 	snop  }
0x90: {  	s2 =	sld [smem:$0x3FD0];
	(tm) =	ssettm $0x1  }
0x91: {  	s18 =	sld [smem:$0x3FFB];
	_ =	sdelay $0x3  }
0x92: {  	_ =	strace s18  }
0x93: {  	s3 =	sld [smem:$0x3FFC];
	_ =	sdelay $0x3  }
0x94: {  	_ =	strace s3  }
0x95: {  	s3 =	sld [smem:$0x3FFD];
	_ =	sdelay $0x3  }
0x96: {  	_ =	strace s3  }
0x97: {  	_ =	strace $0x8FFFFFFF  }
0x98: {  	s19 =	sld [smem:$0x3FDB];
	_ =	sdelay $0x1  }
0x99: {  	s4 =	simm.s32 $_scs_section_size  }
0x9a: {  	s5 =	simm.s32 $_size__tile_overlayer_lowered;
	s6 =	simm.s32 $_tile_overlayer_lowered  }
0x9b: {  	s22 =	simm.s32 $0x1BFF;
	s21 =	sshll.u32 s6, $0x1;
	s3 =	sadd.s32 s4, s19  }
0x9c: {  	s7 =	simm.s32 $0x0;
	s20 =	sshll.u32 s5, $0x1;
	s5 =	sadd.s32 s21, s3  }
0x9d: {  	[timem:s7], [sflag:s22] =	dma.local [hbm:s5], s20  }
0x9e: {  	_ =	swait.ge [sflag:s22], s20  }
0x9f: {  	s4 =	ssub.s32 $0x0, s20;
	[sflag:s22] =	ssyncset.done $0x0  }
0xa0: {  	[sflag:s22] =	ssyncadd.s32 s4;
	_ =	sdelay $0x1  }
0xa1: {  	s23 =	simm.s32 $0x1B8B  }
0xa2: {  	_ =	swait.ge [sflag:s23], $0x1  }
0xa3: {  	[sflag:s23] =	ssyncset.done $0x0  }
0xa4: {  	s25 =	simm.s32 $0x1B8E;
	s24 =	sld [smem:$0x3FFE];
	[sflag:s23] =	ssyncadd.s32 $0xFFFFFFFF  }
0xa5: {  	s26 =	simm.s32 $execute0_lowered;
	[smem:$0x3FD2] =	sst s25  }
0xa6: {  	s5 =	sshll.u32 s26, $0x1;
	_ =	strace $0x8000004C;
	[dreg:$0x1] =	wrdreg $0xFFFFFFFF  }
0xa7: {  	s28 =	simm.s32 $_size_execute0_lowered;
	s3 =	sadd.s32 s3, s5;
	[dreg:$0x0] =	wrdreg $0x0  }
0xa8: {  	s5 =	sshll.u32 s28, $0x1;
	[dreg:$0x2] =	wrdreg s3  }
0xa9: {  	[dreg:$0x3] =	wrdreg s5  }
0xaa: {  	[dreg:$0x4] =	wrdreg $0xC0  }
0xab: {  	_ =	task [dreg:s7], $0x5FFFF  }
0xac: {  	[dreg:$0x1] =	wrdreg $0xFFFFFFFF  }
0xad: {  	[dreg:$0x0] =	wrdreg $0x60  }
0xae: {  	[dreg:$0x2] =	wrdreg s24  }
0xaf: {  	[dreg:$0x3] =	wrdreg s2  }
0xb0: {  	[dreg:$0x4] =	wrdreg $0xCD000  }
0xb1: {  	[dreg:$0x5] =	wrdreg $0x11D000  }
0xb2: {  	[dreg:$0x6] =	wrdreg $0x9  }
0xb3: {  	_ =	task.clear_ibuf [dreg:s7], $0x7FFFF;
	_ =	strace $0x9000004C  }
0xb4: {  	s29 =	simm.s32 $0x9;
	_ =	strace $0x8000004E  }
0xb5: {  	_ =	swait.ge [sflag:s29], $0x1  }
0xb6: {  	[sflag:s29] =	ssyncadd.s32 $0xFFFFFFFF  }
0xb7: {  	_ =	strace $0x9000004E  }
0xb8: {  	_ =	sfence  }
0xb9: {  	s30 =	sld [smem:$0x0];
	_ =	sdelay $0x2  }
0xba: {  	s31 =	sshll.u32 s1, $0xD;
	s1 =	sshrl.u32 s1, $0x2  }
0xbb: {  	s3 =	sand.u32 $0x4000, s31;
	s1 =	sadd.s32 s1, s30  }
0xbc: {  	s0 =	sor.u32 s3, s0;
	s1 =	sshll.u32 s1, $0x11  }
0xbd: {  	s0 =	sor.u32 s1, s0  }
0xbe: {  	s0 =	sadd.s32 $0x8F2B, s0  }
0xbf: {  	[sflag:s0] =	ssyncadd.remote.s32 $0x1  }
0xc0: {  	_ =	sfence.sel $0xFFFF  }
0xc1: {  	[dreg:$0x0] =	wrdreg $0xFFFFFFFF;
	(pc) =	sbr.abs _section_cstart, $3  }
0xc2: {  	[dreg:$0x1] =	wrdreg $0xFFFFFFFF  }
0xc3: {  	_ =	task.clear_ibuf [dreg:s7], $0x2FFFF;
	_ =	strace $0x9FFFFFFF  }
0xc4: {  	(tm) =	ssettm $0x7FFFFFFF  }
0xc5: {  	_ =	shalt  }
tec
execute0_lowered:
.L_overlay_start_1:
0x0: {  	(tag) =	ssettag $0x1  }
0x1: {  	s0 =	rddreg [dreg:$0x0]  }
0x2: {  	s3 =	rddreg [dreg:$0x1]  }
0x3: {  	s1 =	rddreg [dreg:$0x2]  }
0x4: {  	s4 =	srdreg.scid;
	s2 =	rddreg [dreg:$0x3]  }
0x5: {  	s5 =	stileid.u32;
	s8 =	simm.s32 $0x0;
	s10 =	simm.s32 $0x11  }
0x6: {  	s15 =	simm.s32 $0x7D;
	s16 =	simm.s32 $0x5000;
	s18 =	simm.s32 $0x5FA0  }
0x7: {  	s28 =	simm.s32 $0x3;
	s29 =	simm.s32 $0xADC0;
	s30 =	simm.s32 $0x4  }
0x8: {  	s31 =	simm.s32 $0xBD60;
	s11 =	simm.s32 $0x7;
	s17 =	simm.s32 $0x8  }
0x9: {  	s13 =	simm.s32 $0x0;
	s4 =	sand.u32 $0x1, s4;
	s7 =	smul.u32 $0x5000, s5  }
0xa: {  	[smem:$0x7FF] =	sst s8;
	s25 =	sshll.u32 s5, $0x6;
	p0 =	sne.s32 s5, $0x0  }
0xb: {  	s6 =	sshll.u32 s4, $0x4;
	_ =	strace $0x8000004D;
	s9 =	ssub.s32 $0x2, s4  }
0xc: {  	s4 =	smul.u32 $0xA000, s4;
	s12 =	sor.u32 $0x1C11, s25;
	s25 =	simm.s32 $0x2  }
0xd: {  	s6 =	sor.u32 s5, s6;
	s19 =	sshrl.u32 s7, $0x3;
	s20 =	sshrl.u32 s9, $0x1  }
0xe: {  	s22 =	sadd.s32 s7, s1;
	s7 =	sadd.s32 s7, s2;
	s5 =	simm.s32 $0xC  }
0xf: {  	s6 =	smul.u32 $0x500, s6;
	s8 =	sadd.s32 s19, s0;
	s3 =	sadd.s32 s3, s4  }
0x10: {  	s26 =	sshrl.u32 s7, $0x3;
	s4 =	simm.s32 $0xB;
	[dreg:$0x9] =	wrdreg s3  }
0x11: {  	s23 =	sadd.s32 $0x27400, s8;
	s8 =	sadd.s32 $0x1D400, s8;
	[dreg:$0xc] =	wrdreg s26  }
0x12: {  	s26 =	simm.s32 $0x9E20;
	s0 =	sadd.s32 s6, s0;
	[dreg:$0x7] =	wrdreg s23  }
0x13: {  	s6 =	ssub.s32 s9, s20;
	[dreg:$0x8] =	wrdreg s8;
	s20 =	simm.s32 $0x6F40  }
.Ltmp0:
0x14: {  	s23 =	simm.s32 $0x1;
	s21 =	sadd.s32 $0x13400, s0;
	(pc) =	sbr.rel .LBB2_1-.Ltmp0, $4  }
0x15: {  	s8 =	simm.s32 $0xF;
	s0 =	sadd.s32 $0x4400, s0;
	[dreg:$0x5] =	wrdreg s21  }
0x16: {  	s9 =	simm.s32 $0x10;
	s24 =	smax.u32 s6, $0x1;
	[dreg:$0x6] =	wrdreg s0  }
0x17: {  	[dreg:$0xa] =	wrdreg s24;
	s0 =	sshrl.u32 s22, $0x3;
	s22 =	simm.s32 $0x7EE0  }
0x18: {  	s24 =	simm.s32 $0x8E80;
	[dreg:$0xb] =	wrdreg s0;
	s0 =	simm.s32 $0x5  }
.LBB2_4:
0x19: {  	_ =	swait.ge [sflag:s17], $0xFA0  }
0x1a: {  	[sflag:s17] =	ssyncset.done $0x0  }
0x1b: {  	s3 =	simm.s32 $0x9;
	[sflag:s17] =	ssyncadd.s32 $0xFFFFF060  }
0x1c: {  	[spmem:s1] =	stream.indirect.scatter.add.f32 [tilespmem:s31], [sflag:$0x10], $0x20, s19, s15, $0xb8;
	[tilespmem:$0x16D00] =	vst v63  }
0x1d: {  	_ =	swait.ge [sflag:s3], $0xFA0  }
0x1e: {  	[sflag:s3] =	ssyncset.done $0x0  }
0x1f: {  	s7 =	simm.s32 $0xA;
	[sflag:s3] =	ssyncadd.s32 $0xFFFFF060  }
0x20: {  	_ =	swait.ge [sflag:s7], $0xFA0  }
0x21: {  	[sflag:s7] =	ssyncset.done $0x0  }
0x22: {  	[sflag:s7] =	ssyncadd.s32 $0xFFFFF060  }
0x23: {  	_ =	swait.ge [sflag:s4], $0xFA0  }
0x24: {  	[sflag:s4] =	ssyncset.done $0x0  }
0x25: {  	[sflag:s4] =	ssyncadd.s32 $0xFFFFF060  }
0x26: {  	_ =	swait.ge [sflag:s5], $0xFA0  }
0x27: {  	[sflag:s5] =	ssyncset.done $0x0  }
0x28: {  	s14 =	simm.s32 $0xD;
	[sflag:s5] =	ssyncadd.s32 $0xFFFFF060  }
0x29: {  	_ =	swait.ge [sflag:s14], $0xFA0  }
0x2a: {  	[sflag:s14] =	ssyncset.done $0x0  }
0x2b: {  	s19 =	simm.s32 $0xE;
	[sflag:s14] =	ssyncadd.s32 $0xFFFFF060  }
0x2c: {  	_ =	swait.ge [sflag:s19], $0xFA0  }
0x2d: {  	[sflag:s19] =	ssyncset.done $0x0  }
0x2e: {  	[sflag:s19] =	ssyncadd.s32 $0xFFFFF060  }
0x2f: {  	_ =	swait.ge [sflag:s8], $0xFA0  }
0x30: {  	[sflag:s8] =	ssyncset.done $0x0  }
0x31: {  	[sflag:s8] =	ssyncadd.s32 $0xFFFFF060  }
0x32: {  	_ =	swait.ge [sflag:s9], $0xFA0  }
0x33: {  	[sflag:s9] =	ssyncset.done $0x0  }
0x34: {  	[sflag:s9] =	ssyncadd.s32 $0xFFFFF060  }
0x35: {  	[bflag:$0x0] =	sbarrier.arrive $0xFFFF  }
0x36: {  	s3 =	sshrl.u32 @!p0 s1, $0x3;
	s6 =	rddreg [dreg:$0x9]  }
0x37: {  	[hbm:s6], [sflag:s12] =	dma.local @!p0 [spmem:s3], $0xA000  }
0x38: {  	s3 =	simm.s32 @!p0 $0x11  }
0x39: {  	_ =	swait.ge @!p0 [sflag:s3], $0xA000  }
0x3a: {  	s13 =	sadd.s32 $0x1, s13;
	s21 =	rddreg [dreg:$0xa]  }
0x3b: {  	p1 =	sne.s32 s13, s21  }
.Ltmp1:
0x3c: {  	_ = 	snop;
	(pc) =	sbr.rel @!p1 .LBB2_5-.Ltmp1, $3  }
0x3d: {  	_ =	sdelay $0x1  }
0x3e: {  	[sflag:s3] =	ssyncset.done @!p0 $0x0  }
0x3f: {  	[sflag:s3] =	ssyncadd.s32 @!p0 $0xFFFF6000  }
.LBB2_1:
0x40: {  	s3 =	simm.s32 $0x0;
	s6 =	rddreg [dreg:$0x5]  }
0x41: {  	[tilespmem:s3], [sflag:$0x11] =	stream.linear.gather [hbm4b:s6+s3], $0x2800, $0x38;
	[tilespmem:$0x16D00] =	vst v63  }
0x42: {  	_ =	swait.ge [sflag:s10], $0x2800  }
0x43: {  	[sflag:s10] =	ssyncset.done $0x0  }
0x44: {  	s7 =	simm.s32 $0x2800;
	s21 =	rddreg [dreg:$0x6];
	[sflag:s10] =	ssyncadd.s32 $0xFFFFD800  }
0x45: {  	[tilespmem:s7], [sflag:$0x11] =	stream.linear.gather [hbm4b:s21+s3], $0x2800, $0x38;
	[tilespmem:$0x16D00] =	vst v63  }
0x46: {  	_ =	swait.ge [sflag:s10], $0x2800  }
0x47: {  	[sflag:s10] =	ssyncset.done $0x0;
	s7 =	rddreg [dreg:$0x7]  }
0x48: {  	s14 =	rddreg [dreg:$0xb];
	[sflag:s10] =	ssyncadd.s32 $0xFFFFD800  }
0x49: {  	[spmem:s14], [sflag:s12] =	dma.local [hbm:s7], $0xA00  }
0x4a: {  	_ =	swait.ge [sflag:s10], $0xA00  }
0x4b: {  	[sflag:s10] =	ssyncset.done $0x0;
	s19 =	rddreg [dreg:$0x8]  }
0x4c: {  	s21 =	rddreg [dreg:$0xc];
	[sflag:s10] =	ssyncadd.s32 $0xFFFFF600  }
0x4d: {  	[spmem:s21], [sflag:s12] =	dma.local [hbm:s19], $0xA00  }
0x4e: {  	_ =	swait.ge [sflag:s10], $0xA00  }
0x4f: {  	[sflag:s10] =	ssyncset.done $0x0  }
0x50: {  	[sflag:s10] =	ssyncadd.s32 $0xFFFFF600  }
0x51: {  	[bflag:$0x0] =	sbarrier.arrive $0xFFFF  }
0x52: {  	[tilespmem:s16], [sflag:$0x1] =	stream.indirect.gather [spmem:s2], $0x20, s3, s15, $0xb8;
	[tilespmem:$0x16D00] =	vst v63  }
0x53: {  	s14 =	simm.s32 $0x80  }
0x54: {  	[tilespmem:s18], [sflag:$0x2] =	stream.indirect.gather [spmem:s2], $0x20, s14, s15, $0xb8;
	[tilespmem:$0x16D00] =	vst v63  }
0x55: {  	s19 =	simm.s32 $0x100  }
0x56: {  	[tilespmem:s20], [sflag:$0x3] =	stream.indirect.gather [spmem:s2], $0x20, s19, s15, $0xb8;
	[tilespmem:$0x16D00] =	vst v63  }
0x57: {  	s21 =	simm.s32 $0x180;
	s14 =	simm.s32 $0x0  }
0x58: {  	[tilespmem:s22], [sflag:$0x4] =	stream.indirect.gather [spmem:s2], $0x20, s21, s15, $0xb8;
	[tilespmem:$0x16D00] =	vst v63  }
.LBB2_2:
0x59: {  	_ =	swait.ge [sflag:s23], $0xFA0  }
0x5a: {  	s3 =	sshra.s32 s14, $0x2;
	[sflag:s23] =	ssyncset.done $0x0  }
0x5b: {  	p1 =	seq.s32 s14, $0x0;
	s19 =	sadd.s32 $0x2800, s3;
	[sflag:s23] =	ssyncadd.s32 $0xFFFFF060  }
0x5c: {  	[spmem:s1] =	stream.indirect.scatter.add.f32 [tilespmem:s16], [sflag:$0x9], $0x20, s19, s15, $0xb8;
	[tilespmem:$0x16D00] =	vst v63  }
0x5d: {  	s19 =	simm.s32 @!p1 $0xD  }
0x5e: {  	_ =	swait.ge @!p1 [sflag:s19], $0xFA0  }
0x5f: {  	[sflag:s19] =	ssyncset.done @!p1 $0x0  }
0x60: {  	s6 =	sadd.s32 $0x200, s3;
	[sflag:s19] =	ssyncadd.s32 @!p1 $0xFFFFF060  }
0x61: {  	[tilespmem:s24], [sflag:$0x5] =	stream.indirect.gather [spmem:s2], $0x20, s6, s15, $0xb8;
	[tilespmem:$0x16D00] =	vst v63  }
0x62: {  	_ =	swait.ge [sflag:s25], $0xFA0  }
0x63: {  	[sflag:s25] =	ssyncset.done $0x0  }
0x64: {  	s7 =	sadd.s32 $0x2880, s3;
	s19 =	simm.s32 @!p1 $0xE;
	[sflag:s25] =	ssyncadd.s32 $0xFFFFF060  }
0x65: {  	[spmem:s1] =	stream.indirect.scatter.add.f32 [tilespmem:s18], [sflag:$0xA], $0x20, s7, s15, $0xb8;
	[tilespmem:$0x16D00] =	vst v63  }
0x66: {  	_ =	swait.ge @!p1 [sflag:s19], $0xFA0  }
0x67: {  	[sflag:s19] =	ssyncset.done @!p1 $0x0  }
0x68: {  	s21 =	sadd.s32 $0x280, s3;
	[sflag:s19] =	ssyncadd.s32 @!p1 $0xFFFFF060  }
0x69: {  	[tilespmem:s26], [sflag:$0x6] =	stream.indirect.gather [spmem:s2], $0x20, s21, s15, $0xb8;
	[tilespmem:$0x16D00] =	vst v63  }
0x6a: {  	_ =	swait.ge [sflag:s28], $0xFA0  }
0x6b: {  	[sflag:s28] =	ssyncset.done $0x0  }
0x6c: {  	s6 =	sadd.s32 $0x2900, s3;
	s19 =	simm.s32 @!p1 $0xF;
	[sflag:s28] =	ssyncadd.s32 $0xFFFFF060  }
0x6d: {  	[spmem:s1] =	stream.indirect.scatter.add.f32 [tilespmem:s20], [sflag:$0xB], $0x20, s6, s15, $0xb8;
	[tilespmem:$0x16D00] =	vst v63  }
0x6e: {  	_ =	swait.ge @!p1 [sflag:s19], $0xFA0  }
0x6f: {  	[sflag:s19] =	ssyncset.done @!p1 $0x0  }
0x70: {  	s7 =	sadd.s32 $0x300, s3;
	[sflag:s19] =	ssyncadd.s32 @!p1 $0xFFFFF060  }
0x71: {  	[tilespmem:s29], [sflag:$0x7] =	stream.indirect.gather [spmem:s2], $0x20, s7, s15, $0xb8;
	[tilespmem:$0x16D00] =	vst v63  }
0x72: {  	_ =	swait.ge [sflag:s30], $0xFA0  }
0x73: {  	[sflag:s30] =	ssyncset.done $0x0  }
0x74: {  	s21 =	sadd.s32 $0x2980, s3;
	s19 =	simm.s32 @!p1 $0x10;
	[sflag:s30] =	ssyncadd.s32 $0xFFFFF060  }
0x75: {  	[spmem:s1] =	stream.indirect.scatter.add.f32 [tilespmem:s22], [sflag:$0xC], $0x20, s21, s15, $0xb8;
	[tilespmem:$0x16D00] =	vst v63  }
0x76: {  	_ =	swait.ge @!p1 [sflag:s19], $0xFA0  }
0x77: {  	[sflag:s19] =	ssyncset.done @!p1 $0x0  }
0x78: {  	s6 =	sadd.s32 $0x380, s3;
	[sflag:s19] =	ssyncadd.s32 @!p1 $0xFFFFF060  }
0x79: {  	[tilespmem:s31], [sflag:$0x8] =	stream.indirect.gather [spmem:s2], $0x20, s6, s15, $0xb8;
	[tilespmem:$0x16D00] =	vst v63  }
0x7a: {  	_ =	swait.ge [sflag:s0], $0xFA0  }
0x7b: {  	p1 =	seq.s32 s14, $0x9000;
	[sflag:s0] =	ssyncset.done $0x0  }
0x7c: {  	s7 =	sadd.s32 $0x2A00, s3;
	s19 =	simm.s32 @p1 $0x6;
	[sflag:s0] =	ssyncadd.s32 $0xFFFFF060  }
0x7d: {  	[spmem:s1] =	stream.indirect.scatter.add.f32 [tilespmem:s24], [sflag:$0xD], $0x20, s7, s15, $0xb8;
	[tilespmem:$0x16D00] =	vst v63  }
0x7e: {  	_ =	swait.ge @p1 [sflag:s19], $0xFA0  }
0x7f: {  	[sflag:s19] =	ssyncset.done @p1 $0x0  }
0x80: {  	[sflag:s19] =	ssyncadd.s32 @p1 $0xFFFFF060;
	s19 =	sshra.s32 @p1 s14, $0x2  }
0x81: {  	s21 =	simm.s32 @p1 $0x7D;
	s6 =	simm.s32 @p1 $0x9E20;
	s19 =	sadd.s32 @p1 $0x2A80, s19  }
0x82: {  	[spmem:s1] =	stream.indirect.scatter.add.f32 @p1 [tilespmem:s6], [sflag:$0xE], $0x20, s19, s21, $0xb8;
	[tilespmem:$0x16D00] =	vst v63  }
0x83: {  	s6 =	simm.s32 @!p1 $0x9  }
0x84: {  	_ =	swait.ge @!p1 [sflag:s6], $0xFA0  }
0x85: {  	[sflag:s6] =	ssyncset.done @!p1 $0x0  }
0x86: {  	[sflag:s6] =	ssyncadd.s32 @!p1 $0xFFFFF060;
	s6 =	sshra.s32 @!p1 s14, $0x2  }
0x87: {  	s7 =	simm.s32 @!p1 $0x5000;
	s21 =	simm.s32 @!p1 $0x7D;
	s19 =	sadd.s32 @!p1 $0x400, s6  }
0x88: {  	[tilespmem:s7], [sflag:$0x1] =	stream.indirect.gather @!p1 [spmem:s2], $0x20, s19, s21, $0xb8;
	[tilespmem:$0x16D00] =	vst v63  }
0x89: {  	s7 =	simm.s32 @!p1 $0x6  }
0x8a: {  	_ =	swait.ge @!p1 [sflag:s7], $0xFA0  }
0x8b: {  	[sflag:s7] =	ssyncset.done @!p1 $0x0  }
0x8c: {  	s19 =	simm.s32 @!p1 $0x9E20;
	[sflag:s7] =	ssyncadd.s32 @!p1 $0xFFFFF060;
	s7 =	sadd.s32 @!p1 $0x2A80, s6  }
0x8d: {  	[spmem:s1] =	stream.indirect.scatter.add.f32 @!p1 [tilespmem:s19], [sflag:$0xE], $0x20, s7, s21, $0xb8;
	[tilespmem:$0x16D00] =	vst v63  }
0x8e: {  	s7 =	simm.s32 @!p1 $0xA  }
0x8f: {  	_ =	swait.ge @!p1 [sflag:s7], $0xFA0  }
0x90: {  	[sflag:s7] =	ssyncset.done @!p1 $0x0  }
0x91: {  	s6 =	sadd.s32 @!p1 $0x480, s6;
	[sflag:s7] =	ssyncadd.s32 @!p1 $0xFFFFF060;
	s7 =	simm.s32 @!p1 $0x5FA0  }
0x92: {  	[tilespmem:s7], [sflag:$0x2] =	stream.indirect.gather @!p1 [spmem:s2], $0x20, s6, s21, $0xb8;
	[tilespmem:$0x16D00] =	vst v63  }
.Ltmp2:
0x93: {  	_ = 	snop;
	(pc) =	sbr.rel @p1 .LBB2_4-.Ltmp2, $4  }
0x94: {  	_ =	swait.ge [sflag:s11], $0xFA0  }
0x95: {  	[sflag:s11] =	ssyncset.done $0x0  }
0x96: {  	s19 =	sadd.s32 $0x2B80, s3;
	s21 =	sadd.s32 $0x2B00, s3;
	[sflag:s11] =	ssyncadd.s32 $0xFFFFF060  }
0x97: {  	[spmem:s1] =	stream.indirect.scatter.add.f32 [tilespmem:s29], [sflag:$0xF], $0x20, s21, s15, $0xb8;
	[tilespmem:$0x16D00] =	vst v63  }
0x98: {  	_ =	swait.ge [sflag:s4], $0xFA0  }
0x99: {  	[sflag:s4] =	ssyncset.done $0x0  }
0x9a: {  	s6 =	sadd.s32 $0x500, s3;
	[sflag:s4] =	ssyncadd.s32 $0xFFFFF060  }
0x9b: {  	[tilespmem:s20], [sflag:$0x3] =	stream.indirect.gather [spmem:s2], $0x20, s6, s15, $0xb8;
	[tilespmem:$0x16D00] =	vst v63  }
0x9c: {  	_ =	swait.ge [sflag:s17], $0xFA0  }
0x9d: {  	[sflag:s17] =	ssyncset.done $0x0  }
0x9e: {  	[sflag:s17] =	ssyncadd.s32 $0xFFFFF060  }
0x9f: {  	[spmem:s1] =	stream.indirect.scatter.add.f32 [tilespmem:s31], [sflag:$0x10], $0x20, s19, s15, $0xb8;
	[tilespmem:$0x16D00] =	vst v63  }
.Ltmp3:
0xa0: {  	_ = 	snop;
	(pc) =	sbr.rel .LBB2_2-.Ltmp3, $4  }
0xa1: {  	_ =	swait.ge [sflag:s5], $0xFA0  }
0xa2: {  	[sflag:s5] =	ssyncset.done $0x0  }
0xa3: {  	s21 =	sadd.s32 $0x580, s3;
	s14 =	sadd.s32 $0x1000, s14;
	[sflag:s5] =	ssyncadd.s32 $0xFFFFF060  }
0xa4: {  	[tilespmem:s22], [sflag:$0x4] =	stream.indirect.gather [spmem:s2], $0x20, s21, s15, $0xb8;
	[tilespmem:$0x16D00] =	vst v63  }
.LBB2_5:
0xa5: {  	_ =	sfence.sel $0x180000  }
0xa6: {  	[bflag:$0x0] =	sbarrier.arrive $0xFFFF  }
0xa7: {  	_ =	strace $0x9000004D  }
0xa8: {  	[bflag:$0x2] =	sbarrier.arrive $0xFFFF  }
0xa9: {  	s0 =	rddreg [dreg:$0x4]  }
0xaa: {  	s0 =	sadd.s32 @!p0 $0x100000, s0  }
0xab: {  	[sflag:s0] =	ssyncadd.tile.s32 @!p0 $0x1;
	_ =	shalt  }
.Lfunc_end2:
_tile_overlayer_lowered:
.L_overlay_start_2:
0xac: {  	(tag) =	ssettag $0x2  }
0xad: {  	s0 =	rddreg [dreg:$0x0];
	s2 =	stileid.u32  }
0xae: {  	s1 =	rddreg [dreg:$0x1];
	p0 =	sne.s32 s2, $0x0  }
0xaf: {  	s3 =	rddreg [dreg:$0x2];
	[bflag:$0x3] =	sbarrier.arrive $0xFFFF;
	s2 =	simm.s32 @!p0 $0x1C11  }
0xb0: {  	[timem:s3], [sflag:s2] =	dma.local @!p0 [hbm:s0], s1  }
0xb1: {  	s0 =	simm.s32 @!p0 $0x11  }
0xb2: {  	_ =	swait.ge @!p0 [sflag:s0], s1  }
0xb3: {  	s1 =	ssub.s32 @!p0 $0x0, s1;
	[sflag:s0] =	ssyncset.done @!p0 $0x0  }
0xb4: {  	[sflag:s0] =	ssyncadd.s32 @!p0 s1  }
0xb5: {  	[bflag:$0x3] =	sbarrier.arrive $0xFFFF  }
0xb6: {  	_ =	shalt  }

// kernel: kernel.20.cloned.1.call-start
scs
__scs_entry_jumppad:
0x0: {  	(pc) =	sbr.rel $0x88, $3  }
0x1: {  	(tag) =	ssettag $0x0;
	lr =	simm.s32 $0x1  }
0x2: {  	[smem:$0x3F93] =	sst lr;
	_ =	strace $0xD0000000  }
0x3: {  	_ = 	snop  }
0x4: {  	_ = 	snop  }
0x5: {  	_ = 	snop  }
0x6: {  	_ = 	snop  }
0x7: {  	_ = 	snop  }
__scs_overlays_trampoline_lowered:
0x8: {  	[smem:$0x3FA2] =	sst s0  }
0x9: {  	[smem:$0x3FA3] =	sst s1  }
0xa: {  	[smem:$0x3FA4] =	sst s2  }
0xb: {  	[smem:$0x3FA5] =	sst s3  }
0xc: {  	[smem:$0x3FA6] =	sst s4  }
0xd: {  	[smem:$0x3FA7] =	sst s5  }
0xe: {  	[smem:$0x3FA8] =	sst s6  }
0xf: {  	[smem:$0x3FA9] =	sst s7  }
0x10: {  	[smem:$0x3FAA] =	sst s8  }
0x11: {  	[smem:$0x3FAB] =	sst s9;
	s0 =	simm.s32 @!p0 $0x0  }
0x12: {  	s1 =	sld [smem:$0x3F91];
	s0 =	simm.s32 @p0 $0x1  }
0x13: {  	[smem:$0x3FAC] =	sst s0;
	s0 =	simm.s32 @!p1 $0x0  }
0x14: {  	s2 =	sld [smem:$0x3F90];
	s0 =	simm.s32 @p1 $0x1  }
0x15: {  	[smem:$0x3FAD] =	sst s0;
	s0 =	simm.s32 @!p2 $0x0  }
0x16: {  	s3 =	sld [smem:$0x3FDB];
	s0 =	simm.s32 @p2 $0x1  }
0x17: {  	s4 =	simm.s32 $0x1BF5;
	[smem:$0x3FAF] =	sst s0  }
0x18: {  	s0 =	sld [smem:$0x3F92];
	_ =	swait.ge [sflag:s4], $0x0  }
0x19: {  	s7 =	sld [smem:$0x3F93]  }
0x1a: {  	s8 =	sadd.s32 $0xFFFFE003, lr  }
0x1b: {  	s9 =	sadd.s32 $0xFFFFFEF7, lr;
	s5 =	simm.s32 $0xFFFFFFFF;
	p2 =	slt.u32 s8, $0xFFFFF086  }
0x1c: {  	p1 =	slt.u32 s9, $0xF7A;
	s5 =	simm.s32 @!p2 $0x0  }
0x1d: {  	s5 =	simm.s32 @p1 $0x1;
	p0 =	seq.s32 s7, s2  }
0x1e: {  	s7 =	smul.u32 @!p0 $0xF7A, s2;
	p2 =	seq.s32 @!p0 s5, $0x0  }
0x1f: {  	s9 =	smul.u32 $0xF7A, s1;
	s8 =	simm.s32 @!p0 $0x1BF5;
	p2 =	por !p2, p0  }
0x20: {  	[sflag:s8] =	ssyncset.s32 @!p0 $0xFFFFF086;
	s6 =	sadd.s32 @!p0 s3, s7;
	s7 =	simm.s32 @!p0 $0x108  }
0x21: {  	s3 =	sadd.s32 s3, s9;
	s6 =	sadd.s32 @!p0 $0x88, s6;
	s7 =	simm.s32 @p2 $0x1082  }
0x22: {  	[simem:s7], [sflag:s8] =	dma.local @!p0 [hbm:s6], $0xF7A  }
0x23: {  	s9 =	sor.u32 $0xD0000000, s2;
	s6 =	simm.s32 $0x108;
	_ =	swait.ge @!p0 [sflag:s8], $0x0  }
0x24: {  	s3 =	sadd.s32 $0x88, s3;
	s6 =	simm.s32 @!p1 $0x1082;
	[sflag:s4] =	ssyncset.s32 $0xFFFFF086  }
0x25: {  	[simem:s6], [sflag:s4] =	dma.local [hbm:s3], $0xF7A  }
0x26: {  	[smem:$0x3F93] =	sst s1;
	(tag) =	ssettag s2;
	_ =	strace s9  }
0x27: {  	s1 =	sld [smem:$0x3FA3]  }
0x28: {  	s2 =	sld [smem:$0x3FA4]  }
0x29: {  	s4 =	sld [smem:$0x3FA6]  }
0x2a: {  	p0 =	seq.s32 s5, $0x0;
	s5 =	sld [smem:$0x3FA7]  }
0x2b: {  	s6 =	sld [smem:$0x3FA8]  }
0x2c: {  	s7 =	sld [smem:$0x3FA9]  }
0x2d: {  	s3 =	simm.s32 $0x108;
	s8 =	sld [smem:$0x3FAA]  }
0x2e: {  	s3 =	simm.s32 @!p0 $0x1082;
	s9 =	sld [smem:$0x3FAB]  }
0x2f: {  	lr =	sadd.s32 s0, s3;
	s0 =	sld [smem:$0x3FA2]  }
0x30: {  	s3 =	sld [smem:$0x3FA5]  }
0x31: {  	[smem:$0x3FAE] =	sst s10  }
0x32: {  	s10 =	sld [smem:$0x3FAC];
	_ =	sdelay $0x3  }
0x33: {  	p0 =	seq.s32 s10, $0x1;
	s10 =	sld [smem:$0x3FAE];
	_ =	sdelay $0x3  }
0x34: {  	[smem:$0x3FAE] =	sst s10  }
0x35: {  	s10 =	sld [smem:$0x3FAD];
	_ =	sdelay $0x3  }
0x36: {  	p1 =	seq.s32 s10, $0x1;
	s10 =	sld [smem:$0x3FAE];
	_ =	sdelay $0x3  }
0x37: {  	[smem:$0x3FAE] =	sst s10  }
0x38: {  	s10 =	sld [smem:$0x3FAF]  }
0x39: {  	_ = 	snop;
	(pc) =	sbr.ind lr, $3  }
0x3a: {  	_ = 	snop  }
0x3b: {  	_ = 	snop  }
0x3c: {  	p2 =	seq.s32 s10, $0x1;
	s10 =	sld [smem:$0x3FAE]  }
0x3d: {  	_ =	shalt  }
0x3e: {  	_ =	shalt  }
0x3f: {  	_ =	shalt  }
0x40: {  	_ =	shalt  }
0x41: {  	_ =	shalt  }
0x42: {  	_ =	shalt  }
0x43: {  	_ =	shalt  }
0x44: {  	_ =	shalt  }
0x45: {  	_ =	shalt  }
0x46: {  	_ =	shalt  }
0x47: {  	_ =	shalt  }
0x48: {  	_ =	shalt  }
0x49: {  	_ =	shalt  }
0x4a: {  	_ =	shalt  }
0x4b: {  	_ =	shalt  }
0x4c: {  	_ =	shalt  }
0x4d: {  	_ =	shalt  }
0x4e: {  	_ =	shalt  }
0x4f: {  	_ =	shalt  }
0x50: {  	_ =	shalt  }
0x51: {  	_ =	shalt  }
0x52: {  	_ =	shalt  }
0x53: {  	_ =	shalt  }
0x54: {  	_ =	shalt  }
0x55: {  	_ =	shalt  }
0x56: {  	_ =	shalt  }
0x57: {  	_ =	shalt  }
0x58: {  	_ =	shalt  }
0x59: {  	_ =	shalt  }
0x5a: {  	_ =	shalt  }
0x5b: {  	_ =	shalt  }
0x5c: {  	_ =	shalt  }
0x5d: {  	_ =	shalt  }
0x5e: {  	_ =	shalt  }
0x5f: {  	_ =	shalt  }
0x60: {  	_ =	shalt  }
0x61: {  	_ =	shalt  }
0x62: {  	_ =	shalt  }
0x63: {  	_ =	shalt  }
0x64: {  	_ =	shalt  }
0x65: {  	_ =	shalt  }
0x66: {  	_ =	shalt  }
0x67: {  	_ =	shalt  }
0x68: {  	_ =	shalt  }
0x69: {  	_ =	shalt  }
0x6a: {  	_ =	shalt  }
0x6b: {  	_ =	shalt  }
0x6c: {  	_ =	shalt  }
0x6d: {  	_ =	shalt  }
0x6e: {  	_ =	shalt  }
0x6f: {  	_ =	shalt  }
0x70: {  	_ =	shalt  }
0x71: {  	_ =	shalt  }
0x72: {  	_ =	shalt  }
0x73: {  	_ =	shalt  }
0x74: {  	_ =	shalt  }
0x75: {  	_ =	shalt  }
0x76: {  	_ =	shalt  }
0x77: {  	_ =	shalt  }
0x78: {  	_ =	shalt  }
0x79: {  	_ =	shalt  }
0x7a: {  	_ =	shalt  }
0x7b: {  	_ =	shalt  }
0x7c: {  	_ =	shalt  }
0x7d: {  	_ =	shalt  }
0x7e: {  	_ =	shalt  }
0x7f: {  	_ =	shalt  }
0x80: {  	_ =	shalt  }
0x81: {  	_ =	shalt  }
0x82: {  	_ =	shalt  }
0x83: {  	_ =	shalt  }
0x84: {  	_ =	shalt  }
0x85: {  	_ =	shalt  }
0x86: {  	_ =	shalt  }
0x87: {  	_ =	shalt  }
.Lfunc_end0:
.L_simem_size_0:
called_computation.3_lowered:
.L_overlay_start_0:
0x88: {  	s2 =	sld [smem:$0x3FD9]  }
0x89: {  	s3 =	sld [smem:$0x3FFE];
	_ =	sdelay $0x1  }
0x8a: {  	s1 =	srdreg.scid  }
0x8b: {  	s0 =	sand.u32 $0x1, s1  }
0x8c: {  	s17 =	sshll.u32 s0, $0xA;
	s2 =	sadd.s32 s3, s2  }
0x8d: {  	s2 =	sadd.s32 s2, s17  }
0x8e: {  	[smem:$0x3FBA] =	sst s2  }
0x8f: {  	_ = 	snop  }
0x90: {  	s2 =	sld [smem:$0x3FD0];
	(tm) =	ssettm $0x1  }
0x91: {  	s18 =	sld [smem:$0x3FFB];
	_ =	sdelay $0x3  }
0x92: {  	_ =	strace s18  }
0x93: {  	s3 =	sld [smem:$0x3FFC];
	_ =	sdelay $0x3  }
0x94: {  	_ =	strace s3  }
0x95: {  	s3 =	sld [smem:$0x3FFD];
	_ =	sdelay $0x3  }
0x96: {  	_ =	strace s3  }
0x97: {  	_ =	strace $0x8FFFFFFF  }
0x98: {  	s19 =	sld [smem:$0x3FDB];
	_ =	sdelay $0x1  }
0x99: {  	s4 =	simm.s32 $_scs_section_size  }
0x9a: {  	s5 =	simm.s32 $_size__tile_overlayer_lowered;
	s6 =	simm.s32 $_tile_overlayer_lowered  }
0x9b: {  	s22 =	simm.s32 $0x1BFF;
	s21 =	sshll.u32 s6, $0x1;
	s3 =	sadd.s32 s4, s19  }
0x9c: {  	s7 =	simm.s32 $0x0;
	s20 =	sshll.u32 s5, $0x1;
	s5 =	sadd.s32 s21, s3  }
0x9d: {  	[timem:s7], [sflag:s22] =	dma.local [hbm:s5], s20  }
0x9e: {  	_ =	swait.ge [sflag:s22], s20  }
0x9f: {  	s4 =	ssub.s32 $0x0, s20;
	[sflag:s22] =	ssyncset.done $0x0  }
0xa0: {  	[sflag:s22] =	ssyncadd.s32 s4;
	_ =	sdelay $0x1  }
0xa1: {  	s23 =	simm.s32 $0x1B8B  }
0xa2: {  	_ =	swait.ge [sflag:s23], $0x1  }
0xa3: {  	[sflag:s23] =	ssyncset.done $0x0  }
0xa4: {  	s25 =	simm.s32 $0x1B8E;
	s24 =	sld [smem:$0x3FFE];
	[sflag:s23] =	ssyncadd.s32 $0xFFFFFFFF  }
0xa5: {  	s26 =	simm.s32 $execute0_lowered;
	[smem:$0x3FD2] =	sst s25  }
0xa6: {  	s5 =	sshll.u32 s26, $0x1;
	_ =	strace $0x8000004F;
	[dreg:$0x1] =	wrdreg $0xFFFFFFFF  }
0xa7: {  	s28 =	simm.s32 $_size_execute0_lowered;
	s3 =	sadd.s32 s3, s5;
	[dreg:$0x0] =	wrdreg $0x0  }
0xa8: {  	s5 =	sshll.u32 s28, $0x1;
	[dreg:$0x2] =	wrdreg s3  }
0xa9: {  	[dreg:$0x3] =	wrdreg s5  }
0xaa: {  	[dreg:$0x4] =	wrdreg $0xC0  }
0xab: {  	_ =	task [dreg:s7], $0x5FFFF  }
0xac: {  	[dreg:$0x1] =	wrdreg $0xFFFFFFFF  }
0xad: {  	[dreg:$0x0] =	wrdreg $0x60  }
0xae: {  	[dreg:$0x2] =	wrdreg s24  }
0xaf: {  	[dreg:$0x3] =	wrdreg s2  }
0xb0: {  	[dreg:$0x4] =	wrdreg $0xCD000  }
0xb1: {  	[dreg:$0x5] =	wrdreg $0x11D000  }
0xb2: {  	[dreg:$0x6] =	wrdreg $0x9  }
0xb3: {  	_ =	task.clear_ibuf [dreg:s7], $0x7FFFF;
	_ =	strace $0x9000004F  }
0xb4: {  	s29 =	simm.s32 $0x9;
	_ =	strace $0x80000051  }
0xb5: {  	_ =	swait.ge [sflag:s29], $0x1  }
0xb6: {  	[sflag:s29] =	ssyncadd.s32 $0xFFFFFFFF  }
0xb7: {  	_ =	strace $0x90000051  }
0xb8: {  	_ =	sfence  }
0xb9: {  	s30 =	sld [smem:$0x0];
	_ =	sdelay $0x2  }
0xba: {  	s31 =	sshll.u32 s1, $0xD;
	s1 =	sshrl.u32 s1, $0x2  }
0xbb: {  	s3 =	sand.u32 $0x4000, s31;
	s1 =	sadd.s32 s1, s30  }
0xbc: {  	s0 =	sor.u32 s3, s0;
	s1 =	sshll.u32 s1, $0x11  }
0xbd: {  	s0 =	sor.u32 s1, s0  }
0xbe: {  	s0 =	sadd.s32 $0x8F2B, s0  }
0xbf: {  	[sflag:s0] =	ssyncadd.remote.s32 $0x1  }
0xc0: {  	_ =	sfence.sel $0xFFFF  }
0xc1: {  	[dreg:$0x0] =	wrdreg $0xFFFFFFFF;
	(pc) =	sbr.abs _section_cstart, $3  }
0xc2: {  	[dreg:$0x1] =	wrdreg $0xFFFFFFFF  }
0xc3: {  	_ =	task.clear_ibuf [dreg:s7], $0x2FFFF;
	_ =	strace $0x9FFFFFFF  }
0xc4: {  	(tm) =	ssettm $0x7FFFFFFF  }
0xc5: {  	_ =	shalt  }
tec
execute0_lowered:
.L_overlay_start_1:
0x0: {  	(tag) =	ssettag $0x1  }
0x1: {  	s0 =	rddreg [dreg:$0x0]  }
0x2: {  	s3 =	rddreg [dreg:$0x1]  }
0x3: {  	s1 =	rddreg [dreg:$0x2]  }
0x4: {  	s4 =	srdreg.scid;
	s2 =	rddreg [dreg:$0x3]  }
0x5: {  	s5 =	stileid.u32;
	s8 =	simm.s32 $0x0;
	s10 =	simm.s32 $0x11  }
0x6: {  	s15 =	simm.s32 $0x7D;
	s16 =	simm.s32 $0x5000;
	s18 =	simm.s32 $0x5FA0  }
0x7: {  	s28 =	simm.s32 $0x3;
	s29 =	simm.s32 $0xADC0;
	s30 =	simm.s32 $0x4  }
0x8: {  	s31 =	simm.s32 $0xBD60;
	s11 =	simm.s32 $0x7;
	s17 =	simm.s32 $0x8  }
0x9: {  	s13 =	simm.s32 $0x0;
	s4 =	sand.u32 $0x1, s4;
	s7 =	smul.u32 $0x5000, s5  }
0xa: {  	[smem:$0x7FF] =	sst s8;
	s25 =	sshll.u32 s5, $0x6;
	p0 =	sne.s32 s5, $0x0  }
0xb: {  	s6 =	sshll.u32 s4, $0x4;
	_ =	strace $0x80000050;
	s9 =	ssub.s32 $0x2, s4  }
0xc: {  	s4 =	smul.u32 $0xA000, s4;
	s12 =	sor.u32 $0x1C11, s25;
	s25 =	simm.s32 $0x2  }
0xd: {  	s6 =	sor.u32 s5, s6;
	s19 =	sshrl.u32 s7, $0x3;
	s20 =	sshrl.u32 s9, $0x1  }
0xe: {  	s22 =	sadd.s32 s7, s1;
	s7 =	sadd.s32 s7, s2;
	s5 =	simm.s32 $0xC  }
0xf: {  	s6 =	smul.u32 $0x500, s6;
	s8 =	sadd.s32 s19, s0;
	s3 =	sadd.s32 s3, s4  }
0x10: {  	s26 =	sshrl.u32 s7, $0x3;
	s4 =	simm.s32 $0xB;
	[dreg:$0x9] =	wrdreg s3  }
0x11: {  	s23 =	sadd.s32 $0x27400, s8;
	s8 =	sadd.s32 $0x1D400, s8;
	[dreg:$0xc] =	wrdreg s26  }
0x12: {  	s26 =	simm.s32 $0x9E20;
	s0 =	sadd.s32 s6, s0;
	[dreg:$0x7] =	wrdreg s23  }
0x13: {  	s6 =	ssub.s32 s9, s20;
	[dreg:$0x8] =	wrdreg s8;
	s20 =	simm.s32 $0x6F40  }
.Ltmp0:
0x14: {  	s23 =	simm.s32 $0x1;
	s21 =	sadd.s32 $0x13400, s0;
	(pc) =	sbr.rel .LBB2_1-.Ltmp0, $4  }
0x15: {  	s8 =	simm.s32 $0xF;
	s0 =	sadd.s32 $0x4400, s0;
	[dreg:$0x5] =	wrdreg s21  }
0x16: {  	s9 =	simm.s32 $0x10;
	s24 =	smax.u32 s6, $0x1;
	[dreg:$0x6] =	wrdreg s0  }
0x17: {  	[dreg:$0xa] =	wrdreg s24;
	s0 =	sshrl.u32 s22, $0x3;
	s22 =	simm.s32 $0x7EE0  }
0x18: {  	s24 =	simm.s32 $0x8E80;
	[dreg:$0xb] =	wrdreg s0;
	s0 =	simm.s32 $0x5  }
.LBB2_4:
0x19: {  	_ =	swait.ge [sflag:s17], $0xFA0  }
0x1a: {  	[sflag:s17] =	ssyncset.done $0x0  }
0x1b: {  	s3 =	simm.s32 $0x9;
	[sflag:s17] =	ssyncadd.s32 $0xFFFFF060  }
0x1c: {  	[spmem:s1] =	stream.indirect.scatter.add.f32 [tilespmem:s31], [sflag:$0x10], $0x20, s19, s15, $0xb8;
	[tilespmem:$0x16D00] =	vst v63  }
0x1d: {  	_ =	swait.ge [sflag:s3], $0xFA0  }
0x1e: {  	[sflag:s3] =	ssyncset.done $0x0  }
0x1f: {  	s7 =	simm.s32 $0xA;
	[sflag:s3] =	ssyncadd.s32 $0xFFFFF060  }
0x20: {  	_ =	swait.ge [sflag:s7], $0xFA0  }
0x21: {  	[sflag:s7] =	ssyncset.done $0x0  }
0x22: {  	[sflag:s7] =	ssyncadd.s32 $0xFFFFF060  }
0x23: {  	_ =	swait.ge [sflag:s4], $0xFA0  }
0x24: {  	[sflag:s4] =	ssyncset.done $0x0  }
0x25: {  	[sflag:s4] =	ssyncadd.s32 $0xFFFFF060  }
0x26: {  	_ =	swait.ge [sflag:s5], $0xFA0  }
0x27: {  	[sflag:s5] =	ssyncset.done $0x0  }
0x28: {  	s14 =	simm.s32 $0xD;
	[sflag:s5] =	ssyncadd.s32 $0xFFFFF060  }
0x29: {  	_ =	swait.ge [sflag:s14], $0xFA0  }
0x2a: {  	[sflag:s14] =	ssyncset.done $0x0  }
0x2b: {  	s19 =	simm.s32 $0xE;
	[sflag:s14] =	ssyncadd.s32 $0xFFFFF060  }
0x2c: {  	_ =	swait.ge [sflag:s19], $0xFA0  }
0x2d: {  	[sflag:s19] =	ssyncset.done $0x0  }
0x2e: {  	[sflag:s19] =	ssyncadd.s32 $0xFFFFF060  }
0x2f: {  	_ =	swait.ge [sflag:s8], $0xFA0  }
0x30: {  	[sflag:s8] =	ssyncset.done $0x0  }
0x31: {  	[sflag:s8] =	ssyncadd.s32 $0xFFFFF060  }
0x32: {  	_ =	swait.ge [sflag:s9], $0xFA0  }
0x33: {  	[sflag:s9] =	ssyncset.done $0x0  }
0x34: {  	[sflag:s9] =	ssyncadd.s32 $0xFFFFF060  }
0x35: {  	[bflag:$0x0] =	sbarrier.arrive $0xFFFF  }
0x36: {  	s3 =	sshrl.u32 @!p0 s1, $0x3;
	s6 =	rddreg [dreg:$0x9]  }
0x37: {  	[hbm:s6], [sflag:s12] =	dma.local @!p0 [spmem:s3], $0xA000  }
0x38: {  	s3 =	simm.s32 @!p0 $0x11  }
0x39: {  	_ =	swait.ge @!p0 [sflag:s3], $0xA000  }
0x3a: {  	s13 =	sadd.s32 $0x1, s13;
	s21 =	rddreg [dreg:$0xa]  }
0x3b: {  	p1 =	sne.s32 s13, s21  }
.Ltmp1:
0x3c: {  	_ = 	snop;
	(pc) =	sbr.rel @!p1 .LBB2_5-.Ltmp1, $3  }
0x3d: {  	_ =	sdelay $0x1  }
0x3e: {  	[sflag:s3] =	ssyncset.done @!p0 $0x0  }
0x3f: {  	[sflag:s3] =	ssyncadd.s32 @!p0 $0xFFFF6000  }
.LBB2_1:
0x40: {  	s3 =	simm.s32 $0x0;
	s6 =	rddreg [dreg:$0x5]  }
0x41: {  	[tilespmem:s3], [sflag:$0x11] =	stream.linear.gather [hbm4b:s6+s3], $0x2800, $0x38;
	[tilespmem:$0x16D00] =	vst v63  }
0x42: {  	_ =	swait.ge [sflag:s10], $0x2800  }
0x43: {  	[sflag:s10] =	ssyncset.done $0x0  }
0x44: {  	s7 =	simm.s32 $0x2800;
	s21 =	rddreg [dreg:$0x6];
	[sflag:s10] =	ssyncadd.s32 $0xFFFFD800  }
0x45: {  	[tilespmem:s7], [sflag:$0x11] =	stream.linear.gather [hbm4b:s21+s3], $0x2800, $0x38;
	[tilespmem:$0x16D00] =	vst v63  }
0x46: {  	_ =	swait.ge [sflag:s10], $0x2800  }
0x47: {  	[sflag:s10] =	ssyncset.done $0x0;
	s7 =	rddreg [dreg:$0x7]  }
0x48: {  	s14 =	rddreg [dreg:$0xb];
	[sflag:s10] =	ssyncadd.s32 $0xFFFFD800  }
0x49: {  	[spmem:s14], [sflag:s12] =	dma.local [hbm:s7], $0xA00  }
0x4a: {  	_ =	swait.ge [sflag:s10], $0xA00  }
0x4b: {  	[sflag:s10] =	ssyncset.done $0x0;
	s19 =	rddreg [dreg:$0x8]  }
0x4c: {  	s21 =	rddreg [dreg:$0xc];
	[sflag:s10] =	ssyncadd.s32 $0xFFFFF600  }
0x4d: {  	[spmem:s21], [sflag:s12] =	dma.local [hbm:s19], $0xA00  }
0x4e: {  	_ =	swait.ge [sflag:s10], $0xA00  }
0x4f: {  	[sflag:s10] =	ssyncset.done $0x0  }
0x50: {  	[sflag:s10] =	ssyncadd.s32 $0xFFFFF600  }
0x51: {  	[bflag:$0x0] =	sbarrier.arrive $0xFFFF  }
0x52: {  	[tilespmem:s16], [sflag:$0x1] =	stream.indirect.gather [spmem:s2], $0x20, s3, s15, $0xb8;
	[tilespmem:$0x16D00] =	vst v63  }
0x53: {  	s14 =	simm.s32 $0x80  }
0x54: {  	[tilespmem:s18], [sflag:$0x2] =	stream.indirect.gather [spmem:s2], $0x20, s14, s15, $0xb8;
	[tilespmem:$0x16D00] =	vst v63  }
0x55: {  	s19 =	simm.s32 $0x100  }
0x56: {  	[tilespmem:s20], [sflag:$0x3] =	stream.indirect.gather [spmem:s2], $0x20, s19, s15, $0xb8;
	[tilespmem:$0x16D00] =	vst v63  }
0x57: {  	s21 =	simm.s32 $0x180;
	s14 =	simm.s32 $0x0  }
0x58: {  	[tilespmem:s22], [sflag:$0x4] =	stream.indirect.gather [spmem:s2], $0x20, s21, s15, $0xb8;
	[tilespmem:$0x16D00] =	vst v63  }
.LBB2_2:
0x59: {  	_ =	swait.ge [sflag:s23], $0xFA0  }
0x5a: {  	s3 =	sshra.s32 s14, $0x2;
	[sflag:s23] =	ssyncset.done $0x0  }
0x5b: {  	p1 =	seq.s32 s14, $0x0;
	s19 =	sadd.s32 $0x2800, s3;
	[sflag:s23] =	ssyncadd.s32 $0xFFFFF060  }
0x5c: {  	[spmem:s1] =	stream.indirect.scatter.add.f32 [tilespmem:s16], [sflag:$0x9], $0x20, s19, s15, $0xb8;
	[tilespmem:$0x16D00] =	vst v63  }
0x5d: {  	s19 =	simm.s32 @!p1 $0xD  }
0x5e: {  	_ =	swait.ge @!p1 [sflag:s19], $0xFA0  }
0x5f: {  	[sflag:s19] =	ssyncset.done @!p1 $0x0  }
0x60: {  	s6 =	sadd.s32 $0x200, s3;
	[sflag:s19] =	ssyncadd.s32 @!p1 $0xFFFFF060  }
0x61: {  	[tilespmem:s24], [sflag:$0x5] =	stream.indirect.gather [spmem:s2], $0x20, s6, s15, $0xb8;
	[tilespmem:$0x16D00] =	vst v63  }
0x62: {  	_ =	swait.ge [sflag:s25], $0xFA0  }
0x63: {  	[sflag:s25] =	ssyncset.done $0x0  }
0x64: {  	s7 =	sadd.s32 $0x2880, s3;
	s19 =	simm.s32 @!p1 $0xE;
	[sflag:s25] =	ssyncadd.s32 $0xFFFFF060  }
0x65: {  	[spmem:s1] =	stream.indirect.scatter.add.f32 [tilespmem:s18], [sflag:$0xA], $0x20, s7, s15, $0xb8;
	[tilespmem:$0x16D00] =	vst v63  }
0x66: {  	_ =	swait.ge @!p1 [sflag:s19], $0xFA0  }
0x67: {  	[sflag:s19] =	ssyncset.done @!p1 $0x0  }
0x68: {  	s21 =	sadd.s32 $0x280, s3;
	[sflag:s19] =	ssyncadd.s32 @!p1 $0xFFFFF060  }
0x69: {  	[tilespmem:s26], [sflag:$0x6] =	stream.indirect.gather [spmem:s2], $0x20, s21, s15, $0xb8;
	[tilespmem:$0x16D00] =	vst v63  }
0x6a: {  	_ =	swait.ge [sflag:s28], $0xFA0  }
0x6b: {  	[sflag:s28] =	ssyncset.done $0x0  }
0x6c: {  	s6 =	sadd.s32 $0x2900, s3;
	s19 =	simm.s32 @!p1 $0xF;
	[sflag:s28] =	ssyncadd.s32 $0xFFFFF060  }
0x6d: {  	[spmem:s1] =	stream.indirect.scatter.add.f32 [tilespmem:s20], [sflag:$0xB], $0x20, s6, s15, $0xb8;
	[tilespmem:$0x16D00] =	vst v63  }
0x6e: {  	_ =	swait.ge @!p1 [sflag:s19], $0xFA0  }
0x6f: {  	[sflag:s19] =	ssyncset.done @!p1 $0x0  }
0x70: {  	s7 =	sadd.s32 $0x300, s3;
	[sflag:s19] =	ssyncadd.s32 @!p1 $0xFFFFF060  }
0x71: {  	[tilespmem:s29], [sflag:$0x7] =	stream.indirect.gather [spmem:s2], $0x20, s7, s15, $0xb8;
	[tilespmem:$0x16D00] =	vst v63  }
0x72: {  	_ =	swait.ge [sflag:s30], $0xFA0  }
0x73: {  	[sflag:s30] =	ssyncset.done $0x0  }
0x74: {  	s21 =	sadd.s32 $0x2980, s3;
	s19 =	simm.s32 @!p1 $0x10;
	[sflag:s30] =	ssyncadd.s32 $0xFFFFF060  }
0x75: {  	[spmem:s1] =	stream.indirect.scatter.add.f32 [tilespmem:s22], [sflag:$0xC], $0x20, s21, s15, $0xb8;
	[tilespmem:$0x16D00] =	vst v63  }
0x76: {  	_ =	swait.ge @!p1 [sflag:s19], $0xFA0  }
0x77: {  	[sflag:s19] =	ssyncset.done @!p1 $0x0  }
0x78: {  	s6 =	sadd.s32 $0x380, s3;
	[sflag:s19] =	ssyncadd.s32 @!p1 $0xFFFFF060  }
0x79: {  	[tilespmem:s31], [sflag:$0x8] =	stream.indirect.gather [spmem:s2], $0x20, s6, s15, $0xb8;
	[tilespmem:$0x16D00] =	vst v63  }
0x7a: {  	_ =	swait.ge [sflag:s0], $0xFA0  }
0x7b: {  	p1 =	seq.s32 s14, $0x9000;
	[sflag:s0] =	ssyncset.done $0x0  }
0x7c: {  	s7 =	sadd.s32 $0x2A00, s3;
	s19 =	simm.s32 @p1 $0x6;
	[sflag:s0] =	ssyncadd.s32 $0xFFFFF060  }
0x7d: {  	[spmem:s1] =	stream.indirect.scatter.add.f32 [tilespmem:s24], [sflag:$0xD], $0x20, s7, s15, $0xb8;
	[tilespmem:$0x16D00] =	vst v63  }
0x7e: {  	_ =	swait.ge @p1 [sflag:s19], $0xFA0  }
0x7f: {  	[sflag:s19] =	ssyncset.done @p1 $0x0  }
0x80: {  	[sflag:s19] =	ssyncadd.s32 @p1 $0xFFFFF060;
	s19 =	sshra.s32 @p1 s14, $0x2  }
0x81: {  	s21 =	simm.s32 @p1 $0x7D;
	s6 =	simm.s32 @p1 $0x9E20;
	s19 =	sadd.s32 @p1 $0x2A80, s19  }
0x82: {  	[spmem:s1] =	stream.indirect.scatter.add.f32 @p1 [tilespmem:s6], [sflag:$0xE], $0x20, s19, s21, $0xb8;
	[tilespmem:$0x16D00] =	vst v63  }
0x83: {  	s6 =	simm.s32 @!p1 $0x9  }
0x84: {  	_ =	swait.ge @!p1 [sflag:s6], $0xFA0  }
0x85: {  	[sflag:s6] =	ssyncset.done @!p1 $0x0  }
0x86: {  	[sflag:s6] =	ssyncadd.s32 @!p1 $0xFFFFF060;
	s6 =	sshra.s32 @!p1 s14, $0x2  }
0x87: {  	s7 =	simm.s32 @!p1 $0x5000;
	s21 =	simm.s32 @!p1 $0x7D;
	s19 =	sadd.s32 @!p1 $0x400, s6  }
0x88: {  	[tilespmem:s7], [sflag:$0x1] =	stream.indirect.gather @!p1 [spmem:s2], $0x20, s19, s21, $0xb8;
	[tilespmem:$0x16D00] =	vst v63  }
0x89: {  	s7 =	simm.s32 @!p1 $0x6  }
0x8a: {  	_ =	swait.ge @!p1 [sflag:s7], $0xFA0  }
0x8b: {  	[sflag:s7] =	ssyncset.done @!p1 $0x0  }
0x8c: {  	s19 =	simm.s32 @!p1 $0x9E20;
	[sflag:s7] =	ssyncadd.s32 @!p1 $0xFFFFF060;
	s7 =	sadd.s32 @!p1 $0x2A80, s6  }
0x8d: {  	[spmem:s1] =	stream.indirect.scatter.add.f32 @!p1 [tilespmem:s19], [sflag:$0xE], $0x20, s7, s21, $0xb8;
	[tilespmem:$0x16D00] =	vst v63  }
0x8e: {  	s7 =	simm.s32 @!p1 $0xA  }
0x8f: {  	_ =	swait.ge @!p1 [sflag:s7], $0xFA0  }
0x90: {  	[sflag:s7] =	ssyncset.done @!p1 $0x0  }
0x91: {  	s6 =	sadd.s32 @!p1 $0x480, s6;
	[sflag:s7] =	ssyncadd.s32 @!p1 $0xFFFFF060;
	s7 =	simm.s32 @!p1 $0x5FA0  }
0x92: {  	[tilespmem:s7], [sflag:$0x2] =	stream.indirect.gather @!p1 [spmem:s2], $0x20, s6, s21, $0xb8;
	[tilespmem:$0x16D00] =	vst v63  }
.Ltmp2:
0x93: {  	_ = 	snop;
	(pc) =	sbr.rel @p1 .LBB2_4-.Ltmp2, $4  }
0x94: {  	_ =	swait.ge [sflag:s11], $0xFA0  }
0x95: {  	[sflag:s11] =	ssyncset.done $0x0  }
0x96: {  	s19 =	sadd.s32 $0x2B80, s3;
	s21 =	sadd.s32 $0x2B00, s3;
	[sflag:s11] =	ssyncadd.s32 $0xFFFFF060  }
0x97: {  	[spmem:s1] =	stream.indirect.scatter.add.f32 [tilespmem:s29], [sflag:$0xF], $0x20, s21, s15, $0xb8;
	[tilespmem:$0x16D00] =	vst v63  }
0x98: {  	_ =	swait.ge [sflag:s4], $0xFA0  }
0x99: {  	[sflag:s4] =	ssyncset.done $0x0  }
0x9a: {  	s6 =	sadd.s32 $0x500, s3;
	[sflag:s4] =	ssyncadd.s32 $0xFFFFF060  }
0x9b: {  	[tilespmem:s20], [sflag:$0x3] =	stream.indirect.gather [spmem:s2], $0x20, s6, s15, $0xb8;
	[tilespmem:$0x16D00] =	vst v63  }
0x9c: {  	_ =	swait.ge [sflag:s17], $0xFA0  }
0x9d: {  	[sflag:s17] =	ssyncset.done $0x0  }
0x9e: {  	[sflag:s17] =	ssyncadd.s32 $0xFFFFF060  }
0x9f: {  	[spmem:s1] =	stream.indirect.scatter.add.f32 [tilespmem:s31], [sflag:$0x10], $0x20, s19, s15, $0xb8;
	[tilespmem:$0x16D00] =	vst v63  }
.Ltmp3:
0xa0: {  	_ = 	snop;
	(pc) =	sbr.rel .LBB2_2-.Ltmp3, $4  }
0xa1: {  	_ =	swait.ge [sflag:s5], $0xFA0  }
0xa2: {  	[sflag:s5] =	ssyncset.done $0x0  }
0xa3: {  	s21 =	sadd.s32 $0x580, s3;
	s14 =	sadd.s32 $0x1000, s14;
	[sflag:s5] =	ssyncadd.s32 $0xFFFFF060  }
0xa4: {  	[tilespmem:s22], [sflag:$0x4] =	stream.indirect.gather [spmem:s2], $0x20, s21, s15, $0xb8;
	[tilespmem:$0x16D00] =	vst v63  }
.LBB2_5:
0xa5: {  	_ =	sfence.sel $0x180000  }
0xa6: {  	[bflag:$0x0] =	sbarrier.arrive $0xFFFF  }
0xa7: {  	_ =	strace $0x90000050  }
0xa8: {  	[bflag:$0x2] =	sbarrier.arrive $0xFFFF  }
0xa9: {  	s0 =	rddreg [dreg:$0x4]  }
0xaa: {  	s0 =	sadd.s32 @!p0 $0x100000, s0  }
0xab: {  	[sflag:s0] =	ssyncadd.tile.s32 @!p0 $0x1;
	_ =	shalt  }
.Lfunc_end2:
_tile_overlayer_lowered:
.L_overlay_start_2:
0xac: {  	(tag) =	ssettag $0x2  }
0xad: {  	s0 =	rddreg [dreg:$0x0];
	s2 =	stileid.u32  }
0xae: {  	s1 =	rddreg [dreg:$0x1];
	p0 =	sne.s32 s2, $0x0  }
0xaf: {  	s3 =	rddreg [dreg:$0x2];
	[bflag:$0x3] =	sbarrier.arrive $0xFFFF;
	s2 =	simm.s32 @!p0 $0x1C11  }
0xb0: {  	[timem:s3], [sflag:s2] =	dma.local @!p0 [hbm:s0], s1  }
0xb1: {  	s0 =	simm.s32 @!p0 $0x11  }
0xb2: {  	_ =	swait.ge @!p0 [sflag:s0], s1  }
0xb3: {  	s1 =	ssub.s32 @!p0 $0x0, s1;
	[sflag:s0] =	ssyncset.done @!p0 $0x0  }
0xb4: {  	[sflag:s0] =	ssyncadd.s32 @!p0 s1  }
0xb5: {  	[bflag:$0x3] =	sbarrier.arrive $0xFFFF  }
0xb6: {  	_ =	shalt  }

</sc_bundles>
